<compile_context>
chip_gen: v7x
topology: tpu7x:2x2x1
jax: 0.10.2.dev20260603
libtpu: 0.0.44.dev20260713+nightly
codegen_flags: <defaults>
</compile_context>

<pallas_src>
import functools

import jax
import jax.numpy as jnp
from jax import lax
from jax.experimental import pallas as pl
from jax.experimental.pallas import tpu as pltpu
from jax.experimental.pallas import tpu_sc as plsc

N = 10000
E = 320000
D = 128

NC = 2
NS = 16
NW = NC * NS
CH = 128
L = 16

GSZ = 16
NG = 5
NCH_W = GSZ * NG
E_PAD_S = NW * NCH_W * CH

N_PAD = 10240
RPT = N_PAD // NS
GRID = N_PAD // 128

_mesh = plsc.VectorSubcoreMesh(core_axis_name="c", subcore_axis_name="s")



@functools.partial(
    pl.kernel,
    out_type=jax.ShapeDtypeStruct((NC, N_PAD, D), jnp.float32),
    mesh=_mesh,
    scratch_types=[
        pltpu.VMEM((GSZ, CH), jnp.int32),
        pltpu.VMEM((GSZ, CH), jnp.int32),
        pltpu.VMEM((GSZ, CH), jnp.int32),
        pltpu.VMEM((GSZ, CH), jnp.int32),
        pltpu.VMEM((CH, D), jnp.float32),
        pltpu.VMEM((CH, D), jnp.float32),
        pltpu.VMEM_SHARED((N_PAD, D), jnp.float32),
        pltpu.SemaphoreType.DMA,
        pltpu.SemaphoreType.DMA,
    ],
)
def _sc_scatter(hs_hbm, src_hbm, dst_hbm, zer_hbm, out_hbm,
                srcA_v, dstA_v, srcB_v, dstB_v, rows0_v, rows1_v,
                acc, gsem, isem):
    c = lax.axis_index("c")
    s = lax.axis_index("s")
    w = c * NS + s
    ibufs = [(srcA_v, dstA_v), (srcB_v, dstB_v)]

    def _iload(g, bufs):
        pltpu.async_copy(src_hbm.at[w, pl.ds(g * GSZ, GSZ)], bufs[0], isem)
        pltpu.async_copy(dst_hbm.at[w, pl.ds(g * GSZ, GSZ)], bufs[1], isem)

    def _iload_wait(g, bufs):
        pltpu.make_async_copy(src_hbm.at[w, pl.ds(g * GSZ, GSZ)], bufs[0], isem).wait()
        pltpu.make_async_copy(dst_hbm.at[w, pl.ds(g * GSZ, GSZ)], bufs[1], isem).wait()

    _iload(0, ibufs[0])

    pltpu.sync_copy(zer_hbm, acc.at[pl.ds(s * RPT, RPT)])
    plsc.subcore_barrier()

    for g in range(NG):
        src_v, dst_v = ibufs[g % 2]

        def _gather(k, buf):
            return pltpu.async_copy(hs_hbm.at[src_v.at[k]], buf, gsem)

        def _gather_wait(k, buf):
            pltpu.make_async_copy(hs_hbm.at[src_v.at[k]], buf, gsem).wait()

        def _scat(k, buf):
            pltpu.sync_copy(buf, acc.at[dst_v.at[k]], add=True)

        _iload_wait(g, ibufs[g % 2])
        if g + 1 < NG:
            _iload(g + 1, ibufs[(g + 1) % 2])

        _gather(0, rows0_v)

        @pl.loop(0, GSZ // 2 - 1)
        def _(i):
            k = 2 * i
            _gather_wait(k, rows0_v)
            _gather(k + 1, rows1_v)
            _scat(k, rows0_v)
            _gather_wait(k + 1, rows1_v)
            _gather(k + 2, rows0_v)
            _scat(k + 1, rows1_v)

        _gather_wait(GSZ - 2, rows0_v)
        _gather(GSZ - 1, rows1_v)
        _scat(GSZ - 2, rows0_v)
        _gather_wait(GSZ - 1, rows1_v)
        _scat(GSZ - 1, rows1_v)

    plsc.subcore_barrier()

    pltpu.sync_copy(acc.at[pl.ds(s * RPT, RPT)],
                    out_hbm.at[c, pl.ds(s * RPT, RPT)])



EB = 4096
E_PAD_T = E_PAD_S
NCH_T = E_PAD_T // EB


def _deg_body(dst_ref, o_ref):
    @pl.when(pl.program_id(0) == 0)
    def _():
        o_ref[...] = jnp.zeros_like(o_ref)

    d = dst_ref[...]
    hi = d >> 7
    lo = d & 127
    uhiT = (lax.broadcasted_iota(jnp.int32, (GRID, EB), 0) == hi).astype(jnp.bfloat16)
    uloT = (lax.broadcasted_iota(jnp.int32, (D, EB), 0) == lo).astype(jnp.bfloat16)
    o_ref[...] += lax.dot_general(uhiT, uloT, (((1,), (1,)), ((), ())),
                                  preferred_element_type=jnp.float32)


def _deg_hist(dst_row):
    return pl.pallas_call(
        _deg_body,
        grid=(NCH_T,),
        in_specs=[pl.BlockSpec((1, EB), lambda i: (0, i))],
        out_specs=pl.BlockSpec((GRID, D), lambda i: (0, 0)),
        out_shape=jax.ShapeDtypeStruct((GRID, D), jnp.float32),
    )(dst_row)


def _dinv_of(dp_ref):
    deg = dp_ref[0] + 1.0
    return lax.rsqrt(deg)


def _mm1_body(x_ref, w_ref, dp_ref, o_ref):
    h = lax.dot_general(x_ref[...], w_ref[...], (((1,), (1,)), ((), ())),
                        preferred_element_type=jnp.float32)
    o_ref[...] = h * _dinv_of(dp_ref)


def _comb_body(a_ref, hs_ref, dp_ref, x_ref, b_ref, w_ref, wh_ref, bh_ref,
               h_ref, hsn_ref, o_ref):
    dinv = _dinv_of(dp_ref)
    agg = a_ref[0] + a_ref[1] + hs_ref[...]
    h = jnp.maximum(dinv * agg + b_ref[...] + x_ref[...], 0.0)
    h_ref[...] = h
    hsn_ref[...] = lax.dot_general(h, w_ref[...], (((1,), (1,)), ((), ())),
                                   preferred_element_type=jnp.float32) * dinv
    o_ref[...] = lax.dot_general(h, wh_ref[...], (((1,), (0,)), ((), ())),
                                 preferred_element_type=jnp.float32) + bh_ref[0, 0]


def _row_spec():
    return pl.BlockSpec((128, D), lambda i: (i, 0))


_A_SPEC = pl.BlockSpec((NC, 128, D), lambda i: (0, i, 0))
_DP_SPEC = pl.BlockSpec((1, 128, 1), lambda i: (i, 0, 0))
_FULL_W = pl.BlockSpec((D, D), lambda i: (0, 0))
_FULL_B = pl.BlockSpec((1, D), lambda i: (0, 0))


def _mm1(x_pad, w, degp):
    return pl.pallas_call(
        _mm1_body,
        grid=(GRID,),
        in_specs=[_row_spec(), _FULL_W, _DP_SPEC],
        out_specs=_row_spec(),
        out_shape=jax.ShapeDtypeStruct((N_PAD, D), jnp.float32),
    )(x_pad, w, degp)


def _comb(agg, hs, degp, resid, b, w_next, wh, bh):
    return pl.pallas_call(
        _comb_body,
        grid=(GRID,),
        in_specs=[_A_SPEC, _row_spec(), _DP_SPEC, _row_spec(), _FULL_B, _FULL_W,
                  pl.BlockSpec((D, 1), lambda i: (0, 0)),
                  pl.BlockSpec((1, 1), lambda i: (0, 0))],
        out_specs=[_row_spec(), _row_spec(),
                   pl.BlockSpec((128, 1), lambda i: (i, 0))],
        out_shape=[jax.ShapeDtypeStruct((N_PAD, D), jnp.float32),
                   jax.ShapeDtypeStruct((N_PAD, D), jnp.float32),
                   jax.ShapeDtypeStruct((N_PAD, 1), jnp.float32)],
    )(agg, hs, degp, resid, b, w_next, wh, bh)



def kernel(x, edge_index, W1, b1, W2, b2, Wh, bh):
    x_pad = jnp.zeros((N_PAD, D), jnp.float32).at[:N].set(x)

    fill_s = (N + jnp.arange(E_PAD_S - E, dtype=jnp.int32) % (N_PAD - N))
    src_s = jnp.concatenate([edge_index[0], fill_s]).reshape(NW, NCH_W, CH)
    dst_flat = jnp.concatenate([edge_index[1], fill_s])
    dst_s = dst_flat.reshape(NW, NCH_W, CH)

    zer = jnp.zeros((RPT, D), jnp.float32)

    degp = _deg_hist(dst_flat.reshape(1, E_PAD_T)).reshape(GRID, D, 1)

    bhr = bh.reshape(1, 1)

    hs1 = _mm1(x_pad, W1, degp)

    w_nexts = jnp.stack([W2, W2])
    bs = jnp.stack([b1.reshape(1, D), b2.reshape(1, D)])

    wh_col = Wh.reshape(1, D).T

    def _step(carry, xs):
        resid, hs = carry
        w_next, b = xs
        a = _sc_scatter(hs, src_s, dst_s, zer)
        h, hs_next, o = _comb(a, hs, degp, resid, b, w_next, wh_col, bhr)
        return (h, hs_next), o

    _, os = lax.scan(_step, (x_pad, hs1), (w_nexts, bs))
    return os[-1, :N, 0]

# --- scband reference (transcript-rebuilt; emitter-appended) ---
"""Pipeline reference for scband-static-gnn-78194174591508 (READ-ONLY COPY).

The authoritative reference and input builder live on the scoring server;
editing this copy changes nothing except your own understanding.
"""

import jax, jax.numpy as jnp
import numpy as np

N = 10000
E = 320000
D = 128


def setup_inputs(seed: int = 0) -> dict:
    key = jax.random.key(seed)
    ks = jax.random.split(key, 8)
    x = jax.random.normal(ks[0], (N, D), dtype=jnp.float32)
    edge_index = jax.random.randint(ks[1], (2, E), 0, N, dtype=jnp.int32)
    s = 1.0 / np.sqrt(D)
    W1 = jax.random.uniform(ks[2], (D, D), jnp.float32, -s, s)
    b1 = jnp.zeros((D,), jnp.float32)
    W2 = jax.random.uniform(ks[3], (D, D), jnp.float32, -s, s)
    b2 = jnp.zeros((D,), jnp.float32)
    Wh = jax.random.uniform(ks[4], (1, D), jnp.float32, -s, s)
    bh = jnp.zeros((1,), jnp.float32)
    return {"x": x, "edge_index": edge_index, "W1": W1, "b1": b1, "W2": W2, "b2": b2, "Wh": Wh, "bh": bh}


def _gcn_conv(x, edge_index, W, b):
    # torch_geometric GCNConv: linear -> add self-loops -> symmetric norm -> scatter-add aggregate -> bias
    n = x.shape[0]
    loop = jnp.arange(n, dtype=edge_index.dtype)
    src = jnp.concatenate([edge_index[0], loop])
    dst = jnp.concatenate([edge_index[1], loop])
    ew = jnp.ones(src.shape[0], dtype=x.dtype)
    deg = jnp.zeros((n,), dtype=x.dtype).at[dst].add(ew)
    dinv = jnp.where(deg > 0, deg ** -0.5, 0.0)
    norm = dinv[src] * dinv[dst]
    h = x @ W.T
    msg = h[src] * norm[:, None]
    out = jnp.zeros((n, h.shape[1]), dtype=x.dtype).at[dst].add(msg)
    return out + b


def reference(x, edge_index, W1, b1, W2, b2, Wh, bh):
    # layer 1 (residual applies: shapes [N,128] match since input_dim == hidden_dim)
    h = _gcn_conv(x, edge_index, W1, b1)
    h = jax.nn.relu(h + x)
    # dropout p=0.0 -> identity
    # layer 2
    h2 = _gcn_conv(h, edge_index, W2, b2)
    h2 = jax.nn.relu(h2 + h)
    out = h2 @ Wh.T + bh
    return out.squeeze(-1)

if __name__ == "__main__":
    import jax
    _d = setup_inputs()
    print(jax.jit(kernel)(*tuple(_d.values())))

</pallas_src>

<mosaic_0001>
#map = affine_map<(d0, d1) -> (0, 0)>
#map1 = affine_map<(d0, d1) -> (0, 0, 0)>
module attributes {stable_mosaic.version = 14 : i64} {
  func.func @_sc_scatter(%arg0: i32, %arg1: i32, %arg2: memref<10240x128xf32, #tpu.memory_space<hbm>>, %arg3: memref<32x80x128xi32, #tpu.memory_space<hbm>>, %arg4: memref<32x80x128xi32, #tpu.memory_space<hbm>>, %arg5: memref<640x128xf32, #tpu.memory_space<hbm>>, %arg6: memref<2x10240x128xf32, #tpu.memory_space<hbm>>, %arg7: memref<16x128xi32, #tpu.memory_space<vmem>>, %arg8: memref<16x128xi32, #tpu.memory_space<vmem>>, %arg9: memref<16x128xi32, #tpu.memory_space<vmem>>, %arg10: memref<16x128xi32, #tpu.memory_space<vmem>>, %arg11: memref<128x128xf32, #tpu.memory_space<vmem>>, %arg12: memref<128x128xf32, #tpu.memory_space<vmem>>, %arg13: memref<10240x128xf32, #tpu.memory_space<vmem_shared>>, %arg14: memref<!tpu.dma_semaphore, #tpu.memory_space<semaphore_mem>>, %arg15: memref<!tpu.dma_semaphore, #tpu.memory_space<semaphore_mem>>) attributes {dimension_semantics = [#tpu.dimension_semantics<core_parallel>, #tpu.dimension_semantics<subcore_parallel>], iteration_bounds = array<i64: 2, 16>, scalar_prefetch = 0 : i64, scratch_operands = 9 : i64, tpu.core_type = #tpu.core_type<sc_vector_subcore>, window_params = [{transform_indices = #map}, {transform_indices = #map1}, {transform_indices = #map1}, {transform_indices = #map}, {transform_indices = #map1}]} {
    %mul3A = arith.constant 16 : i32
    %mul3A_0 = arith.muli %arg0, %mul3A : i32
    %add3A = arith.addi %mul3A_0, %arg1 : i32
    %dma_start3A = arith.constant 0 : i32
    %dma_start3A_1 = arith.constant 0 : i32
    %dma_start3A_2 = tpu.memref_slice %arg3[%add3A, %dma_start3A, %dma_start3A_1] : memref<32x80x128xi32, #tpu.memory_space<hbm>> -> memref<1x16x128xi32, #tpu.memory_space<hbm>>
    %dma_start3A_3 = tpu.memref_squeeze %dma_start3A_2 : memref<1x16x128xi32, #tpu.memory_space<hbm>> -> memref<16x128xi32, #tpu.memory_space<hbm>>
    %dma_start3A_4 = arith.constant 0 : i32
    %dma_start3A_5 = arith.constant 0 : i32
    %dma_start3A_6 = tpu.memref_slice %arg3[%add3A, %dma_start3A_4, %dma_start3A_5] : memref<32x80x128xi32, #tpu.memory_space<hbm>> -> memref<1x16x128xi32, #tpu.memory_space<hbm>>
    %dma_start3A_7 = tpu.memref_squeeze %dma_start3A_6 : memref<1x16x128xi32, #tpu.memory_space<hbm>> -> memref<16x128xi32, #tpu.memory_space<hbm>>
    tpu.enqueue_dma source(%dma_start3A_7 : memref<16x128xi32, #tpu.memory_space<hbm>>) target(%arg7 : memref<16x128xi32, #tpu.memory_space<vmem>>) target_semaphore(%arg15 : memref<!tpu.dma_semaphore, #tpu.memory_space<semaphore_mem>>)
    %dma_start3A_8 = arith.constant 0 : i32
    %dma_start3A_9 = arith.constant 0 : i32
    %dma_start3A_10 = tpu.memref_slice %arg4[%add3A, %dma_start3A_8, %dma_start3A_9] : memref<32x80x128xi32, #tpu.memory_space<hbm>> -> memref<1x16x128xi32, #tpu.memory_space<hbm>>
    %dma_start3A_11 = tpu.memref_squeeze %dma_start3A_10 : memref<1x16x128xi32, #tpu.memory_space<hbm>> -> memref<16x128xi32, #tpu.memory_space<hbm>>
    %dma_start3A_12 = arith.constant 0 : i32
    %dma_start3A_13 = arith.constant 0 : i32
    %dma_start3A_14 = tpu.memref_slice %arg4[%add3A, %dma_start3A_12, %dma_start3A_13] : memref<32x80x128xi32, #tpu.memory_space<hbm>> -> memref<1x16x128xi32, #tpu.memory_space<hbm>>
    %dma_start3A_15 = tpu.memref_squeeze %dma_start3A_14 : memref<1x16x128xi32, #tpu.memory_space<hbm>> -> memref<16x128xi32, #tpu.memory_space<hbm>>
    tpu.enqueue_dma source(%dma_start3A_15 : memref<16x128xi32, #tpu.memory_space<hbm>>) target(%arg8 : memref<16x128xi32, #tpu.memory_space<vmem>>) target_semaphore(%arg15 : memref<!tpu.dma_semaphore, #tpu.memory_space<semaphore_mem>>)
    %mul3A_16 = arith.constant 640 : i32
    %mul3A_17 = arith.muli %arg1, %mul3A_16 : i32
    "tpu.region"() ({
      %run_scoped3A_339 = tpu.sem_alloc : memref<!tpu.dma_semaphore, #tpu.memory_space<semaphore_mem>>
      %dma_start3A_340 = arith.constant 0 : i32
      %dma_start3A_341 = tpu.memref_slice %arg13[%mul3A_17, %dma_start3A_340] : memref<10240x128xf32, #tpu.memory_space<vmem_shared>> -> memref<640x128xf32, #tpu.memory_space<vmem_shared>>
      tpu.enqueue_dma source(%arg5 : memref<640x128xf32, #tpu.memory_space<hbm>>) target(%dma_start3A_341 : memref<640x128xf32, #tpu.memory_space<vmem_shared>>) target_semaphore(%run_scoped3A_339 : memref<!tpu.dma_semaphore, #tpu.memory_space<semaphore_mem>>)
      %dma_wait3A_342 = arith.constant 0 : i32
      %dma_wait3A_343 = tpu.memref_slice %arg13[%mul3A_17, %dma_wait3A_342] : memref<10240x128xf32, #tpu.memory_space<vmem_shared>> -> memref<640x128xf32, #tpu.memory_space<vmem_shared>>
      tpu.wait_dma2 semaphore(%run_scoped3A_339 : memref<!tpu.dma_semaphore, #tpu.memory_space<semaphore_mem>>) src(%arg5 : memref<640x128xf32, #tpu.memory_space<hbm>>) dst(%dma_wait3A_343 : memref<640x128xf32, #tpu.memory_space<vmem_shared>>)
      tpu.yield
    }) : () -> ()
    %barrier3A = arith.constant 0 : index
    tpu.barrier barrier_id(%barrier3A)
    %dma_wait3A = arith.constant 0 : i32
    %dma_wait3A_18 = arith.constant 0 : i32
    %dma_wait3A_19 = tpu.memref_slice %arg3[%add3A, %dma_wait3A, %dma_wait3A_18] : memref<32x80x128xi32, #tpu.memory_space<hbm>> -> memref<1x16x128xi32, #tpu.memory_space<hbm>>
    %dma_wait3A_20 = tpu.memref_squeeze %dma_wait3A_19 : memref<1x16x128xi32, #tpu.memory_space<hbm>> -> memref<16x128xi32, #tpu.memory_space<hbm>>
    %dma_wait3A_21 = arith.constant 0 : i32
    %dma_wait3A_22 = arith.constant 0 : i32
    %dma_wait3A_23 = tpu.memref_slice %arg3[%add3A, %dma_wait3A_21, %dma_wait3A_22] : memref<32x80x128xi32, #tpu.memory_space<hbm>> -> memref<1x16x128xi32, #tpu.memory_space<hbm>>
    %dma_wait3A_24 = tpu.memref_squeeze %dma_wait3A_23 : memref<1x16x128xi32, #tpu.memory_space<hbm>> -> memref<16x128xi32, #tpu.memory_space<hbm>>
    tpu.wait_dma2 semaphore(%arg15 : memref<!tpu.dma_semaphore, #tpu.memory_space<semaphore_mem>>) src(%dma_wait3A_24 : memref<16x128xi32, #tpu.memory_space<hbm>>) dst(%arg7 : memref<16x128xi32, #tpu.memory_space<vmem>>)
    %dma_wait3A_25 = arith.constant 0 : i32
    %dma_wait3A_26 = arith.constant 0 : i32
    %dma_wait3A_27 = tpu.memref_slice %arg4[%add3A, %dma_wait3A_25, %dma_wait3A_26] : memref<32x80x128xi32, #tpu.memory_space<hbm>> -> memref<1x16x128xi32, #tpu.memory_space<hbm>>
    %dma_wait3A_28 = tpu.memref_squeeze %dma_wait3A_27 : memref<1x16x128xi32, #tpu.memory_space<hbm>> -> memref<16x128xi32, #tpu.memory_space<hbm>>
    %dma_wait3A_29 = arith.constant 0 : i32
    %dma_wait3A_30 = arith.constant 0 : i32
    %dma_wait3A_31 = tpu.memref_slice %arg4[%add3A, %dma_wait3A_29, %dma_wait3A_30] : memref<32x80x128xi32, #tpu.memory_space<hbm>> -> memref<1x16x128xi32, #tpu.memory_space<hbm>>
    %dma_wait3A_32 = tpu.memref_squeeze %dma_wait3A_31 : memref<1x16x128xi32, #tpu.memory_space<hbm>> -> memref<16x128xi32, #tpu.memory_space<hbm>>
    tpu.wait_dma2 semaphore(%arg15 : memref<!tpu.dma_semaphore, #tpu.memory_space<semaphore_mem>>) src(%dma_wait3A_32 : memref<16x128xi32, #tpu.memory_space<hbm>>) dst(%arg8 : memref<16x128xi32, #tpu.memory_space<vmem>>)
    %dma_start3A_33 = arith.constant 16 : i32
    %dma_start3A_34 = arith.constant 0 : i32
    %dma_start3A_35 = tpu.memref_slice %arg3[%add3A, %dma_start3A_33, %dma_start3A_34] : memref<32x80x128xi32, #tpu.memory_space<hbm>> -> memref<1x16x128xi32, #tpu.memory_space<hbm>>
    %dma_start3A_36 = tpu.memref_squeeze %dma_start3A_35 : memref<1x16x128xi32, #tpu.memory_space<hbm>> -> memref<16x128xi32, #tpu.memory_space<hbm>>
    %dma_start3A_37 = arith.constant 16 : i32
    %dma_start3A_38 = arith.constant 0 : i32
    %dma_start3A_39 = tpu.memref_slice %arg3[%add3A, %dma_start3A_37, %dma_start3A_38] : memref<32x80x128xi32, #tpu.memory_space<hbm>> -> memref<1x16x128xi32, #tpu.memory_space<hbm>>
    %dma_start3A_40 = tpu.memref_squeeze %dma_start3A_39 : memref<1x16x128xi32, #tpu.memory_space<hbm>> -> memref<16x128xi32, #tpu.memory_space<hbm>>
    tpu.enqueue_dma source(%dma_start3A_40 : memref<16x128xi32, #tpu.memory_space<hbm>>) target(%arg9 : memref<16x128xi32, #tpu.memory_space<vmem>>) target_semaphore(%arg15 : memref<!tpu.dma_semaphore, #tpu.memory_space<semaphore_mem>>)
    %dma_start3A_41 = arith.constant 16 : i32
    %dma_start3A_42 = arith.constant 0 : i32
    %dma_start3A_43 = tpu.memref_slice %arg4[%add3A, %dma_start3A_41, %dma_start3A_42] : memref<32x80x128xi32, #tpu.memory_space<hbm>> -> memref<1x16x128xi32, #tpu.memory_space<hbm>>
    %dma_start3A_44 = tpu.memref_squeeze %dma_start3A_43 : memref<1x16x128xi32, #tpu.memory_space<hbm>> -> memref<16x128xi32, #tpu.memory_space<hbm>>
    %dma_start3A_45 = arith.constant 16 : i32
    %dma_start3A_46 = arith.constant 0 : i32
    %dma_start3A_47 = tpu.memref_slice %arg4[%add3A, %dma_start3A_45, %dma_start3A_46] : memref<32x80x128xi32, #tpu.memory_space<hbm>> -> memref<1x16x128xi32, #tpu.memory_space<hbm>>
    %dma_start3A_48 = tpu.memref_squeeze %dma_start3A_47 : memref<1x16x128xi32, #tpu.memory_space<hbm>> -> memref<16x128xi32, #tpu.memory_space<hbm>>
    tpu.enqueue_dma source(%dma_start3A_48 : memref<16x128xi32, #tpu.memory_space<hbm>>) target(%arg10 : memref<16x128xi32, #tpu.memory_space<vmem>>) target_semaphore(%arg15 : memref<!tpu.dma_semaphore, #tpu.memory_space<semaphore_mem>>)
    %dma_start3A_49 = arith.constant 0 : i32
    %dma_start3A_50 = arith.constant 0 : i32
    %dma_start3A_51 = tpu.memref_slice %arg7[%dma_start3A_49, %dma_start3A_50] : memref<16x128xi32, #tpu.memory_space<vmem>> -> memref<1x128xi32, #tpu.memory_space<vmem>>
    %dma_start3A_52 = tpu.memref_squeeze %dma_start3A_51 : memref<1x128xi32, #tpu.memory_space<vmem>> -> memref<128xi32, #tpu.memory_space<vmem>>
    %dma_start3A_53 = arith.constant 0 : i32
    %dma_start3A_54 = arith.constant 0 : i32
    %dma_start3A_55 = tpu.memref_slice %arg2[%dma_start3A_53, %dma_start3A_54] : memref<10240x128xf32, #tpu.memory_space<hbm>> -> memref<10240x128xf32, #tpu.memory_space<hbm>>
    tpu.enqueue_indirect_dma source(%dma_start3A_55 : memref<10240x128xf32, #tpu.memory_space<hbm>>) target(%arg11 : memref<128x128xf32, #tpu.memory_space<vmem>>) offsets(%dma_start3A_52 : memref<128xi32, #tpu.memory_space<vmem>>) semaphore(%arg14 : memref<!tpu.dma_semaphore, #tpu.memory_space<semaphore_mem>>)
    %scan3A = arith.constant 0 : i32
    %scan3A_56 = arith.constant 7 : i32
    %scan3A_57 = arith.addi %scan3A, %scan3A_56 : i32
    %scan3A_58 = arith.constant 1 : i32
    scf.for %scan3A_339 = %scan3A to %scan3A_57 step %scan3A_58  : i32 {
      %mul3A_340 = arith.constant 1 : i32
      %mul3A_341 = arith.muli %scan3A_339, %mul3A_340 : i32
      %add3A_342 = arith.constant 0 : i32
      %add3A_343 = arith.addi %add3A_342, %mul3A_341 : i32
      %mul3A_344 = arith.constant 2 : i32
      %mul3A_345 = arith.muli %mul3A_344, %add3A_343 : i32
      %dma_wait3A_346 = arith.constant 0 : i32
      %dma_wait3A_347 = tpu.memref_slice %arg7[%mul3A_345, %dma_wait3A_346] : memref<16x128xi32, #tpu.memory_space<vmem>> -> memref<1x128xi32, #tpu.memory_space<vmem>>
      %dma_wait3A_348 = tpu.memref_squeeze %dma_wait3A_347 : memref<1x128xi32, #tpu.memory_space<vmem>> -> memref<128xi32, #tpu.memory_space<vmem>>
      %dma_wait3A_349 = arith.constant 0 : i32
      %dma_wait3A_350 = arith.constant 0 : i32
      %dma_wait3A_351 = tpu.memref_slice %arg2[%dma_wait3A_349, %dma_wait3A_350] : memref<10240x128xf32, #tpu.memory_space<hbm>> -> memref<10240x128xf32, #tpu.memory_space<hbm>>
      tpu.wait_indirect_dma semaphore(%arg14 : memref<!tpu.dma_semaphore, #tpu.memory_space<semaphore_mem>>) src(%dma_wait3A_351 : memref<10240x128xf32, #tpu.memory_space<hbm>>) dst(%arg11 : memref<128x128xf32, #tpu.memory_space<vmem>>)
      %add3A_352 = arith.constant 1 : i32
      %add3A_353 = arith.addi %mul3A_345, %add3A_352 : i32
      %dma_start3A_354 = arith.constant 0 : i32
      %dma_start3A_355 = tpu.memref_slice %arg7[%add3A_353, %dma_start3A_354] : memref<16x128xi32, #tpu.memory_space<vmem>> -> memref<1x128xi32, #tpu.memory_space<vmem>>
      %dma_start3A_356 = tpu.memref_squeeze %dma_start3A_355 : memref<1x128xi32, #tpu.memory_space<vmem>> -> memref<128xi32, #tpu.memory_space<vmem>>
      %dma_start3A_357 = arith.constant 0 : i32
      %dma_start3A_358 = arith.constant 0 : i32
      %dma_start3A_359 = tpu.memref_slice %arg2[%dma_start3A_357, %dma_start3A_358] : memref<10240x128xf32, #tpu.memory_space<hbm>> -> memref<10240x128xf32, #tpu.memory_space<hbm>>
      tpu.enqueue_indirect_dma source(%dma_start3A_359 : memref<10240x128xf32, #tpu.memory_space<hbm>>) target(%arg12 : memref<128x128xf32, #tpu.memory_space<vmem>>) offsets(%dma_start3A_356 : memref<128xi32, #tpu.memory_space<vmem>>) semaphore(%arg14 : memref<!tpu.dma_semaphore, #tpu.memory_space<semaphore_mem>>)
      "tpu.region"() ({
        %run_scoped3A_378 = tpu.sem_alloc : memref<!tpu.dma_semaphore, #tpu.memory_space<semaphore_mem>>
        %dma_start3A_379 = arith.constant 0 : i32
        %dma_start3A_380 = tpu.memref_slice %arg8[%mul3A_345, %dma_start3A_379] : memref<16x128xi32, #tpu.memory_space<vmem>> -> memref<1x128xi32, #tpu.memory_space<vmem>>
        %dma_start3A_381 = tpu.memref_squeeze %dma_start3A_380 : memref<1x128xi32, #tpu.memory_space<vmem>> -> memref<128xi32, #tpu.memory_space<vmem>>
        %dma_start3A_382 = arith.constant 0 : i32
        %dma_start3A_383 = arith.constant 0 : i32
        %dma_start3A_384 = tpu.memref_slice %arg13[%dma_start3A_382, %dma_start3A_383] : memref<10240x128xf32, #tpu.memory_space<vmem_shared>> -> memref<10240x128xf32, #tpu.memory_space<vmem_shared>>
        tpu.enqueue_indirect_dma source(%arg11 : memref<128x128xf32, #tpu.memory_space<vmem>>) target(%dma_start3A_384 : memref<10240x128xf32, #tpu.memory_space<vmem_shared>>) offsets(%dma_start3A_381 : memref<128xi32, #tpu.memory_space<vmem>>) semaphore(%run_scoped3A_378 : memref<!tpu.dma_semaphore, #tpu.memory_space<semaphore_mem>>) {add = true}
        %dma_wait3A_385 = arith.constant 0 : i32
        %dma_wait3A_386 = tpu.memref_slice %arg8[%mul3A_345, %dma_wait3A_385] : memref<16x128xi32, #tpu.memory_space<vmem>> -> memref<1x128xi32, #tpu.memory_space<vmem>>
        %dma_wait3A_387 = tpu.memref_squeeze %dma_wait3A_386 : memref<1x128xi32, #tpu.memory_space<vmem>> -> memref<128xi32, #tpu.memory_space<vmem>>
        %dma_wait3A_388 = arith.constant 0 : i32
        %dma_wait3A_389 = arith.constant 0 : i32
        %dma_wait3A_390 = tpu.memref_slice %arg13[%dma_wait3A_388, %dma_wait3A_389] : memref<10240x128xf32, #tpu.memory_space<vmem_shared>> -> memref<10240x128xf32, #tpu.memory_space<vmem_shared>>
        tpu.wait_indirect_dma semaphore(%run_scoped3A_378 : memref<!tpu.dma_semaphore, #tpu.memory_space<semaphore_mem>>) src(%arg11 : memref<128x128xf32, #tpu.memory_space<vmem>>) dst(%dma_wait3A_390 : memref<10240x128xf32, #tpu.memory_space<vmem_shared>>)
        tpu.yield
      }) : () -> ()
      %add3A_360 = arith.constant 1 : i32
      %add3A_361 = arith.addi %mul3A_345, %add3A_360 : i32
      %dma_wait3A_362 = arith.constant 0 : i32
      %dma_wait3A_363 = tpu.memref_slice %arg7[%add3A_361, %dma_wait3A_362] : memref<16x128xi32, #tpu.memory_space<vmem>> -> memref<1x128xi32, #tpu.memory_space<vmem>>
      %dma_wait3A_364 = tpu.memref_squeeze %dma_wait3A_363 : memref<1x128xi32, #tpu.memory_space<vmem>> -> memref<128xi32, #tpu.memory_space<vmem>>
      %dma_wait3A_365 = arith.constant 0 : i32
      %dma_wait3A_366 = arith.constant 0 : i32
      %dma_wait3A_367 = tpu.memref_slice %arg2[%dma_wait3A_365, %dma_wait3A_366] : memref<10240x128xf32, #tpu.memory_space<hbm>> -> memref<10240x128xf32, #tpu.memory_space<hbm>>
      tpu.wait_indirect_dma semaphore(%arg14 : memref<!tpu.dma_semaphore, #tpu.memory_space<semaphore_mem>>) src(%dma_wait3A_367 : memref<10240x128xf32, #tpu.memory_space<hbm>>) dst(%arg12 : memref<128x128xf32, #tpu.memory_space<vmem>>)
      %add3A_368 = arith.constant 2 : i32
      %add3A_369 = arith.addi %mul3A_345, %add3A_368 : i32
      %dma_start3A_370 = arith.constant 0 : i32
      %dma_start3A_371 = tpu.memref_slice %arg7[%add3A_369, %dma_start3A_370] : memref<16x128xi32, #tpu.memory_space<vmem>> -> memref<1x128xi32, #tpu.memory_space<vmem>>
      %dma_start3A_372 = tpu.memref_squeeze %dma_start3A_371 : memref<1x128xi32, #tpu.memory_space<vmem>> -> memref<128xi32, #tpu.memory_space<vmem>>
      %dma_start3A_373 = arith.constant 0 : i32
      %dma_start3A_374 = arith.constant 0 : i32
      %dma_start3A_375 = tpu.memref_slice %arg2[%dma_start3A_373, %dma_start3A_374] : memref<10240x128xf32, #tpu.memory_space<hbm>> -> memref<10240x128xf32, #tpu.memory_space<hbm>>
      tpu.enqueue_indirect_dma source(%dma_start3A_375 : memref<10240x128xf32, #tpu.memory_space<hbm>>) target(%arg11 : memref<128x128xf32, #tpu.memory_space<vmem>>) offsets(%dma_start3A_372 : memref<128xi32, #tpu.memory_space<vmem>>) semaphore(%arg14 : memref<!tpu.dma_semaphore, #tpu.memory_space<semaphore_mem>>)
      %add3A_376 = arith.constant 1 : i32
      %add3A_377 = arith.addi %mul3A_345, %add3A_376 : i32
      "tpu.region"() ({
        %run_scoped3A_378 = tpu.sem_alloc : memref<!tpu.dma_semaphore, #tpu.memory_space<semaphore_mem>>
        %dma_start3A_379 = arith.constant 0 : i32
        %dma_start3A_380 = tpu.memref_slice %arg8[%add3A_377, %dma_start3A_379] : memref<16x128xi32, #tpu.memory_space<vmem>> -> memref<1x128xi32, #tpu.memory_space<vmem>>
        %dma_start3A_381 = tpu.memref_squeeze %dma_start3A_380 : memref<1x128xi32, #tpu.memory_space<vmem>> -> memref<128xi32, #tpu.memory_space<vmem>>
        %dma_start3A_382 = arith.constant 0 : i32
        %dma_start3A_383 = arith.constant 0 : i32
        %dma_start3A_384 = tpu.memref_slice %arg13[%dma_start3A_382, %dma_start3A_383] : memref<10240x128xf32, #tpu.memory_space<vmem_shared>> -> memref<10240x128xf32, #tpu.memory_space<vmem_shared>>
        tpu.enqueue_indirect_dma source(%arg12 : memref<128x128xf32, #tpu.memory_space<vmem>>) target(%dma_start3A_384 : memref<10240x128xf32, #tpu.memory_space<vmem_shared>>) offsets(%dma_start3A_381 : memref<128xi32, #tpu.memory_space<vmem>>) semaphore(%run_scoped3A_378 : memref<!tpu.dma_semaphore, #tpu.memory_space<semaphore_mem>>) {add = true}
        %dma_wait3A_385 = arith.constant 0 : i32
        %dma_wait3A_386 = tpu.memref_slice %arg8[%add3A_377, %dma_wait3A_385] : memref<16x128xi32, #tpu.memory_space<vmem>> -> memref<1x128xi32, #tpu.memory_space<vmem>>
        %dma_wait3A_387 = tpu.memref_squeeze %dma_wait3A_386 : memref<1x128xi32, #tpu.memory_space<vmem>> -> memref<128xi32, #tpu.memory_space<vmem>>
        %dma_wait3A_388 = arith.constant 0 : i32
        %dma_wait3A_389 = arith.constant 0 : i32
        %dma_wait3A_390 = tpu.memref_slice %arg13[%dma_wait3A_388, %dma_wait3A_389] : memref<10240x128xf32, #tpu.memory_space<vmem_shared>> -> memref<10240x128xf32, #tpu.memory_space<vmem_shared>>
        tpu.wait_indirect_dma semaphore(%run_scoped3A_378 : memref<!tpu.dma_semaphore, #tpu.memory_space<semaphore_mem>>) src(%arg12 : memref<128x128xf32, #tpu.memory_space<vmem>>) dst(%dma_wait3A_390 : memref<10240x128xf32, #tpu.memory_space<vmem_shared>>)
        tpu.yield
      }) : () -> ()
    }
    %scan3A_59 = arith.constant 7 : i32
    %dma_wait3A_60 = arith.constant 14 : i32
    %dma_wait3A_61 = arith.constant 0 : i32
    %dma_wait3A_62 = tpu.memref_slice %arg7[%dma_wait3A_60, %dma_wait3A_61] : memref<16x128xi32, #tpu.memory_space<vmem>> -> memref<1x128xi32, #tpu.memory_space<vmem>>
    %dma_wait3A_63 = tpu.memref_squeeze %dma_wait3A_62 : memref<1x128xi32, #tpu.memory_space<vmem>> -> memref<128xi32, #tpu.memory_space<vmem>>
    %dma_wait3A_64 = arith.constant 0 : i32
    %dma_wait3A_65 = arith.constant 0 : i32
    %dma_wait3A_66 = tpu.memref_slice %arg2[%dma_wait3A_64, %dma_wait3A_65] : memref<10240x128xf32, #tpu.memory_space<hbm>> -> memref<10240x128xf32, #tpu.memory_space<hbm>>
    tpu.wait_indirect_dma semaphore(%arg14 : memref<!tpu.dma_semaphore, #tpu.memory_space<semaphore_mem>>) src(%dma_wait3A_66 : memref<10240x128xf32, #tpu.memory_space<hbm>>) dst(%arg11 : memref<128x128xf32, #tpu.memory_space<vmem>>)
    %dma_start3A_67 = arith.constant 15 : i32
    %dma_start3A_68 = arith.constant 0 : i32
    %dma_start3A_69 = tpu.memref_slice %arg7[%dma_start3A_67, %dma_start3A_68] : memref<16x128xi32, #tpu.memory_space<vmem>> -> memref<1x128xi32, #tpu.memory_space<vmem>>
    %dma_start3A_70 = tpu.memref_squeeze %dma_start3A_69 : memref<1x128xi32, #tpu.memory_space<vmem>> -> memref<128xi32, #tpu.memory_space<vmem>>
    %dma_start3A_71 = arith.constant 0 : i32
    %dma_start3A_72 = arith.constant 0 : i32
    %dma_start3A_73 = tpu.memref_slice %arg2[%dma_start3A_71, %dma_start3A_72] : memref<10240x128xf32, #tpu.memory_space<hbm>> -> memref<10240x128xf32, #tpu.memory_space<hbm>>
    tpu.enqueue_indirect_dma source(%dma_start3A_73 : memref<10240x128xf32, #tpu.memory_space<hbm>>) target(%arg12 : memref<128x128xf32, #tpu.memory_space<vmem>>) offsets(%dma_start3A_70 : memref<128xi32, #tpu.memory_space<vmem>>) semaphore(%arg14 : memref<!tpu.dma_semaphore, #tpu.memory_space<semaphore_mem>>)
    %run_scoped3A = arith.constant 14 : i32
    "tpu.region"() ({
      %run_scoped3A_339 = tpu.sem_alloc : memref<!tpu.dma_semaphore, #tpu.memory_space<semaphore_mem>>
      %dma_start3A_340 = arith.constant 0 : i32
      %dma_start3A_341 = tpu.memref_slice %arg8[%run_scoped3A, %dma_start3A_340] : memref<16x128xi32, #tpu.memory_space<vmem>> -> memref<1x128xi32, #tpu.memory_space<vmem>>
      %dma_start3A_342 = tpu.memref_squeeze %dma_start3A_341 : memref<1x128xi32, #tpu.memory_space<vmem>> -> memref<128xi32, #tpu.memory_space<vmem>>
      %dma_start3A_343 = arith.constant 0 : i32
      %dma_start3A_344 = arith.constant 0 : i32
      %dma_start3A_345 = tpu.memref_slice %arg13[%dma_start3A_343, %dma_start3A_344] : memref<10240x128xf32, #tpu.memory_space<vmem_shared>> -> memref<10240x128xf32, #tpu.memory_space<vmem_shared>>
      tpu.enqueue_indirect_dma source(%arg11 : memref<128x128xf32, #tpu.memory_space<vmem>>) target(%dma_start3A_345 : memref<10240x128xf32, #tpu.memory_space<vmem_shared>>) offsets(%dma_start3A_342 : memref<128xi32, #tpu.memory_space<vmem>>) semaphore(%run_scoped3A_339 : memref<!tpu.dma_semaphore, #tpu.memory_space<semaphore_mem>>) {add = true}
      %dma_wait3A_346 = arith.constant 0 : i32
      %dma_wait3A_347 = tpu.memref_slice %arg8[%run_scoped3A, %dma_wait3A_346] : memref<16x128xi32, #tpu.memory_space<vmem>> -> memref<1x128xi32, #tpu.memory_space<vmem>>
      %dma_wait3A_348 = tpu.memref_squeeze %dma_wait3A_347 : memref<1x128xi32, #tpu.memory_space<vmem>> -> memref<128xi32, #tpu.memory_space<vmem>>
      %dma_wait3A_349 = arith.constant 0 : i32
      %dma_wait3A_350 = arith.constant 0 : i32
      %dma_wait3A_351 = tpu.memref_slice %arg13[%dma_wait3A_349, %dma_wait3A_350] : memref<10240x128xf32, #tpu.memory_space<vmem_shared>> -> memref<10240x128xf32, #tpu.memory_space<vmem_shared>>
      tpu.wait_indirect_dma semaphore(%run_scoped3A_339 : memref<!tpu.dma_semaphore, #tpu.memory_space<semaphore_mem>>) src(%arg11 : memref<128x128xf32, #tpu.memory_space<vmem>>) dst(%dma_wait3A_351 : memref<10240x128xf32, #tpu.memory_space<vmem_shared>>)
      tpu.yield
    }) : () -> ()
    %dma_wait3A_74 = arith.constant 15 : i32
    %dma_wait3A_75 = arith.constant 0 : i32
    %dma_wait3A_76 = tpu.memref_slice %arg7[%dma_wait3A_74, %dma_wait3A_75] : memref<16x128xi32, #tpu.memory_space<vmem>> -> memref<1x128xi32, #tpu.memory_space<vmem>>
    %dma_wait3A_77 = tpu.memref_squeeze %dma_wait3A_76 : memref<1x128xi32, #tpu.memory_space<vmem>> -> memref<128xi32, #tpu.memory_space<vmem>>
    %dma_wait3A_78 = arith.constant 0 : i32
    %dma_wait3A_79 = arith.constant 0 : i32
    %dma_wait3A_80 = tpu.memref_slice %arg2[%dma_wait3A_78, %dma_wait3A_79] : memref<10240x128xf32, #tpu.memory_space<hbm>> -> memref<10240x128xf32, #tpu.memory_space<hbm>>
    tpu.wait_indirect_dma semaphore(%arg14 : memref<!tpu.dma_semaphore, #tpu.memory_space<semaphore_mem>>) src(%dma_wait3A_80 : memref<10240x128xf32, #tpu.memory_space<hbm>>) dst(%arg12 : memref<128x128xf32, #tpu.memory_space<vmem>>)
    %run_scoped3A_81 = arith.constant 15 : i32
    "tpu.region"() ({
      %run_scoped3A_339 = tpu.sem_alloc : memref<!tpu.dma_semaphore, #tpu.memory_space<semaphore_mem>>
      %dma_start3A_340 = arith.constant 0 : i32
      %dma_start3A_341 = tpu.memref_slice %arg8[%run_scoped3A_81, %dma_start3A_340] : memref<16x128xi32, #tpu.memory_space<vmem>> -> memref<1x128xi32, #tpu.memory_space<vmem>>
      %dma_start3A_342 = tpu.memref_squeeze %dma_start3A_341 : memref<1x128xi32, #tpu.memory_space<vmem>> -> memref<128xi32, #tpu.memory_space<vmem>>
      %dma_start3A_343 = arith.constant 0 : i32
      %dma_start3A_344 = arith.constant 0 : i32
      %dma_start3A_345 = tpu.memref_slice %arg13[%dma_start3A_343, %dma_start3A_344] : memref<10240x128xf32, #tpu.memory_space<vmem_shared>> -> memref<10240x128xf32, #tpu.memory_space<vmem_shared>>
      tpu.enqueue_indirect_dma source(%arg12 : memref<128x128xf32, #tpu.memory_space<vmem>>) target(%dma_start3A_345 : memref<10240x128xf32, #tpu.memory_space<vmem_shared>>) offsets(%dma_start3A_342 : memref<128xi32, #tpu.memory_space<vmem>>) semaphore(%run_scoped3A_339 : memref<!tpu.dma_semaphore, #tpu.memory_space<semaphore_mem>>) {add = true}
      %dma_wait3A_346 = arith.constant 0 : i32
      %dma_wait3A_347 = tpu.memref_slice %arg8[%run_scoped3A_81, %dma_wait3A_346] : memref<16x128xi32, #tpu.memory_space<vmem>> -> memref<1x128xi32, #tpu.memory_space<vmem>>
      %dma_wait3A_348 = tpu.memref_squeeze %dma_wait3A_347 : memref<1x128xi32, #tpu.memory_space<vmem>> -> memref<128xi32, #tpu.memory_space<vmem>>
      %dma_wait3A_349 = arith.constant 0 : i32
      %dma_wait3A_350 = arith.constant 0 : i32
      %dma_wait3A_351 = tpu.memref_slice %arg13[%dma_wait3A_349, %dma_wait3A_350] : memref<10240x128xf32, #tpu.memory_space<vmem_shared>> -> memref<10240x128xf32, #tpu.memory_space<vmem_shared>>
      tpu.wait_indirect_dma semaphore(%run_scoped3A_339 : memref<!tpu.dma_semaphore, #tpu.memory_space<semaphore_mem>>) src(%arg12 : memref<128x128xf32, #tpu.memory_space<vmem>>) dst(%dma_wait3A_351 : memref<10240x128xf32, #tpu.memory_space<vmem_shared>>)
      tpu.yield
    }) : () -> ()
    %dma_wait3A_82 = arith.constant 16 : i32
    %dma_wait3A_83 = arith.constant 0 : i32
    %dma_wait3A_84 = tpu.memref_slice %arg3[%add3A, %dma_wait3A_82, %dma_wait3A_83] : memref<32x80x128xi32, #tpu.memory_space<hbm>> -> memref<1x16x128xi32, #tpu.memory_space<hbm>>
    %dma_wait3A_85 = tpu.memref_squeeze %dma_wait3A_84 : memref<1x16x128xi32, #tpu.memory_space<hbm>> -> memref<16x128xi32, #tpu.memory_space<hbm>>
    %dma_wait3A_86 = arith.constant 16 : i32
    %dma_wait3A_87 = arith.constant 0 : i32
    %dma_wait3A_88 = tpu.memref_slice %arg3[%add3A, %dma_wait3A_86, %dma_wait3A_87] : memref<32x80x128xi32, #tpu.memory_space<hbm>> -> memref<1x16x128xi32, #tpu.memory_space<hbm>>
    %dma_wait3A_89 = tpu.memref_squeeze %dma_wait3A_88 : memref<1x16x128xi32, #tpu.memory_space<hbm>> -> memref<16x128xi32, #tpu.memory_space<hbm>>
    tpu.wait_dma2 semaphore(%arg15 : memref<!tpu.dma_semaphore, #tpu.memory_space<semaphore_mem>>) src(%dma_wait3A_89 : memref<16x128xi32, #tpu.memory_space<hbm>>) dst(%arg9 : memref<16x128xi32, #tpu.memory_space<vmem>>)
    %dma_wait3A_90 = arith.constant 16 : i32
    %dma_wait3A_91 = arith.constant 0 : i32
    %dma_wait3A_92 = tpu.memref_slice %arg4[%add3A, %dma_wait3A_90, %dma_wait3A_91] : memref<32x80x128xi32, #tpu.memory_space<hbm>> -> memref<1x16x128xi32, #tpu.memory_space<hbm>>
    %dma_wait3A_93 = tpu.memref_squeeze %dma_wait3A_92 : memref<1x16x128xi32, #tpu.memory_space<hbm>> -> memref<16x128xi32, #tpu.memory_space<hbm>>
    %dma_wait3A_94 = arith.constant 16 : i32
    %dma_wait3A_95 = arith.constant 0 : i32
    %dma_wait3A_96 = tpu.memref_slice %arg4[%add3A, %dma_wait3A_94, %dma_wait3A_95] : memref<32x80x128xi32, #tpu.memory_space<hbm>> -> memref<1x16x128xi32, #tpu.memory_space<hbm>>
    %dma_wait3A_97 = tpu.memref_squeeze %dma_wait3A_96 : memref<1x16x128xi32, #tpu.memory_space<hbm>> -> memref<16x128xi32, #tpu.memory_space<hbm>>
    tpu.wait_dma2 semaphore(%arg15 : memref<!tpu.dma_semaphore, #tpu.memory_space<semaphore_mem>>) src(%dma_wait3A_97 : memref<16x128xi32, #tpu.memory_space<hbm>>) dst(%arg10 : memref<16x128xi32, #tpu.memory_space<vmem>>)
    %dma_start3A_98 = arith.constant 32 : i32
    %dma_start3A_99 = arith.constant 0 : i32
    %dma_start3A_100 = tpu.memref_slice %arg3[%add3A, %dma_start3A_98, %dma_start3A_99] : memref<32x80x128xi32, #tpu.memory_space<hbm>> -> memref<1x16x128xi32, #tpu.memory_space<hbm>>
    %dma_start3A_101 = tpu.memref_squeeze %dma_start3A_100 : memref<1x16x128xi32, #tpu.memory_space<hbm>> -> memref<16x128xi32, #tpu.memory_space<hbm>>
    %dma_start3A_102 = arith.constant 32 : i32
    %dma_start3A_103 = arith.constant 0 : i32
    %dma_start3A_104 = tpu.memref_slice %arg3[%add3A, %dma_start3A_102, %dma_start3A_103] : memref<32x80x128xi32, #tpu.memory_space<hbm>> -> memref<1x16x128xi32, #tpu.memory_space<hbm>>
    %dma_start3A_105 = tpu.memref_squeeze %dma_start3A_104 : memref<1x16x128xi32, #tpu.memory_space<hbm>> -> memref<16x128xi32, #tpu.memory_space<hbm>>
    tpu.enqueue_dma source(%dma_start3A_105 : memref<16x128xi32, #tpu.memory_space<hbm>>) target(%arg7 : memref<16x128xi32, #tpu.memory_space<vmem>>) target_semaphore(%arg15 : memref<!tpu.dma_semaphore, #tpu.memory_space<semaphore_mem>>)
    %dma_start3A_106 = arith.constant 32 : i32
    %dma_start3A_107 = arith.constant 0 : i32
    %dma_start3A_108 = tpu.memref_slice %arg4[%add3A, %dma_start3A_106, %dma_start3A_107] : memref<32x80x128xi32, #tpu.memory_space<hbm>> -> memref<1x16x128xi32, #tpu.memory_space<hbm>>
    %dma_start3A_109 = tpu.memref_squeeze %dma_start3A_108 : memref<1x16x128xi32, #tpu.memory_space<hbm>> -> memref<16x128xi32, #tpu.memory_space<hbm>>
    %dma_start3A_110 = arith.constant 32 : i32
    %dma_start3A_111 = arith.constant 0 : i32
    %dma_start3A_112 = tpu.memref_slice %arg4[%add3A, %dma_start3A_110, %dma_start3A_111] : memref<32x80x128xi32, #tpu.memory_space<hbm>> -> memref<1x16x128xi32, #tpu.memory_space<hbm>>
    %dma_start3A_113 = tpu.memref_squeeze %dma_start3A_112 : memref<1x16x128xi32, #tpu.memory_space<hbm>> -> memref<16x128xi32, #tpu.memory_space<hbm>>
    tpu.enqueue_dma source(%dma_start3A_113 : memref<16x128xi32, #tpu.memory_space<hbm>>) target(%arg8 : memref<16x128xi32, #tpu.memory_space<vmem>>) target_semaphore(%arg15 : memref<!tpu.dma_semaphore, #tpu.memory_space<semaphore_mem>>)
    %dma_start3A_114 = arith.constant 0 : i32
    %dma_start3A_115 = arith.constant 0 : i32
    %dma_start3A_116 = tpu.memref_slice %arg9[%dma_start3A_114, %dma_start3A_115] : memref<16x128xi32, #tpu.memory_space<vmem>> -> memref<1x128xi32, #tpu.memory_space<vmem>>
    %dma_start3A_117 = tpu.memref_squeeze %dma_start3A_116 : memref<1x128xi32, #tpu.memory_space<vmem>> -> memref<128xi32, #tpu.memory_space<vmem>>
    %dma_start3A_118 = arith.constant 0 : i32
    %dma_start3A_119 = arith.constant 0 : i32
    %dma_start3A_120 = tpu.memref_slice %arg2[%dma_start3A_118, %dma_start3A_119] : memref<10240x128xf32, #tpu.memory_space<hbm>> -> memref<10240x128xf32, #tpu.memory_space<hbm>>
    tpu.enqueue_indirect_dma source(%dma_start3A_120 : memref<10240x128xf32, #tpu.memory_space<hbm>>) target(%arg11 : memref<128x128xf32, #tpu.memory_space<vmem>>) offsets(%dma_start3A_117 : memref<128xi32, #tpu.memory_space<vmem>>) semaphore(%arg14 : memref<!tpu.dma_semaphore, #tpu.memory_space<semaphore_mem>>)
    %scan3A_121 = arith.constant 0 : i32
    %scan3A_122 = arith.constant 7 : i32
    %scan3A_123 = arith.addi %scan3A_121, %scan3A_122 : i32
    %scan3A_124 = arith.constant 1 : i32
    scf.for %scan3A_339 = %scan3A_121 to %scan3A_123 step %scan3A_124  : i32 {
      %mul3A_340 = arith.constant 1 : i32
      %mul3A_341 = arith.muli %scan3A_339, %mul3A_340 : i32
      %add3A_342 = arith.constant 0 : i32
      %add3A_343 = arith.addi %add3A_342, %mul3A_341 : i32
      %mul3A_344 = arith.constant 2 : i32
      %mul3A_345 = arith.muli %mul3A_344, %add3A_343 : i32
      %dma_wait3A_346 = arith.constant 0 : i32
      %dma_wait3A_347 = tpu.memref_slice %arg9[%mul3A_345, %dma_wait3A_346] : memref<16x128xi32, #tpu.memory_space<vmem>> -> memref<1x128xi32, #tpu.memory_space<vmem>>
      %dma_wait3A_348 = tpu.memref_squeeze %dma_wait3A_347 : memref<1x128xi32, #tpu.memory_space<vmem>> -> memref<128xi32, #tpu.memory_space<vmem>>
      %dma_wait3A_349 = arith.constant 0 : i32
      %dma_wait3A_350 = arith.constant 0 : i32
      %dma_wait3A_351 = tpu.memref_slice %arg2[%dma_wait3A_349, %dma_wait3A_350] : memref<10240x128xf32, #tpu.memory_space<hbm>> -> memref<10240x128xf32, #tpu.memory_space<hbm>>
      tpu.wait_indirect_dma semaphore(%arg14 : memref<!tpu.dma_semaphore, #tpu.memory_space<semaphore_mem>>) src(%dma_wait3A_351 : memref<10240x128xf32, #tpu.memory_space<hbm>>) dst(%arg11 : memref<128x128xf32, #tpu.memory_space<vmem>>)
      %add3A_352 = arith.constant 1 : i32
      %add3A_353 = arith.addi %mul3A_345, %add3A_352 : i32
      %dma_start3A_354 = arith.constant 0 : i32
      %dma_start3A_355 = tpu.memref_slice %arg9[%add3A_353, %dma_start3A_354] : memref<16x128xi32, #tpu.memory_space<vmem>> -> memref<1x128xi32, #tpu.memory_space<vmem>>
      %dma_start3A_356 = tpu.memref_squeeze %dma_start3A_355 : memref<1x128xi32, #tpu.memory_space<vmem>> -> memref<128xi32, #tpu.memory_space<vmem>>
      %dma_start3A_357 = arith.constant 0 : i32
      %dma_start3A_358 = arith.constant 0 : i32
      %dma_start3A_359 = tpu.memref_slice %arg2[%dma_start3A_357, %dma_start3A_358] : memref<10240x128xf32, #tpu.memory_space<hbm>> -> memref<10240x128xf32, #tpu.memory_space<hbm>>
      tpu.enqueue_indirect_dma source(%dma_start3A_359 : memref<10240x128xf32, #tpu.memory_space<hbm>>) target(%arg12 : memref<128x128xf32, #tpu.memory_space<vmem>>) offsets(%dma_start3A_356 : memref<128xi32, #tpu.memory_space<vmem>>) semaphore(%arg14 : memref<!tpu.dma_semaphore, #tpu.memory_space<semaphore_mem>>)
      "tpu.region"() ({
        %run_scoped3A_378 = tpu.sem_alloc : memref<!tpu.dma_semaphore, #tpu.memory_space<semaphore_mem>>
        %dma_start3A_379 = arith.constant 0 : i32
        %dma_start3A_380 = tpu.memref_slice %arg10[%mul3A_345, %dma_start3A_379] : memref<16x128xi32, #tpu.memory_space<vmem>> -> memref<1x128xi32, #tpu.memory_space<vmem>>
        %dma_start3A_381 = tpu.memref_squeeze %dma_start3A_380 : memref<1x128xi32, #tpu.memory_space<vmem>> -> memref<128xi32, #tpu.memory_space<vmem>>
        %dma_start3A_382 = arith.constant 0 : i32
        %dma_start3A_383 = arith.constant 0 : i32
        %dma_start3A_384 = tpu.memref_slice %arg13[%dma_start3A_382, %dma_start3A_383] : memref<10240x128xf32, #tpu.memory_space<vmem_shared>> -> memref<10240x128xf32, #tpu.memory_space<vmem_shared>>
        tpu.enqueue_indirect_dma source(%arg11 : memref<128x128xf32, #tpu.memory_space<vmem>>) target(%dma_start3A_384 : memref<10240x128xf32, #tpu.memory_space<vmem_shared>>) offsets(%dma_start3A_381 : memref<128xi32, #tpu.memory_space<vmem>>) semaphore(%run_scoped3A_378 : memref<!tpu.dma_semaphore, #tpu.memory_space<semaphore_mem>>) {add = true}
        %dma_wait3A_385 = arith.constant 0 : i32
        %dma_wait3A_386 = tpu.memref_slice %arg10[%mul3A_345, %dma_wait3A_385] : memref<16x128xi32, #tpu.memory_space<vmem>> -> memref<1x128xi32, #tpu.memory_space<vmem>>
        %dma_wait3A_387 = tpu.memref_squeeze %dma_wait3A_386 : memref<1x128xi32, #tpu.memory_space<vmem>> -> memref<128xi32, #tpu.memory_space<vmem>>
        %dma_wait3A_388 = arith.constant 0 : i32
        %dma_wait3A_389 = arith.constant 0 : i32
        %dma_wait3A_390 = tpu.memref_slice %arg13[%dma_wait3A_388, %dma_wait3A_389] : memref<10240x128xf32, #tpu.memory_space<vmem_shared>> -> memref<10240x128xf32, #tpu.memory_space<vmem_shared>>
        tpu.wait_indirect_dma semaphore(%run_scoped3A_378 : memref<!tpu.dma_semaphore, #tpu.memory_space<semaphore_mem>>) src(%arg11 : memref<128x128xf32, #tpu.memory_space<vmem>>) dst(%dma_wait3A_390 : memref<10240x128xf32, #tpu.memory_space<vmem_shared>>)
        tpu.yield
      }) : () -> ()
      %add3A_360 = arith.constant 1 : i32
      %add3A_361 = arith.addi %mul3A_345, %add3A_360 : i32
      %dma_wait3A_362 = arith.constant 0 : i32
      %dma_wait3A_363 = tpu.memref_slice %arg9[%add3A_361, %dma_wait3A_362] : memref<16x128xi32, #tpu.memory_space<vmem>> -> memref<1x128xi32, #tpu.memory_space<vmem>>
      %dma_wait3A_364 = tpu.memref_squeeze %dma_wait3A_363 : memref<1x128xi32, #tpu.memory_space<vmem>> -> memref<128xi32, #tpu.memory_space<vmem>>
      %dma_wait3A_365 = arith.constant 0 : i32
      %dma_wait3A_366 = arith.constant 0 : i32
      %dma_wait3A_367 = tpu.memref_slice %arg2[%dma_wait3A_365, %dma_wait3A_366] : memref<10240x128xf32, #tpu.memory_space<hbm>> -> memref<10240x128xf32, #tpu.memory_space<hbm>>
      tpu.wait_indirect_dma semaphore(%arg14 : memref<!tpu.dma_semaphore, #tpu.memory_space<semaphore_mem>>) src(%dma_wait3A_367 : memref<10240x128xf32, #tpu.memory_space<hbm>>) dst(%arg12 : memref<128x128xf32, #tpu.memory_space<vmem>>)
      %add3A_368 = arith.constant 2 : i32
      %add3A_369 = arith.addi %mul3A_345, %add3A_368 : i32
      %dma_start3A_370 = arith.constant 0 : i32
      %dma_start3A_371 = tpu.memref_slice %arg9[%add3A_369, %dma_start3A_370] : memref<16x128xi32, #tpu.memory_space<vmem>> -> memref<1x128xi32, #tpu.memory_space<vmem>>
      %dma_start3A_372 = tpu.memref_squeeze %dma_start3A_371 : memref<1x128xi32, #tpu.memory_space<vmem>> -> memref<128xi32, #tpu.memory_space<vmem>>
      %dma_start3A_373 = arith.constant 0 : i32
      %dma_start3A_374 = arith.constant 0 : i32
      %dma_start3A_375 = tpu.memref_slice %arg2[%dma_start3A_373, %dma_start3A_374] : memref<10240x128xf32, #tpu.memory_space<hbm>> -> memref<10240x128xf32, #tpu.memory_space<hbm>>
      tpu.enqueue_indirect_dma source(%dma_start3A_375 : memref<10240x128xf32, #tpu.memory_space<hbm>>) target(%arg11 : memref<128x128xf32, #tpu.memory_space<vmem>>) offsets(%dma_start3A_372 : memref<128xi32, #tpu.memory_space<vmem>>) semaphore(%arg14 : memref<!tpu.dma_semaphore, #tpu.memory_space<semaphore_mem>>)
      %add3A_376 = arith.constant 1 : i32
      %add3A_377 = arith.addi %mul3A_345, %add3A_376 : i32
      "tpu.region"() ({
        %run_scoped3A_378 = tpu.sem_alloc : memref<!tpu.dma_semaphore, #tpu.memory_space<semaphore_mem>>
        %dma_start3A_379 = arith.constant 0 : i32
        %dma_start3A_380 = tpu.memref_slice %arg10[%add3A_377, %dma_start3A_379] : memref<16x128xi32, #tpu.memory_space<vmem>> -> memref<1x128xi32, #tpu.memory_space<vmem>>
        %dma_start3A_381 = tpu.memref_squeeze %dma_start3A_380 : memref<1x128xi32, #tpu.memory_space<vmem>> -> memref<128xi32, #tpu.memory_space<vmem>>
        %dma_start3A_382 = arith.constant 0 : i32
        %dma_start3A_383 = arith.constant 0 : i32
        %dma_start3A_384 = tpu.memref_slice %arg13[%dma_start3A_382, %dma_start3A_383] : memref<10240x128xf32, #tpu.memory_space<vmem_shared>> -> memref<10240x128xf32, #tpu.memory_space<vmem_shared>>
        tpu.enqueue_indirect_dma source(%arg12 : memref<128x128xf32, #tpu.memory_space<vmem>>) target(%dma_start3A_384 : memref<10240x128xf32, #tpu.memory_space<vmem_shared>>) offsets(%dma_start3A_381 : memref<128xi32, #tpu.memory_space<vmem>>) semaphore(%run_scoped3A_378 : memref<!tpu.dma_semaphore, #tpu.memory_space<semaphore_mem>>) {add = true}
        %dma_wait3A_385 = arith.constant 0 : i32
        %dma_wait3A_386 = tpu.memref_slice %arg10[%add3A_377, %dma_wait3A_385] : memref<16x128xi32, #tpu.memory_space<vmem>> -> memref<1x128xi32, #tpu.memory_space<vmem>>
        %dma_wait3A_387 = tpu.memref_squeeze %dma_wait3A_386 : memref<1x128xi32, #tpu.memory_space<vmem>> -> memref<128xi32, #tpu.memory_space<vmem>>
        %dma_wait3A_388 = arith.constant 0 : i32
        %dma_wait3A_389 = arith.constant 0 : i32
        %dma_wait3A_390 = tpu.memref_slice %arg13[%dma_wait3A_388, %dma_wait3A_389] : memref<10240x128xf32, #tpu.memory_space<vmem_shared>> -> memref<10240x128xf32, #tpu.memory_space<vmem_shared>>
        tpu.wait_indirect_dma semaphore(%run_scoped3A_378 : memref<!tpu.dma_semaphore, #tpu.memory_space<semaphore_mem>>) src(%arg12 : memref<128x128xf32, #tpu.memory_space<vmem>>) dst(%dma_wait3A_390 : memref<10240x128xf32, #tpu.memory_space<vmem_shared>>)
        tpu.yield
      }) : () -> ()
    }
    %scan3A_125 = arith.constant 7 : i32
    %dma_wait3A_126 = arith.constant 14 : i32
    %dma_wait3A_127 = arith.constant 0 : i32
    %dma_wait3A_128 = tpu.memref_slice %arg9[%dma_wait3A_126, %dma_wait3A_127] : memref<16x128xi32, #tpu.memory_space<vmem>> -> memref<1x128xi32, #tpu.memory_space<vmem>>
    %dma_wait3A_129 = tpu.memref_squeeze %dma_wait3A_128 : memref<1x128xi32, #tpu.memory_space<vmem>> -> memref<128xi32, #tpu.memory_space<vmem>>
    %dma_wait3A_130 = arith.constant 0 : i32
    %dma_wait3A_131 = arith.constant 0 : i32
    %dma_wait3A_132 = tpu.memref_slice %arg2[%dma_wait3A_130, %dma_wait3A_131] : memref<10240x128xf32, #tpu.memory_space<hbm>> -> memref<10240x128xf32, #tpu.memory_space<hbm>>
    tpu.wait_indirect_dma semaphore(%arg14 : memref<!tpu.dma_semaphore, #tpu.memory_space<semaphore_mem>>) src(%dma_wait3A_132 : memref<10240x128xf32, #tpu.memory_space<hbm>>) dst(%arg11 : memref<128x128xf32, #tpu.memory_space<vmem>>)
    %dma_start3A_133 = arith.constant 15 : i32
    %dma_start3A_134 = arith.constant 0 : i32
    %dma_start3A_135 = tpu.memref_slice %arg9[%dma_start3A_133, %dma_start3A_134] : memref<16x128xi32, #tpu.memory_space<vmem>> -> memref<1x128xi32, #tpu.memory_space<vmem>>
    %dma_start3A_136 = tpu.memref_squeeze %dma_start3A_135 : memref<1x128xi32, #tpu.memory_space<vmem>> -> memref<128xi32, #tpu.memory_space<vmem>>
    %dma_start3A_137 = arith.constant 0 : i32
    %dma_start3A_138 = arith.constant 0 : i32
    %dma_start3A_139 = tpu.memref_slice %arg2[%dma_start3A_137, %dma_start3A_138] : memref<10240x128xf32, #tpu.memory_space<hbm>> -> memref<10240x128xf32, #tpu.memory_space<hbm>>
    tpu.enqueue_indirect_dma source(%dma_start3A_139 : memref<10240x128xf32, #tpu.memory_space<hbm>>) target(%arg12 : memref<128x128xf32, #tpu.memory_space<vmem>>) offsets(%dma_start3A_136 : memref<128xi32, #tpu.memory_space<vmem>>) semaphore(%arg14 : memref<!tpu.dma_semaphore, #tpu.memory_space<semaphore_mem>>)
    %run_scoped3A_140 = arith.constant 14 : i32
    "tpu.region"() ({
      %run_scoped3A_339 = tpu.sem_alloc : memref<!tpu.dma_semaphore, #tpu.memory_space<semaphore_mem>>
      %dma_start3A_340 = arith.constant 0 : i32
      %dma_start3A_341 = tpu.memref_slice %arg10[%run_scoped3A_140, %dma_start3A_340] : memref<16x128xi32, #tpu.memory_space<vmem>> -> memref<1x128xi32, #tpu.memory_space<vmem>>
      %dma_start3A_342 = tpu.memref_squeeze %dma_start3A_341 : memref<1x128xi32, #tpu.memory_space<vmem>> -> memref<128xi32, #tpu.memory_space<vmem>>
      %dma_start3A_343 = arith.constant 0 : i32
      %dma_start3A_344 = arith.constant 0 : i32
      %dma_start3A_345 = tpu.memref_slice %arg13[%dma_start3A_343, %dma_start3A_344] : memref<10240x128xf32, #tpu.memory_space<vmem_shared>> -> memref<10240x128xf32, #tpu.memory_space<vmem_shared>>
      tpu.enqueue_indirect_dma source(%arg11 : memref<128x128xf32, #tpu.memory_space<vmem>>) target(%dma_start3A_345 : memref<10240x128xf32, #tpu.memory_space<vmem_shared>>) offsets(%dma_start3A_342 : memref<128xi32, #tpu.memory_space<vmem>>) semaphore(%run_scoped3A_339 : memref<!tpu.dma_semaphore, #tpu.memory_space<semaphore_mem>>) {add = true}
      %dma_wait3A_346 = arith.constant 0 : i32
      %dma_wait3A_347 = tpu.memref_slice %arg10[%run_scoped3A_140, %dma_wait3A_346] : memref<16x128xi32, #tpu.memory_space<vmem>> -> memref<1x128xi32, #tpu.memory_space<vmem>>
      %dma_wait3A_348 = tpu.memref_squeeze %dma_wait3A_347 : memref<1x128xi32, #tpu.memory_space<vmem>> -> memref<128xi32, #tpu.memory_space<vmem>>
      %dma_wait3A_349 = arith.constant 0 : i32
      %dma_wait3A_350 = arith.constant 0 : i32
      %dma_wait3A_351 = tpu.memref_slice %arg13[%dma_wait3A_349, %dma_wait3A_350] : memref<10240x128xf32, #tpu.memory_space<vmem_shared>> -> memref<10240x128xf32, #tpu.memory_space<vmem_shared>>
      tpu.wait_indirect_dma semaphore(%run_scoped3A_339 : memref<!tpu.dma_semaphore, #tpu.memory_space<semaphore_mem>>) src(%arg11 : memref<128x128xf32, #tpu.memory_space<vmem>>) dst(%dma_wait3A_351 : memref<10240x128xf32, #tpu.memory_space<vmem_shared>>)
      tpu.yield
    }) : () -> ()
    %dma_wait3A_141 = arith.constant 15 : i32
    %dma_wait3A_142 = arith.constant 0 : i32
    %dma_wait3A_143 = tpu.memref_slice %arg9[%dma_wait3A_141, %dma_wait3A_142] : memref<16x128xi32, #tpu.memory_space<vmem>> -> memref<1x128xi32, #tpu.memory_space<vmem>>
    %dma_wait3A_144 = tpu.memref_squeeze %dma_wait3A_143 : memref<1x128xi32, #tpu.memory_space<vmem>> -> memref<128xi32, #tpu.memory_space<vmem>>
    %dma_wait3A_145 = arith.constant 0 : i32
    %dma_wait3A_146 = arith.constant 0 : i32
    %dma_wait3A_147 = tpu.memref_slice %arg2[%dma_wait3A_145, %dma_wait3A_146] : memref<10240x128xf32, #tpu.memory_space<hbm>> -> memref<10240x128xf32, #tpu.memory_space<hbm>>
    tpu.wait_indirect_dma semaphore(%arg14 : memref<!tpu.dma_semaphore, #tpu.memory_space<semaphore_mem>>) src(%dma_wait3A_147 : memref<10240x128xf32, #tpu.memory_space<hbm>>) dst(%arg12 : memref<128x128xf32, #tpu.memory_space<vmem>>)
    %run_scoped3A_148 = arith.constant 15 : i32
    "tpu.region"() ({
      %run_scoped3A_339 = tpu.sem_alloc : memref<!tpu.dma_semaphore, #tpu.memory_space<semaphore_mem>>
      %dma_start3A_340 = arith.constant 0 : i32
      %dma_start3A_341 = tpu.memref_slice %arg10[%run_scoped3A_148, %dma_start3A_340] : memref<16x128xi32, #tpu.memory_space<vmem>> -> memref<1x128xi32, #tpu.memory_space<vmem>>
      %dma_start3A_342 = tpu.memref_squeeze %dma_start3A_341 : memref<1x128xi32, #tpu.memory_space<vmem>> -> memref<128xi32, #tpu.memory_space<vmem>>
      %dma_start3A_343 = arith.constant 0 : i32
      %dma_start3A_344 = arith.constant 0 : i32
      %dma_start3A_345 = tpu.memref_slice %arg13[%dma_start3A_343, %dma_start3A_344] : memref<10240x128xf32, #tpu.memory_space<vmem_shared>> -> memref<10240x128xf32, #tpu.memory_space<vmem_shared>>
      tpu.enqueue_indirect_dma source(%arg12 : memref<128x128xf32, #tpu.memory_space<vmem>>) target(%dma_start3A_345 : memref<10240x128xf32, #tpu.memory_space<vmem_shared>>) offsets(%dma_start3A_342 : memref<128xi32, #tpu.memory_space<vmem>>) semaphore(%run_scoped3A_339 : memref<!tpu.dma_semaphore, #tpu.memory_space<semaphore_mem>>) {add = true}
      %dma_wait3A_346 = arith.constant 0 : i32
      %dma_wait3A_347 = tpu.memref_slice %arg10[%run_scoped3A_148, %dma_wait3A_346] : memref<16x128xi32, #tpu.memory_space<vmem>> -> memref<1x128xi32, #tpu.memory_space<vmem>>
      %dma_wait3A_348 = tpu.memref_squeeze %dma_wait3A_347 : memref<1x128xi32, #tpu.memory_space<vmem>> -> memref<128xi32, #tpu.memory_space<vmem>>
      %dma_wait3A_349 = arith.constant 0 : i32
      %dma_wait3A_350 = arith.constant 0 : i32
      %dma_wait3A_351 = tpu.memref_slice %arg13[%dma_wait3A_349, %dma_wait3A_350] : memref<10240x128xf32, #tpu.memory_space<vmem_shared>> -> memref<10240x128xf32, #tpu.memory_space<vmem_shared>>
      tpu.wait_indirect_dma semaphore(%run_scoped3A_339 : memref<!tpu.dma_semaphore, #tpu.memory_space<semaphore_mem>>) src(%arg12 : memref<128x128xf32, #tpu.memory_space<vmem>>) dst(%dma_wait3A_351 : memref<10240x128xf32, #tpu.memory_space<vmem_shared>>)
      tpu.yield
    }) : () -> ()
    %dma_wait3A_149 = arith.constant 32 : i32
    %dma_wait3A_150 = arith.constant 0 : i32
    %dma_wait3A_151 = tpu.memref_slice %arg3[%add3A, %dma_wait3A_149, %dma_wait3A_150] : memref<32x80x128xi32, #tpu.memory_space<hbm>> -> memref<1x16x128xi32, #tpu.memory_space<hbm>>
    %dma_wait3A_152 = tpu.memref_squeeze %dma_wait3A_151 : memref<1x16x128xi32, #tpu.memory_space<hbm>> -> memref<16x128xi32, #tpu.memory_space<hbm>>
    %dma_wait3A_153 = arith.constant 32 : i32
    %dma_wait3A_154 = arith.constant 0 : i32
    %dma_wait3A_155 = tpu.memref_slice %arg3[%add3A, %dma_wait3A_153, %dma_wait3A_154] : memref<32x80x128xi32, #tpu.memory_space<hbm>> -> memref<1x16x128xi32, #tpu.memory_space<hbm>>
    %dma_wait3A_156 = tpu.memref_squeeze %dma_wait3A_155 : memref<1x16x128xi32, #tpu.memory_space<hbm>> -> memref<16x128xi32, #tpu.memory_space<hbm>>
    tpu.wait_dma2 semaphore(%arg15 : memref<!tpu.dma_semaphore, #tpu.memory_space<semaphore_mem>>) src(%dma_wait3A_156 : memref<16x128xi32, #tpu.memory_space<hbm>>) dst(%arg7 : memref<16x128xi32, #tpu.memory_space<vmem>>)
    %dma_wait3A_157 = arith.constant 32 : i32
    %dma_wait3A_158 = arith.constant 0 : i32
    %dma_wait3A_159 = tpu.memref_slice %arg4[%add3A, %dma_wait3A_157, %dma_wait3A_158] : memref<32x80x128xi32, #tpu.memory_space<hbm>> -> memref<1x16x128xi32, #tpu.memory_space<hbm>>
    %dma_wait3A_160 = tpu.memref_squeeze %dma_wait3A_159 : memref<1x16x128xi32, #tpu.memory_space<hbm>> -> memref<16x128xi32, #tpu.memory_space<hbm>>
    %dma_wait3A_161 = arith.constant 32 : i32
    %dma_wait3A_162 = arith.constant 0 : i32
    %dma_wait3A_163 = tpu.memref_slice %arg4[%add3A, %dma_wait3A_161, %dma_wait3A_162] : memref<32x80x128xi32, #tpu.memory_space<hbm>> -> memref<1x16x128xi32, #tpu.memory_space<hbm>>
    %dma_wait3A_164 = tpu.memref_squeeze %dma_wait3A_163 : memref<1x16x128xi32, #tpu.memory_space<hbm>> -> memref<16x128xi32, #tpu.memory_space<hbm>>
    tpu.wait_dma2 semaphore(%arg15 : memref<!tpu.dma_semaphore, #tpu.memory_space<semaphore_mem>>) src(%dma_wait3A_164 : memref<16x128xi32, #tpu.memory_space<hbm>>) dst(%arg8 : memref<16x128xi32, #tpu.memory_space<vmem>>)
    %dma_start3A_165 = arith.constant 48 : i32
    %dma_start3A_166 = arith.constant 0 : i32
    %dma_start3A_167 = tpu.memref_slice %arg3[%add3A, %dma_start3A_165, %dma_start3A_166] : memref<32x80x128xi32, #tpu.memory_space<hbm>> -> memref<1x16x128xi32, #tpu.memory_space<hbm>>
    %dma_start3A_168 = tpu.memref_squeeze %dma_start3A_167 : memref<1x16x128xi32, #tpu.memory_space<hbm>> -> memref<16x128xi32, #tpu.memory_space<hbm>>
    %dma_start3A_169 = arith.constant 48 : i32
    %dma_start3A_170 = arith.constant 0 : i32
    %dma_start3A_171 = tpu.memref_slice %arg3[%add3A, %dma_start3A_169, %dma_start3A_170] : memref<32x80x128xi32, #tpu.memory_space<hbm>> -> memref<1x16x128xi32, #tpu.memory_space<hbm>>
    %dma_start3A_172 = tpu.memref_squeeze %dma_start3A_171 : memref<1x16x128xi32, #tpu.memory_space<hbm>> -> memref<16x128xi32, #tpu.memory_space<hbm>>
    tpu.enqueue_dma source(%dma_start3A_172 : memref<16x128xi32, #tpu.memory_space<hbm>>) target(%arg9 : memref<16x128xi32, #tpu.memory_space<vmem>>) target_semaphore(%arg15 : memref<!tpu.dma_semaphore, #tpu.memory_space<semaphore_mem>>)
    %dma_start3A_173 = arith.constant 48 : i32
    %dma_start3A_174 = arith.constant 0 : i32
    %dma_start3A_175 = tpu.memref_slice %arg4[%add3A, %dma_start3A_173, %dma_start3A_174] : memref<32x80x128xi32, #tpu.memory_space<hbm>> -> memref<1x16x128xi32, #tpu.memory_space<hbm>>
    %dma_start3A_176 = tpu.memref_squeeze %dma_start3A_175 : memref<1x16x128xi32, #tpu.memory_space<hbm>> -> memref<16x128xi32, #tpu.memory_space<hbm>>
    %dma_start3A_177 = arith.constant 48 : i32
    %dma_start3A_178 = arith.constant 0 : i32
    %dma_start3A_179 = tpu.memref_slice %arg4[%add3A, %dma_start3A_177, %dma_start3A_178] : memref<32x80x128xi32, #tpu.memory_space<hbm>> -> memref<1x16x128xi32, #tpu.memory_space<hbm>>
    %dma_start3A_180 = tpu.memref_squeeze %dma_start3A_179 : memref<1x16x128xi32, #tpu.memory_space<hbm>> -> memref<16x128xi32, #tpu.memory_space<hbm>>
    tpu.enqueue_dma source(%dma_start3A_180 : memref<16x128xi32, #tpu.memory_space<hbm>>) target(%arg10 : memref<16x128xi32, #tpu.memory_space<vmem>>) target_semaphore(%arg15 : memref<!tpu.dma_semaphore, #tpu.memory_space<semaphore_mem>>)
    %dma_start3A_181 = arith.constant 0 : i32
    %dma_start3A_182 = arith.constant 0 : i32
    %dma_start3A_183 = tpu.memref_slice %arg7[%dma_start3A_181, %dma_start3A_182] : memref<16x128xi32, #tpu.memory_space<vmem>> -> memref<1x128xi32, #tpu.memory_space<vmem>>
    %dma_start3A_184 = tpu.memref_squeeze %dma_start3A_183 : memref<1x128xi32, #tpu.memory_space<vmem>> -> memref<128xi32, #tpu.memory_space<vmem>>
    %dma_start3A_185 = arith.constant 0 : i32
    %dma_start3A_186 = arith.constant 0 : i32
    %dma_start3A_187 = tpu.memref_slice %arg2[%dma_start3A_185, %dma_start3A_186] : memref<10240x128xf32, #tpu.memory_space<hbm>> -> memref<10240x128xf32, #tpu.memory_space<hbm>>
    tpu.enqueue_indirect_dma source(%dma_start3A_187 : memref<10240x128xf32, #tpu.memory_space<hbm>>) target(%arg11 : memref<128x128xf32, #tpu.memory_space<vmem>>) offsets(%dma_start3A_184 : memref<128xi32, #tpu.memory_space<vmem>>) semaphore(%arg14 : memref<!tpu.dma_semaphore, #tpu.memory_space<semaphore_mem>>)
    %scan3A_188 = arith.constant 0 : i32
    %scan3A_189 = arith.constant 7 : i32
    %scan3A_190 = arith.addi %scan3A_188, %scan3A_189 : i32
    %scan3A_191 = arith.constant 1 : i32
    scf.for %scan3A_339 = %scan3A_188 to %scan3A_190 step %scan3A_191  : i32 {
      %mul3A_340 = arith.constant 1 : i32
      %mul3A_341 = arith.muli %scan3A_339, %mul3A_340 : i32
      %add3A_342 = arith.constant 0 : i32
      %add3A_343 = arith.addi %add3A_342, %mul3A_341 : i32
      %mul3A_344 = arith.constant 2 : i32
      %mul3A_345 = arith.muli %mul3A_344, %add3A_343 : i32
      %dma_wait3A_346 = arith.constant 0 : i32
      %dma_wait3A_347 = tpu.memref_slice %arg7[%mul3A_345, %dma_wait3A_346] : memref<16x128xi32, #tpu.memory_space<vmem>> -> memref<1x128xi32, #tpu.memory_space<vmem>>
      %dma_wait3A_348 = tpu.memref_squeeze %dma_wait3A_347 : memref<1x128xi32, #tpu.memory_space<vmem>> -> memref<128xi32, #tpu.memory_space<vmem>>
      %dma_wait3A_349 = arith.constant 0 : i32
      %dma_wait3A_350 = arith.constant 0 : i32
      %dma_wait3A_351 = tpu.memref_slice %arg2[%dma_wait3A_349, %dma_wait3A_350] : memref<10240x128xf32, #tpu.memory_space<hbm>> -> memref<10240x128xf32, #tpu.memory_space<hbm>>
      tpu.wait_indirect_dma semaphore(%arg14 : memref<!tpu.dma_semaphore, #tpu.memory_space<semaphore_mem>>) src(%dma_wait3A_351 : memref<10240x128xf32, #tpu.memory_space<hbm>>) dst(%arg11 : memref<128x128xf32, #tpu.memory_space<vmem>>)
      %add3A_352 = arith.constant 1 : i32
      %add3A_353 = arith.addi %mul3A_345, %add3A_352 : i32
      %dma_start3A_354 = arith.constant 0 : i32
      %dma_start3A_355 = tpu.memref_slice %arg7[%add3A_353, %dma_start3A_354] : memref<16x128xi32, #tpu.memory_space<vmem>> -> memref<1x128xi32, #tpu.memory_space<vmem>>
      %dma_start3A_356 = tpu.memref_squeeze %dma_start3A_355 : memref<1x128xi32, #tpu.memory_space<vmem>> -> memref<128xi32, #tpu.memory_space<vmem>>
      %dma_start3A_357 = arith.constant 0 : i32
      %dma_start3A_358 = arith.constant 0 : i32
      %dma_start3A_359 = tpu.memref_slice %arg2[%dma_start3A_357, %dma_start3A_358] : memref<10240x128xf32, #tpu.memory_space<hbm>> -> memref<10240x128xf32, #tpu.memory_space<hbm>>
      tpu.enqueue_indirect_dma source(%dma_start3A_359 : memref<10240x128xf32, #tpu.memory_space<hbm>>) target(%arg12 : memref<128x128xf32, #tpu.memory_space<vmem>>) offsets(%dma_start3A_356 : memref<128xi32, #tpu.memory_space<vmem>>) semaphore(%arg14 : memref<!tpu.dma_semaphore, #tpu.memory_space<semaphore_mem>>)
      "tpu.region"() ({
        %run_scoped3A_378 = tpu.sem_alloc : memref<!tpu.dma_semaphore, #tpu.memory_space<semaphore_mem>>
        %dma_start3A_379 = arith.constant 0 : i32
        %dma_start3A_380 = tpu.memref_slice %arg8[%mul3A_345, %dma_start3A_379] : memref<16x128xi32, #tpu.memory_space<vmem>> -> memref<1x128xi32, #tpu.memory_space<vmem>>
        %dma_start3A_381 = tpu.memref_squeeze %dma_start3A_380 : memref<1x128xi32, #tpu.memory_space<vmem>> -> memref<128xi32, #tpu.memory_space<vmem>>
        %dma_start3A_382 = arith.constant 0 : i32
        %dma_start3A_383 = arith.constant 0 : i32
        %dma_start3A_384 = tpu.memref_slice %arg13[%dma_start3A_382, %dma_start3A_383] : memref<10240x128xf32, #tpu.memory_space<vmem_shared>> -> memref<10240x128xf32, #tpu.memory_space<vmem_shared>>
        tpu.enqueue_indirect_dma source(%arg11 : memref<128x128xf32, #tpu.memory_space<vmem>>) target(%dma_start3A_384 : memref<10240x128xf32, #tpu.memory_space<vmem_shared>>) offsets(%dma_start3A_381 : memref<128xi32, #tpu.memory_space<vmem>>) semaphore(%run_scoped3A_378 : memref<!tpu.dma_semaphore, #tpu.memory_space<semaphore_mem>>) {add = true}
        %dma_wait3A_385 = arith.constant 0 : i32
        %dma_wait3A_386 = tpu.memref_slice %arg8[%mul3A_345, %dma_wait3A_385] : memref<16x128xi32, #tpu.memory_space<vmem>> -> memref<1x128xi32, #tpu.memory_space<vmem>>
        %dma_wait3A_387 = tpu.memref_squeeze %dma_wait3A_386 : memref<1x128xi32, #tpu.memory_space<vmem>> -> memref<128xi32, #tpu.memory_space<vmem>>
        %dma_wait3A_388 = arith.constant 0 : i32
        %dma_wait3A_389 = arith.constant 0 : i32
        %dma_wait3A_390 = tpu.memref_slice %arg13[%dma_wait3A_388, %dma_wait3A_389] : memref<10240x128xf32, #tpu.memory_space<vmem_shared>> -> memref<10240x128xf32, #tpu.memory_space<vmem_shared>>
        tpu.wait_indirect_dma semaphore(%run_scoped3A_378 : memref<!tpu.dma_semaphore, #tpu.memory_space<semaphore_mem>>) src(%arg11 : memref<128x128xf32, #tpu.memory_space<vmem>>) dst(%dma_wait3A_390 : memref<10240x128xf32, #tpu.memory_space<vmem_shared>>)
        tpu.yield
      }) : () -> ()
      %add3A_360 = arith.constant 1 : i32
      %add3A_361 = arith.addi %mul3A_345, %add3A_360 : i32
      %dma_wait3A_362 = arith.constant 0 : i32
      %dma_wait3A_363 = tpu.memref_slice %arg7[%add3A_361, %dma_wait3A_362] : memref<16x128xi32, #tpu.memory_space<vmem>> -> memref<1x128xi32, #tpu.memory_space<vmem>>
      %dma_wait3A_364 = tpu.memref_squeeze %dma_wait3A_363 : memref<1x128xi32, #tpu.memory_space<vmem>> -> memref<128xi32, #tpu.memory_space<vmem>>
      %dma_wait3A_365 = arith.constant 0 : i32
      %dma_wait3A_366 = arith.constant 0 : i32
      %dma_wait3A_367 = tpu.memref_slice %arg2[%dma_wait3A_365, %dma_wait3A_366] : memref<10240x128xf32, #tpu.memory_space<hbm>> -> memref<10240x128xf32, #tpu.memory_space<hbm>>
      tpu.wait_indirect_dma semaphore(%arg14 : memref<!tpu.dma_semaphore, #tpu.memory_space<semaphore_mem>>) src(%dma_wait3A_367 : memref<10240x128xf32, #tpu.memory_space<hbm>>) dst(%arg12 : memref<128x128xf32, #tpu.memory_space<vmem>>)
      %add3A_368 = arith.constant 2 : i32
      %add3A_369 = arith.addi %mul3A_345, %add3A_368 : i32
      %dma_start3A_370 = arith.constant 0 : i32
      %dma_start3A_371 = tpu.memref_slice %arg7[%add3A_369, %dma_start3A_370] : memref<16x128xi32, #tpu.memory_space<vmem>> -> memref<1x128xi32, #tpu.memory_space<vmem>>
      %dma_start3A_372 = tpu.memref_squeeze %dma_start3A_371 : memref<1x128xi32, #tpu.memory_space<vmem>> -> memref<128xi32, #tpu.memory_space<vmem>>
      %dma_start3A_373 = arith.constant 0 : i32
      %dma_start3A_374 = arith.constant 0 : i32
      %dma_start3A_375 = tpu.memref_slice %arg2[%dma_start3A_373, %dma_start3A_374] : memref<10240x128xf32, #tpu.memory_space<hbm>> -> memref<10240x128xf32, #tpu.memory_space<hbm>>
      tpu.enqueue_indirect_dma source(%dma_start3A_375 : memref<10240x128xf32, #tpu.memory_space<hbm>>) target(%arg11 : memref<128x128xf32, #tpu.memory_space<vmem>>) offsets(%dma_start3A_372 : memref<128xi32, #tpu.memory_space<vmem>>) semaphore(%arg14 : memref<!tpu.dma_semaphore, #tpu.memory_space<semaphore_mem>>)
      %add3A_376 = arith.constant 1 : i32
      %add3A_377 = arith.addi %mul3A_345, %add3A_376 : i32
      "tpu.region"() ({
        %run_scoped3A_378 = tpu.sem_alloc : memref<!tpu.dma_semaphore, #tpu.memory_space<semaphore_mem>>
        %dma_start3A_379 = arith.constant 0 : i32
        %dma_start3A_380 = tpu.memref_slice %arg8[%add3A_377, %dma_start3A_379] : memref<16x128xi32, #tpu.memory_space<vmem>> -> memref<1x128xi32, #tpu.memory_space<vmem>>
        %dma_start3A_381 = tpu.memref_squeeze %dma_start3A_380 : memref<1x128xi32, #tpu.memory_space<vmem>> -> memref<128xi32, #tpu.memory_space<vmem>>
        %dma_start3A_382 = arith.constant 0 : i32
        %dma_start3A_383 = arith.constant 0 : i32
        %dma_start3A_384 = tpu.memref_slice %arg13[%dma_start3A_382, %dma_start3A_383] : memref<10240x128xf32, #tpu.memory_space<vmem_shared>> -> memref<10240x128xf32, #tpu.memory_space<vmem_shared>>
        tpu.enqueue_indirect_dma source(%arg12 : memref<128x128xf32, #tpu.memory_space<vmem>>) target(%dma_start3A_384 : memref<10240x128xf32, #tpu.memory_space<vmem_shared>>) offsets(%dma_start3A_381 : memref<128xi32, #tpu.memory_space<vmem>>) semaphore(%run_scoped3A_378 : memref<!tpu.dma_semaphore, #tpu.memory_space<semaphore_mem>>) {add = true}
        %dma_wait3A_385 = arith.constant 0 : i32
        %dma_wait3A_386 = tpu.memref_slice %arg8[%add3A_377, %dma_wait3A_385] : memref<16x128xi32, #tpu.memory_space<vmem>> -> memref<1x128xi32, #tpu.memory_space<vmem>>
        %dma_wait3A_387 = tpu.memref_squeeze %dma_wait3A_386 : memref<1x128xi32, #tpu.memory_space<vmem>> -> memref<128xi32, #tpu.memory_space<vmem>>
        %dma_wait3A_388 = arith.constant 0 : i32
        %dma_wait3A_389 = arith.constant 0 : i32
        %dma_wait3A_390 = tpu.memref_slice %arg13[%dma_wait3A_388, %dma_wait3A_389] : memref<10240x128xf32, #tpu.memory_space<vmem_shared>> -> memref<10240x128xf32, #tpu.memory_space<vmem_shared>>
        tpu.wait_indirect_dma semaphore(%run_scoped3A_378 : memref<!tpu.dma_semaphore, #tpu.memory_space<semaphore_mem>>) src(%arg12 : memref<128x128xf32, #tpu.memory_space<vmem>>) dst(%dma_wait3A_390 : memref<10240x128xf32, #tpu.memory_space<vmem_shared>>)
        tpu.yield
      }) : () -> ()
    }
    %scan3A_192 = arith.constant 7 : i32
    %dma_wait3A_193 = arith.constant 14 : i32
    %dma_wait3A_194 = arith.constant 0 : i32
    %dma_wait3A_195 = tpu.memref_slice %arg7[%dma_wait3A_193, %dma_wait3A_194] : memref<16x128xi32, #tpu.memory_space<vmem>> -> memref<1x128xi32, #tpu.memory_space<vmem>>
    %dma_wait3A_196 = tpu.memref_squeeze %dma_wait3A_195 : memref<1x128xi32, #tpu.memory_space<vmem>> -> memref<128xi32, #tpu.memory_space<vmem>>
    %dma_wait3A_197 = arith.constant 0 : i32
    %dma_wait3A_198 = arith.constant 0 : i32
    %dma_wait3A_199 = tpu.memref_slice %arg2[%dma_wait3A_197, %dma_wait3A_198] : memref<10240x128xf32, #tpu.memory_space<hbm>> -> memref<10240x128xf32, #tpu.memory_space<hbm>>
    tpu.wait_indirect_dma semaphore(%arg14 : memref<!tpu.dma_semaphore, #tpu.memory_space<semaphore_mem>>) src(%dma_wait3A_199 : memref<10240x128xf32, #tpu.memory_space<hbm>>) dst(%arg11 : memref<128x128xf32, #tpu.memory_space<vmem>>)
    %dma_start3A_200 = arith.constant 15 : i32
    %dma_start3A_201 = arith.constant 0 : i32
    %dma_start3A_202 = tpu.memref_slice %arg7[%dma_start3A_200, %dma_start3A_201] : memref<16x128xi32, #tpu.memory_space<vmem>> -> memref<1x128xi32, #tpu.memory_space<vmem>>
    %dma_start3A_203 = tpu.memref_squeeze %dma_start3A_202 : memref<1x128xi32, #tpu.memory_space<vmem>> -> memref<128xi32, #tpu.memory_space<vmem>>
    %dma_start3A_204 = arith.constant 0 : i32
    %dma_start3A_205 = arith.constant 0 : i32
    %dma_start3A_206 = tpu.memref_slice %arg2[%dma_start3A_204, %dma_start3A_205] : memref<10240x128xf32, #tpu.memory_space<hbm>> -> memref<10240x128xf32, #tpu.memory_space<hbm>>
    tpu.enqueue_indirect_dma source(%dma_start3A_206 : memref<10240x128xf32, #tpu.memory_space<hbm>>) target(%arg12 : memref<128x128xf32, #tpu.memory_space<vmem>>) offsets(%dma_start3A_203 : memref<128xi32, #tpu.memory_space<vmem>>) semaphore(%arg14 : memref<!tpu.dma_semaphore, #tpu.memory_space<semaphore_mem>>)
    %run_scoped3A_207 = arith.constant 14 : i32
    "tpu.region"() ({
      %run_scoped3A_339 = tpu.sem_alloc : memref<!tpu.dma_semaphore, #tpu.memory_space<semaphore_mem>>
      %dma_start3A_340 = arith.constant 0 : i32
      %dma_start3A_341 = tpu.memref_slice %arg8[%run_scoped3A_207, %dma_start3A_340] : memref<16x128xi32, #tpu.memory_space<vmem>> -> memref<1x128xi32, #tpu.memory_space<vmem>>
      %dma_start3A_342 = tpu.memref_squeeze %dma_start3A_341 : memref<1x128xi32, #tpu.memory_space<vmem>> -> memref<128xi32, #tpu.memory_space<vmem>>
      %dma_start3A_343 = arith.constant 0 : i32
      %dma_start3A_344 = arith.constant 0 : i32
      %dma_start3A_345 = tpu.memref_slice %arg13[%dma_start3A_343, %dma_start3A_344] : memref<10240x128xf32, #tpu.memory_space<vmem_shared>> -> memref<10240x128xf32, #tpu.memory_space<vmem_shared>>
      tpu.enqueue_indirect_dma source(%arg11 : memref<128x128xf32, #tpu.memory_space<vmem>>) target(%dma_start3A_345 : memref<10240x128xf32, #tpu.memory_space<vmem_shared>>) offsets(%dma_start3A_342 : memref<128xi32, #tpu.memory_space<vmem>>) semaphore(%run_scoped3A_339 : memref<!tpu.dma_semaphore, #tpu.memory_space<semaphore_mem>>) {add = true}
      %dma_wait3A_346 = arith.constant 0 : i32
      %dma_wait3A_347 = tpu.memref_slice %arg8[%run_scoped3A_207, %dma_wait3A_346] : memref<16x128xi32, #tpu.memory_space<vmem>> -> memref<1x128xi32, #tpu.memory_space<vmem>>
      %dma_wait3A_348 = tpu.memref_squeeze %dma_wait3A_347 : memref<1x128xi32, #tpu.memory_space<vmem>> -> memref<128xi32, #tpu.memory_space<vmem>>
      %dma_wait3A_349 = arith.constant 0 : i32
      %dma_wait3A_350 = arith.constant 0 : i32
      %dma_wait3A_351 = tpu.memref_slice %arg13[%dma_wait3A_349, %dma_wait3A_350] : memref<10240x128xf32, #tpu.memory_space<vmem_shared>> -> memref<10240x128xf32, #tpu.memory_space<vmem_shared>>
      tpu.wait_indirect_dma semaphore(%run_scoped3A_339 : memref<!tpu.dma_semaphore, #tpu.memory_space<semaphore_mem>>) src(%arg11 : memref<128x128xf32, #tpu.memory_space<vmem>>) dst(%dma_wait3A_351 : memref<10240x128xf32, #tpu.memory_space<vmem_shared>>)
      tpu.yield
    }) : () -> ()
    %dma_wait3A_208 = arith.constant 15 : i32
    %dma_wait3A_209 = arith.constant 0 : i32
    %dma_wait3A_210 = tpu.memref_slice %arg7[%dma_wait3A_208, %dma_wait3A_209] : memref<16x128xi32, #tpu.memory_space<vmem>> -> memref<1x128xi32, #tpu.memory_space<vmem>>
    %dma_wait3A_211 = tpu.memref_squeeze %dma_wait3A_210 : memref<1x128xi32, #tpu.memory_space<vmem>> -> memref<128xi32, #tpu.memory_space<vmem>>
    %dma_wait3A_212 = arith.constant 0 : i32
    %dma_wait3A_213 = arith.constant 0 : i32
    %dma_wait3A_214 = tpu.memref_slice %arg2[%dma_wait3A_212, %dma_wait3A_213] : memref<10240x128xf32, #tpu.memory_space<hbm>> -> memref<10240x128xf32, #tpu.memory_space<hbm>>
    tpu.wait_indirect_dma semaphore(%arg14 : memref<!tpu.dma_semaphore, #tpu.memory_space<semaphore_mem>>) src(%dma_wait3A_214 : memref<10240x128xf32, #tpu.memory_space<hbm>>) dst(%arg12 : memref<128x128xf32, #tpu.memory_space<vmem>>)
    %run_scoped3A_215 = arith.constant 15 : i32
    "tpu.region"() ({
      %run_scoped3A_339 = tpu.sem_alloc : memref<!tpu.dma_semaphore, #tpu.memory_space<semaphore_mem>>
      %dma_start3A_340 = arith.constant 0 : i32
      %dma_start3A_341 = tpu.memref_slice %arg8[%run_scoped3A_215, %dma_start3A_340] : memref<16x128xi32, #tpu.memory_space<vmem>> -> memref<1x128xi32, #tpu.memory_space<vmem>>
      %dma_start3A_342 = tpu.memref_squeeze %dma_start3A_341 : memref<1x128xi32, #tpu.memory_space<vmem>> -> memref<128xi32, #tpu.memory_space<vmem>>
      %dma_start3A_343 = arith.constant 0 : i32
      %dma_start3A_344 = arith.constant 0 : i32
      %dma_start3A_345 = tpu.memref_slice %arg13[%dma_start3A_343, %dma_start3A_344] : memref<10240x128xf32, #tpu.memory_space<vmem_shared>> -> memref<10240x128xf32, #tpu.memory_space<vmem_shared>>
      tpu.enqueue_indirect_dma source(%arg12 : memref<128x128xf32, #tpu.memory_space<vmem>>) target(%dma_start3A_345 : memref<10240x128xf32, #tpu.memory_space<vmem_shared>>) offsets(%dma_start3A_342 : memref<128xi32, #tpu.memory_space<vmem>>) semaphore(%run_scoped3A_339 : memref<!tpu.dma_semaphore, #tpu.memory_space<semaphore_mem>>) {add = true}
      %dma_wait3A_346 = arith.constant 0 : i32
      %dma_wait3A_347 = tpu.memref_slice %arg8[%run_scoped3A_215, %dma_wait3A_346] : memref<16x128xi32, #tpu.memory_space<vmem>> -> memref<1x128xi32, #tpu.memory_space<vmem>>
      %dma_wait3A_348 = tpu.memref_squeeze %dma_wait3A_347 : memref<1x128xi32, #tpu.memory_space<vmem>> -> memref<128xi32, #tpu.memory_space<vmem>>
      %dma_wait3A_349 = arith.constant 0 : i32
      %dma_wait3A_350 = arith.constant 0 : i32
      %dma_wait3A_351 = tpu.memref_slice %arg13[%dma_wait3A_349, %dma_wait3A_350] : memref<10240x128xf32, #tpu.memory_space<vmem_shared>> -> memref<10240x128xf32, #tpu.memory_space<vmem_shared>>
      tpu.wait_indirect_dma semaphore(%run_scoped3A_339 : memref<!tpu.dma_semaphore, #tpu.memory_space<semaphore_mem>>) src(%arg12 : memref<128x128xf32, #tpu.memory_space<vmem>>) dst(%dma_wait3A_351 : memref<10240x128xf32, #tpu.memory_space<vmem_shared>>)
      tpu.yield
    }) : () -> ()
    %dma_wait3A_216 = arith.constant 48 : i32
    %dma_wait3A_217 = arith.constant 0 : i32
    %dma_wait3A_218 = tpu.memref_slice %arg3[%add3A, %dma_wait3A_216, %dma_wait3A_217] : memref<32x80x128xi32, #tpu.memory_space<hbm>> -> memref<1x16x128xi32, #tpu.memory_space<hbm>>
    %dma_wait3A_219 = tpu.memref_squeeze %dma_wait3A_218 : memref<1x16x128xi32, #tpu.memory_space<hbm>> -> memref<16x128xi32, #tpu.memory_space<hbm>>
    %dma_wait3A_220 = arith.constant 48 : i32
    %dma_wait3A_221 = arith.constant 0 : i32
    %dma_wait3A_222 = tpu.memref_slice %arg3[%add3A, %dma_wait3A_220, %dma_wait3A_221] : memref<32x80x128xi32, #tpu.memory_space<hbm>> -> memref<1x16x128xi32, #tpu.memory_space<hbm>>
    %dma_wait3A_223 = tpu.memref_squeeze %dma_wait3A_222 : memref<1x16x128xi32, #tpu.memory_space<hbm>> -> memref<16x128xi32, #tpu.memory_space<hbm>>
    tpu.wait_dma2 semaphore(%arg15 : memref<!tpu.dma_semaphore, #tpu.memory_space<semaphore_mem>>) src(%dma_wait3A_223 : memref<16x128xi32, #tpu.memory_space<hbm>>) dst(%arg9 : memref<16x128xi32, #tpu.memory_space<vmem>>)
    %dma_wait3A_224 = arith.constant 48 : i32
    %dma_wait3A_225 = arith.constant 0 : i32
    %dma_wait3A_226 = tpu.memref_slice %arg4[%add3A, %dma_wait3A_224, %dma_wait3A_225] : memref<32x80x128xi32, #tpu.memory_space<hbm>> -> memref<1x16x128xi32, #tpu.memory_space<hbm>>
    %dma_wait3A_227 = tpu.memref_squeeze %dma_wait3A_226 : memref<1x16x128xi32, #tpu.memory_space<hbm>> -> memref<16x128xi32, #tpu.memory_space<hbm>>
    %dma_wait3A_228 = arith.constant 48 : i32
    %dma_wait3A_229 = arith.constant 0 : i32
    %dma_wait3A_230 = tpu.memref_slice %arg4[%add3A, %dma_wait3A_228, %dma_wait3A_229] : memref<32x80x128xi32, #tpu.memory_space<hbm>> -> memref<1x16x128xi32, #tpu.memory_space<hbm>>
    %dma_wait3A_231 = tpu.memref_squeeze %dma_wait3A_230 : memref<1x16x128xi32, #tpu.memory_space<hbm>> -> memref<16x128xi32, #tpu.memory_space<hbm>>
    tpu.wait_dma2 semaphore(%arg15 : memref<!tpu.dma_semaphore, #tpu.memory_space<semaphore_mem>>) src(%dma_wait3A_231 : memref<16x128xi32, #tpu.memory_space<hbm>>) dst(%arg10 : memref<16x128xi32, #tpu.memory_space<vmem>>)
    %dma_start3A_232 = arith.constant 64 : i32
    %dma_start3A_233 = arith.constant 0 : i32
    %dma_start3A_234 = tpu.memref_slice %arg3[%add3A, %dma_start3A_232, %dma_start3A_233] : memref<32x80x128xi32, #tpu.memory_space<hbm>> -> memref<1x16x128xi32, #tpu.memory_space<hbm>>
    %dma_start3A_235 = tpu.memref_squeeze %dma_start3A_234 : memref<1x16x128xi32, #tpu.memory_space<hbm>> -> memref<16x128xi32, #tpu.memory_space<hbm>>
    %dma_start3A_236 = arith.constant 64 : i32
    %dma_start3A_237 = arith.constant 0 : i32
    %dma_start3A_238 = tpu.memref_slice %arg3[%add3A, %dma_start3A_236, %dma_start3A_237] : memref<32x80x128xi32, #tpu.memory_space<hbm>> -> memref<1x16x128xi32, #tpu.memory_space<hbm>>
    %dma_start3A_239 = tpu.memref_squeeze %dma_start3A_238 : memref<1x16x128xi32, #tpu.memory_space<hbm>> -> memref<16x128xi32, #tpu.memory_space<hbm>>
    tpu.enqueue_dma source(%dma_start3A_239 : memref<16x128xi32, #tpu.memory_space<hbm>>) target(%arg7 : memref<16x128xi32, #tpu.memory_space<vmem>>) target_semaphore(%arg15 : memref<!tpu.dma_semaphore, #tpu.memory_space<semaphore_mem>>)
    %dma_start3A_240 = arith.constant 64 : i32
    %dma_start3A_241 = arith.constant 0 : i32
    %dma_start3A_242 = tpu.memref_slice %arg4[%add3A, %dma_start3A_240, %dma_start3A_241] : memref<32x80x128xi32, #tpu.memory_space<hbm>> -> memref<1x16x128xi32, #tpu.memory_space<hbm>>
    %dma_start3A_243 = tpu.memref_squeeze %dma_start3A_242 : memref<1x16x128xi32, #tpu.memory_space<hbm>> -> memref<16x128xi32, #tpu.memory_space<hbm>>
    %dma_start3A_244 = arith.constant 64 : i32
    %dma_start3A_245 = arith.constant 0 : i32
    %dma_start3A_246 = tpu.memref_slice %arg4[%add3A, %dma_start3A_244, %dma_start3A_245] : memref<32x80x128xi32, #tpu.memory_space<hbm>> -> memref<1x16x128xi32, #tpu.memory_space<hbm>>
    %dma_start3A_247 = tpu.memref_squeeze %dma_start3A_246 : memref<1x16x128xi32, #tpu.memory_space<hbm>> -> memref<16x128xi32, #tpu.memory_space<hbm>>
    tpu.enqueue_dma source(%dma_start3A_247 : memref<16x128xi32, #tpu.memory_space<hbm>>) target(%arg8 : memref<16x128xi32, #tpu.memory_space<vmem>>) target_semaphore(%arg15 : memref<!tpu.dma_semaphore, #tpu.memory_space<semaphore_mem>>)
    %dma_start3A_248 = arith.constant 0 : i32
    %dma_start3A_249 = arith.constant 0 : i32
    %dma_start3A_250 = tpu.memref_slice %arg9[%dma_start3A_248, %dma_start3A_249] : memref<16x128xi32, #tpu.memory_space<vmem>> -> memref<1x128xi32, #tpu.memory_space<vmem>>
    %dma_start3A_251 = tpu.memref_squeeze %dma_start3A_250 : memref<1x128xi32, #tpu.memory_space<vmem>> -> memref<128xi32, #tpu.memory_space<vmem>>
    %dma_start3A_252 = arith.constant 0 : i32
    %dma_start3A_253 = arith.constant 0 : i32
    %dma_start3A_254 = tpu.memref_slice %arg2[%dma_start3A_252, %dma_start3A_253] : memref<10240x128xf32, #tpu.memory_space<hbm>> -> memref<10240x128xf32, #tpu.memory_space<hbm>>
    tpu.enqueue_indirect_dma source(%dma_start3A_254 : memref<10240x128xf32, #tpu.memory_space<hbm>>) target(%arg11 : memref<128x128xf32, #tpu.memory_space<vmem>>) offsets(%dma_start3A_251 : memref<128xi32, #tpu.memory_space<vmem>>) semaphore(%arg14 : memref<!tpu.dma_semaphore, #tpu.memory_space<semaphore_mem>>)
    %scan3A_255 = arith.constant 0 : i32
    %scan3A_256 = arith.constant 7 : i32
    %scan3A_257 = arith.addi %scan3A_255, %scan3A_256 : i32
    %scan3A_258 = arith.constant 1 : i32
    scf.for %scan3A_339 = %scan3A_255 to %scan3A_257 step %scan3A_258  : i32 {
      %mul3A_340 = arith.constant 1 : i32
      %mul3A_341 = arith.muli %scan3A_339, %mul3A_340 : i32
      %add3A_342 = arith.constant 0 : i32
      %add3A_343 = arith.addi %add3A_342, %mul3A_341 : i32
      %mul3A_344 = arith.constant 2 : i32
      %mul3A_345 = arith.muli %mul3A_344, %add3A_343 : i32
      %dma_wait3A_346 = arith.constant 0 : i32
      %dma_wait3A_347 = tpu.memref_slice %arg9[%mul3A_345, %dma_wait3A_346] : memref<16x128xi32, #tpu.memory_space<vmem>> -> memref<1x128xi32, #tpu.memory_space<vmem>>
      %dma_wait3A_348 = tpu.memref_squeeze %dma_wait3A_347 : memref<1x128xi32, #tpu.memory_space<vmem>> -> memref<128xi32, #tpu.memory_space<vmem>>
      %dma_wait3A_349 = arith.constant 0 : i32
      %dma_wait3A_350 = arith.constant 0 : i32
      %dma_wait3A_351 = tpu.memref_slice %arg2[%dma_wait3A_349, %dma_wait3A_350] : memref<10240x128xf32, #tpu.memory_space<hbm>> -> memref<10240x128xf32, #tpu.memory_space<hbm>>
      tpu.wait_indirect_dma semaphore(%arg14 : memref<!tpu.dma_semaphore, #tpu.memory_space<semaphore_mem>>) src(%dma_wait3A_351 : memref<10240x128xf32, #tpu.memory_space<hbm>>) dst(%arg11 : memref<128x128xf32, #tpu.memory_space<vmem>>)
      %add3A_352 = arith.constant 1 : i32
      %add3A_353 = arith.addi %mul3A_345, %add3A_352 : i32
      %dma_start3A_354 = arith.constant 0 : i32
      %dma_start3A_355 = tpu.memref_slice %arg9[%add3A_353, %dma_start3A_354] : memref<16x128xi32, #tpu.memory_space<vmem>> -> memref<1x128xi32, #tpu.memory_space<vmem>>
      %dma_start3A_356 = tpu.memref_squeeze %dma_start3A_355 : memref<1x128xi32, #tpu.memory_space<vmem>> -> memref<128xi32, #tpu.memory_space<vmem>>
      %dma_start3A_357 = arith.constant 0 : i32
      %dma_start3A_358 = arith.constant 0 : i32
      %dma_start3A_359 = tpu.memref_slice %arg2[%dma_start3A_357, %dma_start3A_358] : memref<10240x128xf32, #tpu.memory_space<hbm>> -> memref<10240x128xf32, #tpu.memory_space<hbm>>
      tpu.enqueue_indirect_dma source(%dma_start3A_359 : memref<10240x128xf32, #tpu.memory_space<hbm>>) target(%arg12 : memref<128x128xf32, #tpu.memory_space<vmem>>) offsets(%dma_start3A_356 : memref<128xi32, #tpu.memory_space<vmem>>) semaphore(%arg14 : memref<!tpu.dma_semaphore, #tpu.memory_space<semaphore_mem>>)
      "tpu.region"() ({
        %run_scoped3A_378 = tpu.sem_alloc : memref<!tpu.dma_semaphore, #tpu.memory_space<semaphore_mem>>
        %dma_start3A_379 = arith.constant 0 : i32
        %dma_start3A_380 = tpu.memref_slice %arg10[%mul3A_345, %dma_start3A_379] : memref<16x128xi32, #tpu.memory_space<vmem>> -> memref<1x128xi32, #tpu.memory_space<vmem>>
        %dma_start3A_381 = tpu.memref_squeeze %dma_start3A_380 : memref<1x128xi32, #tpu.memory_space<vmem>> -> memref<128xi32, #tpu.memory_space<vmem>>
        %dma_start3A_382 = arith.constant 0 : i32
        %dma_start3A_383 = arith.constant 0 : i32
        %dma_start3A_384 = tpu.memref_slice %arg13[%dma_start3A_382, %dma_start3A_383] : memref<10240x128xf32, #tpu.memory_space<vmem_shared>> -> memref<10240x128xf32, #tpu.memory_space<vmem_shared>>
        tpu.enqueue_indirect_dma source(%arg11 : memref<128x128xf32, #tpu.memory_space<vmem>>) target(%dma_start3A_384 : memref<10240x128xf32, #tpu.memory_space<vmem_shared>>) offsets(%dma_start3A_381 : memref<128xi32, #tpu.memory_space<vmem>>) semaphore(%run_scoped3A_378 : memref<!tpu.dma_semaphore, #tpu.memory_space<semaphore_mem>>) {add = true}
        %dma_wait3A_385 = arith.constant 0 : i32
        %dma_wait3A_386 = tpu.memref_slice %arg10[%mul3A_345, %dma_wait3A_385] : memref<16x128xi32, #tpu.memory_space<vmem>> -> memref<1x128xi32, #tpu.memory_space<vmem>>
        %dma_wait3A_387 = tpu.memref_squeeze %dma_wait3A_386 : memref<1x128xi32, #tpu.memory_space<vmem>> -> memref<128xi32, #tpu.memory_space<vmem>>
        %dma_wait3A_388 = arith.constant 0 : i32
        %dma_wait3A_389 = arith.constant 0 : i32
        %dma_wait3A_390 = tpu.memref_slice %arg13[%dma_wait3A_388, %dma_wait3A_389] : memref<10240x128xf32, #tpu.memory_space<vmem_shared>> -> memref<10240x128xf32, #tpu.memory_space<vmem_shared>>
        tpu.wait_indirect_dma semaphore(%run_scoped3A_378 : memref<!tpu.dma_semaphore, #tpu.memory_space<semaphore_mem>>) src(%arg11 : memref<128x128xf32, #tpu.memory_space<vmem>>) dst(%dma_wait3A_390 : memref<10240x128xf32, #tpu.memory_space<vmem_shared>>)
        tpu.yield
      }) : () -> ()
      %add3A_360 = arith.constant 1 : i32
      %add3A_361 = arith.addi %mul3A_345, %add3A_360 : i32
      %dma_wait3A_362 = arith.constant 0 : i32
      %dma_wait3A_363 = tpu.memref_slice %arg9[%add3A_361, %dma_wait3A_362] : memref<16x128xi32, #tpu.memory_space<vmem>> -> memref<1x128xi32, #tpu.memory_space<vmem>>
      %dma_wait3A_364 = tpu.memref_squeeze %dma_wait3A_363 : memref<1x128xi32, #tpu.memory_space<vmem>> -> memref<128xi32, #tpu.memory_space<vmem>>
      %dma_wait3A_365 = arith.constant 0 : i32
      %dma_wait3A_366 = arith.constant 0 : i32
      %dma_wait3A_367 = tpu.memref_slice %arg2[%dma_wait3A_365, %dma_wait3A_366] : memref<10240x128xf32, #tpu.memory_space<hbm>> -> memref<10240x128xf32, #tpu.memory_space<hbm>>
      tpu.wait_indirect_dma semaphore(%arg14 : memref<!tpu.dma_semaphore, #tpu.memory_space<semaphore_mem>>) src(%dma_wait3A_367 : memref<10240x128xf32, #tpu.memory_space<hbm>>) dst(%arg12 : memref<128x128xf32, #tpu.memory_space<vmem>>)
      %add3A_368 = arith.constant 2 : i32
      %add3A_369 = arith.addi %mul3A_345, %add3A_368 : i32
      %dma_start3A_370 = arith.constant 0 : i32
      %dma_start3A_371 = tpu.memref_slice %arg9[%add3A_369, %dma_start3A_370] : memref<16x128xi32, #tpu.memory_space<vmem>> -> memref<1x128xi32, #tpu.memory_space<vmem>>
      %dma_start3A_372 = tpu.memref_squeeze %dma_start3A_371 : memref<1x128xi32, #tpu.memory_space<vmem>> -> memref<128xi32, #tpu.memory_space<vmem>>
      %dma_start3A_373 = arith.constant 0 : i32
      %dma_start3A_374 = arith.constant 0 : i32
      %dma_start3A_375 = tpu.memref_slice %arg2[%dma_start3A_373, %dma_start3A_374] : memref<10240x128xf32, #tpu.memory_space<hbm>> -> memref<10240x128xf32, #tpu.memory_space<hbm>>
      tpu.enqueue_indirect_dma source(%dma_start3A_375 : memref<10240x128xf32, #tpu.memory_space<hbm>>) target(%arg11 : memref<128x128xf32, #tpu.memory_space<vmem>>) offsets(%dma_start3A_372 : memref<128xi32, #tpu.memory_space<vmem>>) semaphore(%arg14 : memref<!tpu.dma_semaphore, #tpu.memory_space<semaphore_mem>>)
      %add3A_376 = arith.constant 1 : i32
      %add3A_377 = arith.addi %mul3A_345, %add3A_376 : i32
      "tpu.region"() ({
        %run_scoped3A_378 = tpu.sem_alloc : memref<!tpu.dma_semaphore, #tpu.memory_space<semaphore_mem>>
        %dma_start3A_379 = arith.constant 0 : i32
        %dma_start3A_380 = tpu.memref_slice %arg10[%add3A_377, %dma_start3A_379] : memref<16x128xi32, #tpu.memory_space<vmem>> -> memref<1x128xi32, #tpu.memory_space<vmem>>
        %dma_start3A_381 = tpu.memref_squeeze %dma_start3A_380 : memref<1x128xi32, #tpu.memory_space<vmem>> -> memref<128xi32, #tpu.memory_space<vmem>>
        %dma_start3A_382 = arith.constant 0 : i32
        %dma_start3A_383 = arith.constant 0 : i32
        %dma_start3A_384 = tpu.memref_slice %arg13[%dma_start3A_382, %dma_start3A_383] : memref<10240x128xf32, #tpu.memory_space<vmem_shared>> -> memref<10240x128xf32, #tpu.memory_space<vmem_shared>>
        tpu.enqueue_indirect_dma source(%arg12 : memref<128x128xf32, #tpu.memory_space<vmem>>) target(%dma_start3A_384 : memref<10240x128xf32, #tpu.memory_space<vmem_shared>>) offsets(%dma_start3A_381 : memref<128xi32, #tpu.memory_space<vmem>>) semaphore(%run_scoped3A_378 : memref<!tpu.dma_semaphore, #tpu.memory_space<semaphore_mem>>) {add = true}
        %dma_wait3A_385 = arith.constant 0 : i32
        %dma_wait3A_386 = tpu.memref_slice %arg10[%add3A_377, %dma_wait3A_385] : memref<16x128xi32, #tpu.memory_space<vmem>> -> memref<1x128xi32, #tpu.memory_space<vmem>>
        %dma_wait3A_387 = tpu.memref_squeeze %dma_wait3A_386 : memref<1x128xi32, #tpu.memory_space<vmem>> -> memref<128xi32, #tpu.memory_space<vmem>>
        %dma_wait3A_388 = arith.constant 0 : i32
        %dma_wait3A_389 = arith.constant 0 : i32
        %dma_wait3A_390 = tpu.memref_slice %arg13[%dma_wait3A_388, %dma_wait3A_389] : memref<10240x128xf32, #tpu.memory_space<vmem_shared>> -> memref<10240x128xf32, #tpu.memory_space<vmem_shared>>
        tpu.wait_indirect_dma semaphore(%run_scoped3A_378 : memref<!tpu.dma_semaphore, #tpu.memory_space<semaphore_mem>>) src(%arg12 : memref<128x128xf32, #tpu.memory_space<vmem>>) dst(%dma_wait3A_390 : memref<10240x128xf32, #tpu.memory_space<vmem_shared>>)
        tpu.yield
      }) : () -> ()
    }
    %scan3A_259 = arith.constant 7 : i32
    %dma_wait3A_260 = arith.constant 14 : i32
    %dma_wait3A_261 = arith.constant 0 : i32
    %dma_wait3A_262 = tpu.memref_slice %arg9[%dma_wait3A_260, %dma_wait3A_261] : memref<16x128xi32, #tpu.memory_space<vmem>> -> memref<1x128xi32, #tpu.memory_space<vmem>>
    %dma_wait3A_263 = tpu.memref_squeeze %dma_wait3A_262 : memref<1x128xi32, #tpu.memory_space<vmem>> -> memref<128xi32, #tpu.memory_space<vmem>>
    %dma_wait3A_264 = arith.constant 0 : i32
    %dma_wait3A_265 = arith.constant 0 : i32
    %dma_wait3A_266 = tpu.memref_slice %arg2[%dma_wait3A_264, %dma_wait3A_265] : memref<10240x128xf32, #tpu.memory_space<hbm>> -> memref<10240x128xf32, #tpu.memory_space<hbm>>
    tpu.wait_indirect_dma semaphore(%arg14 : memref<!tpu.dma_semaphore, #tpu.memory_space<semaphore_mem>>) src(%dma_wait3A_266 : memref<10240x128xf32, #tpu.memory_space<hbm>>) dst(%arg11 : memref<128x128xf32, #tpu.memory_space<vmem>>)
    %dma_start3A_267 = arith.constant 15 : i32
    %dma_start3A_268 = arith.constant 0 : i32
    %dma_start3A_269 = tpu.memref_slice %arg9[%dma_start3A_267, %dma_start3A_268] : memref<16x128xi32, #tpu.memory_space<vmem>> -> memref<1x128xi32, #tpu.memory_space<vmem>>
    %dma_start3A_270 = tpu.memref_squeeze %dma_start3A_269 : memref<1x128xi32, #tpu.memory_space<vmem>> -> memref<128xi32, #tpu.memory_space<vmem>>
    %dma_start3A_271 = arith.constant 0 : i32
    %dma_start3A_272 = arith.constant 0 : i32
    %dma_start3A_273 = tpu.memref_slice %arg2[%dma_start3A_271, %dma_start3A_272] : memref<10240x128xf32, #tpu.memory_space<hbm>> -> memref<10240x128xf32, #tpu.memory_space<hbm>>
    tpu.enqueue_indirect_dma source(%dma_start3A_273 : memref<10240x128xf32, #tpu.memory_space<hbm>>) target(%arg12 : memref<128x128xf32, #tpu.memory_space<vmem>>) offsets(%dma_start3A_270 : memref<128xi32, #tpu.memory_space<vmem>>) semaphore(%arg14 : memref<!tpu.dma_semaphore, #tpu.memory_space<semaphore_mem>>)
    %run_scoped3A_274 = arith.constant 14 : i32
    "tpu.region"() ({
      %run_scoped3A_339 = tpu.sem_alloc : memref<!tpu.dma_semaphore, #tpu.memory_space<semaphore_mem>>
      %dma_start3A_340 = arith.constant 0 : i32
      %dma_start3A_341 = tpu.memref_slice %arg10[%run_scoped3A_274, %dma_start3A_340] : memref<16x128xi32, #tpu.memory_space<vmem>> -> memref<1x128xi32, #tpu.memory_space<vmem>>
      %dma_start3A_342 = tpu.memref_squeeze %dma_start3A_341 : memref<1x128xi32, #tpu.memory_space<vmem>> -> memref<128xi32, #tpu.memory_space<vmem>>
      %dma_start3A_343 = arith.constant 0 : i32
      %dma_start3A_344 = arith.constant 0 : i32
      %dma_start3A_345 = tpu.memref_slice %arg13[%dma_start3A_343, %dma_start3A_344] : memref<10240x128xf32, #tpu.memory_space<vmem_shared>> -> memref<10240x128xf32, #tpu.memory_space<vmem_shared>>
      tpu.enqueue_indirect_dma source(%arg11 : memref<128x128xf32, #tpu.memory_space<vmem>>) target(%dma_start3A_345 : memref<10240x128xf32, #tpu.memory_space<vmem_shared>>) offsets(%dma_start3A_342 : memref<128xi32, #tpu.memory_space<vmem>>) semaphore(%run_scoped3A_339 : memref<!tpu.dma_semaphore, #tpu.memory_space<semaphore_mem>>) {add = true}
      %dma_wait3A_346 = arith.constant 0 : i32
      %dma_wait3A_347 = tpu.memref_slice %arg10[%run_scoped3A_274, %dma_wait3A_346] : memref<16x128xi32, #tpu.memory_space<vmem>> -> memref<1x128xi32, #tpu.memory_space<vmem>>
      %dma_wait3A_348 = tpu.memref_squeeze %dma_wait3A_347 : memref<1x128xi32, #tpu.memory_space<vmem>> -> memref<128xi32, #tpu.memory_space<vmem>>
      %dma_wait3A_349 = arith.constant 0 : i32
      %dma_wait3A_350 = arith.constant 0 : i32
      %dma_wait3A_351 = tpu.memref_slice %arg13[%dma_wait3A_349, %dma_wait3A_350] : memref<10240x128xf32, #tpu.memory_space<vmem_shared>> -> memref<10240x128xf32, #tpu.memory_space<vmem_shared>>
      tpu.wait_indirect_dma semaphore(%run_scoped3A_339 : memref<!tpu.dma_semaphore, #tpu.memory_space<semaphore_mem>>) src(%arg11 : memref<128x128xf32, #tpu.memory_space<vmem>>) dst(%dma_wait3A_351 : memref<10240x128xf32, #tpu.memory_space<vmem_shared>>)
      tpu.yield
    }) : () -> ()
    %dma_wait3A_275 = arith.constant 15 : i32
    %dma_wait3A_276 = arith.constant 0 : i32
    %dma_wait3A_277 = tpu.memref_slice %arg9[%dma_wait3A_275, %dma_wait3A_276] : memref<16x128xi32, #tpu.memory_space<vmem>> -> memref<1x128xi32, #tpu.memory_space<vmem>>
    %dma_wait3A_278 = tpu.memref_squeeze %dma_wait3A_277 : memref<1x128xi32, #tpu.memory_space<vmem>> -> memref<128xi32, #tpu.memory_space<vmem>>
    %dma_wait3A_279 = arith.constant 0 : i32
    %dma_wait3A_280 = arith.constant 0 : i32
    %dma_wait3A_281 = tpu.memref_slice %arg2[%dma_wait3A_279, %dma_wait3A_280] : memref<10240x128xf32, #tpu.memory_space<hbm>> -> memref<10240x128xf32, #tpu.memory_space<hbm>>
    tpu.wait_indirect_dma semaphore(%arg14 : memref<!tpu.dma_semaphore, #tpu.memory_space<semaphore_mem>>) src(%dma_wait3A_281 : memref<10240x128xf32, #tpu.memory_space<hbm>>) dst(%arg12 : memref<128x128xf32, #tpu.memory_space<vmem>>)
    %run_scoped3A_282 = arith.constant 15 : i32
    "tpu.region"() ({
      %run_scoped3A_339 = tpu.sem_alloc : memref<!tpu.dma_semaphore, #tpu.memory_space<semaphore_mem>>
      %dma_start3A_340 = arith.constant 0 : i32
      %dma_start3A_341 = tpu.memref_slice %arg10[%run_scoped3A_282, %dma_start3A_340] : memref<16x128xi32, #tpu.memory_space<vmem>> -> memref<1x128xi32, #tpu.memory_space<vmem>>
      %dma_start3A_342 = tpu.memref_squeeze %dma_start3A_341 : memref<1x128xi32, #tpu.memory_space<vmem>> -> memref<128xi32, #tpu.memory_space<vmem>>
      %dma_start3A_343 = arith.constant 0 : i32
      %dma_start3A_344 = arith.constant 0 : i32
      %dma_start3A_345 = tpu.memref_slice %arg13[%dma_start3A_343, %dma_start3A_344] : memref<10240x128xf32, #tpu.memory_space<vmem_shared>> -> memref<10240x128xf32, #tpu.memory_space<vmem_shared>>
      tpu.enqueue_indirect_dma source(%arg12 : memref<128x128xf32, #tpu.memory_space<vmem>>) target(%dma_start3A_345 : memref<10240x128xf32, #tpu.memory_space<vmem_shared>>) offsets(%dma_start3A_342 : memref<128xi32, #tpu.memory_space<vmem>>) semaphore(%run_scoped3A_339 : memref<!tpu.dma_semaphore, #tpu.memory_space<semaphore_mem>>) {add = true}
      %dma_wait3A_346 = arith.constant 0 : i32
      %dma_wait3A_347 = tpu.memref_slice %arg10[%run_scoped3A_282, %dma_wait3A_346] : memref<16x128xi32, #tpu.memory_space<vmem>> -> memref<1x128xi32, #tpu.memory_space<vmem>>
      %dma_wait3A_348 = tpu.memref_squeeze %dma_wait3A_347 : memref<1x128xi32, #tpu.memory_space<vmem>> -> memref<128xi32, #tpu.memory_space<vmem>>
      %dma_wait3A_349 = arith.constant 0 : i32
      %dma_wait3A_350 = arith.constant 0 : i32
      %dma_wait3A_351 = tpu.memref_slice %arg13[%dma_wait3A_349, %dma_wait3A_350] : memref<10240x128xf32, #tpu.memory_space<vmem_shared>> -> memref<10240x128xf32, #tpu.memory_space<vmem_shared>>
      tpu.wait_indirect_dma semaphore(%run_scoped3A_339 : memref<!tpu.dma_semaphore, #tpu.memory_space<semaphore_mem>>) src(%arg12 : memref<128x128xf32, #tpu.memory_space<vmem>>) dst(%dma_wait3A_351 : memref<10240x128xf32, #tpu.memory_space<vmem_shared>>)
      tpu.yield
    }) : () -> ()
    %dma_wait3A_283 = arith.constant 64 : i32
    %dma_wait3A_284 = arith.constant 0 : i32
    %dma_wait3A_285 = tpu.memref_slice %arg3[%add3A, %dma_wait3A_283, %dma_wait3A_284] : memref<32x80x128xi32, #tpu.memory_space<hbm>> -> memref<1x16x128xi32, #tpu.memory_space<hbm>>
    %dma_wait3A_286 = tpu.memref_squeeze %dma_wait3A_285 : memref<1x16x128xi32, #tpu.memory_space<hbm>> -> memref<16x128xi32, #tpu.memory_space<hbm>>
    %dma_wait3A_287 = arith.constant 64 : i32
    %dma_wait3A_288 = arith.constant 0 : i32
    %dma_wait3A_289 = tpu.memref_slice %arg3[%add3A, %dma_wait3A_287, %dma_wait3A_288] : memref<32x80x128xi32, #tpu.memory_space<hbm>> -> memref<1x16x128xi32, #tpu.memory_space<hbm>>
    %dma_wait3A_290 = tpu.memref_squeeze %dma_wait3A_289 : memref<1x16x128xi32, #tpu.memory_space<hbm>> -> memref<16x128xi32, #tpu.memory_space<hbm>>
    tpu.wait_dma2 semaphore(%arg15 : memref<!tpu.dma_semaphore, #tpu.memory_space<semaphore_mem>>) src(%dma_wait3A_290 : memref<16x128xi32, #tpu.memory_space<hbm>>) dst(%arg7 : memref<16x128xi32, #tpu.memory_space<vmem>>)
    %dma_wait3A_291 = arith.constant 64 : i32
    %dma_wait3A_292 = arith.constant 0 : i32
    %dma_wait3A_293 = tpu.memref_slice %arg4[%add3A, %dma_wait3A_291, %dma_wait3A_292] : memref<32x80x128xi32, #tpu.memory_space<hbm>> -> memref<1x16x128xi32, #tpu.memory_space<hbm>>
    %dma_wait3A_294 = tpu.memref_squeeze %dma_wait3A_293 : memref<1x16x128xi32, #tpu.memory_space<hbm>> -> memref<16x128xi32, #tpu.memory_space<hbm>>
    %dma_wait3A_295 = arith.constant 64 : i32
    %dma_wait3A_296 = arith.constant 0 : i32
    %dma_wait3A_297 = tpu.memref_slice %arg4[%add3A, %dma_wait3A_295, %dma_wait3A_296] : memref<32x80x128xi32, #tpu.memory_space<hbm>> -> memref<1x16x128xi32, #tpu.memory_space<hbm>>
    %dma_wait3A_298 = tpu.memref_squeeze %dma_wait3A_297 : memref<1x16x128xi32, #tpu.memory_space<hbm>> -> memref<16x128xi32, #tpu.memory_space<hbm>>
    tpu.wait_dma2 semaphore(%arg15 : memref<!tpu.dma_semaphore, #tpu.memory_space<semaphore_mem>>) src(%dma_wait3A_298 : memref<16x128xi32, #tpu.memory_space<hbm>>) dst(%arg8 : memref<16x128xi32, #tpu.memory_space<vmem>>)
    %dma_start3A_299 = arith.constant 0 : i32
    %dma_start3A_300 = arith.constant 0 : i32
    %dma_start3A_301 = tpu.memref_slice %arg7[%dma_start3A_299, %dma_start3A_300] : memref<16x128xi32, #tpu.memory_space<vmem>> -> memref<1x128xi32, #tpu.memory_space<vmem>>
    %dma_start3A_302 = tpu.memref_squeeze %dma_start3A_301 : memref<1x128xi32, #tpu.memory_space<vmem>> -> memref<128xi32, #tpu.memory_space<vmem>>
    %dma_start3A_303 = arith.constant 0 : i32
    %dma_start3A_304 = arith.constant 0 : i32
    %dma_start3A_305 = tpu.memref_slice %arg2[%dma_start3A_303, %dma_start3A_304] : memref<10240x128xf32, #tpu.memory_space<hbm>> -> memref<10240x128xf32, #tpu.memory_space<hbm>>
    tpu.enqueue_indirect_dma source(%dma_start3A_305 : memref<10240x128xf32, #tpu.memory_space<hbm>>) target(%arg11 : memref<128x128xf32, #tpu.memory_space<vmem>>) offsets(%dma_start3A_302 : memref<128xi32, #tpu.memory_space<vmem>>) semaphore(%arg14 : memref<!tpu.dma_semaphore, #tpu.memory_space<semaphore_mem>>)
    %scan3A_306 = arith.constant 0 : i32
    %scan3A_307 = arith.constant 7 : i32
    %scan3A_308 = arith.addi %scan3A_306, %scan3A_307 : i32
    %scan3A_309 = arith.constant 1 : i32
    scf.for %scan3A_339 = %scan3A_306 to %scan3A_308 step %scan3A_309  : i32 {
      %mul3A_340 = arith.constant 1 : i32
      %mul3A_341 = arith.muli %scan3A_339, %mul3A_340 : i32
      %add3A_342 = arith.constant 0 : i32
      %add3A_343 = arith.addi %add3A_342, %mul3A_341 : i32
      %mul3A_344 = arith.constant 2 : i32
      %mul3A_345 = arith.muli %mul3A_344, %add3A_343 : i32
      %dma_wait3A_346 = arith.constant 0 : i32
      %dma_wait3A_347 = tpu.memref_slice %arg7[%mul3A_345, %dma_wait3A_346] : memref<16x128xi32, #tpu.memory_space<vmem>> -> memref<1x128xi32, #tpu.memory_space<vmem>>
      %dma_wait3A_348 = tpu.memref_squeeze %dma_wait3A_347 : memref<1x128xi32, #tpu.memory_space<vmem>> -> memref<128xi32, #tpu.memory_space<vmem>>
      %dma_wait3A_349 = arith.constant 0 : i32
      %dma_wait3A_350 = arith.constant 0 : i32
      %dma_wait3A_351 = tpu.memref_slice %arg2[%dma_wait3A_349, %dma_wait3A_350] : memref<10240x128xf32, #tpu.memory_space<hbm>> -> memref<10240x128xf32, #tpu.memory_space<hbm>>
      tpu.wait_indirect_dma semaphore(%arg14 : memref<!tpu.dma_semaphore, #tpu.memory_space<semaphore_mem>>) src(%dma_wait3A_351 : memref<10240x128xf32, #tpu.memory_space<hbm>>) dst(%arg11 : memref<128x128xf32, #tpu.memory_space<vmem>>)
      %add3A_352 = arith.constant 1 : i32
      %add3A_353 = arith.addi %mul3A_345, %add3A_352 : i32
      %dma_start3A_354 = arith.constant 0 : i32
      %dma_start3A_355 = tpu.memref_slice %arg7[%add3A_353, %dma_start3A_354] : memref<16x128xi32, #tpu.memory_space<vmem>> -> memref<1x128xi32, #tpu.memory_space<vmem>>
      %dma_start3A_356 = tpu.memref_squeeze %dma_start3A_355 : memref<1x128xi32, #tpu.memory_space<vmem>> -> memref<128xi32, #tpu.memory_space<vmem>>
      %dma_start3A_357 = arith.constant 0 : i32
      %dma_start3A_358 = arith.constant 0 : i32
      %dma_start3A_359 = tpu.memref_slice %arg2[%dma_start3A_357, %dma_start3A_358] : memref<10240x128xf32, #tpu.memory_space<hbm>> -> memref<10240x128xf32, #tpu.memory_space<hbm>>
      tpu.enqueue_indirect_dma source(%dma_start3A_359 : memref<10240x128xf32, #tpu.memory_space<hbm>>) target(%arg12 : memref<128x128xf32, #tpu.memory_space<vmem>>) offsets(%dma_start3A_356 : memref<128xi32, #tpu.memory_space<vmem>>) semaphore(%arg14 : memref<!tpu.dma_semaphore, #tpu.memory_space<semaphore_mem>>)
      "tpu.region"() ({
        %run_scoped3A_378 = tpu.sem_alloc : memref<!tpu.dma_semaphore, #tpu.memory_space<semaphore_mem>>
        %dma_start3A_379 = arith.constant 0 : i32
        %dma_start3A_380 = tpu.memref_slice %arg8[%mul3A_345, %dma_start3A_379] : memref<16x128xi32, #tpu.memory_space<vmem>> -> memref<1x128xi32, #tpu.memory_space<vmem>>
        %dma_start3A_381 = tpu.memref_squeeze %dma_start3A_380 : memref<1x128xi32, #tpu.memory_space<vmem>> -> memref<128xi32, #tpu.memory_space<vmem>>
        %dma_start3A_382 = arith.constant 0 : i32
        %dma_start3A_383 = arith.constant 0 : i32
        %dma_start3A_384 = tpu.memref_slice %arg13[%dma_start3A_382, %dma_start3A_383] : memref<10240x128xf32, #tpu.memory_space<vmem_shared>> -> memref<10240x128xf32, #tpu.memory_space<vmem_shared>>
        tpu.enqueue_indirect_dma source(%arg11 : memref<128x128xf32, #tpu.memory_space<vmem>>) target(%dma_start3A_384 : memref<10240x128xf32, #tpu.memory_space<vmem_shared>>) offsets(%dma_start3A_381 : memref<128xi32, #tpu.memory_space<vmem>>) semaphore(%run_scoped3A_378 : memref<!tpu.dma_semaphore, #tpu.memory_space<semaphore_mem>>) {add = true}
        %dma_wait3A_385 = arith.constant 0 : i32
        %dma_wait3A_386 = tpu.memref_slice %arg8[%mul3A_345, %dma_wait3A_385] : memref<16x128xi32, #tpu.memory_space<vmem>> -> memref<1x128xi32, #tpu.memory_space<vmem>>
        %dma_wait3A_387 = tpu.memref_squeeze %dma_wait3A_386 : memref<1x128xi32, #tpu.memory_space<vmem>> -> memref<128xi32, #tpu.memory_space<vmem>>
        %dma_wait3A_388 = arith.constant 0 : i32
        %dma_wait3A_389 = arith.constant 0 : i32
        %dma_wait3A_390 = tpu.memref_slice %arg13[%dma_wait3A_388, %dma_wait3A_389] : memref<10240x128xf32, #tpu.memory_space<vmem_shared>> -> memref<10240x128xf32, #tpu.memory_space<vmem_shared>>
        tpu.wait_indirect_dma semaphore(%run_scoped3A_378 : memref<!tpu.dma_semaphore, #tpu.memory_space<semaphore_mem>>) src(%arg11 : memref<128x128xf32, #tpu.memory_space<vmem>>) dst(%dma_wait3A_390 : memref<10240x128xf32, #tpu.memory_space<vmem_shared>>)
        tpu.yield
      }) : () -> ()
      %add3A_360 = arith.constant 1 : i32
      %add3A_361 = arith.addi %mul3A_345, %add3A_360 : i32
      %dma_wait3A_362 = arith.constant 0 : i32
      %dma_wait3A_363 = tpu.memref_slice %arg7[%add3A_361, %dma_wait3A_362] : memref<16x128xi32, #tpu.memory_space<vmem>> -> memref<1x128xi32, #tpu.memory_space<vmem>>
      %dma_wait3A_364 = tpu.memref_squeeze %dma_wait3A_363 : memref<1x128xi32, #tpu.memory_space<vmem>> -> memref<128xi32, #tpu.memory_space<vmem>>
      %dma_wait3A_365 = arith.constant 0 : i32
      %dma_wait3A_366 = arith.constant 0 : i32
      %dma_wait3A_367 = tpu.memref_slice %arg2[%dma_wait3A_365, %dma_wait3A_366] : memref<10240x128xf32, #tpu.memory_space<hbm>> -> memref<10240x128xf32, #tpu.memory_space<hbm>>
      tpu.wait_indirect_dma semaphore(%arg14 : memref<!tpu.dma_semaphore, #tpu.memory_space<semaphore_mem>>) src(%dma_wait3A_367 : memref<10240x128xf32, #tpu.memory_space<hbm>>) dst(%arg12 : memref<128x128xf32, #tpu.memory_space<vmem>>)
      %add3A_368 = arith.constant 2 : i32
      %add3A_369 = arith.addi %mul3A_345, %add3A_368 : i32
      %dma_start3A_370 = arith.constant 0 : i32
      %dma_start3A_371 = tpu.memref_slice %arg7[%add3A_369, %dma_start3A_370] : memref<16x128xi32, #tpu.memory_space<vmem>> -> memref<1x128xi32, #tpu.memory_space<vmem>>
      %dma_start3A_372 = tpu.memref_squeeze %dma_start3A_371 : memref<1x128xi32, #tpu.memory_space<vmem>> -> memref<128xi32, #tpu.memory_space<vmem>>
      %dma_start3A_373 = arith.constant 0 : i32
      %dma_start3A_374 = arith.constant 0 : i32
      %dma_start3A_375 = tpu.memref_slice %arg2[%dma_start3A_373, %dma_start3A_374] : memref<10240x128xf32, #tpu.memory_space<hbm>> -> memref<10240x128xf32, #tpu.memory_space<hbm>>
      tpu.enqueue_indirect_dma source(%dma_start3A_375 : memref<10240x128xf32, #tpu.memory_space<hbm>>) target(%arg11 : memref<128x128xf32, #tpu.memory_space<vmem>>) offsets(%dma_start3A_372 : memref<128xi32, #tpu.memory_space<vmem>>) semaphore(%arg14 : memref<!tpu.dma_semaphore, #tpu.memory_space<semaphore_mem>>)
      %add3A_376 = arith.constant 1 : i32
      %add3A_377 = arith.addi %mul3A_345, %add3A_376 : i32
      "tpu.region"() ({
        %run_scoped3A_378 = tpu.sem_alloc : memref<!tpu.dma_semaphore, #tpu.memory_space<semaphore_mem>>
        %dma_start3A_379 = arith.constant 0 : i32
        %dma_start3A_380 = tpu.memref_slice %arg8[%add3A_377, %dma_start3A_379] : memref<16x128xi32, #tpu.memory_space<vmem>> -> memref<1x128xi32, #tpu.memory_space<vmem>>
        %dma_start3A_381 = tpu.memref_squeeze %dma_start3A_380 : memref<1x128xi32, #tpu.memory_space<vmem>> -> memref<128xi32, #tpu.memory_space<vmem>>
        %dma_start3A_382 = arith.constant 0 : i32
        %dma_start3A_383 = arith.constant 0 : i32
        %dma_start3A_384 = tpu.memref_slice %arg13[%dma_start3A_382, %dma_start3A_383] : memref<10240x128xf32, #tpu.memory_space<vmem_shared>> -> memref<10240x128xf32, #tpu.memory_space<vmem_shared>>
        tpu.enqueue_indirect_dma source(%arg12 : memref<128x128xf32, #tpu.memory_space<vmem>>) target(%dma_start3A_384 : memref<10240x128xf32, #tpu.memory_space<vmem_shared>>) offsets(%dma_start3A_381 : memref<128xi32, #tpu.memory_space<vmem>>) semaphore(%run_scoped3A_378 : memref<!tpu.dma_semaphore, #tpu.memory_space<semaphore_mem>>) {add = true}
        %dma_wait3A_385 = arith.constant 0 : i32
        %dma_wait3A_386 = tpu.memref_slice %arg8[%add3A_377, %dma_wait3A_385] : memref<16x128xi32, #tpu.memory_space<vmem>> -> memref<1x128xi32, #tpu.memory_space<vmem>>
        %dma_wait3A_387 = tpu.memref_squeeze %dma_wait3A_386 : memref<1x128xi32, #tpu.memory_space<vmem>> -> memref<128xi32, #tpu.memory_space<vmem>>
        %dma_wait3A_388 = arith.constant 0 : i32
        %dma_wait3A_389 = arith.constant 0 : i32
        %dma_wait3A_390 = tpu.memref_slice %arg13[%dma_wait3A_388, %dma_wait3A_389] : memref<10240x128xf32, #tpu.memory_space<vmem_shared>> -> memref<10240x128xf32, #tpu.memory_space<vmem_shared>>
        tpu.wait_indirect_dma semaphore(%run_scoped3A_378 : memref<!tpu.dma_semaphore, #tpu.memory_space<semaphore_mem>>) src(%arg12 : memref<128x128xf32, #tpu.memory_space<vmem>>) dst(%dma_wait3A_390 : memref<10240x128xf32, #tpu.memory_space<vmem_shared>>)
        tpu.yield
      }) : () -> ()
    }
    %scan3A_310 = arith.constant 7 : i32
    %dma_wait3A_311 = arith.constant 14 : i32
    %dma_wait3A_312 = arith.constant 0 : i32
    %dma_wait3A_313 = tpu.memref_slice %arg7[%dma_wait3A_311, %dma_wait3A_312] : memref<16x128xi32, #tpu.memory_space<vmem>> -> memref<1x128xi32, #tpu.memory_space<vmem>>
    %dma_wait3A_314 = tpu.memref_squeeze %dma_wait3A_313 : memref<1x128xi32, #tpu.memory_space<vmem>> -> memref<128xi32, #tpu.memory_space<vmem>>
    %dma_wait3A_315 = arith.constant 0 : i32
    %dma_wait3A_316 = arith.constant 0 : i32
    %dma_wait3A_317 = tpu.memref_slice %arg2[%dma_wait3A_315, %dma_wait3A_316] : memref<10240x128xf32, #tpu.memory_space<hbm>> -> memref<10240x128xf32, #tpu.memory_space<hbm>>
    tpu.wait_indirect_dma semaphore(%arg14 : memref<!tpu.dma_semaphore, #tpu.memory_space<semaphore_mem>>) src(%dma_wait3A_317 : memref<10240x128xf32, #tpu.memory_space<hbm>>) dst(%arg11 : memref<128x128xf32, #tpu.memory_space<vmem>>)
    %dma_start3A_318 = arith.constant 15 : i32
    %dma_start3A_319 = arith.constant 0 : i32
    %dma_start3A_320 = tpu.memref_slice %arg7[%dma_start3A_318, %dma_start3A_319] : memref<16x128xi32, #tpu.memory_space<vmem>> -> memref<1x128xi32, #tpu.memory_space<vmem>>
    %dma_start3A_321 = tpu.memref_squeeze %dma_start3A_320 : memref<1x128xi32, #tpu.memory_space<vmem>> -> memref<128xi32, #tpu.memory_space<vmem>>
    %dma_start3A_322 = arith.constant 0 : i32
    %dma_start3A_323 = arith.constant 0 : i32
    %dma_start3A_324 = tpu.memref_slice %arg2[%dma_start3A_322, %dma_start3A_323] : memref<10240x128xf32, #tpu.memory_space<hbm>> -> memref<10240x128xf32, #tpu.memory_space<hbm>>
    tpu.enqueue_indirect_dma source(%dma_start3A_324 : memref<10240x128xf32, #tpu.memory_space<hbm>>) target(%arg12 : memref<128x128xf32, #tpu.memory_space<vmem>>) offsets(%dma_start3A_321 : memref<128xi32, #tpu.memory_space<vmem>>) semaphore(%arg14 : memref<!tpu.dma_semaphore, #tpu.memory_space<semaphore_mem>>)
    %run_scoped3A_325 = arith.constant 14 : i32
    "tpu.region"() ({
      %run_scoped3A_339 = tpu.sem_alloc : memref<!tpu.dma_semaphore, #tpu.memory_space<semaphore_mem>>
      %dma_start3A_340 = arith.constant 0 : i32
      %dma_start3A_341 = tpu.memref_slice %arg8[%run_scoped3A_325, %dma_start3A_340] : memref<16x128xi32, #tpu.memory_space<vmem>> -> memref<1x128xi32, #tpu.memory_space<vmem>>
      %dma_start3A_342 = tpu.memref_squeeze %dma_start3A_341 : memref<1x128xi32, #tpu.memory_space<vmem>> -> memref<128xi32, #tpu.memory_space<vmem>>
      %dma_start3A_343 = arith.constant 0 : i32
      %dma_start3A_344 = arith.constant 0 : i32
      %dma_start3A_345 = tpu.memref_slice %arg13[%dma_start3A_343, %dma_start3A_344] : memref<10240x128xf32, #tpu.memory_space<vmem_shared>> -> memref<10240x128xf32, #tpu.memory_space<vmem_shared>>
      tpu.enqueue_indirect_dma source(%arg11 : memref<128x128xf32, #tpu.memory_space<vmem>>) target(%dma_start3A_345 : memref<10240x128xf32, #tpu.memory_space<vmem_shared>>) offsets(%dma_start3A_342 : memref<128xi32, #tpu.memory_space<vmem>>) semaphore(%run_scoped3A_339 : memref<!tpu.dma_semaphore, #tpu.memory_space<semaphore_mem>>) {add = true}
      %dma_wait3A_346 = arith.constant 0 : i32
      %dma_wait3A_347 = tpu.memref_slice %arg8[%run_scoped3A_325, %dma_wait3A_346] : memref<16x128xi32, #tpu.memory_space<vmem>> -> memref<1x128xi32, #tpu.memory_space<vmem>>
      %dma_wait3A_348 = tpu.memref_squeeze %dma_wait3A_347 : memref<1x128xi32, #tpu.memory_space<vmem>> -> memref<128xi32, #tpu.memory_space<vmem>>
      %dma_wait3A_349 = arith.constant 0 : i32
      %dma_wait3A_350 = arith.constant 0 : i32
      %dma_wait3A_351 = tpu.memref_slice %arg13[%dma_wait3A_349, %dma_wait3A_350] : memref<10240x128xf32, #tpu.memory_space<vmem_shared>> -> memref<10240x128xf32, #tpu.memory_space<vmem_shared>>
      tpu.wait_indirect_dma semaphore(%run_scoped3A_339 : memref<!tpu.dma_semaphore, #tpu.memory_space<semaphore_mem>>) src(%arg11 : memref<128x128xf32, #tpu.memory_space<vmem>>) dst(%dma_wait3A_351 : memref<10240x128xf32, #tpu.memory_space<vmem_shared>>)
      tpu.yield
    }) : () -> ()
    %dma_wait3A_326 = arith.constant 15 : i32
    %dma_wait3A_327 = arith.constant 0 : i32
    %dma_wait3A_328 = tpu.memref_slice %arg7[%dma_wait3A_326, %dma_wait3A_327] : memref<16x128xi32, #tpu.memory_space<vmem>> -> memref<1x128xi32, #tpu.memory_space<vmem>>
    %dma_wait3A_329 = tpu.memref_squeeze %dma_wait3A_328 : memref<1x128xi32, #tpu.memory_space<vmem>> -> memref<128xi32, #tpu.memory_space<vmem>>
    %dma_wait3A_330 = arith.constant 0 : i32
    %dma_wait3A_331 = arith.constant 0 : i32
    %dma_wait3A_332 = tpu.memref_slice %arg2[%dma_wait3A_330, %dma_wait3A_331] : memref<10240x128xf32, #tpu.memory_space<hbm>> -> memref<10240x128xf32, #tpu.memory_space<hbm>>
    tpu.wait_indirect_dma semaphore(%arg14 : memref<!tpu.dma_semaphore, #tpu.memory_space<semaphore_mem>>) src(%dma_wait3A_332 : memref<10240x128xf32, #tpu.memory_space<hbm>>) dst(%arg12 : memref<128x128xf32, #tpu.memory_space<vmem>>)
    %run_scoped3A_333 = arith.constant 15 : i32
    "tpu.region"() ({
      %run_scoped3A_339 = tpu.sem_alloc : memref<!tpu.dma_semaphore, #tpu.memory_space<semaphore_mem>>
      %dma_start3A_340 = arith.constant 0 : i32
      %dma_start3A_341 = tpu.memref_slice %arg8[%run_scoped3A_333, %dma_start3A_340] : memref<16x128xi32, #tpu.memory_space<vmem>> -> memref<1x128xi32, #tpu.memory_space<vmem>>
      %dma_start3A_342 = tpu.memref_squeeze %dma_start3A_341 : memref<1x128xi32, #tpu.memory_space<vmem>> -> memref<128xi32, #tpu.memory_space<vmem>>
      %dma_start3A_343 = arith.constant 0 : i32
      %dma_start3A_344 = arith.constant 0 : i32
      %dma_start3A_345 = tpu.memref_slice %arg13[%dma_start3A_343, %dma_start3A_344] : memref<10240x128xf32, #tpu.memory_space<vmem_shared>> -> memref<10240x128xf32, #tpu.memory_space<vmem_shared>>
      tpu.enqueue_indirect_dma source(%arg12 : memref<128x128xf32, #tpu.memory_space<vmem>>) target(%dma_start3A_345 : memref<10240x128xf32, #tpu.memory_space<vmem_shared>>) offsets(%dma_start3A_342 : memref<128xi32, #tpu.memory_space<vmem>>) semaphore(%run_scoped3A_339 : memref<!tpu.dma_semaphore, #tpu.memory_space<semaphore_mem>>) {add = true}
      %dma_wait3A_346 = arith.constant 0 : i32
      %dma_wait3A_347 = tpu.memref_slice %arg8[%run_scoped3A_333, %dma_wait3A_346] : memref<16x128xi32, #tpu.memory_space<vmem>> -> memref<1x128xi32, #tpu.memory_space<vmem>>
      %dma_wait3A_348 = tpu.memref_squeeze %dma_wait3A_347 : memref<1x128xi32, #tpu.memory_space<vmem>> -> memref<128xi32, #tpu.memory_space<vmem>>
      %dma_wait3A_349 = arith.constant 0 : i32
      %dma_wait3A_350 = arith.constant 0 : i32
      %dma_wait3A_351 = tpu.memref_slice %arg13[%dma_wait3A_349, %dma_wait3A_350] : memref<10240x128xf32, #tpu.memory_space<vmem_shared>> -> memref<10240x128xf32, #tpu.memory_space<vmem_shared>>
      tpu.wait_indirect_dma semaphore(%run_scoped3A_339 : memref<!tpu.dma_semaphore, #tpu.memory_space<semaphore_mem>>) src(%arg12 : memref<128x128xf32, #tpu.memory_space<vmem>>) dst(%dma_wait3A_351 : memref<10240x128xf32, #tpu.memory_space<vmem_shared>>)
      tpu.yield
    }) : () -> ()
    %barrier3A_334 = arith.constant 0 : index
    tpu.barrier barrier_id(%barrier3A_334)
    %mul3A_335 = arith.constant 640 : i32
    %mul3A_336 = arith.muli %arg1, %mul3A_335 : i32
    %mul3A_337 = arith.constant 640 : i32
    %mul3A_338 = arith.muli %arg1, %mul3A_337 : i32
    "tpu.region"() ({
      %run_scoped3A_339 = tpu.sem_alloc : memref<!tpu.dma_semaphore, #tpu.memory_space<semaphore_mem>>
      %dma_start3A_340 = arith.constant 0 : i32
      %dma_start3A_341 = tpu.memref_slice %arg6[%arg0, %mul3A_338, %dma_start3A_340] : memref<2x10240x128xf32, #tpu.memory_space<hbm>> -> memref<1x640x128xf32, #tpu.memory_space<hbm>>
      %dma_start3A_342 = tpu.memref_squeeze %dma_start3A_341 : memref<1x640x128xf32, #tpu.memory_space<hbm>> -> memref<640x128xf32, #tpu.memory_space<hbm>>
      %dma_start3A_343 = arith.constant 0 : i32
      %dma_start3A_344 = tpu.memref_slice %arg13[%mul3A_336, %dma_start3A_343] : memref<10240x128xf32, #tpu.memory_space<vmem_shared>> -> memref<640x128xf32, #tpu.memory_space<vmem_shared>>
      tpu.enqueue_dma source(%dma_start3A_344 : memref<640x128xf32, #tpu.memory_space<vmem_shared>>) target(%dma_start3A_342 : memref<640x128xf32, #tpu.memory_space<hbm>>) target_semaphore(%run_scoped3A_339 : memref<!tpu.dma_semaphore, #tpu.memory_space<semaphore_mem>>)
      %dma_wait3A_345 = arith.constant 0 : i32
      %dma_wait3A_346 = tpu.memref_slice %arg6[%arg0, %mul3A_338, %dma_wait3A_345] : memref<2x10240x128xf32, #tpu.memory_space<hbm>> -> memref<1x640x128xf32, #tpu.memory_space<hbm>>
      %dma_wait3A_347 = tpu.memref_squeeze %dma_wait3A_346 : memref<1x640x128xf32, #tpu.memory_space<hbm>> -> memref<640x128xf32, #tpu.memory_space<hbm>>
      %dma_wait3A_348 = arith.constant 0 : i32
      %dma_wait3A_349 = tpu.memref_slice %arg13[%mul3A_336, %dma_wait3A_348] : memref<10240x128xf32, #tpu.memory_space<vmem_shared>> -> memref<640x128xf32, #tpu.memory_space<vmem_shared>>
      tpu.wait_dma2 semaphore(%run_scoped3A_339 : memref<!tpu.dma_semaphore, #tpu.memory_space<semaphore_mem>>) src(%dma_wait3A_349 : memref<640x128xf32, #tpu.memory_space<vmem_shared>>) dst(%dma_wait3A_347 : memref<640x128xf32, #tpu.memory_space<hbm>>)
      tpu.yield
    }) : () -> ()
    return
  }
}

module attributes {stable_mosaic.version = 14 : i64} {
  func.func @_deg_body(%arg0: i32, %arg1: memref<1x4096xi32, #tpu.memory_space<vmem>>, %arg2: memref<80x128xf32, #tpu.memory_space<vmem>>) attributes {dimension_semantics = [#tpu.dimension_semantics<arbitrary>], iteration_bounds = array<i64: 80>, scalar_prefetch = 0 : i64, scratch_operands = 0 : i64, tpu.core_type = #tpu.core_type<tc>, window_params = [{transform_indices = @transform_0, window_bounds = array<i64: 1, 4096>}, {pipeline_mode = #tpu.pipeline_mode<synchronous>, transform_indices = @transform_1, window_bounds = array<i64: 80, 128>}]} {
    %eq3A = arith.constant 0 : i32
    %eq3A_0 = arith.cmpi eq, %arg0, %eq3A : i32
    %convert_element_type3A = arith.extui %eq3A_0 : i1 to i32
    %cond3A = arith.constant 0 : i32
    %cond3A_1 = arith.cmpi ne, %convert_element_type3A, %cond3A : i32
    scf.if %cond3A_1 {
      %broadcast_in_dim3A = arith.constant 0.000000e+00 : f32
      %broadcast_in_dim3A_25 = vector.broadcast %broadcast_in_dim3A : f32 to vector<80x128xf32>
      %swap3A_26 = arith.constant 0 : index
      %swap3A_27 = arith.constant 0 : index
      %swap3A_28 = vector.load %arg2[%swap3A_26, %swap3A_27] : memref<80x128xf32, #tpu.memory_space<vmem>>, vector<80x128xf32>
      tpu.vector_store %arg2[%swap3A_26, %swap3A_27], %broadcast_in_dim3A_25 {strides = array<i32>} : memref<80x128xf32, #tpu.memory_space<vmem>>, vector<80x128xf32>,
    } else {
    }
    %get3A = arith.constant 0 : index
    %get3A_2 = arith.constant 0 : index
    %get3A_3 = vector.load %arg1[%get3A, %get3A_2] : memref<1x4096xi32, #tpu.memory_space<vmem>>, vector<1x4096xi32>
    %shift_right_arithmetic3A = arith.constant 7 : i32
    %shift_right_arithmetic3A_4 = vector.broadcast %shift_right_arithmetic3A : i32 to vector<1x4096xi32>
    %shift_right_arithmetic3A_5 = arith.shrsi %get3A_3, %shift_right_arithmetic3A_4 : vector<1x4096xi32>
    %and3A = arith.constant 127 : i32
    %and3A_6 = vector.broadcast %and3A : i32 to vector<1x4096xi32>
    %and3A_7 = arith.andi %get3A_3, %and3A_6 : vector<1x4096xi32>
    %iota3A = tpu.iota {dimensions = array<i32: 0>} : vector<80x4096xi32>
    %eq3A_8 = vector.broadcast %shift_right_arithmetic3A_5 : vector<1x4096xi32> to vector<80x4096xi32>
    %eq3A_9 = arith.cmpi eq, %iota3A, %eq3A_8 : vector<80x4096xi32>
    %convert_element_type3A_10 = arith.extui %eq3A_9 : vector<80x4096xi1> to vector<80x4096xi32>
    %convert_element_type3A_11 = arith.sitofp %convert_element_type3A_10 : vector<80x4096xi32> to vector<80x4096xf32>
    %convert_element_type3A_12 = arith.truncf %convert_element_type3A_11 : vector<80x4096xf32> to vector<80x4096xbf16>
    %iota3A_13 = tpu.iota {dimensions = array<i32: 0>} : vector<128x4096xi32>
    %eq3A_14 = vector.broadcast %and3A_7 : vector<1x4096xi32> to vector<128x4096xi32>
    %eq3A_15 = arith.cmpi eq, %iota3A_13, %eq3A_14 : vector<128x4096xi32>
    %convert_element_type3A_16 = arith.extui %eq3A_15 : vector<128x4096xi1> to vector<128x4096xi32>
    %convert_element_type3A_17 = arith.sitofp %convert_element_type3A_16 : vector<128x4096xi32> to vector<128x4096xf32>
    %convert_element_type3A_18 = arith.truncf %convert_element_type3A_17 : vector<128x4096xf32> to vector<128x4096xbf16>
    %get3A_19 = arith.constant 0 : index
    %get3A_20 = arith.constant 0 : index
    %get3A_21 = vector.load %arg2[%get3A_19, %get3A_20] : memref<80x128xf32, #tpu.memory_space<vmem>>, vector<80x128xf32>
    %dot_general3A = arith.constant dense<0.000000e+00> : vector<80x128xf32>
    %dot_general3A_22 = tpu.matmul %convert_element_type3A_12, %convert_element_type3A_18, %dot_general3A {dimension_numbers = #tpu.dot_dimension_numbers<[1], [1], [0], [0], [0, 0, 1, 0], [], []>, transpose_lhs_hint = false} : vector<80x4096xbf16>, vector<128x4096xbf16>, vector<80x128xf32> -> vector<80x128xf32>
    %add3A = arith.addf %get3A_21, %dot_general3A_22 : vector<80x128xf32>
    %swap3A = arith.constant 0 : index
    %swap3A_23 = arith.constant 0 : index
    %swap3A_24 = vector.load %arg2[%swap3A, %swap3A_23] : memref<80x128xf32, #tpu.memory_space<vmem>>, vector<80x128xf32>
    tpu.vector_store %arg2[%swap3A, %swap3A_23], %add3A {strides = array<i32>} : memref<80x128xf32, #tpu.memory_space<vmem>>, vector<80x128xf32>,
    return
  }
  func.func @transform_0(%arg0: i32) -> (i32, i32) {
    %c0_i32 = arith.constant 0 : i32
    %c0_i32_0 = arith.constant 0 : i32
    return %c0_i32, %arg0 : i32, i32
  }
  func.func @transform_1(%arg0: i32) -> (i32, i32) {
    %c0_i32 = arith.constant 0 : i32
    %c0_i32_0 = arith.constant 0 : i32
    %c0_i32_1 = arith.constant 0 : i32
    return %c0_i32, %c0_i32_0 : i32, i32
  }
}

module attributes {stable_mosaic.version = 14 : i64} {
  func.func @_mm1_body(%arg0: i32, %arg1: memref<128x128xf32, #tpu.memory_space<vmem>>, %arg2: memref<128x128xf32, #tpu.memory_space<vmem>>, %arg3: memref<1x128x1xf32, #tpu.memory_space<vmem>>, %arg4: memref<128x128xf32, #tpu.memory_space<vmem>>) attributes {dimension_semantics = [#tpu.dimension_semantics<arbitrary>], iteration_bounds = array<i64: 80>, scalar_prefetch = 0 : i64, scratch_operands = 0 : i64, tpu.core_type = #tpu.core_type<tc>, window_params = [{transform_indices = @transform_0, window_bounds = array<i64: 128, 128>}, {pipeline_mode = #tpu.pipeline_mode<synchronous>, transform_indices = @transform_1, window_bounds = array<i64: 128, 128>}, {transform_indices = @transform_2, window_bounds = array<i64: 1, 128, 1>}, {transform_indices = @transform_3, window_bounds = array<i64: 128, 128>}]} {
    %get3A = arith.constant 0 : index
    %get3A_0 = arith.constant 0 : index
    %get3A_1 = vector.load %arg1[%get3A, %get3A_0] : memref<128x128xf32, #tpu.memory_space<vmem>>, vector<128x128xf32>
    %get3A_2 = arith.constant 0 : index
    %get3A_3 = arith.constant 0 : index
    %get3A_4 = vector.load %arg2[%get3A_2, %get3A_3] : memref<128x128xf32, #tpu.memory_space<vmem>>, vector<128x128xf32>
    %dot_general3A = arith.constant dense<0.000000e+00> : vector<128x128xf32>
    %dot_general3A_5 = tpu.matmul %get3A_1, %get3A_4, %dot_general3A {dimension_numbers = #tpu.dot_dimension_numbers<[1], [1], [0], [0], [0, 0, 1, 0], [], []>, transpose_lhs_hint = false} : vector<128x128xf32>, vector<128x128xf32>, vector<128x128xf32> -> vector<128x128xf32>
    %get3A_6 = arith.constant 0 : index
    %get3A_7 = arith.constant 0 : index
    %get3A_8 = arith.constant 0 : index
    %get3A_9 = vector.load %arg3[%get3A_6, %get3A_7, %get3A_8] : memref<1x128x1xf32, #tpu.memory_space<vmem>>, vector<1x128x1xf32>
    %get3A_10 = vector.shape_cast %get3A_9 : vector<1x128x1xf32> to vector<128x1xf32>
    %add3A = arith.constant 1.000000e+00 : f32
    %add3A_11 = vector.broadcast %add3A : f32 to vector<128x1xf32>
    %add3A_12 = arith.addf %get3A_10, %add3A_11 : vector<128x1xf32>
    %rsqrt3A = math.rsqrt %add3A_12 : vector<128x1xf32>
    %mul3A = vector.broadcast %rsqrt3A : vector<128x1xf32> to vector<128x128xf32>
    %mul3A_13 = arith.mulf %dot_general3A_5, %mul3A : vector<128x128xf32>
    %swap3A = arith.constant 0 : index
    %swap3A_14 = arith.constant 0 : index
    %swap3A_15 = vector.load %arg4[%swap3A, %swap3A_14] : memref<128x128xf32, #tpu.memory_space<vmem>>, vector<128x128xf32>
    tpu.vector_store %arg4[%swap3A, %swap3A_14], %mul3A_13 {strides = array<i32>} : memref<128x128xf32, #tpu.memory_space<vmem>>, vector<128x128xf32>,
    return
  }
  func.func @transform_0(%arg0: i32) -> (i32, i32) {
    %c0_i32 = arith.constant 0 : i32
    %c0_i32_0 = arith.constant 0 : i32
    return %arg0, %c0_i32 : i32, i32
  }
  func.func @transform_1(%arg0: i32) -> (i32, i32) {
    %c0_i32 = arith.constant 0 : i32
    %c0_i32_0 = arith.constant 0 : i32
    %c0_i32_1 = arith.constant 0 : i32
    return %c0_i32, %c0_i32_0 : i32, i32
  }
  func.func @transform_2(%arg0: i32) -> (i32, i32, i32) {
    %c0_i32 = arith.constant 0 : i32
    %c0_i32_0 = arith.constant 0 : i32
    %c0_i32_1 = arith.constant 0 : i32
    return %arg0, %c0_i32, %c0_i32_0 : i32, i32, i32
  }
  func.func @transform_3(%arg0: i32) -> (i32, i32) {
    %c0_i32 = arith.constant 0 : i32
    %c0_i32_0 = arith.constant 0 : i32
    return %arg0, %c0_i32 : i32, i32
  }
}

module attributes {stable_mosaic.version = 14 : i64} {
  func.func @_comb_body(%arg0: i32, %arg1: memref<2x128x128xf32, #tpu.memory_space<vmem>>, %arg2: memref<128x128xf32, #tpu.memory_space<vmem>>, %arg3: memref<1x128x1xf32, #tpu.memory_space<vmem>>, %arg4: memref<128x128xf32, #tpu.memory_space<vmem>>, %arg5: memref<1x128xf32, #tpu.memory_space<vmem>>, %arg6: memref<128x128xf32, #tpu.memory_space<vmem>>, %arg7: memref<128x1xf32, #tpu.memory_space<vmem>>, %arg8: memref<1x1xf32, #tpu.memory_space<vmem>>, %arg9: memref<128x128xf32, #tpu.memory_space<vmem>>, %arg10: memref<128x128xf32, #tpu.memory_space<vmem>>, %arg11: memref<128x1xf32, #tpu.memory_space<vmem>>) attributes {dimension_semantics = [#tpu.dimension_semantics<arbitrary>], iteration_bounds = array<i64: 80>, scalar_prefetch = 0 : i64, scratch_operands = 0 : i64, tpu.core_type = #tpu.core_type<tc>, window_params = [{transform_indices = @transform_0, window_bounds = array<i64: 2, 128, 128>}, {transform_indices = @transform_1, window_bounds = array<i64: 128, 128>}, {transform_indices = @transform_2, window_bounds = array<i64: 1, 128, 1>}, {transform_indices = @transform_3, window_bounds = array<i64: 128, 128>}, {pipeline_mode = #tpu.pipeline_mode<synchronous>, transform_indices = @transform_4, window_bounds = array<i64: 1, 128>}, {pipeline_mode = #tpu.pipeline_mode<synchronous>, transform_indices = @transform_5, window_bounds = array<i64: 128, 128>}, {pipeline_mode = #tpu.pipeline_mode<synchronous>, transform_indices = @transform_6, window_bounds = array<i64: 128, 1>}, {pipeline_mode = #tpu.pipeline_mode<synchronous>, transform_indices = @transform_7, window_bounds = array<i64: 1, 1>}, {transform_indices = @transform_8, window_bounds = array<i64: 128, 128>}, {transform_indices = @transform_9, window_bounds = array<i64: 128, 128>}, {transform_indices = @transform_10, window_bounds = array<i64: 128, 1>}]} {
    %get3A = arith.constant 0 : index
    %get3A_0 = arith.constant 0 : index
    %get3A_1 = arith.constant 0 : index
    %get3A_2 = vector.load %arg3[%get3A, %get3A_0, %get3A_1] : memref<1x128x1xf32, #tpu.memory_space<vmem>>, vector<1x128x1xf32>
    %get3A_3 = vector.shape_cast %get3A_2 : vector<1x128x1xf32> to vector<128x1xf32>
    %add3A = arith.constant 1.000000e+00 : f32
    %add3A_4 = vector.broadcast %add3A : f32 to vector<128x1xf32>
    %add3A_5 = arith.addf %get3A_3, %add3A_4 : vector<128x1xf32>
    %rsqrt3A = math.rsqrt %add3A_5 : vector<128x1xf32>
    %get3A_6 = arith.constant 0 : index
    %get3A_7 = arith.constant 0 : index
    %get3A_8 = arith.constant 0 : index
    %get3A_9 = vector.load %arg1[%get3A_6, %get3A_7, %get3A_8] : memref<2x128x128xf32, #tpu.memory_space<vmem>>, vector<1x128x128xf32>
    %get3A_10 = vector.shape_cast %get3A_9 : vector<1x128x128xf32> to vector<128x128xf32>
    %get3A_11 = arith.constant 1 : index
    %get3A_12 = arith.constant 0 : index
    %get3A_13 = arith.constant 0 : index
    %get3A_14 = vector.load %arg1[%get3A_11, %get3A_12, %get3A_13] : memref<2x128x128xf32, #tpu.memory_space<vmem>>, vector<1x128x128xf32>
    %get3A_15 = vector.shape_cast %get3A_14 : vector<1x128x128xf32> to vector<128x128xf32>
    %add3A_16 = arith.addf %get3A_10, %get3A_15 : vector<128x128xf32>
    %get3A_17 = arith.constant 0 : index
    %get3A_18 = arith.constant 0 : index
    %get3A_19 = vector.load %arg2[%get3A_17, %get3A_18] : memref<128x128xf32, #tpu.memory_space<vmem>>, vector<128x128xf32>
    %add3A_20 = arith.addf %add3A_16, %get3A_19 : vector<128x128xf32>
    %mul3A = vector.broadcast %rsqrt3A : vector<128x1xf32> to vector<128x128xf32>
    %mul3A_21 = arith.mulf %mul3A, %add3A_20 : vector<128x128xf32>
    %get3A_22 = arith.constant 0 : index
    %get3A_23 = arith.constant 0 : index
    %get3A_24 = vector.load %arg5[%get3A_22, %get3A_23] : memref<1x128xf32, #tpu.memory_space<vmem>>, vector<1x128xf32>
    %add3A_25 = vector.broadcast %get3A_24 : vector<1x128xf32> to vector<128x128xf32>
    %add3A_26 = arith.addf %mul3A_21, %add3A_25 : vector<128x128xf32>
    %get3A_27 = arith.constant 0 : index
    %get3A_28 = arith.constant 0 : index
    %get3A_29 = vector.load %arg4[%get3A_27, %get3A_28] : memref<128x128xf32, #tpu.memory_space<vmem>>, vector<128x128xf32>
    %add3A_30 = arith.addf %add3A_26, %get3A_29 : vector<128x128xf32>
    %max3A = arith.constant 0.000000e+00 : f32
    %max3A_31 = vector.broadcast %max3A : f32 to vector<128x128xf32>
    %max3A_32 = arith.maximumf %add3A_30, %max3A_31 : vector<128x128xf32>
    %swap3A = arith.constant 0 : index
    %swap3A_33 = arith.constant 0 : index
    %swap3A_34 = vector.load %arg9[%swap3A, %swap3A_33] : memref<128x128xf32, #tpu.memory_space<vmem>>, vector<128x128xf32>
    tpu.vector_store %arg9[%swap3A, %swap3A_33], %max3A_32 {strides = array<i32>} : memref<128x128xf32, #tpu.memory_space<vmem>>, vector<128x128xf32>,
    %get3A_35 = arith.constant 0 : index
    %get3A_36 = arith.constant 0 : index
    %get3A_37 = vector.load %arg6[%get3A_35, %get3A_36] : memref<128x128xf32, #tpu.memory_space<vmem>>, vector<128x128xf32>
    %dot_general3A = arith.constant dense<0.000000e+00> : vector<128x128xf32>
    %dot_general3A_38 = tpu.matmul %max3A_32, %get3A_37, %dot_general3A {dimension_numbers = #tpu.dot_dimension_numbers<[1], [1], [0], [0], [0, 0, 1, 0], [], []>, transpose_lhs_hint = false} : vector<128x128xf32>, vector<128x128xf32>, vector<128x128xf32> -> vector<128x128xf32>
    %mul3A_39 = vector.broadcast %rsqrt3A : vector<128x1xf32> to vector<128x128xf32>
    %mul3A_40 = arith.mulf %dot_general3A_38, %mul3A_39 : vector<128x128xf32>
    %swap3A_41 = arith.constant 0 : index
    %swap3A_42 = arith.constant 0 : index
    %swap3A_43 = vector.load %arg10[%swap3A_41, %swap3A_42] : memref<128x128xf32, #tpu.memory_space<vmem>>, vector<128x128xf32>
    tpu.vector_store %arg10[%swap3A_41, %swap3A_42], %mul3A_40 {strides = array<i32>} : memref<128x128xf32, #tpu.memory_space<vmem>>, vector<128x128xf32>,
    %get3A_44 = arith.constant 0 : index
    %get3A_45 = arith.constant 0 : index
    %get3A_46 = vector.load %arg7[%get3A_44, %get3A_45] : memref<128x1xf32, #tpu.memory_space<vmem>>, vector<128x1xf32>
    %dot_general3A_47 = arith.constant dense<0.000000e+00> : vector<128x1xf32>
    %dot_general3A_48 = tpu.matmul %max3A_32, %get3A_46, %dot_general3A_47 {dimension_numbers = #tpu.dot_dimension_numbers<[1], [0], [0], [1], [0, 0, 1, 1], [], []>, transpose_lhs_hint = false} : vector<128x128xf32>, vector<128x1xf32>, vector<128x1xf32> -> vector<128x1xf32>
    %get3A_49 = arith.constant 0 : index
    %get3A_50 = arith.constant 0 : index
    %get3A_51 = vector.load %arg8[%get3A_49, %get3A_50] : memref<1x1xf32, #tpu.memory_space<vmem>>, vector<1x1xf32>
    %get3A_52 = vector.extract %get3A_51[0, 0] : f32 from vector<1x1xf32>
    %add3A_53 = vector.broadcast %get3A_52 : f32 to vector<128x1xf32>
    %add3A_54 = arith.addf %dot_general3A_48, %add3A_53 : vector<128x1xf32>
    %swap3A_55 = arith.constant 0 : index
    %swap3A_56 = arith.constant 0 : index
    %swap3A_57 = vector.load %arg11[%swap3A_55, %swap3A_56] : memref<128x1xf32, #tpu.memory_space<vmem>>, vector<128x1xf32>
    tpu.vector_store %arg11[%swap3A_55, %swap3A_56], %add3A_54 {strides = array<i32>} : memref<128x1xf32, #tpu.memory_space<vmem>>, vector<128x1xf32>,
    return
  }
  func.func @transform_0(%arg0: i32) -> (i32, i32, i32) {
    %c0_i32 = arith.constant 0 : i32
    %c0_i32_0 = arith.constant 0 : i32
    %c0_i32_1 = arith.constant 0 : i32
    return %c0_i32, %arg0, %c0_i32_0 : i32, i32, i32
  }
  func.func @transform_1(%arg0: i32) -> (i32, i32) {
    %c0_i32 = arith.constant 0 : i32
    %c0_i32_0 = arith.constant 0 : i32
    return %arg0, %c0_i32 : i32, i32
  }
  func.func @transform_2(%arg0: i32) -> (i32, i32, i32) {
    %c0_i32 = arith.constant 0 : i32
    %c0_i32_0 = arith.constant 0 : i32
    %c0_i32_1 = arith.constant 0 : i32
    return %arg0, %c0_i32, %c0_i32_0 : i32, i32, i32
  }
  func.func @transform_3(%arg0: i32) -> (i32, i32) {
    %c0_i32 = arith.constant 0 : i32
    %c0_i32_0 = arith.constant 0 : i32
    return %arg0, %c0_i32 : i32, i32
  }
  func.func @transform_4(%arg0: i32) -> (i32, i32) {
    %c0_i32 = arith.constant 0 : i32
    %c0_i32_0 = arith.constant 0 : i32
    %c0_i32_1 = arith.constant 0 : i32
    return %c0_i32, %c0_i32_0 : i32, i32
  }
  func.func @transform_5(%arg0: i32) -> (i32, i32) {
    %c0_i32 = arith.constant 0 : i32
    %c0_i32_0 = arith.constant 0 : i32
    %c0_i32_1 = arith.constant 0 : i32
    return %c0_i32, %c0_i32_0 : i32, i32
  }
  func.func @transform_6(%arg0: i32) -> (i32, i32) {
    %c0_i32 = arith.constant 0 : i32
    %c0_i32_0 = arith.constant 0 : i32
    %c0_i32_1 = arith.constant 0 : i32
    return %c0_i32, %c0_i32_0 : i32, i32
  }
  func.func @transform_7(%arg0: i32) -> (i32, i32) {
    %c0_i32 = arith.constant 0 : i32
    %c0_i32_0 = arith.constant 0 : i32
    %c0_i32_1 = arith.constant 0 : i32
    return %c0_i32, %c0_i32_0 : i32, i32
  }
  func.func @transform_8(%arg0: i32) -> (i32, i32) {
    %c0_i32 = arith.constant 0 : i32
    %c0_i32_0 = arith.constant 0 : i32
    return %arg0, %c0_i32 : i32, i32
  }
  func.func @transform_9(%arg0: i32) -> (i32, i32) {
    %c0_i32 = arith.constant 0 : i32
    %c0_i32_0 = arith.constant 0 : i32
    return %arg0, %c0_i32 : i32, i32
  }
  func.func @transform_10(%arg0: i32) -> (i32, i32) {
    %c0_i32 = arith.constant 0 : i32
    %c0_i32_0 = arith.constant 0 : i32
    return %arg0, %c0_i32 : i32, i32
  }
}

</mosaic_0001>

<sc_bundles>
// kernel: closed_call.16.cloned.1.call-start
scs
__scs_entry_jumppad:
0x0: {  	(pc) =	sbr.rel $0x88, $3  }
0x1: {  	(tag) =	ssettag $0x0;
	lr =	simm.s32 $0x1  }
0x2: {  	[smem:$0x3F99] =	sst lr;
	_ =	strace $0xD0000000  }
0x3: {  	_ = 	snop  }
0x4: {  	_ = 	snop  }
0x5: {  	_ = 	snop  }
0x6: {  	_ = 	snop  }
0x7: {  	_ = 	snop  }
__scs_overlays_trampoline_lowered:
0x8: {  	[smem:$0x3FA8] =	sst s0  }
0x9: {  	[smem:$0x3FA9] =	sst s1  }
0xa: {  	[smem:$0x3FAA] =	sst s2  }
0xb: {  	[smem:$0x3FAB] =	sst s3  }
0xc: {  	[smem:$0x3FAC] =	sst s4  }
0xd: {  	[smem:$0x3FAD] =	sst s5  }
0xe: {  	[smem:$0x3FAE] =	sst s6  }
0xf: {  	[smem:$0x3FAF] =	sst s7  }
0x10: {  	[smem:$0x3FB0] =	sst s8  }
0x11: {  	[smem:$0x3FB1] =	sst s9;
	s0 =	simm.s32 @!p0 $0x0  }
0x12: {  	s1 =	sld [smem:$0x3F97];
	s0 =	simm.s32 @p0 $0x1  }
0x13: {  	[smem:$0x3FB2] =	sst s0;
	s0 =	simm.s32 @!p1 $0x0  }
0x14: {  	s2 =	sld [smem:$0x3F96];
	s0 =	simm.s32 @p1 $0x1  }
0x15: {  	[smem:$0x3FB3] =	sst s0;
	s0 =	simm.s32 @!p2 $0x0  }
0x16: {  	s3 =	sld [smem:$0x3FDB];
	s0 =	simm.s32 @p2 $0x1  }
0x17: {  	s4 =	simm.s32 $0x1BF5;
	[smem:$0x3FB5] =	sst s0  }
0x18: {  	s0 =	sld [smem:$0x3F98];
	_ =	swait.ge [sflag:s4], $0x0  }
0x19: {  	s7 =	sld [smem:$0x3F99]  }
0x1a: {  	s8 =	sadd.s32 $0xFFFFE003, lr  }
0x1b: {  	s9 =	sadd.s32 $0xFFFFFEF7, lr;
	s5 =	simm.s32 $0xFFFFFFFF;
	p2 =	slt.u32 s8, $0xFFFFF086  }
0x1c: {  	p1 =	slt.u32 s9, $0xF7A;
	s5 =	simm.s32 @!p2 $0x0  }
0x1d: {  	s5 =	simm.s32 @p1 $0x1;
	p0 =	seq.s32 s7, s2  }
0x1e: {  	s7 =	smul.u32 @!p0 $0xF7A, s2;
	p2 =	seq.s32 @!p0 s5, $0x0  }
0x1f: {  	s9 =	smul.u32 $0xF7A, s1;
	s8 =	simm.s32 @!p0 $0x1BF5;
	p2 =	por !p2, p0  }
0x20: {  	[sflag:s8] =	ssyncset.s32 @!p0 $0xFFFFF086;
	s6 =	sadd.s32 @!p0 s3, s7;
	s7 =	simm.s32 @!p0 $0x108  }
0x21: {  	s3 =	sadd.s32 s3, s9;
	s6 =	sadd.s32 @!p0 $0x88, s6;
	s7 =	simm.s32 @p2 $0x1082  }
0x22: {  	[simem:s7], [sflag:s8] =	dma.local @!p0 [hbm:s6], $0xF7A  }
0x23: {  	s9 =	sor.u32 $0xD0000000, s2;
	s6 =	simm.s32 $0x108;
	_ =	swait.ge @!p0 [sflag:s8], $0x0  }
0x24: {  	s3 =	sadd.s32 $0x88, s3;
	s6 =	simm.s32 @!p1 $0x1082;
	[sflag:s4] =	ssyncset.s32 $0xFFFFF086  }
0x25: {  	[simem:s6], [sflag:s4] =	dma.local [hbm:s3], $0xF7A  }
0x26: {  	[smem:$0x3F99] =	sst s1;
	(tag) =	ssettag s2;
	_ =	strace s9  }
0x27: {  	s1 =	sld [smem:$0x3FA9]  }
0x28: {  	s2 =	sld [smem:$0x3FAA]  }
0x29: {  	s4 =	sld [smem:$0x3FAC]  }
0x2a: {  	p0 =	seq.s32 s5, $0x0;
	s5 =	sld [smem:$0x3FAD]  }
0x2b: {  	s6 =	sld [smem:$0x3FAE]  }
0x2c: {  	s7 =	sld [smem:$0x3FAF]  }
0x2d: {  	s3 =	simm.s32 $0x108;
	s8 =	sld [smem:$0x3FB0]  }
0x2e: {  	s3 =	simm.s32 @!p0 $0x1082;
	s9 =	sld [smem:$0x3FB1]  }
0x2f: {  	lr =	sadd.s32 s0, s3;
	s0 =	sld [smem:$0x3FA8]  }
0x30: {  	s3 =	sld [smem:$0x3FAB]  }
0x31: {  	[smem:$0x3FB4] =	sst s10  }
0x32: {  	s10 =	sld [smem:$0x3FB2];
	_ =	sdelay $0x3  }
0x33: {  	p0 =	seq.s32 s10, $0x1;
	s10 =	sld [smem:$0x3FB4];
	_ =	sdelay $0x3  }
0x34: {  	[smem:$0x3FB4] =	sst s10  }
0x35: {  	s10 =	sld [smem:$0x3FB3];
	_ =	sdelay $0x3  }
0x36: {  	p1 =	seq.s32 s10, $0x1;
	s10 =	sld [smem:$0x3FB4];
	_ =	sdelay $0x3  }
0x37: {  	[smem:$0x3FB4] =	sst s10  }
0x38: {  	s10 =	sld [smem:$0x3FB5]  }
0x39: {  	_ = 	snop;
	(pc) =	sbr.ind lr, $3  }
0x3a: {  	_ = 	snop  }
0x3b: {  	_ = 	snop  }
0x3c: {  	p2 =	seq.s32 s10, $0x1;
	s10 =	sld [smem:$0x3FB4]  }
0x3d: {  	_ =	shalt  }
0x3e: {  	_ =	shalt  }
0x3f: {  	_ =	shalt  }
0x40: {  	_ =	shalt  }
0x41: {  	_ =	shalt  }
0x42: {  	_ =	shalt  }
0x43: {  	_ =	shalt  }
0x44: {  	_ =	shalt  }
0x45: {  	_ =	shalt  }
0x46: {  	_ =	shalt  }
0x47: {  	_ =	shalt  }
0x48: {  	_ =	shalt  }
0x49: {  	_ =	shalt  }
0x4a: {  	_ =	shalt  }
0x4b: {  	_ =	shalt  }
0x4c: {  	_ =	shalt  }
0x4d: {  	_ =	shalt  }
0x4e: {  	_ =	shalt  }
0x4f: {  	_ =	shalt  }
0x50: {  	_ =	shalt  }
0x51: {  	_ =	shalt  }
0x52: {  	_ =	shalt  }
0x53: {  	_ =	shalt  }
0x54: {  	_ =	shalt  }
0x55: {  	_ =	shalt  }
0x56: {  	_ =	shalt  }
0x57: {  	_ =	shalt  }
0x58: {  	_ =	shalt  }
0x59: {  	_ =	shalt  }
0x5a: {  	_ =	shalt  }
0x5b: {  	_ =	shalt  }
0x5c: {  	_ =	shalt  }
0x5d: {  	_ =	shalt  }
0x5e: {  	_ =	shalt  }
0x5f: {  	_ =	shalt  }
0x60: {  	_ =	shalt  }
0x61: {  	_ =	shalt  }
0x62: {  	_ =	shalt  }
0x63: {  	_ =	shalt  }
0x64: {  	_ =	shalt  }
0x65: {  	_ =	shalt  }
0x66: {  	_ =	shalt  }
0x67: {  	_ =	shalt  }
0x68: {  	_ =	shalt  }
0x69: {  	_ =	shalt  }
0x6a: {  	_ =	shalt  }
0x6b: {  	_ =	shalt  }
0x6c: {  	_ =	shalt  }
0x6d: {  	_ =	shalt  }
0x6e: {  	_ =	shalt  }
0x6f: {  	_ =	shalt  }
0x70: {  	_ =	shalt  }
0x71: {  	_ =	shalt  }
0x72: {  	_ =	shalt  }
0x73: {  	_ =	shalt  }
0x74: {  	_ =	shalt  }
0x75: {  	_ =	shalt  }
0x76: {  	_ =	shalt  }
0x77: {  	_ =	shalt  }
0x78: {  	_ =	shalt  }
0x79: {  	_ =	shalt  }
0x7a: {  	_ =	shalt  }
0x7b: {  	_ =	shalt  }
0x7c: {  	_ =	shalt  }
0x7d: {  	_ =	shalt  }
0x7e: {  	_ =	shalt  }
0x7f: {  	_ =	shalt  }
0x80: {  	_ =	shalt  }
0x81: {  	_ =	shalt  }
0x82: {  	_ =	shalt  }
0x83: {  	_ =	shalt  }
0x84: {  	_ =	shalt  }
0x85: {  	_ =	shalt  }
0x86: {  	_ =	shalt  }
0x87: {  	_ =	shalt  }
.Lfunc_end0:
.L_simem_size_0:
called_computation_lowered:
.L_overlay_start_0:
0x88: {  	s2 =	sld [smem:$0x3FD9]  }
0x89: {  	s3 =	sld [smem:$0x3FFE];
	_ =	sdelay $0x1  }
0x8a: {  	s1 =	srdreg.scid  }
0x8b: {  	s0 =	sand.u32 $0x1, s1  }
0x8c: {  	s16 =	sshll.u32 s0, $0xA;
	s2 =	sadd.s32 s3, s2  }
0x8d: {  	s2 =	sadd.s32 s2, s16  }
0x8e: {  	[smem:$0x3FC0] =	sst s2  }
0x8f: {  	_ = 	snop  }
0x90: {  	(tm) =	ssettm $0x1  }
0x91: {  	s17 =	sld [smem:$0x3FFB];
	_ =	sdelay $0x3  }
0x92: {  	_ =	strace s17  }
0x93: {  	s2 =	sld [smem:$0x3FFC];
	_ =	sdelay $0x3  }
0x94: {  	_ =	strace s2  }
0x95: {  	s2 =	sld [smem:$0x3FFD];
	_ =	sdelay $0x3  }
0x96: {  	_ =	strace s2  }
0x97: {  	_ =	strace $0x8FFFFFFF  }
0x98: {  	s18 =	sld [smem:$0x3FDB];
	_ =	sdelay $0x1  }
0x99: {  	s19 =	simm.s32 $_scs_section_size  }
0x9a: {  	s4 =	simm.s32 $_size__tile_overlayer_lowered;
	s5 =	simm.s32 $_tile_overlayer_lowered  }
0x9b: {  	s22 =	simm.s32 $0x1BFF;
	s21 =	sshll.u32 s5, $0x1;
	s2 =	sadd.s32 s19, s18  }
0x9c: {  	s6 =	simm.s32 $0x0;
	s20 =	sshll.u32 s4, $0x1;
	s4 =	sadd.s32 s21, s2  }
0x9d: {  	[timem:s6], [sflag:s22] =	dma.local [hbm:s4], s20  }
0x9e: {  	_ =	swait.ge [sflag:s22], s20  }
0x9f: {  	s3 =	ssub.s32 $0x0, s20;
	[sflag:s22] =	ssyncset.done $0x0  }
0xa0: {  	[sflag:s22] =	ssyncadd.s32 s3;
	_ =	sdelay $0x1  }
0xa1: {  	s23 =	simm.s32 $0x1B8B  }
0xa2: {  	_ =	swait.ge [sflag:s23], $0x1  }
0xa3: {  	[sflag:s23] =	ssyncset.done $0x0  }
0xa4: {  	s25 =	simm.s32 $0x1B8E;
	s24 =	sld [smem:$0x3FFE];
	[sflag:s23] =	ssyncadd.s32 $0xFFFFFFFF  }
0xa5: {  	s26 =	simm.s32 $execute0_lowered;
	[smem:$0x3FD2] =	sst s25  }
0xa6: {  	s4 =	sshll.u32 s26, $0x1;
	_ =	strace $0x80000046;
	[dreg:$0x1] =	wrdreg $0xFFFFFFFF  }
0xa7: {  	s28 =	simm.s32 $_size_execute0_lowered;
	s2 =	sadd.s32 s2, s4;
	[dreg:$0x0] =	wrdreg $0x0  }
0xa8: {  	s4 =	sshll.u32 s28, $0x1;
	[dreg:$0x2] =	wrdreg s2  }
0xa9: {  	[dreg:$0x3] =	wrdreg s4  }
0xaa: {  	[dreg:$0x4] =	wrdreg $0xC0  }
0xab: {  	_ =	task [dreg:s6], $0x5FFFF  }
0xac: {  	[dreg:$0x1] =	wrdreg $0xFFFFFFFF  }
0xad: {  	[dreg:$0x0] =	wrdreg $0x60  }
0xae: {  	[dreg:$0x2] =	wrdreg s24  }
0xaf: {  	[dreg:$0x3] =	wrdreg $0xA0000  }
0xb0: {  	[dreg:$0x4] =	wrdreg $0x9  }
0xb1: {  	_ =	task.clear_ibuf [dreg:s6], $0x5FFFF;
	_ =	strace $0x90000046  }
0xb2: {  	s29 =	simm.s32 $0x9;
	_ =	strace $0x80000048  }
0xb3: {  	_ =	swait.ge [sflag:s29], $0x1  }
0xb4: {  	[sflag:s29] =	ssyncadd.s32 $0xFFFFFFFF  }
0xb5: {  	_ =	strace $0x90000048  }
0xb6: {  	_ =	sfence  }
0xb7: {  	s30 =	sld [smem:$0x0];
	_ =	sdelay $0x2  }
0xb8: {  	s31 =	sshll.u32 s1, $0xD;
	s1 =	sshrl.u32 s1, $0x2  }
0xb9: {  	s3 =	sand.u32 $0x4000, s31;
	s1 =	sadd.s32 s1, s30  }
0xba: {  	s0 =	sor.u32 s3, s0;
	s1 =	sshll.u32 s1, $0x11  }
0xbb: {  	s0 =	sor.u32 s1, s0  }
0xbc: {  	s0 =	sadd.s32 $0x8F2B, s0  }
0xbd: {  	[sflag:s0] =	ssyncadd.remote.s32 $0x1  }
0xbe: {  	_ =	sfence.sel $0xFFFF  }
0xbf: {  	[dreg:$0x0] =	wrdreg $0xFFFFFFFF;
	(pc) =	sbr.abs _section_cstart, $3  }
0xc0: {  	[dreg:$0x1] =	wrdreg $0xFFFFFFFF  }
0xc1: {  	_ =	task.clear_ibuf [dreg:s6], $0x2FFFF;
	_ =	strace $0x9FFFFFFF  }
0xc2: {  	(tm) =	ssettm $0x7FFFFFFF  }
0xc3: {  	_ =	shalt  }
tec
execute0_lowered:
.L_overlay_start_1:
0x0: {  	(tag) =	ssettag $0x1  }
0x1: {  	s0 =	rddreg [dreg:$0x0]  }
0x2: {  	s2 =	rddreg [dreg:$0x1]  }
0x3: {  	s22 =	simm.s32 $0x0;
	s1 =	srdreg.scid;
	s28 =	stileid.u32  }
0x4: {  	s10 =	simm.s32 $0x2000;
	p0 =	por $0x0, $0x0;
	s29 =	simm.s32 $0x1200  }
0x5: {  	[smem:$0x7FF] =	sst s22;
	s1 =	sand.u32 $0x1, s1;
	s3 =	sadd.s32 $0x3D800, s0  }
0x6: {  	s6 =	smul.u32 $0x14000, s28;
	s7 =	sadd.s32 $0x33800, s0;
	s8 =	sadd.s32 $0x65800, s0  }
0x7: {  	s9 =	sadd.s32 $0x29800, s0;
	s18 =	smul.u32 $0x50000, s28;
	s31 =	sshll.u32 s28, $0x6  }
0x8: {  	_ =	strace $0x80000047;
	s4 =	smul.u32 $0x140000, s1;
	s5 =	sshll.u32 s1, $0x4  }
0x9: {  	[dreg:$0x3] =	wrdreg s8;
	s1 =	ssub.s32 $0x2, s1;
	s30 =	sor.u32 $0x1C03, s31  }
0xa: {  	s5 =	sor.u32 s28, s5;
	s11 =	sshrl.u32 s1, $0x1;
	s8 =	sshrl.u32 s18, $0x2  }
0xb: {  	[dreg:$0x10] =	wrdreg s30;
	s5 =	smul.u32 $0x2800, s5;
	s4 =	sadd.s32 s6, s4  }
0xc: {  	s1 =	ssub.s32 s1, s11;
	s25 =	sadd.s32 s8, s2;
	s6 =	simm.s32 $0x1800  }
0xd: {  	s8 =	simm.s32 $0x1;
	s11 =	simm.s32 $0x1B80;
	s4 =	sshrl.u32 s4, $0x3  }
0xe: {  	s1 =	smax.u32 s1, $0x1;
	s18 =	sshrl.u32 s25, $0x3;
	s5 =	sshrl.u32 s5, $0x3  }
0xf: {  	s0 =	sadd.s32 s4, s0;
	p1 =	sne.s32 s1, $0x1;
	s4 =	simm.s32 $0x1980  }
0x10: {  	[dreg:$0xf] =	wrdreg s18;
	s12 =	sadd.s32 s7, s5;
	s13 =	sadd.s32 s9, s5  }
0x11: {  	s14 =	sadd.s32 $0x100, s5;
	s17 =	sadd.s32 $0x200, s5;
	[dreg:$0x4] =	wrdreg s12  }
0x12: {  	s21 =	sadd.s32 $0x300, s5;
	s0 =	sadd.s32 $0x68000, s0;
	[dreg:$0x5] =	wrdreg s13  }
0x13: {  	s5 =	sadd.s32 $0x400, s5;
	s15 =	sadd.s32 s7, s14;
	[dreg:$0xe] =	wrdreg s0  }
0x14: {  	s16 =	sadd.s32 s9, s14;
	s19 =	sadd.s32 s7, s17;
	[dreg:$0x6] =	wrdreg s15  }
0x15: {  	s20 =	sadd.s32 s9, s17;
	s23 =	sadd.s32 s7, s21;
	[dreg:$0x7] =	wrdreg s16  }
0x16: {  	s24 =	sadd.s32 s9, s21;
	s26 =	sadd.s32 s7, s5;
	[dreg:$0x8] =	wrdreg s19  }
0x17: {  	s5 =	sadd.s32 s9, s5;
	s17 =	simm.s32 $0x800;
	[dreg:$0x9] =	wrdreg s20  }
0x18: {  	s21 =	simm.s32 $0x2;
	s7 =	simm.s32 $0x80;
	[dreg:$0xa] =	wrdreg s23  }
0x19: {  	s9 =	simm.s32 $0x6000;
	s14 =	simm.s32 $0x1300;
	[dreg:$0xb] =	wrdreg s24  }
.Ltmp0:
0x1a: {  	s12 =	simm.s32 $0x1380;
	[dreg:$0xc] =	wrdreg s26;
	(pc) =	sbr.rel @!p1 .LBB2_5-.Ltmp0, $4  }
0x1b: {  	s13 =	simm.s32 $0x1B00;
	s0 =	simm.s32 $0x1500;
	[dreg:$0xd] =	wrdreg s5  }
0x1c: {  	s5 =	simm.s32 $0x3;
	s20 =	simm.s32 $0x1000;
	s26 =	sadd.s32 $0xFFFFFFFF, s1  }
0x1d: {  	s16 =	simm.s32 $0x1280;
	s19 =	simm.s32 $0x1A00;
	s15 =	simm.s32 $0x1A80  }
0x1e: {  	s1 =	simm.s32 $0x1400;
	s23 =	simm.s32 $0x1C80;
	s25 =	rddreg [dreg:$0x4]  }
0x1f: {  	s24 =	rddreg [dreg:$0x5]  }
0x20: {  	[tilespmem:s22], [sflag:$0x2] =	stream.linear.gather [hbm4b:s25+s22], $0x800, $0x38;
	[tilespmem:$0x1E000] =	vst v63  }
0x21: {  	s28 =	rddreg [dreg:$0x3]  }
0x22: {  	[tilespmem:s17], [sflag:$0x2] =	stream.linear.gather [hbm4b:s24+s22], $0x800, $0x38;
	[tilespmem:$0x1E000] =	vst v63  }
0x23: {  	[spmem:s18], [sflag:s30] =	dma.local [hbm:s28], $0x2800  }
0x24: {  	_ =	swait.ge [sflag:s5], $0x2800  }
0x25: {  	[sflag:s5] =	ssyncset.done $0x0  }
0x26: {  	[sflag:s5] =	ssyncadd.s32 $0xFFFFD800  }
0x27: {  	[bflag:$0x0] =	sbarrier.arrive $0xFFFF  }
0x28: {  	_ =	swait.ge [sflag:s21], $0x800  }
0x29: {  	[sflag:s21] =	ssyncset.done $0x0  }
0x2a: {  	[sflag:s21] =	ssyncadd.s32 $0xFFFFF800  }
0x2b: {  	_ =	swait.ge [sflag:s21], $0x800  }
0x2c: {  	[sflag:s21] =	ssyncset.done $0x0  }
0x2d: {  	s25 =	rddreg [dreg:$0x6];
	[sflag:s21] =	ssyncadd.s32 $0xFFFFF800  }
0x2e: {  	[tilespmem:s20], [sflag:$0x2] =	stream.linear.gather [hbm4b:s25+s22], $0x800, $0x38;
	[tilespmem:$0x1E000] =	vst v63  }
0x2f: {  	s28 =	rddreg [dreg:$0x7]  }
0x30: {  	[tilespmem:s6], [sflag:$0x2] =	stream.linear.gather [hbm4b:s28+s22], $0x800, $0x38;
	[tilespmem:$0x1E000] =	vst v63  }
0x31: {  	_ = 	snop  }
0x32: {  	[tilespmem:s10], [sflag:$0x1] =	stream.indirect.gather [hbm4b:s3+s7], $0x80, s22, s7, $0xb8;
	[tilespmem:$0x1E000] =	vst v63  }
0x33: {  	_ =	swait.ge [sflag:s8], $0x4000  }
0x34: {  	[sflag:s8] =	ssyncset.done $0x0  }
0x35: {  	[sflag:s8] =	ssyncadd.s32 $0xFFFFC000  }
0x36: {  	[tilespmem:s9], [sflag:$0x1] =	stream.indirect.gather [hbm4b:s3+s7], $0x80, s7, s7, $0xb8;
	[tilespmem:$0x1E000] =	vst v63  }
0x37: {  	_ = 	snop  }
0x38: {  	[spmem:s2] =	stream.indirect.scatter.add.f32 [tilespmem:s10], [sflag:$0x3], $0x80, s17, s7, $0xb8;
	[tilespmem:$0x1E000] =	vst v63  }
0x39: {  	_ =	swait.ge [sflag:s5], $0x4000  }
0x3a: {  	[sflag:s5] =	ssyncset.done $0x0  }
0x3b: {  	[sflag:s5] =	ssyncadd.s32 $0xFFFFC000  }
0x3c: {  	_ =	swait.ge [sflag:s8], $0x4000  }
0x3d: {  	[sflag:s8] =	ssyncset.done $0x0  }
0x3e: {  	s25 =	simm.s32 $0x100;
	[sflag:s8] =	ssyncadd.s32 $0xFFFFC000  }
0x3f: {  	[tilespmem:s10], [sflag:$0x1] =	stream.indirect.gather [hbm4b:s3+s7], $0x80, s25, s7, $0xb8;
	[tilespmem:$0x1E000] =	vst v63  }
0x40: {  	s17 =	simm.s32 $0x880  }
0x41: {  	[spmem:s2] =	stream.indirect.scatter.add.f32 [tilespmem:s9], [sflag:$0x3], $0x80, s17, s7, $0xb8;
	[tilespmem:$0x1E000] =	vst v63  }
0x42: {  	_ =	swait.ge [sflag:s5], $0x4000  }
0x43: {  	[sflag:s5] =	ssyncset.done $0x0  }
0x44: {  	[sflag:s5] =	ssyncadd.s32 $0xFFFFC000  }
0x45: {  	_ =	swait.ge [sflag:s8], $0x4000  }
0x46: {  	[sflag:s8] =	ssyncset.done $0x0  }
0x47: {  	s24 =	simm.s32 $0x180;
	[sflag:s8] =	ssyncadd.s32 $0xFFFFC000  }
0x48: {  	[tilespmem:s9], [sflag:$0x1] =	stream.indirect.gather [hbm4b:s3+s7], $0x80, s24, s7, $0xb8;
	[tilespmem:$0x1E000] =	vst v63  }
0x49: {  	s25 =	simm.s32 $0x900  }
0x4a: {  	[spmem:s2] =	stream.indirect.scatter.add.f32 [tilespmem:s10], [sflag:$0x3], $0x80, s25, s7, $0xb8;
	[tilespmem:$0x1E000] =	vst v63  }
0x4b: {  	_ =	swait.ge [sflag:s5], $0x4000  }
0x4c: {  	[sflag:s5] =	ssyncset.done $0x0  }
0x4d: {  	[sflag:s5] =	ssyncadd.s32 $0xFFFFC000  }
0x4e: {  	_ =	swait.ge [sflag:s8], $0x4000  }
0x4f: {  	[sflag:s8] =	ssyncset.done $0x0  }
0x50: {  	s17 =	simm.s32 $0x200;
	[sflag:s8] =	ssyncadd.s32 $0xFFFFC000  }
0x51: {  	[tilespmem:s10], [sflag:$0x1] =	stream.indirect.gather [hbm4b:s3+s7], $0x80, s17, s7, $0xb8;
	[tilespmem:$0x1E000] =	vst v63  }
0x52: {  	s24 =	simm.s32 $0x980  }
0x53: {  	[spmem:s2] =	stream.indirect.scatter.add.f32 [tilespmem:s9], [sflag:$0x3], $0x80, s24, s7, $0xb8;
	[tilespmem:$0x1E000] =	vst v63  }
0x54: {  	_ =	swait.ge [sflag:s5], $0x4000  }
0x55: {  	[sflag:s5] =	ssyncset.done $0x0  }
0x56: {  	[sflag:s5] =	ssyncadd.s32 $0xFFFFC000  }
0x57: {  	_ =	swait.ge [sflag:s8], $0x4000  }
0x58: {  	[sflag:s8] =	ssyncset.done $0x0  }
0x59: {  	s25 =	simm.s32 $0x280;
	[sflag:s8] =	ssyncadd.s32 $0xFFFFC000  }
0x5a: {  	[tilespmem:s9], [sflag:$0x1] =	stream.indirect.gather [hbm4b:s3+s7], $0x80, s25, s7, $0xb8;
	[tilespmem:$0x1E000] =	vst v63  }
0x5b: {  	s17 =	simm.s32 $0xA00  }
0x5c: {  	[spmem:s2] =	stream.indirect.scatter.add.f32 [tilespmem:s10], [sflag:$0x3], $0x80, s17, s7, $0xb8;
	[tilespmem:$0x1E000] =	vst v63  }
0x5d: {  	_ =	swait.ge [sflag:s5], $0x4000  }
0x5e: {  	[sflag:s5] =	ssyncset.done $0x0  }
0x5f: {  	[sflag:s5] =	ssyncadd.s32 $0xFFFFC000  }
0x60: {  	_ =	swait.ge [sflag:s8], $0x4000  }
0x61: {  	[sflag:s8] =	ssyncset.done $0x0  }
0x62: {  	s24 =	simm.s32 $0x300;
	[sflag:s8] =	ssyncadd.s32 $0xFFFFC000  }
0x63: {  	[tilespmem:s10], [sflag:$0x1] =	stream.indirect.gather [hbm4b:s3+s7], $0x80, s24, s7, $0xb8;
	[tilespmem:$0x1E000] =	vst v63  }
0x64: {  	s25 =	simm.s32 $0xA80  }
0x65: {  	[spmem:s2] =	stream.indirect.scatter.add.f32 [tilespmem:s9], [sflag:$0x3], $0x80, s25, s7, $0xb8;
	[tilespmem:$0x1E000] =	vst v63  }
0x66: {  	_ =	swait.ge [sflag:s5], $0x4000  }
0x67: {  	[sflag:s5] =	ssyncset.done $0x0  }
0x68: {  	[sflag:s5] =	ssyncadd.s32 $0xFFFFC000  }
0x69: {  	_ =	swait.ge [sflag:s8], $0x4000  }
0x6a: {  	[sflag:s8] =	ssyncset.done $0x0  }
0x6b: {  	s24 =	simm.s32 $0x380;
	[sflag:s8] =	ssyncadd.s32 $0xFFFFC000  }
0x6c: {  	[tilespmem:s9], [sflag:$0x1] =	stream.indirect.gather [hbm4b:s3+s7], $0x80, s24, s7, $0xb8;
	[tilespmem:$0x1E000] =	vst v63  }
0x6d: {  	s25 =	simm.s32 $0xB00  }
0x6e: {  	[spmem:s2] =	stream.indirect.scatter.add.f32 [tilespmem:s10], [sflag:$0x3], $0x80, s25, s7, $0xb8;
	[tilespmem:$0x1E000] =	vst v63  }
0x6f: {  	_ =	swait.ge [sflag:s5], $0x4000  }
0x70: {  	[sflag:s5] =	ssyncset.done $0x0  }
0x71: {  	[sflag:s5] =	ssyncadd.s32 $0xFFFFC000  }
0x72: {  	_ =	swait.ge [sflag:s8], $0x4000  }
0x73: {  	[sflag:s8] =	ssyncset.done $0x0  }
0x74: {  	s24 =	simm.s32 $0x400;
	[sflag:s8] =	ssyncadd.s32 $0xFFFFC000  }
0x75: {  	[tilespmem:s10], [sflag:$0x1] =	stream.indirect.gather [hbm4b:s3+s7], $0x80, s24, s7, $0xb8;
	[tilespmem:$0x1E000] =	vst v63  }
0x76: {  	s25 =	simm.s32 $0xB80  }
0x77: {  	[spmem:s2] =	stream.indirect.scatter.add.f32 [tilespmem:s9], [sflag:$0x3], $0x80, s25, s7, $0xb8;
	[tilespmem:$0x1E000] =	vst v63  }
0x78: {  	_ =	swait.ge [sflag:s5], $0x4000  }
0x79: {  	[sflag:s5] =	ssyncset.done $0x0  }
0x7a: {  	[sflag:s5] =	ssyncadd.s32 $0xFFFFC000  }
0x7b: {  	_ =	swait.ge [sflag:s8], $0x4000  }
0x7c: {  	[sflag:s8] =	ssyncset.done $0x0  }
0x7d: {  	s24 =	simm.s32 $0x480;
	[sflag:s8] =	ssyncadd.s32 $0xFFFFC000  }
0x7e: {  	[tilespmem:s9], [sflag:$0x1] =	stream.indirect.gather [hbm4b:s3+s7], $0x80, s24, s7, $0xb8;
	[tilespmem:$0x1E000] =	vst v63  }
0x7f: {  	s25 =	simm.s32 $0xC00  }
0x80: {  	[spmem:s2] =	stream.indirect.scatter.add.f32 [tilespmem:s10], [sflag:$0x3], $0x80, s25, s7, $0xb8;
	[tilespmem:$0x1E000] =	vst v63  }
0x81: {  	_ =	swait.ge [sflag:s5], $0x4000  }
0x82: {  	[sflag:s5] =	ssyncset.done $0x0  }
0x83: {  	[sflag:s5] =	ssyncadd.s32 $0xFFFFC000  }
0x84: {  	_ =	swait.ge [sflag:s8], $0x4000  }
0x85: {  	[sflag:s8] =	ssyncset.done $0x0  }
0x86: {  	s24 =	simm.s32 $0x500;
	[sflag:s8] =	ssyncadd.s32 $0xFFFFC000  }
0x87: {  	[tilespmem:s10], [sflag:$0x1] =	stream.indirect.gather [hbm4b:s3+s7], $0x80, s24, s7, $0xb8;
	[tilespmem:$0x1E000] =	vst v63  }
0x88: {  	s25 =	simm.s32 $0xC80  }
0x89: {  	[spmem:s2] =	stream.indirect.scatter.add.f32 [tilespmem:s9], [sflag:$0x3], $0x80, s25, s7, $0xb8;
	[tilespmem:$0x1E000] =	vst v63  }
0x8a: {  	_ =	swait.ge [sflag:s5], $0x4000  }
0x8b: {  	[sflag:s5] =	ssyncset.done $0x0  }
0x8c: {  	[sflag:s5] =	ssyncadd.s32 $0xFFFFC000  }
0x8d: {  	_ =	swait.ge [sflag:s8], $0x4000  }
0x8e: {  	[sflag:s8] =	ssyncset.done $0x0  }
0x8f: {  	s24 =	simm.s32 $0x580;
	[sflag:s8] =	ssyncadd.s32 $0xFFFFC000  }
0x90: {  	[tilespmem:s9], [sflag:$0x1] =	stream.indirect.gather [hbm4b:s3+s7], $0x80, s24, s7, $0xb8;
	[tilespmem:$0x1E000] =	vst v63  }
0x91: {  	s25 =	simm.s32 $0xD00  }
0x92: {  	[spmem:s2] =	stream.indirect.scatter.add.f32 [tilespmem:s10], [sflag:$0x3], $0x80, s25, s7, $0xb8;
	[tilespmem:$0x1E000] =	vst v63  }
0x93: {  	_ =	swait.ge [sflag:s5], $0x4000  }
0x94: {  	[sflag:s5] =	ssyncset.done $0x0  }
0x95: {  	[sflag:s5] =	ssyncadd.s32 $0xFFFFC000  }
0x96: {  	_ =	swait.ge [sflag:s8], $0x4000  }
0x97: {  	[sflag:s8] =	ssyncset.done $0x0  }
0x98: {  	s24 =	simm.s32 $0x600;
	[sflag:s8] =	ssyncadd.s32 $0xFFFFC000  }
0x99: {  	[tilespmem:s10], [sflag:$0x1] =	stream.indirect.gather [hbm4b:s3+s7], $0x80, s24, s7, $0xb8;
	[tilespmem:$0x1E000] =	vst v63  }
0x9a: {  	s25 =	simm.s32 $0xD80  }
0x9b: {  	[spmem:s2] =	stream.indirect.scatter.add.f32 [tilespmem:s9], [sflag:$0x3], $0x80, s25, s7, $0xb8;
	[tilespmem:$0x1E000] =	vst v63  }
0x9c: {  	_ =	swait.ge [sflag:s5], $0x4000  }
0x9d: {  	[sflag:s5] =	ssyncset.done $0x0  }
0x9e: {  	[sflag:s5] =	ssyncadd.s32 $0xFFFFC000  }
0x9f: {  	_ =	swait.ge [sflag:s8], $0x4000  }
0xa0: {  	[sflag:s8] =	ssyncset.done $0x0  }
0xa1: {  	s24 =	simm.s32 $0x680;
	[sflag:s8] =	ssyncadd.s32 $0xFFFFC000  }
0xa2: {  	[tilespmem:s9], [sflag:$0x1] =	stream.indirect.gather [hbm4b:s3+s7], $0x80, s24, s7, $0xb8;
	[tilespmem:$0x1E000] =	vst v63  }
0xa3: {  	s25 =	simm.s32 $0xE00  }
0xa4: {  	[spmem:s2] =	stream.indirect.scatter.add.f32 [tilespmem:s10], [sflag:$0x3], $0x80, s25, s7, $0xb8;
	[tilespmem:$0x1E000] =	vst v63  }
0xa5: {  	_ =	swait.ge [sflag:s5], $0x4000  }
0xa6: {  	[sflag:s5] =	ssyncset.done $0x0  }
0xa7: {  	[sflag:s5] =	ssyncadd.s32 $0xFFFFC000  }
0xa8: {  	_ =	swait.ge [sflag:s8], $0x4000  }
0xa9: {  	[sflag:s8] =	ssyncset.done $0x0  }
0xaa: {  	s24 =	simm.s32 $0x700;
	[sflag:s8] =	ssyncadd.s32 $0xFFFFC000  }
0xab: {  	[tilespmem:s10], [sflag:$0x1] =	stream.indirect.gather [hbm4b:s3+s7], $0x80, s24, s7, $0xb8;
	[tilespmem:$0x1E000] =	vst v63  }
0xac: {  	s25 =	simm.s32 $0xE80  }
0xad: {  	[spmem:s2] =	stream.indirect.scatter.add.f32 [tilespmem:s9], [sflag:$0x3], $0x80, s25, s7, $0xb8;
	[tilespmem:$0x1E000] =	vst v63  }
0xae: {  	_ =	swait.ge [sflag:s5], $0x4000  }
0xaf: {  	[sflag:s5] =	ssyncset.done $0x0  }
0xb0: {  	[sflag:s5] =	ssyncadd.s32 $0xFFFFC000  }
0xb1: {  	_ =	swait.ge [sflag:s8], $0x4000  }
0xb2: {  	[sflag:s8] =	ssyncset.done $0x0  }
0xb3: {  	s24 =	simm.s32 $0x780;
	[sflag:s8] =	ssyncadd.s32 $0xFFFFC000  }
0xb4: {  	[tilespmem:s9], [sflag:$0x1] =	stream.indirect.gather [hbm4b:s3+s7], $0x80, s24, s7, $0xb8;
	[tilespmem:$0x1E000] =	vst v63  }
0xb5: {  	s25 =	simm.s32 $0xF00  }
0xb6: {  	[spmem:s2] =	stream.indirect.scatter.add.f32 [tilespmem:s10], [sflag:$0x3], $0x80, s25, s7, $0xb8;
	[tilespmem:$0x1E000] =	vst v63  }
0xb7: {  	_ =	swait.ge [sflag:s5], $0x4000  }
0xb8: {  	[sflag:s5] =	ssyncset.done $0x0  }
0xb9: {  	[sflag:s5] =	ssyncadd.s32 $0xFFFFC000  }
0xba: {  	_ =	swait.ge [sflag:s8], $0x4000  }
0xbb: {  	[sflag:s8] =	ssyncset.done $0x0  }
0xbc: {  	s24 =	simm.s32 $0xF80;
	[sflag:s8] =	ssyncadd.s32 $0xFFFFC000  }
0xbd: {  	[spmem:s2] =	stream.indirect.scatter.add.f32 [tilespmem:s9], [sflag:$0x3], $0x80, s24, s7, $0xb8;
	[tilespmem:$0x1E000] =	vst v63  }
0xbe: {  	_ =	swait.ge [sflag:s5], $0x4000  }
0xbf: {  	[sflag:s5] =	ssyncset.done $0x0  }
0xc0: {  	[sflag:s5] =	ssyncadd.s32 $0xFFFFC000  }
0xc1: {  	_ =	swait.ge [sflag:s21], $0x800  }
0xc2: {  	[sflag:s21] =	ssyncset.done $0x0  }
0xc3: {  	[sflag:s21] =	ssyncadd.s32 $0xFFFFF800  }
0xc4: {  	_ =	swait.ge [sflag:s21], $0x800  }
0xc5: {  	[sflag:s21] =	ssyncset.done $0x0  }
0xc6: {  	s25 =	rddreg [dreg:$0x8];
	[sflag:s21] =	ssyncadd.s32 $0xFFFFF800  }
0xc7: {  	[tilespmem:s22], [sflag:$0x2] =	stream.linear.gather [hbm4b:s25+s22], $0x800, $0x38;
	[tilespmem:$0x1E000] =	vst v63  }
0xc8: {  	s17 =	simm.s32 $0x800;
	s6 =	rddreg [dreg:$0x9]  }
0xc9: {  	[tilespmem:s17], [sflag:$0x2] =	stream.linear.gather [hbm4b:s6+s22], $0x800, $0x38;
	[tilespmem:$0x1E000] =	vst v63  }
0xca: {  	s28 =	simm.s32 $0x1000  }
0xcb: {  	[tilespmem:s10], [sflag:$0x1] =	stream.indirect.gather [hbm4b:s3+s7], $0x80, s28, s7, $0xb8;
	[tilespmem:$0x1E000] =	vst v63  }
0xcc: {  	_ =	swait.ge [sflag:s8], $0x4000  }
0xcd: {  	[sflag:s8] =	ssyncset.done $0x0  }
0xce: {  	s25 =	simm.s32 $0x1080;
	[sflag:s8] =	ssyncadd.s32 $0xFFFFC000  }
0xcf: {  	[tilespmem:s9], [sflag:$0x1] =	stream.indirect.gather [hbm4b:s3+s7], $0x80, s25, s7, $0xb8;
	[tilespmem:$0x1E000] =	vst v63  }
0xd0: {  	s20 =	simm.s32 $0x1800  }
0xd1: {  	[spmem:s2] =	stream.indirect.scatter.add.f32 [tilespmem:s10], [sflag:$0x3], $0x80, s20, s7, $0xb8;
	[tilespmem:$0x1E000] =	vst v63  }
0xd2: {  	_ =	swait.ge [sflag:s5], $0x4000  }
0xd3: {  	[sflag:s5] =	ssyncset.done $0x0  }
0xd4: {  	[sflag:s5] =	ssyncadd.s32 $0xFFFFC000  }
0xd5: {  	_ =	swait.ge [sflag:s8], $0x4000  }
0xd6: {  	[sflag:s8] =	ssyncset.done $0x0  }
0xd7: {  	s28 =	simm.s32 $0x1100;
	[sflag:s8] =	ssyncadd.s32 $0xFFFFC000  }
0xd8: {  	[tilespmem:s10], [sflag:$0x1] =	stream.indirect.gather [hbm4b:s3+s7], $0x80, s28, s7, $0xb8;
	[tilespmem:$0x1E000] =	vst v63  }
0xd9: {  	s28 =	simm.s32 $0x1880  }
0xda: {  	[spmem:s2] =	stream.indirect.scatter.add.f32 [tilespmem:s9], [sflag:$0x3], $0x80, s28, s7, $0xb8;
	[tilespmem:$0x1E000] =	vst v63  }
0xdb: {  	_ =	swait.ge [sflag:s5], $0x4000  }
0xdc: {  	[sflag:s5] =	ssyncset.done $0x0  }
0xdd: {  	[sflag:s5] =	ssyncadd.s32 $0xFFFFC000  }
0xde: {  	_ =	swait.ge [sflag:s8], $0x4000  }
0xdf: {  	[sflag:s8] =	ssyncset.done $0x0  }
0xe0: {  	s25 =	simm.s32 $0x1180;
	[sflag:s8] =	ssyncadd.s32 $0xFFFFC000  }
0xe1: {  	[tilespmem:s9], [sflag:$0x1] =	stream.indirect.gather [hbm4b:s3+s7], $0x80, s25, s7, $0xb8;
	[tilespmem:$0x1E000] =	vst v63  }
0xe2: {  	s25 =	simm.s32 $0x1900  }
0xe3: {  	[spmem:s2] =	stream.indirect.scatter.add.f32 [tilespmem:s10], [sflag:$0x3], $0x80, s25, s7, $0xb8;
	[tilespmem:$0x1E000] =	vst v63  }
0xe4: {  	_ =	swait.ge [sflag:s5], $0x4000  }
0xe5: {  	[sflag:s5] =	ssyncset.done $0x0  }
0xe6: {  	[sflag:s5] =	ssyncadd.s32 $0xFFFFC000  }
0xe7: {  	_ =	swait.ge [sflag:s8], $0x4000  }
0xe8: {  	[sflag:s8] =	ssyncset.done $0x0  }
0xe9: {  	[sflag:s8] =	ssyncadd.s32 $0xFFFFC000  }
0xea: {  	[tilespmem:s10], [sflag:$0x1] =	stream.indirect.gather [hbm4b:s3+s7], $0x80, s29, s7, $0xb8;
	[tilespmem:$0x1E000] =	vst v63  }
0xeb: {  	_ = 	snop  }
0xec: {  	[spmem:s2] =	stream.indirect.scatter.add.f32 [tilespmem:s9], [sflag:$0x3], $0x80, s4, s7, $0xb8;
	[tilespmem:$0x1E000] =	vst v63  }
0xed: {  	_ =	swait.ge [sflag:s5], $0x4000  }
0xee: {  	[sflag:s5] =	ssyncset.done $0x0  }
0xef: {  	[sflag:s5] =	ssyncadd.s32 $0xFFFFC000  }
0xf0: {  	_ =	swait.ge [sflag:s8], $0x4000  }
0xf1: {  	[sflag:s8] =	ssyncset.done $0x0  }
0xf2: {  	[sflag:s8] =	ssyncadd.s32 $0xFFFFC000  }
0xf3: {  	[tilespmem:s9], [sflag:$0x1] =	stream.indirect.gather [hbm4b:s3+s7], $0x80, s16, s7, $0xb8;
	[tilespmem:$0x1E000] =	vst v63  }
0xf4: {  	_ = 	snop  }
0xf5: {  	[spmem:s2] =	stream.indirect.scatter.add.f32 [tilespmem:s10], [sflag:$0x3], $0x80, s19, s7, $0xb8;
	[tilespmem:$0x1E000] =	vst v63  }
0xf6: {  	_ =	swait.ge [sflag:s5], $0x4000  }
0xf7: {  	[sflag:s5] =	ssyncset.done $0x0  }
0xf8: {  	[sflag:s5] =	ssyncadd.s32 $0xFFFFC000  }
0xf9: {  	_ =	swait.ge [sflag:s8], $0x4000  }
0xfa: {  	[sflag:s8] =	ssyncset.done $0x0  }
0xfb: {  	[sflag:s8] =	ssyncadd.s32 $0xFFFFC000  }
0xfc: {  	[tilespmem:s10], [sflag:$0x1] =	stream.indirect.gather [hbm4b:s3+s7], $0x80, s14, s7, $0xb8;
	[tilespmem:$0x1E000] =	vst v63  }
0xfd: {  	_ = 	snop  }
0xfe: {  	[spmem:s2] =	stream.indirect.scatter.add.f32 [tilespmem:s9], [sflag:$0x3], $0x80, s15, s7, $0xb8;
	[tilespmem:$0x1E000] =	vst v63  }
0xff: {  	_ =	swait.ge [sflag:s5], $0x4000  }
0x100: {  	[sflag:s5] =	ssyncset.done $0x0  }
0x101: {  	[sflag:s5] =	ssyncadd.s32 $0xFFFFC000  }
0x102: {  	_ =	swait.ge [sflag:s8], $0x4000  }
0x103: {  	[sflag:s8] =	ssyncset.done $0x0  }
0x104: {  	[sflag:s8] =	ssyncadd.s32 $0xFFFFC000  }
0x105: {  	[tilespmem:s9], [sflag:$0x1] =	stream.indirect.gather [hbm4b:s3+s7], $0x80, s12, s7, $0xb8;
	[tilespmem:$0x1E000] =	vst v63  }
0x106: {  	_ = 	snop  }
0x107: {  	[spmem:s2] =	stream.indirect.scatter.add.f32 [tilespmem:s10], [sflag:$0x3], $0x80, s13, s7, $0xb8;
	[tilespmem:$0x1E000] =	vst v63  }
0x108: {  	_ =	swait.ge [sflag:s5], $0x4000  }
0x109: {  	[sflag:s5] =	ssyncset.done $0x0  }
0x10a: {  	[sflag:s5] =	ssyncadd.s32 $0xFFFFC000  }
0x10b: {  	_ =	swait.ge [sflag:s8], $0x4000  }
0x10c: {  	[sflag:s8] =	ssyncset.done $0x0  }
0x10d: {  	[sflag:s8] =	ssyncadd.s32 $0xFFFFC000  }
0x10e: {  	[tilespmem:s10], [sflag:$0x1] =	stream.indirect.gather [hbm4b:s3+s7], $0x80, s1, s7, $0xb8;
	[tilespmem:$0x1E000] =	vst v63  }
0x10f: {  	_ = 	snop  }
0x110: {  	[spmem:s2] =	stream.indirect.scatter.add.f32 [tilespmem:s9], [sflag:$0x3], $0x80, s11, s7, $0xb8;
	[tilespmem:$0x1E000] =	vst v63  }
0x111: {  	_ =	swait.ge [sflag:s5], $0x4000  }
0x112: {  	[sflag:s5] =	ssyncset.done $0x0  }
0x113: {  	[sflag:s5] =	ssyncadd.s32 $0xFFFFC000  }
0x114: {  	_ =	swait.ge [sflag:s8], $0x4000  }
0x115: {  	[sflag:s8] =	ssyncset.done $0x0  }
0x116: {  	s25 =	simm.s32 $0x1480;
	[sflag:s8] =	ssyncadd.s32 $0xFFFFC000  }
0x117: {  	[tilespmem:s9], [sflag:$0x1] =	stream.indirect.gather [hbm4b:s3+s7], $0x80, s25, s7, $0xb8;
	[tilespmem:$0x1E000] =	vst v63  }
0x118: {  	s31 =	simm.s32 $0x1C00  }
0x119: {  	[spmem:s2] =	stream.indirect.scatter.add.f32 [tilespmem:s10], [sflag:$0x3], $0x80, s31, s7, $0xb8;
	[tilespmem:$0x1E000] =	vst v63  }
0x11a: {  	_ =	swait.ge [sflag:s5], $0x4000  }
0x11b: {  	[sflag:s5] =	ssyncset.done $0x0  }
0x11c: {  	[sflag:s5] =	ssyncadd.s32 $0xFFFFC000  }
0x11d: {  	_ =	swait.ge [sflag:s8], $0x4000  }
0x11e: {  	[sflag:s8] =	ssyncset.done $0x0  }
0x11f: {  	[sflag:s8] =	ssyncadd.s32 $0xFFFFC000  }
0x120: {  	[tilespmem:s10], [sflag:$0x1] =	stream.indirect.gather [hbm4b:s3+s7], $0x80, s0, s7, $0xb8;
	[tilespmem:$0x1E000] =	vst v63  }
0x121: {  	_ = 	snop  }
0x122: {  	[spmem:s2] =	stream.indirect.scatter.add.f32 [tilespmem:s9], [sflag:$0x3], $0x80, s23, s7, $0xb8;
	[tilespmem:$0x1E000] =	vst v63  }
0x123: {  	_ =	swait.ge [sflag:s5], $0x4000  }
0x124: {  	[sflag:s5] =	ssyncset.done $0x0  }
0x125: {  	[sflag:s5] =	ssyncadd.s32 $0xFFFFC000  }
0x126: {  	_ =	swait.ge [sflag:s8], $0x4000  }
0x127: {  	[sflag:s8] =	ssyncset.done $0x0  }
0x128: {  	s25 =	simm.s32 $0x1580;
	[sflag:s8] =	ssyncadd.s32 $0xFFFFC000  }
0x129: {  	[tilespmem:s9], [sflag:$0x1] =	stream.indirect.gather [hbm4b:s3+s7], $0x80, s25, s7, $0xb8;
	[tilespmem:$0x1E000] =	vst v63  }
0x12a: {  	s31 =	simm.s32 $0x1D00  }
0x12b: {  	[spmem:s2] =	stream.indirect.scatter.add.f32 [tilespmem:s10], [sflag:$0x3], $0x80, s31, s7, $0xb8;
	[tilespmem:$0x1E000] =	vst v63  }
0x12c: {  	_ =	swait.ge [sflag:s5], $0x4000  }
0x12d: {  	[sflag:s5] =	ssyncset.done $0x0  }
0x12e: {  	[sflag:s5] =	ssyncadd.s32 $0xFFFFC000  }
0x12f: {  	_ =	swait.ge [sflag:s8], $0x4000  }
0x130: {  	[sflag:s8] =	ssyncset.done $0x0  }
0x131: {  	s25 =	simm.s32 $0x1600;
	[sflag:s8] =	ssyncadd.s32 $0xFFFFC000  }
0x132: {  	[tilespmem:s10], [sflag:$0x1] =	stream.indirect.gather [hbm4b:s3+s7], $0x80, s25, s7, $0xb8;
	[tilespmem:$0x1E000] =	vst v63  }
0x133: {  	s31 =	simm.s32 $0x1D80  }
0x134: {  	[spmem:s2] =	stream.indirect.scatter.add.f32 [tilespmem:s9], [sflag:$0x3], $0x80, s31, s7, $0xb8;
	[tilespmem:$0x1E000] =	vst v63  }
0x135: {  	_ =	swait.ge [sflag:s5], $0x4000  }
0x136: {  	[sflag:s5] =	ssyncset.done $0x0  }
0x137: {  	[sflag:s5] =	ssyncadd.s32 $0xFFFFC000  }
0x138: {  	_ =	swait.ge [sflag:s8], $0x4000  }
0x139: {  	[sflag:s8] =	ssyncset.done $0x0  }
0x13a: {  	s25 =	simm.s32 $0x1680;
	[sflag:s8] =	ssyncadd.s32 $0xFFFFC000  }
0x13b: {  	[tilespmem:s9], [sflag:$0x1] =	stream.indirect.gather [hbm4b:s3+s7], $0x80, s25, s7, $0xb8;
	[tilespmem:$0x1E000] =	vst v63  }
0x13c: {  	s31 =	simm.s32 $0x1E00  }
0x13d: {  	[spmem:s2] =	stream.indirect.scatter.add.f32 [tilespmem:s10], [sflag:$0x3], $0x80, s31, s7, $0xb8;
	[tilespmem:$0x1E000] =	vst v63  }
0x13e: {  	_ =	swait.ge [sflag:s5], $0x4000  }
0x13f: {  	[sflag:s5] =	ssyncset.done $0x0  }
0x140: {  	[sflag:s5] =	ssyncadd.s32 $0xFFFFC000  }
0x141: {  	_ =	swait.ge [sflag:s8], $0x4000  }
0x142: {  	[sflag:s8] =	ssyncset.done $0x0  }
0x143: {  	s25 =	simm.s32 $0x1700;
	[sflag:s8] =	ssyncadd.s32 $0xFFFFC000  }
0x144: {  	[tilespmem:s10], [sflag:$0x1] =	stream.indirect.gather [hbm4b:s3+s7], $0x80, s25, s7, $0xb8;
	[tilespmem:$0x1E000] =	vst v63  }
0x145: {  	s31 =	simm.s32 $0x1E80  }
0x146: {  	[spmem:s2] =	stream.indirect.scatter.add.f32 [tilespmem:s9], [sflag:$0x3], $0x80, s31, s7, $0xb8;
	[tilespmem:$0x1E000] =	vst v63  }
0x147: {  	_ =	swait.ge [sflag:s5], $0x4000  }
0x148: {  	[sflag:s5] =	ssyncset.done $0x0  }
0x149: {  	[sflag:s5] =	ssyncadd.s32 $0xFFFFC000  }
0x14a: {  	_ =	swait.ge [sflag:s8], $0x4000  }
0x14b: {  	[sflag:s8] =	ssyncset.done $0x0  }
0x14c: {  	s25 =	simm.s32 $0x1780;
	[sflag:s8] =	ssyncadd.s32 $0xFFFFC000  }
0x14d: {  	[tilespmem:s9], [sflag:$0x1] =	stream.indirect.gather [hbm4b:s3+s7], $0x80, s25, s7, $0xb8;
	[tilespmem:$0x1E000] =	vst v63  }
0x14e: {  	s31 =	simm.s32 $0x1F00  }
0x14f: {  	[spmem:s2] =	stream.indirect.scatter.add.f32 [tilespmem:s10], [sflag:$0x3], $0x80, s31, s7, $0xb8;
	[tilespmem:$0x1E000] =	vst v63  }
0x150: {  	_ =	swait.ge [sflag:s5], $0x4000  }
0x151: {  	[sflag:s5] =	ssyncset.done $0x0  }
0x152: {  	[sflag:s5] =	ssyncadd.s32 $0xFFFFC000  }
0x153: {  	_ =	swait.ge [sflag:s8], $0x4000  }
0x154: {  	[sflag:s8] =	ssyncset.done $0x0  }
0x155: {  	s31 =	simm.s32 $0x1F80;
	[sflag:s8] =	ssyncadd.s32 $0xFFFFC000  }
0x156: {  	[spmem:s2] =	stream.indirect.scatter.add.f32 [tilespmem:s9], [sflag:$0x3], $0x80, s31, s7, $0xb8;
	[tilespmem:$0x1E000] =	vst v63  }
0x157: {  	_ =	swait.ge [sflag:s5], $0x4000  }
0x158: {  	[sflag:s5] =	ssyncset.done $0x0  }
0x159: {  	[sflag:s5] =	ssyncadd.s32 $0xFFFFC000  }
0x15a: {  	_ =	swait.ge [sflag:s21], $0x800  }
0x15b: {  	[sflag:s21] =	ssyncset.done $0x0  }
0x15c: {  	[sflag:s21] =	ssyncadd.s32 $0xFFFFF800  }
0x15d: {  	_ =	swait.ge [sflag:s21], $0x800  }
0x15e: {  	s22 =	simm.s32 $0x1000;
	s17 =	smov.u32 s26;
	[sflag:s21] =	ssyncset.done $0x0  }
0x15f: {  	s26 =	simm.s32 $0x0;
	s24 =	rddreg [dreg:$0xa];
	[sflag:s21] =	ssyncadd.s32 $0xFFFFF800  }
0x160: {  	[tilespmem:s22], [sflag:$0x2] =	stream.linear.gather [hbm4b:s24+s26], $0x800, $0x38;
	[tilespmem:$0x1E000] =	vst v63  }
0x161: {  	s20 =	simm.s32 $0x1800;
	s25 =	rddreg [dreg:$0xb]  }
0x162: {  	[tilespmem:s20], [sflag:$0x2] =	stream.linear.gather [hbm4b:s25+s26], $0x800, $0x38;
	[tilespmem:$0x1E000] =	vst v63  }
0x163: {  	_ = 	snop  }
0x164: {  	[tilespmem:s10], [sflag:$0x1] =	stream.indirect.gather [hbm4b:s3+s7], $0x80, s26, s7, $0xb8;
	[tilespmem:$0x1E000] =	vst v63  }
0x165: {  	_ =	swait.ge [sflag:s8], $0x4000  }
0x166: {  	[sflag:s8] =	ssyncset.done $0x0  }
0x167: {  	[sflag:s8] =	ssyncadd.s32 $0xFFFFC000  }
0x168: {  	[tilespmem:s9], [sflag:$0x1] =	stream.indirect.gather [hbm4b:s3+s7], $0x80, s7, s7, $0xb8;
	[tilespmem:$0x1E000] =	vst v63  }
0x169: {  	s6 =	simm.s32 $0x800  }
0x16a: {  	[spmem:s2] =	stream.indirect.scatter.add.f32 [tilespmem:s10], [sflag:$0x3], $0x80, s6, s7, $0xb8;
	[tilespmem:$0x1E000] =	vst v63  }
0x16b: {  	_ =	swait.ge [sflag:s5], $0x4000  }
0x16c: {  	[sflag:s5] =	ssyncset.done $0x0  }
0x16d: {  	[sflag:s5] =	ssyncadd.s32 $0xFFFFC000  }
0x16e: {  	_ =	swait.ge [sflag:s8], $0x4000  }
0x16f: {  	[sflag:s8] =	ssyncset.done $0x0  }
0x170: {  	s25 =	simm.s32 $0x100;
	[sflag:s8] =	ssyncadd.s32 $0xFFFFC000  }
0x171: {  	[tilespmem:s10], [sflag:$0x1] =	stream.indirect.gather [hbm4b:s3+s7], $0x80, s25, s7, $0xb8;
	[tilespmem:$0x1E000] =	vst v63  }
0x172: {  	s6 =	simm.s32 $0x880  }
0x173: {  	[spmem:s2] =	stream.indirect.scatter.add.f32 [tilespmem:s9], [sflag:$0x3], $0x80, s6, s7, $0xb8;
	[tilespmem:$0x1E000] =	vst v63  }
0x174: {  	_ =	swait.ge [sflag:s5], $0x4000  }
0x175: {  	[sflag:s5] =	ssyncset.done $0x0  }
0x176: {  	[sflag:s5] =	ssyncadd.s32 $0xFFFFC000  }
0x177: {  	_ =	swait.ge [sflag:s8], $0x4000  }
0x178: {  	[sflag:s8] =	ssyncset.done $0x0  }
0x179: {  	s25 =	simm.s32 $0x180;
	[sflag:s8] =	ssyncadd.s32 $0xFFFFC000  }
0x17a: {  	[tilespmem:s9], [sflag:$0x1] =	stream.indirect.gather [hbm4b:s3+s7], $0x80, s25, s7, $0xb8;
	[tilespmem:$0x1E000] =	vst v63  }
0x17b: {  	s6 =	simm.s32 $0x900  }
0x17c: {  	[spmem:s2] =	stream.indirect.scatter.add.f32 [tilespmem:s10], [sflag:$0x3], $0x80, s6, s7, $0xb8;
	[tilespmem:$0x1E000] =	vst v63  }
0x17d: {  	_ =	swait.ge [sflag:s5], $0x4000  }
0x17e: {  	[sflag:s5] =	ssyncset.done $0x0  }
0x17f: {  	[sflag:s5] =	ssyncadd.s32 $0xFFFFC000  }
0x180: {  	_ =	swait.ge [sflag:s8], $0x4000  }
0x181: {  	[sflag:s8] =	ssyncset.done $0x0  }
0x182: {  	s25 =	simm.s32 $0x200;
	[sflag:s8] =	ssyncadd.s32 $0xFFFFC000  }
0x183: {  	[tilespmem:s10], [sflag:$0x1] =	stream.indirect.gather [hbm4b:s3+s7], $0x80, s25, s7, $0xb8;
	[tilespmem:$0x1E000] =	vst v63  }
0x184: {  	s6 =	simm.s32 $0x980  }
0x185: {  	[spmem:s2] =	stream.indirect.scatter.add.f32 [tilespmem:s9], [sflag:$0x3], $0x80, s6, s7, $0xb8;
	[tilespmem:$0x1E000] =	vst v63  }
0x186: {  	_ =	swait.ge [sflag:s5], $0x4000  }
0x187: {  	[sflag:s5] =	ssyncset.done $0x0  }
0x188: {  	[sflag:s5] =	ssyncadd.s32 $0xFFFFC000  }
0x189: {  	_ =	swait.ge [sflag:s8], $0x4000  }
0x18a: {  	[sflag:s8] =	ssyncset.done $0x0  }
0x18b: {  	s25 =	simm.s32 $0x280;
	[sflag:s8] =	ssyncadd.s32 $0xFFFFC000  }
0x18c: {  	[tilespmem:s9], [sflag:$0x1] =	stream.indirect.gather [hbm4b:s3+s7], $0x80, s25, s7, $0xb8;
	[tilespmem:$0x1E000] =	vst v63  }
0x18d: {  	s6 =	simm.s32 $0xA00  }
0x18e: {  	[spmem:s2] =	stream.indirect.scatter.add.f32 [tilespmem:s10], [sflag:$0x3], $0x80, s6, s7, $0xb8;
	[tilespmem:$0x1E000] =	vst v63  }
0x18f: {  	_ =	swait.ge [sflag:s5], $0x4000  }
0x190: {  	[sflag:s5] =	ssyncset.done $0x0  }
0x191: {  	[sflag:s5] =	ssyncadd.s32 $0xFFFFC000  }
0x192: {  	_ =	swait.ge [sflag:s8], $0x4000  }
0x193: {  	[sflag:s8] =	ssyncset.done $0x0  }
0x194: {  	s25 =	simm.s32 $0x300;
	[sflag:s8] =	ssyncadd.s32 $0xFFFFC000  }
0x195: {  	[tilespmem:s10], [sflag:$0x1] =	stream.indirect.gather [hbm4b:s3+s7], $0x80, s25, s7, $0xb8;
	[tilespmem:$0x1E000] =	vst v63  }
0x196: {  	s6 =	simm.s32 $0xA80  }
0x197: {  	[spmem:s2] =	stream.indirect.scatter.add.f32 [tilespmem:s9], [sflag:$0x3], $0x80, s6, s7, $0xb8;
	[tilespmem:$0x1E000] =	vst v63  }
0x198: {  	_ =	swait.ge [sflag:s5], $0x4000  }
0x199: {  	[sflag:s5] =	ssyncset.done $0x0  }
0x19a: {  	[sflag:s5] =	ssyncadd.s32 $0xFFFFC000  }
0x19b: {  	_ =	swait.ge [sflag:s8], $0x4000  }
0x19c: {  	[sflag:s8] =	ssyncset.done $0x0  }
0x19d: {  	s25 =	simm.s32 $0x380;
	[sflag:s8] =	ssyncadd.s32 $0xFFFFC000  }
0x19e: {  	[tilespmem:s9], [sflag:$0x1] =	stream.indirect.gather [hbm4b:s3+s7], $0x80, s25, s7, $0xb8;
	[tilespmem:$0x1E000] =	vst v63  }
0x19f: {  	s6 =	simm.s32 $0xB00  }
0x1a0: {  	[spmem:s2] =	stream.indirect.scatter.add.f32 [tilespmem:s10], [sflag:$0x3], $0x80, s6, s7, $0xb8;
	[tilespmem:$0x1E000] =	vst v63  }
0x1a1: {  	_ =	swait.ge [sflag:s5], $0x4000  }
0x1a2: {  	[sflag:s5] =	ssyncset.done $0x0  }
0x1a3: {  	[sflag:s5] =	ssyncadd.s32 $0xFFFFC000  }
0x1a4: {  	_ =	swait.ge [sflag:s8], $0x4000  }
0x1a5: {  	[sflag:s8] =	ssyncset.done $0x0  }
0x1a6: {  	s25 =	simm.s32 $0x400;
	[sflag:s8] =	ssyncadd.s32 $0xFFFFC000  }
0x1a7: {  	[tilespmem:s10], [sflag:$0x1] =	stream.indirect.gather [hbm4b:s3+s7], $0x80, s25, s7, $0xb8;
	[tilespmem:$0x1E000] =	vst v63  }
0x1a8: {  	s6 =	simm.s32 $0xB80  }
0x1a9: {  	[spmem:s2] =	stream.indirect.scatter.add.f32 [tilespmem:s9], [sflag:$0x3], $0x80, s6, s7, $0xb8;
	[tilespmem:$0x1E000] =	vst v63  }
0x1aa: {  	_ =	swait.ge [sflag:s5], $0x4000  }
0x1ab: {  	[sflag:s5] =	ssyncset.done $0x0  }
0x1ac: {  	[sflag:s5] =	ssyncadd.s32 $0xFFFFC000  }
0x1ad: {  	_ =	swait.ge [sflag:s8], $0x4000  }
0x1ae: {  	[sflag:s8] =	ssyncset.done $0x0  }
0x1af: {  	s25 =	simm.s32 $0x480;
	[sflag:s8] =	ssyncadd.s32 $0xFFFFC000  }
0x1b0: {  	[tilespmem:s9], [sflag:$0x1] =	stream.indirect.gather [hbm4b:s3+s7], $0x80, s25, s7, $0xb8;
	[tilespmem:$0x1E000] =	vst v63  }
0x1b1: {  	s6 =	simm.s32 $0xC00  }
0x1b2: {  	[spmem:s2] =	stream.indirect.scatter.add.f32 [tilespmem:s10], [sflag:$0x3], $0x80, s6, s7, $0xb8;
	[tilespmem:$0x1E000] =	vst v63  }
0x1b3: {  	_ =	swait.ge [sflag:s5], $0x4000  }
0x1b4: {  	[sflag:s5] =	ssyncset.done $0x0  }
0x1b5: {  	[sflag:s5] =	ssyncadd.s32 $0xFFFFC000  }
0x1b6: {  	_ =	swait.ge [sflag:s8], $0x4000  }
0x1b7: {  	[sflag:s8] =	ssyncset.done $0x0  }
0x1b8: {  	s25 =	simm.s32 $0x500;
	[sflag:s8] =	ssyncadd.s32 $0xFFFFC000  }
0x1b9: {  	[tilespmem:s10], [sflag:$0x1] =	stream.indirect.gather [hbm4b:s3+s7], $0x80, s25, s7, $0xb8;
	[tilespmem:$0x1E000] =	vst v63  }
0x1ba: {  	s6 =	simm.s32 $0xC80  }
0x1bb: {  	[spmem:s2] =	stream.indirect.scatter.add.f32 [tilespmem:s9], [sflag:$0x3], $0x80, s6, s7, $0xb8;
	[tilespmem:$0x1E000] =	vst v63  }
0x1bc: {  	_ =	swait.ge [sflag:s5], $0x4000  }
0x1bd: {  	[sflag:s5] =	ssyncset.done $0x0  }
0x1be: {  	[sflag:s5] =	ssyncadd.s32 $0xFFFFC000  }
0x1bf: {  	_ =	swait.ge [sflag:s8], $0x4000  }
0x1c0: {  	[sflag:s8] =	ssyncset.done $0x0  }
0x1c1: {  	s25 =	simm.s32 $0x580;
	[sflag:s8] =	ssyncadd.s32 $0xFFFFC000  }
0x1c2: {  	[tilespmem:s9], [sflag:$0x1] =	stream.indirect.gather [hbm4b:s3+s7], $0x80, s25, s7, $0xb8;
	[tilespmem:$0x1E000] =	vst v63  }
0x1c3: {  	s6 =	simm.s32 $0xD00  }
0x1c4: {  	[spmem:s2] =	stream.indirect.scatter.add.f32 [tilespmem:s10], [sflag:$0x3], $0x80, s6, s7, $0xb8;
	[tilespmem:$0x1E000] =	vst v63  }
0x1c5: {  	_ =	swait.ge [sflag:s5], $0x4000  }
0x1c6: {  	[sflag:s5] =	ssyncset.done $0x0  }
0x1c7: {  	[sflag:s5] =	ssyncadd.s32 $0xFFFFC000  }
0x1c8: {  	_ =	swait.ge [sflag:s8], $0x4000  }
0x1c9: {  	[sflag:s8] =	ssyncset.done $0x0  }
0x1ca: {  	s25 =	simm.s32 $0x600;
	[sflag:s8] =	ssyncadd.s32 $0xFFFFC000  }
0x1cb: {  	[tilespmem:s10], [sflag:$0x1] =	stream.indirect.gather [hbm4b:s3+s7], $0x80, s25, s7, $0xb8;
	[tilespmem:$0x1E000] =	vst v63  }
0x1cc: {  	s6 =	simm.s32 $0xD80  }
0x1cd: {  	[spmem:s2] =	stream.indirect.scatter.add.f32 [tilespmem:s9], [sflag:$0x3], $0x80, s6, s7, $0xb8;
	[tilespmem:$0x1E000] =	vst v63  }
0x1ce: {  	_ =	swait.ge [sflag:s5], $0x4000  }
0x1cf: {  	[sflag:s5] =	ssyncset.done $0x0  }
0x1d0: {  	[sflag:s5] =	ssyncadd.s32 $0xFFFFC000  }
0x1d1: {  	_ =	swait.ge [sflag:s8], $0x4000  }
0x1d2: {  	[sflag:s8] =	ssyncset.done $0x0  }
0x1d3: {  	s25 =	simm.s32 $0x680;
	[sflag:s8] =	ssyncadd.s32 $0xFFFFC000  }
0x1d4: {  	[tilespmem:s9], [sflag:$0x1] =	stream.indirect.gather [hbm4b:s3+s7], $0x80, s25, s7, $0xb8;
	[tilespmem:$0x1E000] =	vst v63  }
0x1d5: {  	s6 =	simm.s32 $0xE00  }
0x1d6: {  	[spmem:s2] =	stream.indirect.scatter.add.f32 [tilespmem:s10], [sflag:$0x3], $0x80, s6, s7, $0xb8;
	[tilespmem:$0x1E000] =	vst v63  }
0x1d7: {  	_ =	swait.ge [sflag:s5], $0x4000  }
0x1d8: {  	[sflag:s5] =	ssyncset.done $0x0  }
0x1d9: {  	[sflag:s5] =	ssyncadd.s32 $0xFFFFC000  }
0x1da: {  	_ =	swait.ge [sflag:s8], $0x4000  }
0x1db: {  	[sflag:s8] =	ssyncset.done $0x0  }
0x1dc: {  	s25 =	simm.s32 $0x700;
	[sflag:s8] =	ssyncadd.s32 $0xFFFFC000  }
0x1dd: {  	[tilespmem:s10], [sflag:$0x1] =	stream.indirect.gather [hbm4b:s3+s7], $0x80, s25, s7, $0xb8;
	[tilespmem:$0x1E000] =	vst v63  }
0x1de: {  	s6 =	simm.s32 $0xE80  }
0x1df: {  	[spmem:s2] =	stream.indirect.scatter.add.f32 [tilespmem:s9], [sflag:$0x3], $0x80, s6, s7, $0xb8;
	[tilespmem:$0x1E000] =	vst v63  }
0x1e0: {  	_ =	swait.ge [sflag:s5], $0x4000  }
0x1e1: {  	[sflag:s5] =	ssyncset.done $0x0  }
0x1e2: {  	[sflag:s5] =	ssyncadd.s32 $0xFFFFC000  }
0x1e3: {  	_ =	swait.ge [sflag:s8], $0x4000  }
0x1e4: {  	[sflag:s8] =	ssyncset.done $0x0  }
0x1e5: {  	s25 =	simm.s32 $0x780;
	[sflag:s8] =	ssyncadd.s32 $0xFFFFC000  }
0x1e6: {  	[tilespmem:s9], [sflag:$0x1] =	stream.indirect.gather [hbm4b:s3+s7], $0x80, s25, s7, $0xb8;
	[tilespmem:$0x1E000] =	vst v63  }
0x1e7: {  	s6 =	simm.s32 $0xF00  }
0x1e8: {  	[spmem:s2] =	stream.indirect.scatter.add.f32 [tilespmem:s10], [sflag:$0x3], $0x80, s6, s7, $0xb8;
	[tilespmem:$0x1E000] =	vst v63  }
0x1e9: {  	_ =	swait.ge [sflag:s5], $0x4000  }
0x1ea: {  	[sflag:s5] =	ssyncset.done $0x0  }
0x1eb: {  	[sflag:s5] =	ssyncadd.s32 $0xFFFFC000  }
0x1ec: {  	_ =	swait.ge [sflag:s8], $0x4000  }
0x1ed: {  	[sflag:s8] =	ssyncset.done $0x0  }
0x1ee: {  	s25 =	simm.s32 $0xF80;
	[sflag:s8] =	ssyncadd.s32 $0xFFFFC000  }
0x1ef: {  	[spmem:s2] =	stream.indirect.scatter.add.f32 [tilespmem:s9], [sflag:$0x3], $0x80, s25, s7, $0xb8;
	[tilespmem:$0x1E000] =	vst v63  }
0x1f0: {  	_ =	swait.ge [sflag:s5], $0x4000  }
0x1f1: {  	[sflag:s5] =	ssyncset.done $0x0  }
0x1f2: {  	[sflag:s5] =	ssyncadd.s32 $0xFFFFC000  }
0x1f3: {  	_ =	swait.ge [sflag:s21], $0x800  }
0x1f4: {  	[sflag:s21] =	ssyncset.done $0x0  }
0x1f5: {  	[sflag:s21] =	ssyncadd.s32 $0xFFFFF800  }
0x1f6: {  	_ =	swait.ge [sflag:s21], $0x800  }
0x1f7: {  	[sflag:s21] =	ssyncset.done $0x0  }
0x1f8: {  	s6 =	rddreg [dreg:$0xc];
	[sflag:s21] =	ssyncadd.s32 $0xFFFFF800  }
0x1f9: {  	[tilespmem:s26], [sflag:$0x2] =	stream.linear.gather [hbm4b:s6+s26], $0x800, $0x38;
	[tilespmem:$0x1E000] =	vst v63  }
0x1fa: {  	s25 =	rddreg [dreg:$0xd];
	s6 =	simm.s32 $0x800  }
0x1fb: {  	[tilespmem:s6], [sflag:$0x2] =	stream.linear.gather [hbm4b:s25+s26], $0x800, $0x38;
	[tilespmem:$0x1E000] =	vst v63  }
0x1fc: {  	_ = 	snop  }
0x1fd: {  	[tilespmem:s10], [sflag:$0x1] =	stream.indirect.gather [hbm4b:s3+s7], $0x80, s22, s7, $0xb8;
	[tilespmem:$0x1E000] =	vst v63  }
0x1fe: {  	_ =	swait.ge [sflag:s8], $0x4000  }
0x1ff: {  	[sflag:s8] =	ssyncset.done $0x0  }
0x200: {  	s24 =	simm.s32 $0x1080;
	[sflag:s8] =	ssyncadd.s32 $0xFFFFC000  }
0x201: {  	[tilespmem:s9], [sflag:$0x1] =	stream.indirect.gather [hbm4b:s3+s7], $0x80, s24, s7, $0xb8;
	[tilespmem:$0x1E000] =	vst v63  }
0x202: {  	_ = 	snop  }
0x203: {  	[spmem:s2] =	stream.indirect.scatter.add.f32 [tilespmem:s10], [sflag:$0x3], $0x80, s20, s7, $0xb8;
	[tilespmem:$0x1E000] =	vst v63  }
0x204: {  	_ =	swait.ge [sflag:s5], $0x4000  }
0x205: {  	[sflag:s5] =	ssyncset.done $0x0  }
0x206: {  	[sflag:s5] =	ssyncadd.s32 $0xFFFFC000  }
0x207: {  	_ =	swait.ge [sflag:s8], $0x4000  }
0x208: {  	[sflag:s8] =	ssyncset.done $0x0  }
0x209: {  	s25 =	simm.s32 $0x1100;
	[sflag:s8] =	ssyncadd.s32 $0xFFFFC000  }
0x20a: {  	[tilespmem:s10], [sflag:$0x1] =	stream.indirect.gather [hbm4b:s3+s7], $0x80, s25, s7, $0xb8;
	[tilespmem:$0x1E000] =	vst v63  }
0x20b: {  	_ = 	snop  }
0x20c: {  	[spmem:s2] =	stream.indirect.scatter.add.f32 [tilespmem:s9], [sflag:$0x3], $0x80, s28, s7, $0xb8;
	[tilespmem:$0x1E000] =	vst v63  }
0x20d: {  	_ =	swait.ge [sflag:s5], $0x4000  }
0x20e: {  	[sflag:s5] =	ssyncset.done $0x0  }
0x20f: {  	[sflag:s5] =	ssyncadd.s32 $0xFFFFC000  }
0x210: {  	_ =	swait.ge [sflag:s8], $0x4000  }
0x211: {  	[sflag:s8] =	ssyncset.done $0x0  }
0x212: {  	s26 =	simm.s32 $0x1180;
	[sflag:s8] =	ssyncadd.s32 $0xFFFFC000  }
0x213: {  	[tilespmem:s9], [sflag:$0x1] =	stream.indirect.gather [hbm4b:s3+s7], $0x80, s26, s7, $0xb8;
	[tilespmem:$0x1E000] =	vst v63  }
0x214: {  	s28 =	simm.s32 $0x1900  }
0x215: {  	[spmem:s2] =	stream.indirect.scatter.add.f32 [tilespmem:s10], [sflag:$0x3], $0x80, s28, s7, $0xb8;
	[tilespmem:$0x1E000] =	vst v63  }
0x216: {  	_ =	swait.ge [sflag:s5], $0x4000  }
0x217: {  	[sflag:s5] =	ssyncset.done $0x0  }
0x218: {  	[sflag:s5] =	ssyncadd.s32 $0xFFFFC000  }
0x219: {  	_ =	swait.ge [sflag:s8], $0x4000  }
0x21a: {  	[sflag:s8] =	ssyncset.done $0x0  }
0x21b: {  	[sflag:s8] =	ssyncadd.s32 $0xFFFFC000  }
0x21c: {  	[tilespmem:s10], [sflag:$0x1] =	stream.indirect.gather [hbm4b:s3+s7], $0x80, s29, s7, $0xb8;
	[tilespmem:$0x1E000] =	vst v63  }
0x21d: {  	_ = 	snop  }
0x21e: {  	[spmem:s2] =	stream.indirect.scatter.add.f32 [tilespmem:s9], [sflag:$0x3], $0x80, s4, s7, $0xb8;
	[tilespmem:$0x1E000] =	vst v63  }
0x21f: {  	_ =	swait.ge [sflag:s5], $0x4000  }
0x220: {  	[sflag:s5] =	ssyncset.done $0x0  }
0x221: {  	[sflag:s5] =	ssyncadd.s32 $0xFFFFC000  }
0x222: {  	_ =	swait.ge [sflag:s8], $0x4000  }
0x223: {  	[sflag:s8] =	ssyncset.done $0x0  }
0x224: {  	[sflag:s8] =	ssyncadd.s32 $0xFFFFC000  }
0x225: {  	[tilespmem:s9], [sflag:$0x1] =	stream.indirect.gather [hbm4b:s3+s7], $0x80, s16, s7, $0xb8;
	[tilespmem:$0x1E000] =	vst v63  }
0x226: {  	_ = 	snop  }
0x227: {  	[spmem:s2] =	stream.indirect.scatter.add.f32 [tilespmem:s10], [sflag:$0x3], $0x80, s19, s7, $0xb8;
	[tilespmem:$0x1E000] =	vst v63  }
0x228: {  	_ =	swait.ge [sflag:s5], $0x4000  }
0x229: {  	[sflag:s5] =	ssyncset.done $0x0  }
0x22a: {  	[sflag:s5] =	ssyncadd.s32 $0xFFFFC000  }
0x22b: {  	_ =	swait.ge [sflag:s8], $0x4000  }
0x22c: {  	[sflag:s8] =	ssyncset.done $0x0  }
0x22d: {  	[sflag:s8] =	ssyncadd.s32 $0xFFFFC000  }
0x22e: {  	[tilespmem:s10], [sflag:$0x1] =	stream.indirect.gather [hbm4b:s3+s7], $0x80, s14, s7, $0xb8;
	[tilespmem:$0x1E000] =	vst v63  }
0x22f: {  	_ = 	snop  }
0x230: {  	[spmem:s2] =	stream.indirect.scatter.add.f32 [tilespmem:s9], [sflag:$0x3], $0x80, s15, s7, $0xb8;
	[tilespmem:$0x1E000] =	vst v63  }
0x231: {  	_ =	swait.ge [sflag:s5], $0x4000  }
0x232: {  	[sflag:s5] =	ssyncset.done $0x0  }
0x233: {  	[sflag:s5] =	ssyncadd.s32 $0xFFFFC000  }
0x234: {  	_ =	swait.ge [sflag:s8], $0x4000  }
0x235: {  	[sflag:s8] =	ssyncset.done $0x0  }
0x236: {  	[sflag:s8] =	ssyncadd.s32 $0xFFFFC000  }
0x237: {  	[tilespmem:s9], [sflag:$0x1] =	stream.indirect.gather [hbm4b:s3+s7], $0x80, s12, s7, $0xb8;
	[tilespmem:$0x1E000] =	vst v63  }
0x238: {  	_ = 	snop  }
0x239: {  	[spmem:s2] =	stream.indirect.scatter.add.f32 [tilespmem:s10], [sflag:$0x3], $0x80, s13, s7, $0xb8;
	[tilespmem:$0x1E000] =	vst v63  }
0x23a: {  	_ =	swait.ge [sflag:s5], $0x4000  }
0x23b: {  	[sflag:s5] =	ssyncset.done $0x0  }
0x23c: {  	[sflag:s5] =	ssyncadd.s32 $0xFFFFC000  }
0x23d: {  	_ =	swait.ge [sflag:s8], $0x4000  }
0x23e: {  	[sflag:s8] =	ssyncset.done $0x0  }
0x23f: {  	[sflag:s8] =	ssyncadd.s32 $0xFFFFC000  }
0x240: {  	[tilespmem:s10], [sflag:$0x1] =	stream.indirect.gather [hbm4b:s3+s7], $0x80, s1, s7, $0xb8;
	[tilespmem:$0x1E000] =	vst v63  }
0x241: {  	_ = 	snop  }
0x242: {  	[spmem:s2] =	stream.indirect.scatter.add.f32 [tilespmem:s9], [sflag:$0x3], $0x80, s11, s7, $0xb8;
	[tilespmem:$0x1E000] =	vst v63  }
0x243: {  	_ =	swait.ge [sflag:s5], $0x4000  }
0x244: {  	[sflag:s5] =	ssyncset.done $0x0  }
0x245: {  	[sflag:s5] =	ssyncadd.s32 $0xFFFFC000  }
0x246: {  	_ =	swait.ge [sflag:s8], $0x4000  }
0x247: {  	[sflag:s8] =	ssyncset.done $0x0  }
0x248: {  	s19 =	simm.s32 $0x1480;
	[sflag:s8] =	ssyncadd.s32 $0xFFFFC000  }
0x249: {  	[tilespmem:s9], [sflag:$0x1] =	stream.indirect.gather [hbm4b:s3+s7], $0x80, s19, s7, $0xb8;
	[tilespmem:$0x1E000] =	vst v63  }
0x24a: {  	s20 =	simm.s32 $0x1C00  }
0x24b: {  	[spmem:s2] =	stream.indirect.scatter.add.f32 [tilespmem:s10], [sflag:$0x3], $0x80, s20, s7, $0xb8;
	[tilespmem:$0x1E000] =	vst v63  }
0x24c: {  	_ =	swait.ge [sflag:s5], $0x4000  }
0x24d: {  	[sflag:s5] =	ssyncset.done $0x0  }
0x24e: {  	[sflag:s5] =	ssyncadd.s32 $0xFFFFC000  }
0x24f: {  	_ =	swait.ge [sflag:s8], $0x4000  }
0x250: {  	[sflag:s8] =	ssyncset.done $0x0  }
0x251: {  	[sflag:s8] =	ssyncadd.s32 $0xFFFFC000  }
0x252: {  	[tilespmem:s10], [sflag:$0x1] =	stream.indirect.gather [hbm4b:s3+s7], $0x80, s0, s7, $0xb8;
	[tilespmem:$0x1E000] =	vst v63  }
0x253: {  	_ = 	snop  }
0x254: {  	[spmem:s2] =	stream.indirect.scatter.add.f32 [tilespmem:s9], [sflag:$0x3], $0x80, s23, s7, $0xb8;
	[tilespmem:$0x1E000] =	vst v63  }
0x255: {  	_ =	swait.ge [sflag:s5], $0x4000  }
0x256: {  	[sflag:s5] =	ssyncset.done $0x0  }
0x257: {  	[sflag:s5] =	ssyncadd.s32 $0xFFFFC000  }
0x258: {  	_ =	swait.ge [sflag:s8], $0x4000  }
0x259: {  	[sflag:s8] =	ssyncset.done $0x0  }
0x25a: {  	s24 =	simm.s32 $0x1580;
	[sflag:s8] =	ssyncadd.s32 $0xFFFFC000  }
0x25b: {  	[tilespmem:s9], [sflag:$0x1] =	stream.indirect.gather [hbm4b:s3+s7], $0x80, s24, s7, $0xb8;
	[tilespmem:$0x1E000] =	vst v63  }
0x25c: {  	s25 =	simm.s32 $0x1D00  }
0x25d: {  	[spmem:s2] =	stream.indirect.scatter.add.f32 [tilespmem:s10], [sflag:$0x3], $0x80, s25, s7, $0xb8;
	[tilespmem:$0x1E000] =	vst v63  }
0x25e: {  	_ =	swait.ge [sflag:s5], $0x4000  }
0x25f: {  	[sflag:s5] =	ssyncset.done $0x0  }
0x260: {  	[sflag:s5] =	ssyncadd.s32 $0xFFFFC000  }
0x261: {  	_ =	swait.ge [sflag:s8], $0x4000  }
0x262: {  	[sflag:s8] =	ssyncset.done $0x0  }
0x263: {  	s26 =	simm.s32 $0x1600;
	[sflag:s8] =	ssyncadd.s32 $0xFFFFC000  }
0x264: {  	[tilespmem:s10], [sflag:$0x1] =	stream.indirect.gather [hbm4b:s3+s7], $0x80, s26, s7, $0xb8;
	[tilespmem:$0x1E000] =	vst v63  }
0x265: {  	s28 =	simm.s32 $0x1D80  }
0x266: {  	[spmem:s2] =	stream.indirect.scatter.add.f32 [tilespmem:s9], [sflag:$0x3], $0x80, s28, s7, $0xb8;
	[tilespmem:$0x1E000] =	vst v63  }
0x267: {  	_ =	swait.ge [sflag:s5], $0x4000  }
0x268: {  	[sflag:s5] =	ssyncset.done $0x0  }
0x269: {  	[sflag:s5] =	ssyncadd.s32 $0xFFFFC000  }
0x26a: {  	_ =	swait.ge [sflag:s8], $0x4000  }
0x26b: {  	[sflag:s8] =	ssyncset.done $0x0  }
0x26c: {  	s29 =	simm.s32 $0x1680;
	[sflag:s8] =	ssyncadd.s32 $0xFFFFC000  }
0x26d: {  	[tilespmem:s9], [sflag:$0x1] =	stream.indirect.gather [hbm4b:s3+s7], $0x80, s29, s7, $0xb8;
	[tilespmem:$0x1E000] =	vst v63  }
0x26e: {  	s1 =	simm.s32 $0x1E00  }
0x26f: {  	[spmem:s2] =	stream.indirect.scatter.add.f32 [tilespmem:s10], [sflag:$0x3], $0x80, s1, s7, $0xb8;
	[tilespmem:$0x1E000] =	vst v63  }
0x270: {  	_ =	swait.ge [sflag:s5], $0x4000  }
0x271: {  	[sflag:s5] =	ssyncset.done $0x0  }
0x272: {  	[sflag:s5] =	ssyncadd.s32 $0xFFFFC000  }
0x273: {  	_ =	swait.ge [sflag:s8], $0x4000  }
0x274: {  	[sflag:s8] =	ssyncset.done $0x0  }
0x275: {  	s4 =	simm.s32 $0x1700;
	[sflag:s8] =	ssyncadd.s32 $0xFFFFC000  }
0x276: {  	[tilespmem:s10], [sflag:$0x1] =	stream.indirect.gather [hbm4b:s3+s7], $0x80, s4, s7, $0xb8;
	[tilespmem:$0x1E000] =	vst v63  }
0x277: {  	s11 =	simm.s32 $0x1E80  }
0x278: {  	[spmem:s2] =	stream.indirect.scatter.add.f32 [tilespmem:s9], [sflag:$0x3], $0x80, s11, s7, $0xb8;
	[tilespmem:$0x1E000] =	vst v63  }
0x279: {  	_ =	swait.ge [sflag:s5], $0x4000  }
0x27a: {  	[sflag:s5] =	ssyncset.done $0x0  }
0x27b: {  	[sflag:s5] =	ssyncadd.s32 $0xFFFFC000  }
0x27c: {  	_ =	swait.ge [sflag:s8], $0x4000  }
0x27d: {  	[sflag:s8] =	ssyncset.done $0x0  }
0x27e: {  	s12 =	simm.s32 $0x1780;
	[sflag:s8] =	ssyncadd.s32 $0xFFFFC000  }
0x27f: {  	[tilespmem:s9], [sflag:$0x1] =	stream.indirect.gather [hbm4b:s3+s7], $0x80, s12, s7, $0xb8;
	[tilespmem:$0x1E000] =	vst v63  }
0x280: {  	s13 =	simm.s32 $0x1F00  }
0x281: {  	[spmem:s2] =	stream.indirect.scatter.add.f32 [tilespmem:s10], [sflag:$0x3], $0x80, s13, s7, $0xb8;
	[tilespmem:$0x1E000] =	vst v63  }
0x282: {  	_ =	swait.ge [sflag:s5], $0x4000  }
0x283: {  	[sflag:s5] =	ssyncset.done $0x0  }
0x284: {  	[sflag:s5] =	ssyncadd.s32 $0xFFFFC000  }
0x285: {  	_ =	swait.ge [sflag:s8], $0x4000  }
0x286: {  	[sflag:s8] =	ssyncset.done $0x0  }
0x287: {  	[sflag:s8] =	ssyncadd.s32 $0xFFFFC000  }
0x288: {  	[spmem:s2] =	stream.indirect.scatter.add.f32 [tilespmem:s9], [sflag:$0x3], $0x80, s31, s7, $0xb8;
	[tilespmem:$0x1E000] =	vst v63  }
0x289: {  	_ =	swait.ge [sflag:s5], $0x4000  }
0x28a: {  	[sflag:s5] =	ssyncset.done $0x0  }
0x28b: {  	[sflag:s5] =	ssyncadd.s32 $0xFFFFC000  }
0x28c: {  	_ =	swait.ge [sflag:s21], $0x800  }
0x28d: {  	[sflag:s21] =	ssyncset.done $0x0  }
0x28e: {  	[sflag:s21] =	ssyncadd.s32 $0xFFFFF800  }
0x28f: {  	_ =	swait.ge [sflag:s21], $0x800  }
0x290: {  	[sflag:s21] =	ssyncset.done $0x0  }
0x291: {  	s22 =	simm.s32 $0x0;
	[sflag:s21] =	ssyncadd.s32 $0xFFFFF800  }
0x292: {  	[tilespmem:s10], [sflag:$0x1] =	stream.indirect.gather [hbm4b:s3+s7], $0x80, s22, s7, $0xb8;
	[tilespmem:$0x1E000] =	vst v63  }
0x293: {  	_ =	swait.ge [sflag:s8], $0x4000  }
0x294: {  	[sflag:s8] =	ssyncset.done $0x0  }
0x295: {  	[sflag:s8] =	ssyncadd.s32 $0xFFFFC000  }
0x296: {  	[tilespmem:s9], [sflag:$0x1] =	stream.indirect.gather [hbm4b:s3+s7], $0x80, s7, s7, $0xb8;
	[tilespmem:$0x1E000] =	vst v63  }
0x297: {  	_ = 	snop  }
0x298: {  	[spmem:s2] =	stream.indirect.scatter.add.f32 [tilespmem:s10], [sflag:$0x3], $0x80, s6, s7, $0xb8;
	[tilespmem:$0x1E000] =	vst v63  }
0x299: {  	_ =	swait.ge [sflag:s5], $0x4000  }
0x29a: {  	[sflag:s5] =	ssyncset.done $0x0  }
0x29b: {  	[sflag:s5] =	ssyncadd.s32 $0xFFFFC000  }
0x29c: {  	_ =	swait.ge [sflag:s8], $0x4000  }
0x29d: {  	[sflag:s8] =	ssyncset.done $0x0  }
0x29e: {  	s14 =	simm.s32 $0x100;
	[sflag:s8] =	ssyncadd.s32 $0xFFFFC000  }
0x29f: {  	[tilespmem:s10], [sflag:$0x1] =	stream.indirect.gather [hbm4b:s3+s7], $0x80, s14, s7, $0xb8;
	[tilespmem:$0x1E000] =	vst v63  }
0x2a0: {  	s15 =	simm.s32 $0x880  }
0x2a1: {  	[spmem:s2] =	stream.indirect.scatter.add.f32 [tilespmem:s9], [sflag:$0x3], $0x80, s15, s7, $0xb8;
	[tilespmem:$0x1E000] =	vst v63  }
0x2a2: {  	_ =	swait.ge [sflag:s5], $0x4000  }
0x2a3: {  	[sflag:s5] =	ssyncset.done $0x0  }
0x2a4: {  	[sflag:s5] =	ssyncadd.s32 $0xFFFFC000  }
0x2a5: {  	_ =	swait.ge [sflag:s8], $0x4000  }
0x2a6: {  	[sflag:s8] =	ssyncset.done $0x0  }
0x2a7: {  	s16 =	simm.s32 $0x180;
	[sflag:s8] =	ssyncadd.s32 $0xFFFFC000  }
0x2a8: {  	[tilespmem:s9], [sflag:$0x1] =	stream.indirect.gather [hbm4b:s3+s7], $0x80, s16, s7, $0xb8;
	[tilespmem:$0x1E000] =	vst v63  }
0x2a9: {  	s19 =	simm.s32 $0x900  }
0x2aa: {  	[spmem:s2] =	stream.indirect.scatter.add.f32 [tilespmem:s10], [sflag:$0x3], $0x80, s19, s7, $0xb8;
	[tilespmem:$0x1E000] =	vst v63  }
0x2ab: {  	_ =	swait.ge [sflag:s5], $0x4000  }
0x2ac: {  	[sflag:s5] =	ssyncset.done $0x0  }
0x2ad: {  	[sflag:s5] =	ssyncadd.s32 $0xFFFFC000  }
0x2ae: {  	_ =	swait.ge [sflag:s8], $0x4000  }
0x2af: {  	[sflag:s8] =	ssyncset.done $0x0  }
0x2b0: {  	s20 =	simm.s32 $0x200;
	[sflag:s8] =	ssyncadd.s32 $0xFFFFC000  }
0x2b1: {  	[tilespmem:s10], [sflag:$0x1] =	stream.indirect.gather [hbm4b:s3+s7], $0x80, s20, s7, $0xb8;
	[tilespmem:$0x1E000] =	vst v63  }
0x2b2: {  	s23 =	simm.s32 $0x980  }
0x2b3: {  	[spmem:s2] =	stream.indirect.scatter.add.f32 [tilespmem:s9], [sflag:$0x3], $0x80, s23, s7, $0xb8;
	[tilespmem:$0x1E000] =	vst v63  }
0x2b4: {  	_ =	swait.ge [sflag:s5], $0x4000  }
0x2b5: {  	[sflag:s5] =	ssyncset.done $0x0  }
0x2b6: {  	[sflag:s5] =	ssyncadd.s32 $0xFFFFC000  }
0x2b7: {  	_ =	swait.ge [sflag:s8], $0x4000  }
0x2b8: {  	[sflag:s8] =	ssyncset.done $0x0  }
0x2b9: {  	s24 =	simm.s32 $0x280;
	[sflag:s8] =	ssyncadd.s32 $0xFFFFC000  }
0x2ba: {  	[tilespmem:s9], [sflag:$0x1] =	stream.indirect.gather [hbm4b:s3+s7], $0x80, s24, s7, $0xb8;
	[tilespmem:$0x1E000] =	vst v63  }
0x2bb: {  	s25 =	simm.s32 $0xA00  }
0x2bc: {  	[spmem:s2] =	stream.indirect.scatter.add.f32 [tilespmem:s10], [sflag:$0x3], $0x80, s25, s7, $0xb8;
	[tilespmem:$0x1E000] =	vst v63  }
0x2bd: {  	_ =	swait.ge [sflag:s5], $0x4000  }
0x2be: {  	[sflag:s5] =	ssyncset.done $0x0  }
0x2bf: {  	[sflag:s5] =	ssyncadd.s32 $0xFFFFC000  }
0x2c0: {  	_ =	swait.ge [sflag:s8], $0x4000  }
0x2c1: {  	[sflag:s8] =	ssyncset.done $0x0  }
0x2c2: {  	s26 =	simm.s32 $0x300;
	[sflag:s8] =	ssyncadd.s32 $0xFFFFC000  }
0x2c3: {  	[tilespmem:s10], [sflag:$0x1] =	stream.indirect.gather [hbm4b:s3+s7], $0x80, s26, s7, $0xb8;
	[tilespmem:$0x1E000] =	vst v63  }
0x2c4: {  	s28 =	simm.s32 $0xA80  }
0x2c5: {  	[spmem:s2] =	stream.indirect.scatter.add.f32 [tilespmem:s9], [sflag:$0x3], $0x80, s28, s7, $0xb8;
	[tilespmem:$0x1E000] =	vst v63  }
0x2c6: {  	_ =	swait.ge [sflag:s5], $0x4000  }
0x2c7: {  	[sflag:s5] =	ssyncset.done $0x0  }
0x2c8: {  	[sflag:s5] =	ssyncadd.s32 $0xFFFFC000  }
0x2c9: {  	_ =	swait.ge [sflag:s8], $0x4000  }
0x2ca: {  	[sflag:s8] =	ssyncset.done $0x0  }
0x2cb: {  	s29 =	simm.s32 $0x380;
	[sflag:s8] =	ssyncadd.s32 $0xFFFFC000  }
0x2cc: {  	[tilespmem:s9], [sflag:$0x1] =	stream.indirect.gather [hbm4b:s3+s7], $0x80, s29, s7, $0xb8;
	[tilespmem:$0x1E000] =	vst v63  }
0x2cd: {  	s31 =	simm.s32 $0xB00  }
0x2ce: {  	[spmem:s2] =	stream.indirect.scatter.add.f32 [tilespmem:s10], [sflag:$0x3], $0x80, s31, s7, $0xb8;
	[tilespmem:$0x1E000] =	vst v63  }
0x2cf: {  	_ =	swait.ge [sflag:s5], $0x4000  }
0x2d0: {  	[sflag:s5] =	ssyncset.done $0x0  }
0x2d1: {  	[sflag:s5] =	ssyncadd.s32 $0xFFFFC000  }
0x2d2: {  	_ =	swait.ge [sflag:s8], $0x4000  }
0x2d3: {  	[sflag:s8] =	ssyncset.done $0x0  }
0x2d4: {  	s1 =	simm.s32 $0x400;
	[sflag:s8] =	ssyncadd.s32 $0xFFFFC000  }
0x2d5: {  	[tilespmem:s10], [sflag:$0x1] =	stream.indirect.gather [hbm4b:s3+s7], $0x80, s1, s7, $0xb8;
	[tilespmem:$0x1E000] =	vst v63  }
0x2d6: {  	s4 =	simm.s32 $0xB80  }
0x2d7: {  	[spmem:s2] =	stream.indirect.scatter.add.f32 [tilespmem:s9], [sflag:$0x3], $0x80, s4, s7, $0xb8;
	[tilespmem:$0x1E000] =	vst v63  }
0x2d8: {  	_ =	swait.ge [sflag:s5], $0x4000  }
0x2d9: {  	[sflag:s5] =	ssyncset.done $0x0  }
0x2da: {  	[sflag:s5] =	ssyncadd.s32 $0xFFFFC000  }
0x2db: {  	_ =	swait.ge [sflag:s8], $0x4000  }
0x2dc: {  	[sflag:s8] =	ssyncset.done $0x0  }
0x2dd: {  	s6 =	simm.s32 $0x480;
	[sflag:s8] =	ssyncadd.s32 $0xFFFFC000  }
0x2de: {  	[tilespmem:s9], [sflag:$0x1] =	stream.indirect.gather [hbm4b:s3+s7], $0x80, s6, s7, $0xb8;
	[tilespmem:$0x1E000] =	vst v63  }
0x2df: {  	s11 =	simm.s32 $0xC00  }
0x2e0: {  	[spmem:s2] =	stream.indirect.scatter.add.f32 [tilespmem:s10], [sflag:$0x3], $0x80, s11, s7, $0xb8;
	[tilespmem:$0x1E000] =	vst v63  }
0x2e1: {  	_ =	swait.ge [sflag:s5], $0x4000  }
0x2e2: {  	[sflag:s5] =	ssyncset.done $0x0  }
0x2e3: {  	[sflag:s5] =	ssyncadd.s32 $0xFFFFC000  }
0x2e4: {  	_ =	swait.ge [sflag:s8], $0x4000  }
0x2e5: {  	[sflag:s8] =	ssyncset.done $0x0  }
0x2e6: {  	s12 =	simm.s32 $0x500;
	[sflag:s8] =	ssyncadd.s32 $0xFFFFC000  }
0x2e7: {  	[tilespmem:s10], [sflag:$0x1] =	stream.indirect.gather [hbm4b:s3+s7], $0x80, s12, s7, $0xb8;
	[tilespmem:$0x1E000] =	vst v63  }
0x2e8: {  	s13 =	simm.s32 $0xC80  }
0x2e9: {  	[spmem:s2] =	stream.indirect.scatter.add.f32 [tilespmem:s9], [sflag:$0x3], $0x80, s13, s7, $0xb8;
	[tilespmem:$0x1E000] =	vst v63  }
0x2ea: {  	_ =	swait.ge [sflag:s5], $0x4000  }
0x2eb: {  	[sflag:s5] =	ssyncset.done $0x0  }
0x2ec: {  	[sflag:s5] =	ssyncadd.s32 $0xFFFFC000  }
0x2ed: {  	_ =	swait.ge [sflag:s8], $0x4000  }
0x2ee: {  	[sflag:s8] =	ssyncset.done $0x0  }
0x2ef: {  	s14 =	simm.s32 $0x580;
	[sflag:s8] =	ssyncadd.s32 $0xFFFFC000  }
0x2f0: {  	[tilespmem:s9], [sflag:$0x1] =	stream.indirect.gather [hbm4b:s3+s7], $0x80, s14, s7, $0xb8;
	[tilespmem:$0x1E000] =	vst v63  }
0x2f1: {  	s15 =	simm.s32 $0xD00  }
0x2f2: {  	[spmem:s2] =	stream.indirect.scatter.add.f32 [tilespmem:s10], [sflag:$0x3], $0x80, s15, s7, $0xb8;
	[tilespmem:$0x1E000] =	vst v63  }
0x2f3: {  	_ =	swait.ge [sflag:s5], $0x4000  }
0x2f4: {  	[sflag:s5] =	ssyncset.done $0x0  }
0x2f5: {  	[sflag:s5] =	ssyncadd.s32 $0xFFFFC000  }
0x2f6: {  	_ =	swait.ge [sflag:s8], $0x4000  }
0x2f7: {  	[sflag:s8] =	ssyncset.done $0x0  }
0x2f8: {  	s16 =	simm.s32 $0x600;
	[sflag:s8] =	ssyncadd.s32 $0xFFFFC000  }
0x2f9: {  	[tilespmem:s10], [sflag:$0x1] =	stream.indirect.gather [hbm4b:s3+s7], $0x80, s16, s7, $0xb8;
	[tilespmem:$0x1E000] =	vst v63  }
0x2fa: {  	s19 =	simm.s32 $0xD80  }
0x2fb: {  	[spmem:s2] =	stream.indirect.scatter.add.f32 [tilespmem:s9], [sflag:$0x3], $0x80, s19, s7, $0xb8;
	[tilespmem:$0x1E000] =	vst v63  }
0x2fc: {  	_ =	swait.ge [sflag:s5], $0x4000  }
0x2fd: {  	[sflag:s5] =	ssyncset.done $0x0  }
0x2fe: {  	[sflag:s5] =	ssyncadd.s32 $0xFFFFC000  }
0x2ff: {  	_ =	swait.ge [sflag:s8], $0x4000  }
0x300: {  	[sflag:s8] =	ssyncset.done $0x0  }
0x301: {  	s20 =	simm.s32 $0x680;
	[sflag:s8] =	ssyncadd.s32 $0xFFFFC000  }
0x302: {  	[tilespmem:s9], [sflag:$0x1] =	stream.indirect.gather [hbm4b:s3+s7], $0x80, s20, s7, $0xb8;
	[tilespmem:$0x1E000] =	vst v63  }
0x303: {  	s23 =	simm.s32 $0xE00  }
0x304: {  	[spmem:s2] =	stream.indirect.scatter.add.f32 [tilespmem:s10], [sflag:$0x3], $0x80, s23, s7, $0xb8;
	[tilespmem:$0x1E000] =	vst v63  }
0x305: {  	_ =	swait.ge [sflag:s5], $0x4000  }
0x306: {  	[sflag:s5] =	ssyncset.done $0x0  }
0x307: {  	[sflag:s5] =	ssyncadd.s32 $0xFFFFC000  }
0x308: {  	_ =	swait.ge [sflag:s8], $0x4000  }
0x309: {  	[sflag:s8] =	ssyncset.done $0x0  }
0x30a: {  	s24 =	simm.s32 $0x700;
	[sflag:s8] =	ssyncadd.s32 $0xFFFFC000  }
0x30b: {  	[tilespmem:s10], [sflag:$0x1] =	stream.indirect.gather [hbm4b:s3+s7], $0x80, s24, s7, $0xb8;
	[tilespmem:$0x1E000] =	vst v63  }
0x30c: {  	s25 =	simm.s32 $0xE80  }
0x30d: {  	[spmem:s2] =	stream.indirect.scatter.add.f32 [tilespmem:s9], [sflag:$0x3], $0x80, s25, s7, $0xb8;
	[tilespmem:$0x1E000] =	vst v63  }
0x30e: {  	_ =	swait.ge [sflag:s5], $0x4000  }
0x30f: {  	[sflag:s5] =	ssyncset.done $0x0  }
0x310: {  	[sflag:s5] =	ssyncadd.s32 $0xFFFFC000  }
0x311: {  	_ =	swait.ge [sflag:s8], $0x4000  }
0x312: {  	[sflag:s8] =	ssyncset.done $0x0  }
0x313: {  	s26 =	simm.s32 $0x780;
	[sflag:s8] =	ssyncadd.s32 $0xFFFFC000  }
0x314: {  	[tilespmem:s9], [sflag:$0x1] =	stream.indirect.gather [hbm4b:s3+s7], $0x80, s26, s7, $0xb8;
	[tilespmem:$0x1E000] =	vst v63  }
0x315: {  	s28 =	simm.s32 $0xF00  }
0x316: {  	[spmem:s2] =	stream.indirect.scatter.add.f32 [tilespmem:s10], [sflag:$0x3], $0x80, s28, s7, $0xb8;
	[tilespmem:$0x1E000] =	vst v63  }
0x317: {  	_ =	swait.ge [sflag:s5], $0x4000  }
0x318: {  	[sflag:s5] =	ssyncset.done $0x0  }
0x319: {  	[sflag:s5] =	ssyncadd.s32 $0xFFFFC000  }
0x31a: {  	_ =	swait.ge [sflag:s8], $0x4000  }
0x31b: {  	[sflag:s8] =	ssyncset.done $0x0  }
0x31c: {  	s29 =	simm.s32 $0xF80;
	[sflag:s8] =	ssyncadd.s32 $0xFFFFC000  }
0x31d: {  	[spmem:s2] =	stream.indirect.scatter.add.f32 [tilespmem:s9], [sflag:$0x3], $0x80, s29, s7, $0xb8;
	[tilespmem:$0x1E000] =	vst v63  }
0x31e: {  	_ =	swait.ge [sflag:s5], $0x4000  }
0x31f: {  	[sflag:s5] =	ssyncset.done $0x0  }
0x320: {  	p1 =	sne.s32 s17, $0x1;
	[sflag:s5] =	ssyncadd.s32 $0xFFFFC000  }
.Ltmp1:
0x321: {  	[bflag:$0x0] =	sbarrier.arrive $0xFFFF;
	(pc) =	sbr.rel @!p1 .LBB2_6-.Ltmp1, $4  }
0x322: {  	s31 =	rddreg [dreg:$0xe]  }
0x323: {  	[hbm:s31], [sflag:s30] =	dma.local [spmem:s18], $0x2800  }
0x324: {  	p0 =	por $0x1, $0x1;
	_ =	swait.ge [sflag:s5], $0x2800  }
0x325: {  	s24 =	sadd.s32 $0xFFFFFFFF, s17;
	s25 =	rddreg [dreg:$0x4];
	[sflag:s5] =	ssyncset.done $0x0  }
0x326: {  	s31 =	simm.s32 $0x800  }
0x327: {  	s29 =	simm.s32 $0x1000;
	s30 =	simm.s32 $0x1800;
	s4 =	simm.s32 $0x1080  }
0x328: {  	s11 =	simm.s32 $0x1880;
	s6 =	simm.s32 $0x1900;
	s17 =	simm.s32 $0x1580  }
0x329: {  	s23 =	simm.s32 $0x1D00;
	s16 =	simm.s32 $0x1600;
	s15 =	simm.s32 $0x1680  }
0x32a: {  	s20 =	simm.s32 $0x1E00;
	s14 =	simm.s32 $0x1700;
	s19 =	simm.s32 $0x1E80  }
0x32b: {  	s13 =	simm.s32 $0x1780;
	s18 =	simm.s32 $0x1F00;
	s12 =	simm.s32 $0x1F80  }
.LBB2_3:
0x32c: {  	s26 =	rddreg [dreg:$0x3]  }
0x32d: {  	s28 =	rddreg [dreg:$0x5]  }
0x32e: {  	[sflag:s5] =	ssyncadd.s32 $0xFFFFD800;
	s0 =	rddreg [dreg:$0xf]  }
0x32f: {  	[tilespmem:s22], [sflag:$0x2] =	stream.linear.gather [hbm4b:s25+s22], $0x800, $0x38;
	[tilespmem:$0x1E000] =	vst v63  }
0x330: {  	s1 =	rddreg [dreg:$0x10]  }
0x331: {  	[tilespmem:s31], [sflag:$0x2] =	stream.linear.gather [hbm4b:s28+s22], $0x800, $0x38;
	[tilespmem:$0x1E000] =	vst v63  }
0x332: {  	[spmem:s0], [sflag:s1] =	dma.local [hbm:s26], $0x2800  }
0x333: {  	_ =	swait.ge [sflag:s5], $0x2800  }
0x334: {  	[sflag:s5] =	ssyncset.done $0x0  }
0x335: {  	[sflag:s5] =	ssyncadd.s32 $0xFFFFD800  }
0x336: {  	[bflag:$0x0] =	sbarrier.arrive $0xFFFF  }
0x337: {  	_ =	swait.ge [sflag:s21], $0x800  }
0x338: {  	[sflag:s21] =	ssyncset.done $0x0  }
0x339: {  	[sflag:s21] =	ssyncadd.s32 $0xFFFFF800  }
0x33a: {  	_ =	swait.ge [sflag:s21], $0x800  }
0x33b: {  	[sflag:s21] =	ssyncset.done $0x0  }
0x33c: {  	s0 =	rddreg [dreg:$0x6];
	[sflag:s21] =	ssyncadd.s32 $0xFFFFF800  }
0x33d: {  	[tilespmem:s29], [sflag:$0x2] =	stream.linear.gather [hbm4b:s0+s22], $0x800, $0x38;
	[tilespmem:$0x1E000] =	vst v63  }
0x33e: {  	s1 =	rddreg [dreg:$0x7]  }
0x33f: {  	[tilespmem:s30], [sflag:$0x2] =	stream.linear.gather [hbm4b:s1+s22], $0x800, $0x38;
	[tilespmem:$0x1E000] =	vst v63  }
0x340: {  	_ = 	snop  }
0x341: {  	[tilespmem:s10], [sflag:$0x1] =	stream.indirect.gather [hbm4b:s3+s7], $0x80, s22, s7, $0xb8;
	[tilespmem:$0x1E000] =	vst v63  }
0x342: {  	_ =	swait.ge [sflag:s8], $0x4000  }
0x343: {  	[sflag:s8] =	ssyncset.done $0x0  }
0x344: {  	[sflag:s8] =	ssyncadd.s32 $0xFFFFC000  }
0x345: {  	[tilespmem:s9], [sflag:$0x1] =	stream.indirect.gather [hbm4b:s3+s7], $0x80, s7, s7, $0xb8;
	[tilespmem:$0x1E000] =	vst v63  }
0x346: {  	_ = 	snop  }
0x347: {  	[spmem:s2] =	stream.indirect.scatter.add.f32 [tilespmem:s10], [sflag:$0x3], $0x80, s31, s7, $0xb8;
	[tilespmem:$0x1E000] =	vst v63  }
0x348: {  	_ =	swait.ge [sflag:s5], $0x4000  }
0x349: {  	[sflag:s5] =	ssyncset.done $0x0  }
0x34a: {  	[sflag:s5] =	ssyncadd.s32 $0xFFFFC000  }
0x34b: {  	_ =	swait.ge [sflag:s8], $0x4000  }
0x34c: {  	[sflag:s8] =	ssyncset.done $0x0  }
0x34d: {  	s28 =	simm.s32 $0x100;
	[sflag:s8] =	ssyncadd.s32 $0xFFFFC000  }
0x34e: {  	[tilespmem:s10], [sflag:$0x1] =	stream.indirect.gather [hbm4b:s3+s7], $0x80, s28, s7, $0xb8;
	[tilespmem:$0x1E000] =	vst v63  }
0x34f: {  	s1 =	simm.s32 $0x880  }
0x350: {  	[spmem:s2] =	stream.indirect.scatter.add.f32 [tilespmem:s9], [sflag:$0x3], $0x80, s1, s7, $0xb8;
	[tilespmem:$0x1E000] =	vst v63  }
0x351: {  	_ =	swait.ge [sflag:s5], $0x4000  }
0x352: {  	[sflag:s5] =	ssyncset.done $0x0  }
0x353: {  	[sflag:s5] =	ssyncadd.s32 $0xFFFFC000  }
0x354: {  	_ =	swait.ge [sflag:s8], $0x4000  }
0x355: {  	[sflag:s8] =	ssyncset.done $0x0  }
0x356: {  	s25 =	simm.s32 $0x180;
	[sflag:s8] =	ssyncadd.s32 $0xFFFFC000  }
0x357: {  	[tilespmem:s9], [sflag:$0x1] =	stream.indirect.gather [hbm4b:s3+s7], $0x80, s25, s7, $0xb8;
	[tilespmem:$0x1E000] =	vst v63  }
0x358: {  	s26 =	simm.s32 $0x900  }
0x359: {  	[spmem:s2] =	stream.indirect.scatter.add.f32 [tilespmem:s10], [sflag:$0x3], $0x80, s26, s7, $0xb8;
	[tilespmem:$0x1E000] =	vst v63  }
0x35a: {  	_ =	swait.ge [sflag:s5], $0x4000  }
0x35b: {  	[sflag:s5] =	ssyncset.done $0x0  }
0x35c: {  	[sflag:s5] =	ssyncadd.s32 $0xFFFFC000  }
0x35d: {  	_ =	swait.ge [sflag:s8], $0x4000  }
0x35e: {  	[sflag:s8] =	ssyncset.done $0x0  }
0x35f: {  	s28 =	simm.s32 $0x200;
	[sflag:s8] =	ssyncadd.s32 $0xFFFFC000  }
0x360: {  	[tilespmem:s10], [sflag:$0x1] =	stream.indirect.gather [hbm4b:s3+s7], $0x80, s28, s7, $0xb8;
	[tilespmem:$0x1E000] =	vst v63  }
0x361: {  	s1 =	simm.s32 $0x980  }
0x362: {  	[spmem:s2] =	stream.indirect.scatter.add.f32 [tilespmem:s9], [sflag:$0x3], $0x80, s1, s7, $0xb8;
	[tilespmem:$0x1E000] =	vst v63  }
0x363: {  	_ =	swait.ge [sflag:s5], $0x4000  }
0x364: {  	[sflag:s5] =	ssyncset.done $0x0  }
0x365: {  	[sflag:s5] =	ssyncadd.s32 $0xFFFFC000  }
0x366: {  	_ =	swait.ge [sflag:s8], $0x4000  }
0x367: {  	[sflag:s8] =	ssyncset.done $0x0  }
0x368: {  	s25 =	simm.s32 $0x280;
	[sflag:s8] =	ssyncadd.s32 $0xFFFFC000  }
0x369: {  	[tilespmem:s9], [sflag:$0x1] =	stream.indirect.gather [hbm4b:s3+s7], $0x80, s25, s7, $0xb8;
	[tilespmem:$0x1E000] =	vst v63  }
0x36a: {  	s26 =	simm.s32 $0xA00  }
0x36b: {  	[spmem:s2] =	stream.indirect.scatter.add.f32 [tilespmem:s10], [sflag:$0x3], $0x80, s26, s7, $0xb8;
	[tilespmem:$0x1E000] =	vst v63  }
0x36c: {  	_ =	swait.ge [sflag:s5], $0x4000  }
0x36d: {  	[sflag:s5] =	ssyncset.done $0x0  }
0x36e: {  	[sflag:s5] =	ssyncadd.s32 $0xFFFFC000  }
0x36f: {  	_ =	swait.ge [sflag:s8], $0x4000  }
0x370: {  	[sflag:s8] =	ssyncset.done $0x0  }
0x371: {  	s28 =	simm.s32 $0x300;
	[sflag:s8] =	ssyncadd.s32 $0xFFFFC000  }
0x372: {  	[tilespmem:s10], [sflag:$0x1] =	stream.indirect.gather [hbm4b:s3+s7], $0x80, s28, s7, $0xb8;
	[tilespmem:$0x1E000] =	vst v63  }
0x373: {  	s1 =	simm.s32 $0xA80  }
0x374: {  	[spmem:s2] =	stream.indirect.scatter.add.f32 [tilespmem:s9], [sflag:$0x3], $0x80, s1, s7, $0xb8;
	[tilespmem:$0x1E000] =	vst v63  }
0x375: {  	_ =	swait.ge [sflag:s5], $0x4000  }
0x376: {  	[sflag:s5] =	ssyncset.done $0x0  }
0x377: {  	[sflag:s5] =	ssyncadd.s32 $0xFFFFC000  }
0x378: {  	_ =	swait.ge [sflag:s8], $0x4000  }
0x379: {  	[sflag:s8] =	ssyncset.done $0x0  }
0x37a: {  	s25 =	simm.s32 $0x380;
	[sflag:s8] =	ssyncadd.s32 $0xFFFFC000  }
0x37b: {  	[tilespmem:s9], [sflag:$0x1] =	stream.indirect.gather [hbm4b:s3+s7], $0x80, s25, s7, $0xb8;
	[tilespmem:$0x1E000] =	vst v63  }
0x37c: {  	s26 =	simm.s32 $0xB00  }
0x37d: {  	[spmem:s2] =	stream.indirect.scatter.add.f32 [tilespmem:s10], [sflag:$0x3], $0x80, s26, s7, $0xb8;
	[tilespmem:$0x1E000] =	vst v63  }
0x37e: {  	_ =	swait.ge [sflag:s5], $0x4000  }
0x37f: {  	[sflag:s5] =	ssyncset.done $0x0  }
0x380: {  	[sflag:s5] =	ssyncadd.s32 $0xFFFFC000  }
0x381: {  	_ =	swait.ge [sflag:s8], $0x4000  }
0x382: {  	[sflag:s8] =	ssyncset.done $0x0  }
0x383: {  	s28 =	simm.s32 $0x400;
	[sflag:s8] =	ssyncadd.s32 $0xFFFFC000  }
0x384: {  	[tilespmem:s10], [sflag:$0x1] =	stream.indirect.gather [hbm4b:s3+s7], $0x80, s28, s7, $0xb8;
	[tilespmem:$0x1E000] =	vst v63  }
0x385: {  	s1 =	simm.s32 $0xB80  }
0x386: {  	[spmem:s2] =	stream.indirect.scatter.add.f32 [tilespmem:s9], [sflag:$0x3], $0x80, s1, s7, $0xb8;
	[tilespmem:$0x1E000] =	vst v63  }
0x387: {  	_ =	swait.ge [sflag:s5], $0x4000  }
0x388: {  	[sflag:s5] =	ssyncset.done $0x0  }
0x389: {  	[sflag:s5] =	ssyncadd.s32 $0xFFFFC000  }
0x38a: {  	_ =	swait.ge [sflag:s8], $0x4000  }
0x38b: {  	[sflag:s8] =	ssyncset.done $0x0  }
0x38c: {  	s25 =	simm.s32 $0x480;
	[sflag:s8] =	ssyncadd.s32 $0xFFFFC000  }
0x38d: {  	[tilespmem:s9], [sflag:$0x1] =	stream.indirect.gather [hbm4b:s3+s7], $0x80, s25, s7, $0xb8;
	[tilespmem:$0x1E000] =	vst v63  }
0x38e: {  	s26 =	simm.s32 $0xC00  }
0x38f: {  	[spmem:s2] =	stream.indirect.scatter.add.f32 [tilespmem:s10], [sflag:$0x3], $0x80, s26, s7, $0xb8;
	[tilespmem:$0x1E000] =	vst v63  }
0x390: {  	_ =	swait.ge [sflag:s5], $0x4000  }
0x391: {  	[sflag:s5] =	ssyncset.done $0x0  }
0x392: {  	[sflag:s5] =	ssyncadd.s32 $0xFFFFC000  }
0x393: {  	_ =	swait.ge [sflag:s8], $0x4000  }
0x394: {  	[sflag:s8] =	ssyncset.done $0x0  }
0x395: {  	s28 =	simm.s32 $0x500;
	[sflag:s8] =	ssyncadd.s32 $0xFFFFC000  }
0x396: {  	[tilespmem:s10], [sflag:$0x1] =	stream.indirect.gather [hbm4b:s3+s7], $0x80, s28, s7, $0xb8;
	[tilespmem:$0x1E000] =	vst v63  }
0x397: {  	s1 =	simm.s32 $0xC80  }
0x398: {  	[spmem:s2] =	stream.indirect.scatter.add.f32 [tilespmem:s9], [sflag:$0x3], $0x80, s1, s7, $0xb8;
	[tilespmem:$0x1E000] =	vst v63  }
0x399: {  	_ =	swait.ge [sflag:s5], $0x4000  }
0x39a: {  	[sflag:s5] =	ssyncset.done $0x0  }
0x39b: {  	[sflag:s5] =	ssyncadd.s32 $0xFFFFC000  }
0x39c: {  	_ =	swait.ge [sflag:s8], $0x4000  }
0x39d: {  	[sflag:s8] =	ssyncset.done $0x0  }
0x39e: {  	s25 =	simm.s32 $0x580;
	[sflag:s8] =	ssyncadd.s32 $0xFFFFC000  }
0x39f: {  	[tilespmem:s9], [sflag:$0x1] =	stream.indirect.gather [hbm4b:s3+s7], $0x80, s25, s7, $0xb8;
	[tilespmem:$0x1E000] =	vst v63  }
0x3a0: {  	s26 =	simm.s32 $0xD00  }
0x3a1: {  	[spmem:s2] =	stream.indirect.scatter.add.f32 [tilespmem:s10], [sflag:$0x3], $0x80, s26, s7, $0xb8;
	[tilespmem:$0x1E000] =	vst v63  }
0x3a2: {  	_ =	swait.ge [sflag:s5], $0x4000  }
0x3a3: {  	[sflag:s5] =	ssyncset.done $0x0  }
0x3a4: {  	[sflag:s5] =	ssyncadd.s32 $0xFFFFC000  }
0x3a5: {  	_ =	swait.ge [sflag:s8], $0x4000  }
0x3a6: {  	[sflag:s8] =	ssyncset.done $0x0  }
0x3a7: {  	s28 =	simm.s32 $0x600;
	[sflag:s8] =	ssyncadd.s32 $0xFFFFC000  }
0x3a8: {  	[tilespmem:s10], [sflag:$0x1] =	stream.indirect.gather [hbm4b:s3+s7], $0x80, s28, s7, $0xb8;
	[tilespmem:$0x1E000] =	vst v63  }
0x3a9: {  	s1 =	simm.s32 $0xD80  }
0x3aa: {  	[spmem:s2] =	stream.indirect.scatter.add.f32 [tilespmem:s9], [sflag:$0x3], $0x80, s1, s7, $0xb8;
	[tilespmem:$0x1E000] =	vst v63  }
0x3ab: {  	_ =	swait.ge [sflag:s5], $0x4000  }
0x3ac: {  	[sflag:s5] =	ssyncset.done $0x0  }
0x3ad: {  	[sflag:s5] =	ssyncadd.s32 $0xFFFFC000  }
0x3ae: {  	_ =	swait.ge [sflag:s8], $0x4000  }
0x3af: {  	[sflag:s8] =	ssyncset.done $0x0  }
0x3b0: {  	s25 =	simm.s32 $0x680;
	[sflag:s8] =	ssyncadd.s32 $0xFFFFC000  }
0x3b1: {  	[tilespmem:s9], [sflag:$0x1] =	stream.indirect.gather [hbm4b:s3+s7], $0x80, s25, s7, $0xb8;
	[tilespmem:$0x1E000] =	vst v63  }
0x3b2: {  	s26 =	simm.s32 $0xE00  }
0x3b3: {  	[spmem:s2] =	stream.indirect.scatter.add.f32 [tilespmem:s10], [sflag:$0x3], $0x80, s26, s7, $0xb8;
	[tilespmem:$0x1E000] =	vst v63  }
0x3b4: {  	_ =	swait.ge [sflag:s5], $0x4000  }
0x3b5: {  	[sflag:s5] =	ssyncset.done $0x0  }
0x3b6: {  	[sflag:s5] =	ssyncadd.s32 $0xFFFFC000  }
0x3b7: {  	_ =	swait.ge [sflag:s8], $0x4000  }
0x3b8: {  	[sflag:s8] =	ssyncset.done $0x0  }
0x3b9: {  	s28 =	simm.s32 $0x700;
	[sflag:s8] =	ssyncadd.s32 $0xFFFFC000  }
0x3ba: {  	[tilespmem:s10], [sflag:$0x1] =	stream.indirect.gather [hbm4b:s3+s7], $0x80, s28, s7, $0xb8;
	[tilespmem:$0x1E000] =	vst v63  }
0x3bb: {  	s1 =	simm.s32 $0xE80  }
0x3bc: {  	[spmem:s2] =	stream.indirect.scatter.add.f32 [tilespmem:s9], [sflag:$0x3], $0x80, s1, s7, $0xb8;
	[tilespmem:$0x1E000] =	vst v63  }
0x3bd: {  	_ =	swait.ge [sflag:s5], $0x4000  }
0x3be: {  	[sflag:s5] =	ssyncset.done $0x0  }
0x3bf: {  	[sflag:s5] =	ssyncadd.s32 $0xFFFFC000  }
0x3c0: {  	_ =	swait.ge [sflag:s8], $0x4000  }
0x3c1: {  	[sflag:s8] =	ssyncset.done $0x0  }
0x3c2: {  	s25 =	simm.s32 $0x780;
	[sflag:s8] =	ssyncadd.s32 $0xFFFFC000  }
0x3c3: {  	[tilespmem:s9], [sflag:$0x1] =	stream.indirect.gather [hbm4b:s3+s7], $0x80, s25, s7, $0xb8;
	[tilespmem:$0x1E000] =	vst v63  }
0x3c4: {  	s26 =	simm.s32 $0xF00  }
0x3c5: {  	[spmem:s2] =	stream.indirect.scatter.add.f32 [tilespmem:s10], [sflag:$0x3], $0x80, s26, s7, $0xb8;
	[tilespmem:$0x1E000] =	vst v63  }
0x3c6: {  	_ =	swait.ge [sflag:s5], $0x4000  }
0x3c7: {  	[sflag:s5] =	ssyncset.done $0x0  }
0x3c8: {  	[sflag:s5] =	ssyncadd.s32 $0xFFFFC000  }
0x3c9: {  	_ =	swait.ge [sflag:s8], $0x4000  }
0x3ca: {  	[sflag:s8] =	ssyncset.done $0x0  }
0x3cb: {  	s28 =	simm.s32 $0xF80;
	[sflag:s8] =	ssyncadd.s32 $0xFFFFC000  }
0x3cc: {  	[spmem:s2] =	stream.indirect.scatter.add.f32 [tilespmem:s9], [sflag:$0x3], $0x80, s28, s7, $0xb8;
	[tilespmem:$0x1E000] =	vst v63  }
0x3cd: {  	_ =	swait.ge [sflag:s5], $0x4000  }
0x3ce: {  	[sflag:s5] =	ssyncset.done $0x0  }
0x3cf: {  	[sflag:s5] =	ssyncadd.s32 $0xFFFFC000  }
0x3d0: {  	_ =	swait.ge [sflag:s21], $0x800  }
0x3d1: {  	[sflag:s21] =	ssyncset.done $0x0  }
0x3d2: {  	[sflag:s21] =	ssyncadd.s32 $0xFFFFF800  }
0x3d3: {  	_ =	swait.ge [sflag:s21], $0x800  }
0x3d4: {  	[sflag:s21] =	ssyncset.done $0x0  }
0x3d5: {  	s0 =	rddreg [dreg:$0x8];
	[sflag:s21] =	ssyncadd.s32 $0xFFFFF800  }
0x3d6: {  	[tilespmem:s22], [sflag:$0x2] =	stream.linear.gather [hbm4b:s0+s22], $0x800, $0x38;
	[tilespmem:$0x1E000] =	vst v63  }
0x3d7: {  	s1 =	rddreg [dreg:$0x9]  }
0x3d8: {  	[tilespmem:s31], [sflag:$0x2] =	stream.linear.gather [hbm4b:s1+s22], $0x800, $0x38;
	[tilespmem:$0x1E000] =	vst v63  }
0x3d9: {  	_ = 	snop  }
0x3da: {  	[tilespmem:s10], [sflag:$0x1] =	stream.indirect.gather [hbm4b:s3+s7], $0x80, s29, s7, $0xb8;
	[tilespmem:$0x1E000] =	vst v63  }
0x3db: {  	_ =	swait.ge [sflag:s8], $0x4000  }
0x3dc: {  	[sflag:s8] =	ssyncset.done $0x0  }
0x3dd: {  	[sflag:s8] =	ssyncadd.s32 $0xFFFFC000  }
0x3de: {  	[tilespmem:s9], [sflag:$0x1] =	stream.indirect.gather [hbm4b:s3+s7], $0x80, s4, s7, $0xb8;
	[tilespmem:$0x1E000] =	vst v63  }
0x3df: {  	_ = 	snop  }
0x3e0: {  	[spmem:s2] =	stream.indirect.scatter.add.f32 [tilespmem:s10], [sflag:$0x3], $0x80, s30, s7, $0xb8;
	[tilespmem:$0x1E000] =	vst v63  }
0x3e1: {  	_ =	swait.ge [sflag:s5], $0x4000  }
0x3e2: {  	[sflag:s5] =	ssyncset.done $0x0  }
0x3e3: {  	[sflag:s5] =	ssyncadd.s32 $0xFFFFC000  }
0x3e4: {  	_ =	swait.ge [sflag:s8], $0x4000  }
0x3e5: {  	[sflag:s8] =	ssyncset.done $0x0  }
0x3e6: {  	s1 =	simm.s32 $0x1100;
	[sflag:s8] =	ssyncadd.s32 $0xFFFFC000  }
0x3e7: {  	[tilespmem:s10], [sflag:$0x1] =	stream.indirect.gather [hbm4b:s3+s7], $0x80, s1, s7, $0xb8;
	[tilespmem:$0x1E000] =	vst v63  }
0x3e8: {  	_ = 	snop  }
0x3e9: {  	[spmem:s2] =	stream.indirect.scatter.add.f32 [tilespmem:s9], [sflag:$0x3], $0x80, s11, s7, $0xb8;
	[tilespmem:$0x1E000] =	vst v63  }
0x3ea: {  	_ =	swait.ge [sflag:s5], $0x4000  }
0x3eb: {  	[sflag:s5] =	ssyncset.done $0x0  }
0x3ec: {  	[sflag:s5] =	ssyncadd.s32 $0xFFFFC000  }
0x3ed: {  	_ =	swait.ge [sflag:s8], $0x4000  }
0x3ee: {  	[sflag:s8] =	ssyncset.done $0x0  }
0x3ef: {  	s28 =	simm.s32 $0x1180;
	[sflag:s8] =	ssyncadd.s32 $0xFFFFC000  }
0x3f0: {  	[tilespmem:s9], [sflag:$0x1] =	stream.indirect.gather [hbm4b:s3+s7], $0x80, s28, s7, $0xb8;
	[tilespmem:$0x1E000] =	vst v63  }
0x3f1: {  	_ = 	snop  }
0x3f2: {  	[spmem:s2] =	stream.indirect.scatter.add.f32 [tilespmem:s10], [sflag:$0x3], $0x80, s6, s7, $0xb8;
	[tilespmem:$0x1E000] =	vst v63  }
0x3f3: {  	_ =	swait.ge [sflag:s5], $0x4000  }
0x3f4: {  	[sflag:s5] =	ssyncset.done $0x0  }
0x3f5: {  	[sflag:s5] =	ssyncadd.s32 $0xFFFFC000  }
0x3f6: {  	_ =	swait.ge [sflag:s8], $0x4000  }
0x3f7: {  	[sflag:s8] =	ssyncset.done $0x0  }
0x3f8: {  	s22 =	simm.s32 $0x1200;
	[sflag:s8] =	ssyncadd.s32 $0xFFFFC000  }
0x3f9: {  	[tilespmem:s10], [sflag:$0x1] =	stream.indirect.gather [hbm4b:s3+s7], $0x80, s22, s7, $0xb8;
	[tilespmem:$0x1E000] =	vst v63  }
0x3fa: {  	s25 =	simm.s32 $0x1980  }
0x3fb: {  	[spmem:s2] =	stream.indirect.scatter.add.f32 [tilespmem:s9], [sflag:$0x3], $0x80, s25, s7, $0xb8;
	[tilespmem:$0x1E000] =	vst v63  }
0x3fc: {  	_ =	swait.ge [sflag:s5], $0x4000  }
0x3fd: {  	[sflag:s5] =	ssyncset.done $0x0  }
0x3fe: {  	[sflag:s5] =	ssyncadd.s32 $0xFFFFC000  }
0x3ff: {  	_ =	swait.ge [sflag:s8], $0x4000  }
0x400: {  	[sflag:s8] =	ssyncset.done $0x0  }
0x401: {  	s26 =	simm.s32 $0x1280;
	[sflag:s8] =	ssyncadd.s32 $0xFFFFC000  }
0x402: {  	[tilespmem:s9], [sflag:$0x1] =	stream.indirect.gather [hbm4b:s3+s7], $0x80, s26, s7, $0xb8;
	[tilespmem:$0x1E000] =	vst v63  }
0x403: {  	s22 =	simm.s32 $0x1A00  }
0x404: {  	[spmem:s2] =	stream.indirect.scatter.add.f32 [tilespmem:s10], [sflag:$0x3], $0x80, s22, s7, $0xb8;
	[tilespmem:$0x1E000] =	vst v63  }
0x405: {  	_ =	swait.ge [sflag:s5], $0x4000  }
0x406: {  	[sflag:s5] =	ssyncset.done $0x0  }
0x407: {  	[sflag:s5] =	ssyncadd.s32 $0xFFFFC000  }
0x408: {  	_ =	swait.ge [sflag:s8], $0x4000  }
0x409: {  	[sflag:s8] =	ssyncset.done $0x0  }
0x40a: {  	s25 =	simm.s32 $0x1300;
	[sflag:s8] =	ssyncadd.s32 $0xFFFFC000  }
0x40b: {  	[tilespmem:s10], [sflag:$0x1] =	stream.indirect.gather [hbm4b:s3+s7], $0x80, s25, s7, $0xb8;
	[tilespmem:$0x1E000] =	vst v63  }
0x40c: {  	s26 =	simm.s32 $0x1A80  }
0x40d: {  	[spmem:s2] =	stream.indirect.scatter.add.f32 [tilespmem:s9], [sflag:$0x3], $0x80, s26, s7, $0xb8;
	[tilespmem:$0x1E000] =	vst v63  }
0x40e: {  	_ =	swait.ge [sflag:s5], $0x4000  }
0x40f: {  	[sflag:s5] =	ssyncset.done $0x0  }
0x410: {  	[sflag:s5] =	ssyncadd.s32 $0xFFFFC000  }
0x411: {  	_ =	swait.ge [sflag:s8], $0x4000  }
0x412: {  	[sflag:s8] =	ssyncset.done $0x0  }
0x413: {  	s22 =	simm.s32 $0x1380;
	[sflag:s8] =	ssyncadd.s32 $0xFFFFC000  }
0x414: {  	[tilespmem:s9], [sflag:$0x1] =	stream.indirect.gather [hbm4b:s3+s7], $0x80, s22, s7, $0xb8;
	[tilespmem:$0x1E000] =	vst v63  }
0x415: {  	s25 =	simm.s32 $0x1B00  }
0x416: {  	[spmem:s2] =	stream.indirect.scatter.add.f32 [tilespmem:s10], [sflag:$0x3], $0x80, s25, s7, $0xb8;
	[tilespmem:$0x1E000] =	vst v63  }
0x417: {  	_ =	swait.ge [sflag:s5], $0x4000  }
0x418: {  	[sflag:s5] =	ssyncset.done $0x0  }
0x419: {  	[sflag:s5] =	ssyncadd.s32 $0xFFFFC000  }
0x41a: {  	_ =	swait.ge [sflag:s8], $0x4000  }
0x41b: {  	[sflag:s8] =	ssyncset.done $0x0  }
0x41c: {  	s26 =	simm.s32 $0x1400;
	[sflag:s8] =	ssyncadd.s32 $0xFFFFC000  }
0x41d: {  	[tilespmem:s10], [sflag:$0x1] =	stream.indirect.gather [hbm4b:s3+s7], $0x80, s26, s7, $0xb8;
	[tilespmem:$0x1E000] =	vst v63  }
0x41e: {  	s22 =	simm.s32 $0x1B80  }
0x41f: {  	[spmem:s2] =	stream.indirect.scatter.add.f32 [tilespmem:s9], [sflag:$0x3], $0x80, s22, s7, $0xb8;
	[tilespmem:$0x1E000] =	vst v63  }
0x420: {  	_ =	swait.ge [sflag:s5], $0x4000  }
0x421: {  	[sflag:s5] =	ssyncset.done $0x0  }
0x422: {  	[sflag:s5] =	ssyncadd.s32 $0xFFFFC000  }
0x423: {  	_ =	swait.ge [sflag:s8], $0x4000  }
0x424: {  	[sflag:s8] =	ssyncset.done $0x0  }
0x425: {  	s25 =	simm.s32 $0x1480;
	[sflag:s8] =	ssyncadd.s32 $0xFFFFC000  }
0x426: {  	[tilespmem:s9], [sflag:$0x1] =	stream.indirect.gather [hbm4b:s3+s7], $0x80, s25, s7, $0xb8;
	[tilespmem:$0x1E000] =	vst v63  }
0x427: {  	s26 =	simm.s32 $0x1C00  }
0x428: {  	[spmem:s2] =	stream.indirect.scatter.add.f32 [tilespmem:s10], [sflag:$0x3], $0x80, s26, s7, $0xb8;
	[tilespmem:$0x1E000] =	vst v63  }
0x429: {  	_ =	swait.ge [sflag:s5], $0x4000  }
0x42a: {  	[sflag:s5] =	ssyncset.done $0x0  }
0x42b: {  	[sflag:s5] =	ssyncadd.s32 $0xFFFFC000  }
0x42c: {  	_ =	swait.ge [sflag:s8], $0x4000  }
0x42d: {  	[sflag:s8] =	ssyncset.done $0x0  }
0x42e: {  	s22 =	simm.s32 $0x1500;
	[sflag:s8] =	ssyncadd.s32 $0xFFFFC000  }
0x42f: {  	[tilespmem:s10], [sflag:$0x1] =	stream.indirect.gather [hbm4b:s3+s7], $0x80, s22, s7, $0xb8;
	[tilespmem:$0x1E000] =	vst v63  }
0x430: {  	s25 =	simm.s32 $0x1C80  }
0x431: {  	[spmem:s2] =	stream.indirect.scatter.add.f32 [tilespmem:s9], [sflag:$0x3], $0x80, s25, s7, $0xb8;
	[tilespmem:$0x1E000] =	vst v63  }
0x432: {  	_ =	swait.ge [sflag:s5], $0x4000  }
0x433: {  	[sflag:s5] =	ssyncset.done $0x0  }
0x434: {  	[sflag:s5] =	ssyncadd.s32 $0xFFFFC000  }
0x435: {  	_ =	swait.ge [sflag:s8], $0x4000  }
0x436: {  	[sflag:s8] =	ssyncset.done $0x0  }
0x437: {  	[sflag:s8] =	ssyncadd.s32 $0xFFFFC000  }
0x438: {  	[tilespmem:s9], [sflag:$0x1] =	stream.indirect.gather [hbm4b:s3+s7], $0x80, s17, s7, $0xb8;
	[tilespmem:$0x1E000] =	vst v63  }
0x439: {  	_ = 	snop  }
0x43a: {  	[spmem:s2] =	stream.indirect.scatter.add.f32 [tilespmem:s10], [sflag:$0x3], $0x80, s23, s7, $0xb8;
	[tilespmem:$0x1E000] =	vst v63  }
0x43b: {  	_ =	swait.ge [sflag:s5], $0x4000  }
0x43c: {  	[sflag:s5] =	ssyncset.done $0x0  }
0x43d: {  	[sflag:s5] =	ssyncadd.s32 $0xFFFFC000  }
0x43e: {  	_ =	swait.ge [sflag:s8], $0x4000  }
0x43f: {  	[sflag:s8] =	ssyncset.done $0x0  }
0x440: {  	[sflag:s8] =	ssyncadd.s32 $0xFFFFC000  }
0x441: {  	[tilespmem:s10], [sflag:$0x1] =	stream.indirect.gather [hbm4b:s3+s7], $0x80, s16, s7, $0xb8;
	[tilespmem:$0x1E000] =	vst v63  }
0x442: {  	s22 =	simm.s32 $0x1D80  }
0x443: {  	[spmem:s2] =	stream.indirect.scatter.add.f32 [tilespmem:s9], [sflag:$0x3], $0x80, s22, s7, $0xb8;
	[tilespmem:$0x1E000] =	vst v63  }
0x444: {  	_ =	swait.ge [sflag:s5], $0x4000  }
0x445: {  	[sflag:s5] =	ssyncset.done $0x0  }
0x446: {  	[sflag:s5] =	ssyncadd.s32 $0xFFFFC000  }
0x447: {  	_ =	swait.ge [sflag:s8], $0x4000  }
0x448: {  	[sflag:s8] =	ssyncset.done $0x0  }
0x449: {  	[sflag:s8] =	ssyncadd.s32 $0xFFFFC000  }
0x44a: {  	[tilespmem:s9], [sflag:$0x1] =	stream.indirect.gather [hbm4b:s3+s7], $0x80, s15, s7, $0xb8;
	[tilespmem:$0x1E000] =	vst v63  }
0x44b: {  	_ = 	snop  }
0x44c: {  	[spmem:s2] =	stream.indirect.scatter.add.f32 [tilespmem:s10], [sflag:$0x3], $0x80, s20, s7, $0xb8;
	[tilespmem:$0x1E000] =	vst v63  }
0x44d: {  	_ =	swait.ge [sflag:s5], $0x4000  }
0x44e: {  	[sflag:s5] =	ssyncset.done $0x0  }
0x44f: {  	[sflag:s5] =	ssyncadd.s32 $0xFFFFC000  }
0x450: {  	_ =	swait.ge [sflag:s8], $0x4000  }
0x451: {  	[sflag:s8] =	ssyncset.done $0x0  }
0x452: {  	[sflag:s8] =	ssyncadd.s32 $0xFFFFC000  }
0x453: {  	[tilespmem:s10], [sflag:$0x1] =	stream.indirect.gather [hbm4b:s3+s7], $0x80, s14, s7, $0xb8;
	[tilespmem:$0x1E000] =	vst v63  }
0x454: {  	_ = 	snop  }
0x455: {  	[spmem:s2] =	stream.indirect.scatter.add.f32 [tilespmem:s9], [sflag:$0x3], $0x80, s19, s7, $0xb8;
	[tilespmem:$0x1E000] =	vst v63  }
0x456: {  	_ =	swait.ge [sflag:s5], $0x4000  }
0x457: {  	[sflag:s5] =	ssyncset.done $0x0  }
0x458: {  	[sflag:s5] =	ssyncadd.s32 $0xFFFFC000  }
0x459: {  	_ =	swait.ge [sflag:s8], $0x4000  }
0x45a: {  	[sflag:s8] =	ssyncset.done $0x0  }
0x45b: {  	[sflag:s8] =	ssyncadd.s32 $0xFFFFC000  }
0x45c: {  	[tilespmem:s9], [sflag:$0x1] =	stream.indirect.gather [hbm4b:s3+s7], $0x80, s13, s7, $0xb8;
	[tilespmem:$0x1E000] =	vst v63  }
0x45d: {  	_ = 	snop  }
0x45e: {  	[spmem:s2] =	stream.indirect.scatter.add.f32 [tilespmem:s10], [sflag:$0x3], $0x80, s18, s7, $0xb8;
	[tilespmem:$0x1E000] =	vst v63  }
0x45f: {  	_ =	swait.ge [sflag:s5], $0x4000  }
0x460: {  	[sflag:s5] =	ssyncset.done $0x0  }
0x461: {  	[sflag:s5] =	ssyncadd.s32 $0xFFFFC000  }
0x462: {  	_ =	swait.ge [sflag:s8], $0x4000  }
0x463: {  	[sflag:s8] =	ssyncset.done $0x0  }
0x464: {  	[sflag:s8] =	ssyncadd.s32 $0xFFFFC000  }
0x465: {  	[spmem:s2] =	stream.indirect.scatter.add.f32 [tilespmem:s9], [sflag:$0x3], $0x80, s12, s7, $0xb8;
	[tilespmem:$0x1E000] =	vst v63  }
0x466: {  	_ =	swait.ge [sflag:s5], $0x4000  }
0x467: {  	[sflag:s5] =	ssyncset.done $0x0  }
0x468: {  	[sflag:s5] =	ssyncadd.s32 $0xFFFFC000  }
0x469: {  	_ =	swait.ge [sflag:s21], $0x800  }
0x46a: {  	[sflag:s21] =	ssyncset.done $0x0  }
0x46b: {  	[sflag:s21] =	ssyncadd.s32 $0xFFFFF800  }
0x46c: {  	_ =	swait.ge [sflag:s21], $0x800  }
0x46d: {  	[sflag:s21] =	ssyncset.done $0x0  }
0x46e: {  	s0 =	simm.s32 $0x0;
	s25 =	rddreg [dreg:$0xa];
	[sflag:s21] =	ssyncadd.s32 $0xFFFFF800  }
0x46f: {  	[tilespmem:s29], [sflag:$0x2] =	stream.linear.gather [hbm4b:s25+s0], $0x800, $0x38;
	[tilespmem:$0x1E000] =	vst v63  }
0x470: {  	s26 =	rddreg [dreg:$0xb]  }
0x471: {  	[tilespmem:s30], [sflag:$0x2] =	stream.linear.gather [hbm4b:s26+s0], $0x800, $0x38;
	[tilespmem:$0x1E000] =	vst v63  }
0x472: {  	_ = 	snop  }
0x473: {  	[tilespmem:s10], [sflag:$0x1] =	stream.indirect.gather [hbm4b:s3+s7], $0x80, s0, s7, $0xb8;
	[tilespmem:$0x1E000] =	vst v63  }
0x474: {  	_ =	swait.ge [sflag:s8], $0x4000  }
0x475: {  	[sflag:s8] =	ssyncset.done $0x0  }
0x476: {  	[sflag:s8] =	ssyncadd.s32 $0xFFFFC000  }
0x477: {  	[tilespmem:s9], [sflag:$0x1] =	stream.indirect.gather [hbm4b:s3+s7], $0x80, s7, s7, $0xb8;
	[tilespmem:$0x1E000] =	vst v63  }
0x478: {  	_ = 	snop  }
0x479: {  	[spmem:s2] =	stream.indirect.scatter.add.f32 [tilespmem:s10], [sflag:$0x3], $0x80, s31, s7, $0xb8;
	[tilespmem:$0x1E000] =	vst v63  }
0x47a: {  	_ =	swait.ge [sflag:s5], $0x4000  }
0x47b: {  	[sflag:s5] =	ssyncset.done $0x0  }
0x47c: {  	[sflag:s5] =	ssyncadd.s32 $0xFFFFC000  }
0x47d: {  	_ =	swait.ge [sflag:s8], $0x4000  }
0x47e: {  	[sflag:s8] =	ssyncset.done $0x0  }
0x47f: {  	s26 =	simm.s32 $0x100;
	[sflag:s8] =	ssyncadd.s32 $0xFFFFC000  }
0x480: {  	[tilespmem:s10], [sflag:$0x1] =	stream.indirect.gather [hbm4b:s3+s7], $0x80, s26, s7, $0xb8;
	[tilespmem:$0x1E000] =	vst v63  }
0x481: {  	s26 =	simm.s32 $0x880  }
0x482: {  	[spmem:s2] =	stream.indirect.scatter.add.f32 [tilespmem:s9], [sflag:$0x3], $0x80, s26, s7, $0xb8;
	[tilespmem:$0x1E000] =	vst v63  }
0x483: {  	_ =	swait.ge [sflag:s5], $0x4000  }
0x484: {  	[sflag:s5] =	ssyncset.done $0x0  }
0x485: {  	[sflag:s5] =	ssyncadd.s32 $0xFFFFC000  }
0x486: {  	_ =	swait.ge [sflag:s8], $0x4000  }
0x487: {  	[sflag:s8] =	ssyncset.done $0x0  }
0x488: {  	s26 =	simm.s32 $0x180;
	[sflag:s8] =	ssyncadd.s32 $0xFFFFC000  }
0x489: {  	[tilespmem:s9], [sflag:$0x1] =	stream.indirect.gather [hbm4b:s3+s7], $0x80, s26, s7, $0xb8;
	[tilespmem:$0x1E000] =	vst v63  }
0x48a: {  	s26 =	simm.s32 $0x900  }
0x48b: {  	[spmem:s2] =	stream.indirect.scatter.add.f32 [tilespmem:s10], [sflag:$0x3], $0x80, s26, s7, $0xb8;
	[tilespmem:$0x1E000] =	vst v63  }
0x48c: {  	_ =	swait.ge [sflag:s5], $0x4000  }
0x48d: {  	[sflag:s5] =	ssyncset.done $0x0  }
0x48e: {  	[sflag:s5] =	ssyncadd.s32 $0xFFFFC000  }
0x48f: {  	_ =	swait.ge [sflag:s8], $0x4000  }
0x490: {  	[sflag:s8] =	ssyncset.done $0x0  }
0x491: {  	s26 =	simm.s32 $0x200;
	[sflag:s8] =	ssyncadd.s32 $0xFFFFC000  }
0x492: {  	[tilespmem:s10], [sflag:$0x1] =	stream.indirect.gather [hbm4b:s3+s7], $0x80, s26, s7, $0xb8;
	[tilespmem:$0x1E000] =	vst v63  }
0x493: {  	s26 =	simm.s32 $0x980  }
0x494: {  	[spmem:s2] =	stream.indirect.scatter.add.f32 [tilespmem:s9], [sflag:$0x3], $0x80, s26, s7, $0xb8;
	[tilespmem:$0x1E000] =	vst v63  }
0x495: {  	_ =	swait.ge [sflag:s5], $0x4000  }
0x496: {  	[sflag:s5] =	ssyncset.done $0x0  }
0x497: {  	[sflag:s5] =	ssyncadd.s32 $0xFFFFC000  }
0x498: {  	_ =	swait.ge [sflag:s8], $0x4000  }
0x499: {  	[sflag:s8] =	ssyncset.done $0x0  }
0x49a: {  	s26 =	simm.s32 $0x280;
	[sflag:s8] =	ssyncadd.s32 $0xFFFFC000  }
0x49b: {  	[tilespmem:s9], [sflag:$0x1] =	stream.indirect.gather [hbm4b:s3+s7], $0x80, s26, s7, $0xb8;
	[tilespmem:$0x1E000] =	vst v63  }
0x49c: {  	s26 =	simm.s32 $0xA00  }
0x49d: {  	[spmem:s2] =	stream.indirect.scatter.add.f32 [tilespmem:s10], [sflag:$0x3], $0x80, s26, s7, $0xb8;
	[tilespmem:$0x1E000] =	vst v63  }
0x49e: {  	_ =	swait.ge [sflag:s5], $0x4000  }
0x49f: {  	[sflag:s5] =	ssyncset.done $0x0  }
0x4a0: {  	[sflag:s5] =	ssyncadd.s32 $0xFFFFC000  }
0x4a1: {  	_ =	swait.ge [sflag:s8], $0x4000  }
0x4a2: {  	[sflag:s8] =	ssyncset.done $0x0  }
0x4a3: {  	s26 =	simm.s32 $0x300;
	[sflag:s8] =	ssyncadd.s32 $0xFFFFC000  }
0x4a4: {  	[tilespmem:s10], [sflag:$0x1] =	stream.indirect.gather [hbm4b:s3+s7], $0x80, s26, s7, $0xb8;
	[tilespmem:$0x1E000] =	vst v63  }
0x4a5: {  	s26 =	simm.s32 $0xA80  }
0x4a6: {  	[spmem:s2] =	stream.indirect.scatter.add.f32 [tilespmem:s9], [sflag:$0x3], $0x80, s26, s7, $0xb8;
	[tilespmem:$0x1E000] =	vst v63  }
0x4a7: {  	_ =	swait.ge [sflag:s5], $0x4000  }
0x4a8: {  	[sflag:s5] =	ssyncset.done $0x0  }
0x4a9: {  	[sflag:s5] =	ssyncadd.s32 $0xFFFFC000  }
0x4aa: {  	_ =	swait.ge [sflag:s8], $0x4000  }
0x4ab: {  	[sflag:s8] =	ssyncset.done $0x0  }
0x4ac: {  	s26 =	simm.s32 $0x380;
	[sflag:s8] =	ssyncadd.s32 $0xFFFFC000  }
0x4ad: {  	[tilespmem:s9], [sflag:$0x1] =	stream.indirect.gather [hbm4b:s3+s7], $0x80, s26, s7, $0xb8;
	[tilespmem:$0x1E000] =	vst v63  }
0x4ae: {  	s26 =	simm.s32 $0xB00  }
0x4af: {  	[spmem:s2] =	stream.indirect.scatter.add.f32 [tilespmem:s10], [sflag:$0x3], $0x80, s26, s7, $0xb8;
	[tilespmem:$0x1E000] =	vst v63  }
0x4b0: {  	_ =	swait.ge [sflag:s5], $0x4000  }
0x4b1: {  	[sflag:s5] =	ssyncset.done $0x0  }
0x4b2: {  	[sflag:s5] =	ssyncadd.s32 $0xFFFFC000  }
0x4b3: {  	_ =	swait.ge [sflag:s8], $0x4000  }
0x4b4: {  	[sflag:s8] =	ssyncset.done $0x0  }
0x4b5: {  	s26 =	simm.s32 $0x400;
	[sflag:s8] =	ssyncadd.s32 $0xFFFFC000  }
0x4b6: {  	[tilespmem:s10], [sflag:$0x1] =	stream.indirect.gather [hbm4b:s3+s7], $0x80, s26, s7, $0xb8;
	[tilespmem:$0x1E000] =	vst v63  }
0x4b7: {  	s26 =	simm.s32 $0xB80  }
0x4b8: {  	[spmem:s2] =	stream.indirect.scatter.add.f32 [tilespmem:s9], [sflag:$0x3], $0x80, s26, s7, $0xb8;
	[tilespmem:$0x1E000] =	vst v63  }
0x4b9: {  	_ =	swait.ge [sflag:s5], $0x4000  }
0x4ba: {  	[sflag:s5] =	ssyncset.done $0x0  }
0x4bb: {  	[sflag:s5] =	ssyncadd.s32 $0xFFFFC000  }
0x4bc: {  	_ =	swait.ge [sflag:s8], $0x4000  }
0x4bd: {  	[sflag:s8] =	ssyncset.done $0x0  }
0x4be: {  	s26 =	simm.s32 $0x480;
	[sflag:s8] =	ssyncadd.s32 $0xFFFFC000  }
0x4bf: {  	[tilespmem:s9], [sflag:$0x1] =	stream.indirect.gather [hbm4b:s3+s7], $0x80, s26, s7, $0xb8;
	[tilespmem:$0x1E000] =	vst v63  }
0x4c0: {  	s26 =	simm.s32 $0xC00  }
0x4c1: {  	[spmem:s2] =	stream.indirect.scatter.add.f32 [tilespmem:s10], [sflag:$0x3], $0x80, s26, s7, $0xb8;
	[tilespmem:$0x1E000] =	vst v63  }
0x4c2: {  	_ =	swait.ge [sflag:s5], $0x4000  }
0x4c3: {  	[sflag:s5] =	ssyncset.done $0x0  }
0x4c4: {  	[sflag:s5] =	ssyncadd.s32 $0xFFFFC000  }
0x4c5: {  	_ =	swait.ge [sflag:s8], $0x4000  }
0x4c6: {  	[sflag:s8] =	ssyncset.done $0x0  }
0x4c7: {  	s26 =	simm.s32 $0x500;
	[sflag:s8] =	ssyncadd.s32 $0xFFFFC000  }
0x4c8: {  	[tilespmem:s10], [sflag:$0x1] =	stream.indirect.gather [hbm4b:s3+s7], $0x80, s26, s7, $0xb8;
	[tilespmem:$0x1E000] =	vst v63  }
0x4c9: {  	s26 =	simm.s32 $0xC80  }
0x4ca: {  	[spmem:s2] =	stream.indirect.scatter.add.f32 [tilespmem:s9], [sflag:$0x3], $0x80, s26, s7, $0xb8;
	[tilespmem:$0x1E000] =	vst v63  }
0x4cb: {  	_ =	swait.ge [sflag:s5], $0x4000  }
0x4cc: {  	[sflag:s5] =	ssyncset.done $0x0  }
0x4cd: {  	[sflag:s5] =	ssyncadd.s32 $0xFFFFC000  }
0x4ce: {  	_ =	swait.ge [sflag:s8], $0x4000  }
0x4cf: {  	[sflag:s8] =	ssyncset.done $0x0  }
0x4d0: {  	s26 =	simm.s32 $0x580;
	[sflag:s8] =	ssyncadd.s32 $0xFFFFC000  }
0x4d1: {  	[tilespmem:s9], [sflag:$0x1] =	stream.indirect.gather [hbm4b:s3+s7], $0x80, s26, s7, $0xb8;
	[tilespmem:$0x1E000] =	vst v63  }
0x4d2: {  	s26 =	simm.s32 $0xD00  }
0x4d3: {  	[spmem:s2] =	stream.indirect.scatter.add.f32 [tilespmem:s10], [sflag:$0x3], $0x80, s26, s7, $0xb8;
	[tilespmem:$0x1E000] =	vst v63  }
0x4d4: {  	_ =	swait.ge [sflag:s5], $0x4000  }
0x4d5: {  	[sflag:s5] =	ssyncset.done $0x0  }
0x4d6: {  	[sflag:s5] =	ssyncadd.s32 $0xFFFFC000  }
0x4d7: {  	_ =	swait.ge [sflag:s8], $0x4000  }
0x4d8: {  	[sflag:s8] =	ssyncset.done $0x0  }
0x4d9: {  	s26 =	simm.s32 $0x600;
	[sflag:s8] =	ssyncadd.s32 $0xFFFFC000  }
0x4da: {  	[tilespmem:s10], [sflag:$0x1] =	stream.indirect.gather [hbm4b:s3+s7], $0x80, s26, s7, $0xb8;
	[tilespmem:$0x1E000] =	vst v63  }
0x4db: {  	s26 =	simm.s32 $0xD80  }
0x4dc: {  	[spmem:s2] =	stream.indirect.scatter.add.f32 [tilespmem:s9], [sflag:$0x3], $0x80, s26, s7, $0xb8;
	[tilespmem:$0x1E000] =	vst v63  }
0x4dd: {  	_ =	swait.ge [sflag:s5], $0x4000  }
0x4de: {  	[sflag:s5] =	ssyncset.done $0x0  }
0x4df: {  	[sflag:s5] =	ssyncadd.s32 $0xFFFFC000  }
0x4e0: {  	_ =	swait.ge [sflag:s8], $0x4000  }
0x4e1: {  	[sflag:s8] =	ssyncset.done $0x0  }
0x4e2: {  	s26 =	simm.s32 $0x680;
	[sflag:s8] =	ssyncadd.s32 $0xFFFFC000  }
0x4e3: {  	[tilespmem:s9], [sflag:$0x1] =	stream.indirect.gather [hbm4b:s3+s7], $0x80, s26, s7, $0xb8;
	[tilespmem:$0x1E000] =	vst v63  }
0x4e4: {  	s26 =	simm.s32 $0xE00  }
0x4e5: {  	[spmem:s2] =	stream.indirect.scatter.add.f32 [tilespmem:s10], [sflag:$0x3], $0x80, s26, s7, $0xb8;
	[tilespmem:$0x1E000] =	vst v63  }
0x4e6: {  	_ =	swait.ge [sflag:s5], $0x4000  }
0x4e7: {  	[sflag:s5] =	ssyncset.done $0x0  }
0x4e8: {  	[sflag:s5] =	ssyncadd.s32 $0xFFFFC000  }
0x4e9: {  	_ =	swait.ge [sflag:s8], $0x4000  }
0x4ea: {  	[sflag:s8] =	ssyncset.done $0x0  }
0x4eb: {  	s26 =	simm.s32 $0x700;
	[sflag:s8] =	ssyncadd.s32 $0xFFFFC000  }
0x4ec: {  	[tilespmem:s10], [sflag:$0x1] =	stream.indirect.gather [hbm4b:s3+s7], $0x80, s26, s7, $0xb8;
	[tilespmem:$0x1E000] =	vst v63  }
0x4ed: {  	s26 =	simm.s32 $0xE80  }
0x4ee: {  	[spmem:s2] =	stream.indirect.scatter.add.f32 [tilespmem:s9], [sflag:$0x3], $0x80, s26, s7, $0xb8;
	[tilespmem:$0x1E000] =	vst v63  }
0x4ef: {  	_ =	swait.ge [sflag:s5], $0x4000  }
0x4f0: {  	[sflag:s5] =	ssyncset.done $0x0  }
0x4f1: {  	[sflag:s5] =	ssyncadd.s32 $0xFFFFC000  }
0x4f2: {  	_ =	swait.ge [sflag:s8], $0x4000  }
0x4f3: {  	[sflag:s8] =	ssyncset.done $0x0  }
0x4f4: {  	s26 =	simm.s32 $0x780;
	[sflag:s8] =	ssyncadd.s32 $0xFFFFC000  }
0x4f5: {  	[tilespmem:s9], [sflag:$0x1] =	stream.indirect.gather [hbm4b:s3+s7], $0x80, s26, s7, $0xb8;
	[tilespmem:$0x1E000] =	vst v63  }
0x4f6: {  	s26 =	simm.s32 $0xF00  }
0x4f7: {  	[spmem:s2] =	stream.indirect.scatter.add.f32 [tilespmem:s10], [sflag:$0x3], $0x80, s26, s7, $0xb8;
	[tilespmem:$0x1E000] =	vst v63  }
0x4f8: {  	_ =	swait.ge [sflag:s5], $0x4000  }
0x4f9: {  	[sflag:s5] =	ssyncset.done $0x0  }
0x4fa: {  	[sflag:s5] =	ssyncadd.s32 $0xFFFFC000  }
0x4fb: {  	_ =	swait.ge [sflag:s8], $0x4000  }
0x4fc: {  	[sflag:s8] =	ssyncset.done $0x0  }
0x4fd: {  	s26 =	simm.s32 $0xF80;
	[sflag:s8] =	ssyncadd.s32 $0xFFFFC000  }
0x4fe: {  	[spmem:s2] =	stream.indirect.scatter.add.f32 [tilespmem:s9], [sflag:$0x3], $0x80, s26, s7, $0xb8;
	[tilespmem:$0x1E000] =	vst v63  }
0x4ff: {  	_ =	swait.ge [sflag:s5], $0x4000  }
0x500: {  	[sflag:s5] =	ssyncset.done $0x0  }
0x501: {  	[sflag:s5] =	ssyncadd.s32 $0xFFFFC000  }
0x502: {  	_ =	swait.ge [sflag:s21], $0x800  }
0x503: {  	[sflag:s21] =	ssyncset.done $0x0  }
0x504: {  	[sflag:s21] =	ssyncadd.s32 $0xFFFFF800  }
0x505: {  	_ =	swait.ge [sflag:s21], $0x800  }
0x506: {  	[sflag:s21] =	ssyncset.done $0x0  }
0x507: {  	s25 =	rddreg [dreg:$0xc];
	[sflag:s21] =	ssyncadd.s32 $0xFFFFF800  }
0x508: {  	[tilespmem:s0], [sflag:$0x2] =	stream.linear.gather [hbm4b:s25+s0], $0x800, $0x38;
	[tilespmem:$0x1E000] =	vst v63  }
0x509: {  	s26 =	rddreg [dreg:$0xd]  }
0x50a: {  	[tilespmem:s31], [sflag:$0x2] =	stream.linear.gather [hbm4b:s26+s0], $0x800, $0x38;
	[tilespmem:$0x1E000] =	vst v63  }
0x50b: {  	_ = 	snop  }
0x50c: {  	[tilespmem:s10], [sflag:$0x1] =	stream.indirect.gather [hbm4b:s3+s7], $0x80, s29, s7, $0xb8;
	[tilespmem:$0x1E000] =	vst v63  }
0x50d: {  	_ =	swait.ge [sflag:s8], $0x4000  }
0x50e: {  	[sflag:s8] =	ssyncset.done $0x0  }
0x50f: {  	[sflag:s8] =	ssyncadd.s32 $0xFFFFC000  }
0x510: {  	[tilespmem:s9], [sflag:$0x1] =	stream.indirect.gather [hbm4b:s3+s7], $0x80, s4, s7, $0xb8;
	[tilespmem:$0x1E000] =	vst v63  }
0x511: {  	_ = 	snop  }
0x512: {  	[spmem:s2] =	stream.indirect.scatter.add.f32 [tilespmem:s10], [sflag:$0x3], $0x80, s30, s7, $0xb8;
	[tilespmem:$0x1E000] =	vst v63  }
0x513: {  	_ =	swait.ge [sflag:s5], $0x4000  }
0x514: {  	[sflag:s5] =	ssyncset.done $0x0  }
0x515: {  	[sflag:s5] =	ssyncadd.s32 $0xFFFFC000  }
0x516: {  	_ =	swait.ge [sflag:s8], $0x4000  }
0x517: {  	[sflag:s8] =	ssyncset.done $0x0  }
0x518: {  	[sflag:s8] =	ssyncadd.s32 $0xFFFFC000  }
0x519: {  	[tilespmem:s10], [sflag:$0x1] =	stream.indirect.gather [hbm4b:s3+s7], $0x80, s1, s7, $0xb8;
	[tilespmem:$0x1E000] =	vst v63  }
0x51a: {  	_ = 	snop  }
0x51b: {  	[spmem:s2] =	stream.indirect.scatter.add.f32 [tilespmem:s9], [sflag:$0x3], $0x80, s11, s7, $0xb8;
	[tilespmem:$0x1E000] =	vst v63  }
0x51c: {  	_ =	swait.ge [sflag:s5], $0x4000  }
0x51d: {  	[sflag:s5] =	ssyncset.done $0x0  }
0x51e: {  	[sflag:s5] =	ssyncadd.s32 $0xFFFFC000  }
0x51f: {  	_ =	swait.ge [sflag:s8], $0x4000  }
0x520: {  	[sflag:s8] =	ssyncset.done $0x0  }
0x521: {  	[sflag:s8] =	ssyncadd.s32 $0xFFFFC000  }
0x522: {  	[tilespmem:s9], [sflag:$0x1] =	stream.indirect.gather [hbm4b:s3+s7], $0x80, s28, s7, $0xb8;
	[tilespmem:$0x1E000] =	vst v63  }
0x523: {  	_ = 	snop  }
0x524: {  	[spmem:s2] =	stream.indirect.scatter.add.f32 [tilespmem:s10], [sflag:$0x3], $0x80, s6, s7, $0xb8;
	[tilespmem:$0x1E000] =	vst v63  }
0x525: {  	_ =	swait.ge [sflag:s5], $0x4000  }
0x526: {  	[sflag:s5] =	ssyncset.done $0x0  }
0x527: {  	[sflag:s5] =	ssyncadd.s32 $0xFFFFC000  }
0x528: {  	_ =	swait.ge [sflag:s8], $0x4000  }
0x529: {  	[sflag:s8] =	ssyncset.done $0x0  }
0x52a: {  	s25 =	simm.s32 $0x1200;
	[sflag:s8] =	ssyncadd.s32 $0xFFFFC000  }
0x52b: {  	[tilespmem:s10], [sflag:$0x1] =	stream.indirect.gather [hbm4b:s3+s7], $0x80, s25, s7, $0xb8;
	[tilespmem:$0x1E000] =	vst v63  }
0x52c: {  	s26 =	simm.s32 $0x1980  }
0x52d: {  	[spmem:s2] =	stream.indirect.scatter.add.f32 [tilespmem:s9], [sflag:$0x3], $0x80, s26, s7, $0xb8;
	[tilespmem:$0x1E000] =	vst v63  }
0x52e: {  	_ =	swait.ge [sflag:s5], $0x4000  }
0x52f: {  	[sflag:s5] =	ssyncset.done $0x0  }
0x530: {  	[sflag:s5] =	ssyncadd.s32 $0xFFFFC000  }
0x531: {  	_ =	swait.ge [sflag:s8], $0x4000  }
0x532: {  	[sflag:s8] =	ssyncset.done $0x0  }
0x533: {  	s28 =	simm.s32 $0x1280;
	[sflag:s8] =	ssyncadd.s32 $0xFFFFC000  }
0x534: {  	[tilespmem:s9], [sflag:$0x1] =	stream.indirect.gather [hbm4b:s3+s7], $0x80, s28, s7, $0xb8;
	[tilespmem:$0x1E000] =	vst v63  }
0x535: {  	s1 =	simm.s32 $0x1A00  }
0x536: {  	[spmem:s2] =	stream.indirect.scatter.add.f32 [tilespmem:s10], [sflag:$0x3], $0x80, s1, s7, $0xb8;
	[tilespmem:$0x1E000] =	vst v63  }
0x537: {  	_ =	swait.ge [sflag:s5], $0x4000  }
0x538: {  	[sflag:s5] =	ssyncset.done $0x0  }
0x539: {  	[sflag:s5] =	ssyncadd.s32 $0xFFFFC000  }
0x53a: {  	_ =	swait.ge [sflag:s8], $0x4000  }
0x53b: {  	[sflag:s8] =	ssyncset.done $0x0  }
0x53c: {  	s25 =	simm.s32 $0x1300;
	[sflag:s8] =	ssyncadd.s32 $0xFFFFC000  }
0x53d: {  	[tilespmem:s10], [sflag:$0x1] =	stream.indirect.gather [hbm4b:s3+s7], $0x80, s25, s7, $0xb8;
	[tilespmem:$0x1E000] =	vst v63  }
0x53e: {  	s26 =	simm.s32 $0x1A80  }
0x53f: {  	[spmem:s2] =	stream.indirect.scatter.add.f32 [tilespmem:s9], [sflag:$0x3], $0x80, s26, s7, $0xb8;
	[tilespmem:$0x1E000] =	vst v63  }
0x540: {  	_ =	swait.ge [sflag:s5], $0x4000  }
0x541: {  	[sflag:s5] =	ssyncset.done $0x0  }
0x542: {  	[sflag:s5] =	ssyncadd.s32 $0xFFFFC000  }
0x543: {  	_ =	swait.ge [sflag:s8], $0x4000  }
0x544: {  	[sflag:s8] =	ssyncset.done $0x0  }
0x545: {  	s28 =	simm.s32 $0x1380;
	[sflag:s8] =	ssyncadd.s32 $0xFFFFC000  }
0x546: {  	[tilespmem:s9], [sflag:$0x1] =	stream.indirect.gather [hbm4b:s3+s7], $0x80, s28, s7, $0xb8;
	[tilespmem:$0x1E000] =	vst v63  }
0x547: {  	s1 =	simm.s32 $0x1B00  }
0x548: {  	[spmem:s2] =	stream.indirect.scatter.add.f32 [tilespmem:s10], [sflag:$0x3], $0x80, s1, s7, $0xb8;
	[tilespmem:$0x1E000] =	vst v63  }
0x549: {  	_ =	swait.ge [sflag:s5], $0x4000  }
0x54a: {  	[sflag:s5] =	ssyncset.done $0x0  }
0x54b: {  	[sflag:s5] =	ssyncadd.s32 $0xFFFFC000  }
0x54c: {  	_ =	swait.ge [sflag:s8], $0x4000  }
0x54d: {  	[sflag:s8] =	ssyncset.done $0x0  }
0x54e: {  	s25 =	simm.s32 $0x1400;
	[sflag:s8] =	ssyncadd.s32 $0xFFFFC000  }
0x54f: {  	[tilespmem:s10], [sflag:$0x1] =	stream.indirect.gather [hbm4b:s3+s7], $0x80, s25, s7, $0xb8;
	[tilespmem:$0x1E000] =	vst v63  }
0x550: {  	s26 =	simm.s32 $0x1B80  }
0x551: {  	[spmem:s2] =	stream.indirect.scatter.add.f32 [tilespmem:s9], [sflag:$0x3], $0x80, s26, s7, $0xb8;
	[tilespmem:$0x1E000] =	vst v63  }
0x552: {  	_ =	swait.ge [sflag:s5], $0x4000  }
0x553: {  	[sflag:s5] =	ssyncset.done $0x0  }
0x554: {  	[sflag:s5] =	ssyncadd.s32 $0xFFFFC000  }
0x555: {  	_ =	swait.ge [sflag:s8], $0x4000  }
0x556: {  	[sflag:s8] =	ssyncset.done $0x0  }
0x557: {  	s28 =	simm.s32 $0x1480;
	[sflag:s8] =	ssyncadd.s32 $0xFFFFC000  }
0x558: {  	[tilespmem:s9], [sflag:$0x1] =	stream.indirect.gather [hbm4b:s3+s7], $0x80, s28, s7, $0xb8;
	[tilespmem:$0x1E000] =	vst v63  }
0x559: {  	s1 =	simm.s32 $0x1C00  }
0x55a: {  	[spmem:s2] =	stream.indirect.scatter.add.f32 [tilespmem:s10], [sflag:$0x3], $0x80, s1, s7, $0xb8;
	[tilespmem:$0x1E000] =	vst v63  }
0x55b: {  	_ =	swait.ge [sflag:s5], $0x4000  }
0x55c: {  	[sflag:s5] =	ssyncset.done $0x0  }
0x55d: {  	[sflag:s5] =	ssyncadd.s32 $0xFFFFC000  }
0x55e: {  	_ =	swait.ge [sflag:s8], $0x4000  }
0x55f: {  	[sflag:s8] =	ssyncset.done $0x0  }
0x560: {  	s25 =	simm.s32 $0x1500;
	[sflag:s8] =	ssyncadd.s32 $0xFFFFC000  }
0x561: {  	[tilespmem:s10], [sflag:$0x1] =	stream.indirect.gather [hbm4b:s3+s7], $0x80, s25, s7, $0xb8;
	[tilespmem:$0x1E000] =	vst v63  }
0x562: {  	s26 =	simm.s32 $0x1C80  }
0x563: {  	[spmem:s2] =	stream.indirect.scatter.add.f32 [tilespmem:s9], [sflag:$0x3], $0x80, s26, s7, $0xb8;
	[tilespmem:$0x1E000] =	vst v63  }
0x564: {  	_ =	swait.ge [sflag:s5], $0x4000  }
0x565: {  	[sflag:s5] =	ssyncset.done $0x0  }
0x566: {  	[sflag:s5] =	ssyncadd.s32 $0xFFFFC000  }
0x567: {  	_ =	swait.ge [sflag:s8], $0x4000  }
0x568: {  	[sflag:s8] =	ssyncset.done $0x0  }
0x569: {  	[sflag:s8] =	ssyncadd.s32 $0xFFFFC000  }
0x56a: {  	[tilespmem:s9], [sflag:$0x1] =	stream.indirect.gather [hbm4b:s3+s7], $0x80, s17, s7, $0xb8;
	[tilespmem:$0x1E000] =	vst v63  }
0x56b: {  	_ = 	snop  }
0x56c: {  	[spmem:s2] =	stream.indirect.scatter.add.f32 [tilespmem:s10], [sflag:$0x3], $0x80, s23, s7, $0xb8;
	[tilespmem:$0x1E000] =	vst v63  }
0x56d: {  	_ =	swait.ge [sflag:s5], $0x4000  }
0x56e: {  	[sflag:s5] =	ssyncset.done $0x0  }
0x56f: {  	[sflag:s5] =	ssyncadd.s32 $0xFFFFC000  }
0x570: {  	_ =	swait.ge [sflag:s8], $0x4000  }
0x571: {  	[sflag:s8] =	ssyncset.done $0x0  }
0x572: {  	[sflag:s8] =	ssyncadd.s32 $0xFFFFC000  }
0x573: {  	[tilespmem:s10], [sflag:$0x1] =	stream.indirect.gather [hbm4b:s3+s7], $0x80, s16, s7, $0xb8;
	[tilespmem:$0x1E000] =	vst v63  }
0x574: {  	_ = 	snop  }
0x575: {  	[spmem:s2] =	stream.indirect.scatter.add.f32 [tilespmem:s9], [sflag:$0x3], $0x80, s22, s7, $0xb8;
	[tilespmem:$0x1E000] =	vst v63  }
0x576: {  	_ =	swait.ge [sflag:s5], $0x4000  }
0x577: {  	[sflag:s5] =	ssyncset.done $0x0  }
0x578: {  	[sflag:s5] =	ssyncadd.s32 $0xFFFFC000  }
0x579: {  	_ =	swait.ge [sflag:s8], $0x4000  }
0x57a: {  	[sflag:s8] =	ssyncset.done $0x0  }
0x57b: {  	[sflag:s8] =	ssyncadd.s32 $0xFFFFC000  }
0x57c: {  	[tilespmem:s9], [sflag:$0x1] =	stream.indirect.gather [hbm4b:s3+s7], $0x80, s15, s7, $0xb8;
	[tilespmem:$0x1E000] =	vst v63  }
0x57d: {  	_ = 	snop  }
0x57e: {  	[spmem:s2] =	stream.indirect.scatter.add.f32 [tilespmem:s10], [sflag:$0x3], $0x80, s20, s7, $0xb8;
	[tilespmem:$0x1E000] =	vst v63  }
0x57f: {  	_ =	swait.ge [sflag:s5], $0x4000  }
0x580: {  	[sflag:s5] =	ssyncset.done $0x0  }
0x581: {  	[sflag:s5] =	ssyncadd.s32 $0xFFFFC000  }
0x582: {  	_ =	swait.ge [sflag:s8], $0x4000  }
0x583: {  	[sflag:s8] =	ssyncset.done $0x0  }
0x584: {  	[sflag:s8] =	ssyncadd.s32 $0xFFFFC000  }
0x585: {  	[tilespmem:s10], [sflag:$0x1] =	stream.indirect.gather [hbm4b:s3+s7], $0x80, s14, s7, $0xb8;
	[tilespmem:$0x1E000] =	vst v63  }
0x586: {  	_ = 	snop  }
0x587: {  	[spmem:s2] =	stream.indirect.scatter.add.f32 [tilespmem:s9], [sflag:$0x3], $0x80, s19, s7, $0xb8;
	[tilespmem:$0x1E000] =	vst v63  }
0x588: {  	_ =	swait.ge [sflag:s5], $0x4000  }
0x589: {  	[sflag:s5] =	ssyncset.done $0x0  }
0x58a: {  	[sflag:s5] =	ssyncadd.s32 $0xFFFFC000  }
0x58b: {  	_ =	swait.ge [sflag:s8], $0x4000  }
0x58c: {  	[sflag:s8] =	ssyncset.done $0x0  }
0x58d: {  	[sflag:s8] =	ssyncadd.s32 $0xFFFFC000  }
0x58e: {  	[tilespmem:s9], [sflag:$0x1] =	stream.indirect.gather [hbm4b:s3+s7], $0x80, s13, s7, $0xb8;
	[tilespmem:$0x1E000] =	vst v63  }
0x58f: {  	_ = 	snop  }
0x590: {  	[spmem:s2] =	stream.indirect.scatter.add.f32 [tilespmem:s10], [sflag:$0x3], $0x80, s18, s7, $0xb8;
	[tilespmem:$0x1E000] =	vst v63  }
0x591: {  	_ =	swait.ge [sflag:s5], $0x4000  }
0x592: {  	[sflag:s5] =	ssyncset.done $0x0  }
0x593: {  	[sflag:s5] =	ssyncadd.s32 $0xFFFFC000  }
0x594: {  	_ =	swait.ge [sflag:s8], $0x4000  }
0x595: {  	[sflag:s8] =	ssyncset.done $0x0  }
0x596: {  	[sflag:s8] =	ssyncadd.s32 $0xFFFFC000  }
0x597: {  	[spmem:s2] =	stream.indirect.scatter.add.f32 [tilespmem:s9], [sflag:$0x3], $0x80, s12, s7, $0xb8;
	[tilespmem:$0x1E000] =	vst v63  }
0x598: {  	_ =	swait.ge [sflag:s5], $0x4000  }
0x599: {  	[sflag:s5] =	ssyncset.done $0x0  }
0x59a: {  	[sflag:s5] =	ssyncadd.s32 $0xFFFFC000  }
0x59b: {  	_ =	swait.ge [sflag:s21], $0x800  }
0x59c: {  	[sflag:s21] =	ssyncset.done $0x0  }
0x59d: {  	[sflag:s21] =	ssyncadd.s32 $0xFFFFF800  }
0x59e: {  	_ =	swait.ge [sflag:s21], $0x800  }
0x59f: {  	[sflag:s21] =	ssyncset.done $0x0  }
0x5a0: {  	s22 =	simm.s32 $0x0;
	[sflag:s21] =	ssyncadd.s32 $0xFFFFF800  }
0x5a1: {  	[tilespmem:s10], [sflag:$0x1] =	stream.indirect.gather [hbm4b:s3+s7], $0x80, s22, s7, $0xb8;
	[tilespmem:$0x1E000] =	vst v63  }
0x5a2: {  	_ =	swait.ge [sflag:s8], $0x4000  }
0x5a3: {  	[sflag:s8] =	ssyncset.done $0x0  }
0x5a4: {  	[sflag:s8] =	ssyncadd.s32 $0xFFFFC000  }
0x5a5: {  	[tilespmem:s9], [sflag:$0x1] =	stream.indirect.gather [hbm4b:s3+s7], $0x80, s7, s7, $0xb8;
	[tilespmem:$0x1E000] =	vst v63  }
0x5a6: {  	_ = 	snop  }
0x5a7: {  	[spmem:s2] =	stream.indirect.scatter.add.f32 [tilespmem:s10], [sflag:$0x3], $0x80, s31, s7, $0xb8;
	[tilespmem:$0x1E000] =	vst v63  }
0x5a8: {  	_ =	swait.ge [sflag:s5], $0x4000  }
0x5a9: {  	[sflag:s5] =	ssyncset.done $0x0  }
0x5aa: {  	[sflag:s5] =	ssyncadd.s32 $0xFFFFC000  }
0x5ab: {  	_ =	swait.ge [sflag:s8], $0x4000  }
0x5ac: {  	[sflag:s8] =	ssyncset.done $0x0  }
0x5ad: {  	s28 =	simm.s32 $0x100;
	[sflag:s8] =	ssyncadd.s32 $0xFFFFC000  }
0x5ae: {  	[tilespmem:s10], [sflag:$0x1] =	stream.indirect.gather [hbm4b:s3+s7], $0x80, s28, s7, $0xb8;
	[tilespmem:$0x1E000] =	vst v63  }
0x5af: {  	s1 =	simm.s32 $0x880  }
0x5b0: {  	[spmem:s2] =	stream.indirect.scatter.add.f32 [tilespmem:s9], [sflag:$0x3], $0x80, s1, s7, $0xb8;
	[tilespmem:$0x1E000] =	vst v63  }
0x5b1: {  	_ =	swait.ge [sflag:s5], $0x4000  }
0x5b2: {  	[sflag:s5] =	ssyncset.done $0x0  }
0x5b3: {  	[sflag:s5] =	ssyncadd.s32 $0xFFFFC000  }
0x5b4: {  	_ =	swait.ge [sflag:s8], $0x4000  }
0x5b5: {  	[sflag:s8] =	ssyncset.done $0x0  }
0x5b6: {  	s25 =	simm.s32 $0x180;
	[sflag:s8] =	ssyncadd.s32 $0xFFFFC000  }
0x5b7: {  	[tilespmem:s9], [sflag:$0x1] =	stream.indirect.gather [hbm4b:s3+s7], $0x80, s25, s7, $0xb8;
	[tilespmem:$0x1E000] =	vst v63  }
0x5b8: {  	s26 =	simm.s32 $0x900  }
0x5b9: {  	[spmem:s2] =	stream.indirect.scatter.add.f32 [tilespmem:s10], [sflag:$0x3], $0x80, s26, s7, $0xb8;
	[tilespmem:$0x1E000] =	vst v63  }
0x5ba: {  	_ =	swait.ge [sflag:s5], $0x4000  }
0x5bb: {  	[sflag:s5] =	ssyncset.done $0x0  }
0x5bc: {  	[sflag:s5] =	ssyncadd.s32 $0xFFFFC000  }
0x5bd: {  	_ =	swait.ge [sflag:s8], $0x4000  }
0x5be: {  	[sflag:s8] =	ssyncset.done $0x0  }
0x5bf: {  	s28 =	simm.s32 $0x200;
	[sflag:s8] =	ssyncadd.s32 $0xFFFFC000  }
0x5c0: {  	[tilespmem:s10], [sflag:$0x1] =	stream.indirect.gather [hbm4b:s3+s7], $0x80, s28, s7, $0xb8;
	[tilespmem:$0x1E000] =	vst v63  }
0x5c1: {  	s1 =	simm.s32 $0x980  }
0x5c2: {  	[spmem:s2] =	stream.indirect.scatter.add.f32 [tilespmem:s9], [sflag:$0x3], $0x80, s1, s7, $0xb8;
	[tilespmem:$0x1E000] =	vst v63  }
0x5c3: {  	_ =	swait.ge [sflag:s5], $0x4000  }
0x5c4: {  	[sflag:s5] =	ssyncset.done $0x0  }
0x5c5: {  	[sflag:s5] =	ssyncadd.s32 $0xFFFFC000  }
0x5c6: {  	_ =	swait.ge [sflag:s8], $0x4000  }
0x5c7: {  	[sflag:s8] =	ssyncset.done $0x0  }
0x5c8: {  	s25 =	simm.s32 $0x280;
	[sflag:s8] =	ssyncadd.s32 $0xFFFFC000  }
0x5c9: {  	[tilespmem:s9], [sflag:$0x1] =	stream.indirect.gather [hbm4b:s3+s7], $0x80, s25, s7, $0xb8;
	[tilespmem:$0x1E000] =	vst v63  }
0x5ca: {  	s26 =	simm.s32 $0xA00  }
0x5cb: {  	[spmem:s2] =	stream.indirect.scatter.add.f32 [tilespmem:s10], [sflag:$0x3], $0x80, s26, s7, $0xb8;
	[tilespmem:$0x1E000] =	vst v63  }
0x5cc: {  	_ =	swait.ge [sflag:s5], $0x4000  }
0x5cd: {  	[sflag:s5] =	ssyncset.done $0x0  }
0x5ce: {  	[sflag:s5] =	ssyncadd.s32 $0xFFFFC000  }
0x5cf: {  	_ =	swait.ge [sflag:s8], $0x4000  }
0x5d0: {  	[sflag:s8] =	ssyncset.done $0x0  }
0x5d1: {  	s28 =	simm.s32 $0x300;
	[sflag:s8] =	ssyncadd.s32 $0xFFFFC000  }
0x5d2: {  	[tilespmem:s10], [sflag:$0x1] =	stream.indirect.gather [hbm4b:s3+s7], $0x80, s28, s7, $0xb8;
	[tilespmem:$0x1E000] =	vst v63  }
0x5d3: {  	s1 =	simm.s32 $0xA80  }
0x5d4: {  	[spmem:s2] =	stream.indirect.scatter.add.f32 [tilespmem:s9], [sflag:$0x3], $0x80, s1, s7, $0xb8;
	[tilespmem:$0x1E000] =	vst v63  }
0x5d5: {  	_ =	swait.ge [sflag:s5], $0x4000  }
0x5d6: {  	[sflag:s5] =	ssyncset.done $0x0  }
0x5d7: {  	[sflag:s5] =	ssyncadd.s32 $0xFFFFC000  }
0x5d8: {  	_ =	swait.ge [sflag:s8], $0x4000  }
0x5d9: {  	[sflag:s8] =	ssyncset.done $0x0  }
0x5da: {  	s25 =	simm.s32 $0x380;
	[sflag:s8] =	ssyncadd.s32 $0xFFFFC000  }
0x5db: {  	[tilespmem:s9], [sflag:$0x1] =	stream.indirect.gather [hbm4b:s3+s7], $0x80, s25, s7, $0xb8;
	[tilespmem:$0x1E000] =	vst v63  }
0x5dc: {  	s26 =	simm.s32 $0xB00  }
0x5dd: {  	[spmem:s2] =	stream.indirect.scatter.add.f32 [tilespmem:s10], [sflag:$0x3], $0x80, s26, s7, $0xb8;
	[tilespmem:$0x1E000] =	vst v63  }
0x5de: {  	_ =	swait.ge [sflag:s5], $0x4000  }
0x5df: {  	[sflag:s5] =	ssyncset.done $0x0  }
0x5e0: {  	[sflag:s5] =	ssyncadd.s32 $0xFFFFC000  }
0x5e1: {  	_ =	swait.ge [sflag:s8], $0x4000  }
0x5e2: {  	[sflag:s8] =	ssyncset.done $0x0  }
0x5e3: {  	s28 =	simm.s32 $0x400;
	[sflag:s8] =	ssyncadd.s32 $0xFFFFC000  }
0x5e4: {  	[tilespmem:s10], [sflag:$0x1] =	stream.indirect.gather [hbm4b:s3+s7], $0x80, s28, s7, $0xb8;
	[tilespmem:$0x1E000] =	vst v63  }
0x5e5: {  	s1 =	simm.s32 $0xB80  }
0x5e6: {  	[spmem:s2] =	stream.indirect.scatter.add.f32 [tilespmem:s9], [sflag:$0x3], $0x80, s1, s7, $0xb8;
	[tilespmem:$0x1E000] =	vst v63  }
0x5e7: {  	_ =	swait.ge [sflag:s5], $0x4000  }
0x5e8: {  	[sflag:s5] =	ssyncset.done $0x0  }
0x5e9: {  	[sflag:s5] =	ssyncadd.s32 $0xFFFFC000  }
0x5ea: {  	_ =	swait.ge [sflag:s8], $0x4000  }
0x5eb: {  	[sflag:s8] =	ssyncset.done $0x0  }
0x5ec: {  	s25 =	simm.s32 $0x480;
	[sflag:s8] =	ssyncadd.s32 $0xFFFFC000  }
0x5ed: {  	[tilespmem:s9], [sflag:$0x1] =	stream.indirect.gather [hbm4b:s3+s7], $0x80, s25, s7, $0xb8;
	[tilespmem:$0x1E000] =	vst v63  }
0x5ee: {  	s26 =	simm.s32 $0xC00  }
0x5ef: {  	[spmem:s2] =	stream.indirect.scatter.add.f32 [tilespmem:s10], [sflag:$0x3], $0x80, s26, s7, $0xb8;
	[tilespmem:$0x1E000] =	vst v63  }
0x5f0: {  	_ =	swait.ge [sflag:s5], $0x4000  }
0x5f1: {  	[sflag:s5] =	ssyncset.done $0x0  }
0x5f2: {  	[sflag:s5] =	ssyncadd.s32 $0xFFFFC000  }
0x5f3: {  	_ =	swait.ge [sflag:s8], $0x4000  }
0x5f4: {  	[sflag:s8] =	ssyncset.done $0x0  }
0x5f5: {  	s28 =	simm.s32 $0x500;
	[sflag:s8] =	ssyncadd.s32 $0xFFFFC000  }
0x5f6: {  	[tilespmem:s10], [sflag:$0x1] =	stream.indirect.gather [hbm4b:s3+s7], $0x80, s28, s7, $0xb8;
	[tilespmem:$0x1E000] =	vst v63  }
0x5f7: {  	s1 =	simm.s32 $0xC80  }
0x5f8: {  	[spmem:s2] =	stream.indirect.scatter.add.f32 [tilespmem:s9], [sflag:$0x3], $0x80, s1, s7, $0xb8;
	[tilespmem:$0x1E000] =	vst v63  }
0x5f9: {  	_ =	swait.ge [sflag:s5], $0x4000  }
0x5fa: {  	[sflag:s5] =	ssyncset.done $0x0  }
0x5fb: {  	[sflag:s5] =	ssyncadd.s32 $0xFFFFC000  }
0x5fc: {  	_ =	swait.ge [sflag:s8], $0x4000  }
0x5fd: {  	[sflag:s8] =	ssyncset.done $0x0  }
0x5fe: {  	s25 =	simm.s32 $0x580;
	[sflag:s8] =	ssyncadd.s32 $0xFFFFC000  }
0x5ff: {  	[tilespmem:s9], [sflag:$0x1] =	stream.indirect.gather [hbm4b:s3+s7], $0x80, s25, s7, $0xb8;
	[tilespmem:$0x1E000] =	vst v63  }
0x600: {  	s26 =	simm.s32 $0xD00  }
0x601: {  	[spmem:s2] =	stream.indirect.scatter.add.f32 [tilespmem:s10], [sflag:$0x3], $0x80, s26, s7, $0xb8;
	[tilespmem:$0x1E000] =	vst v63  }
0x602: {  	_ =	swait.ge [sflag:s5], $0x4000  }
0x603: {  	[sflag:s5] =	ssyncset.done $0x0  }
0x604: {  	[sflag:s5] =	ssyncadd.s32 $0xFFFFC000  }
0x605: {  	_ =	swait.ge [sflag:s8], $0x4000  }
0x606: {  	[sflag:s8] =	ssyncset.done $0x0  }
0x607: {  	s28 =	simm.s32 $0x600;
	[sflag:s8] =	ssyncadd.s32 $0xFFFFC000  }
0x608: {  	[tilespmem:s10], [sflag:$0x1] =	stream.indirect.gather [hbm4b:s3+s7], $0x80, s28, s7, $0xb8;
	[tilespmem:$0x1E000] =	vst v63  }
0x609: {  	s1 =	simm.s32 $0xD80  }
0x60a: {  	[spmem:s2] =	stream.indirect.scatter.add.f32 [tilespmem:s9], [sflag:$0x3], $0x80, s1, s7, $0xb8;
	[tilespmem:$0x1E000] =	vst v63  }
0x60b: {  	_ =	swait.ge [sflag:s5], $0x4000  }
0x60c: {  	[sflag:s5] =	ssyncset.done $0x0  }
0x60d: {  	[sflag:s5] =	ssyncadd.s32 $0xFFFFC000  }
0x60e: {  	_ =	swait.ge [sflag:s8], $0x4000  }
0x60f: {  	[sflag:s8] =	ssyncset.done $0x0  }
0x610: {  	s25 =	simm.s32 $0x680;
	[sflag:s8] =	ssyncadd.s32 $0xFFFFC000  }
0x611: {  	[tilespmem:s9], [sflag:$0x1] =	stream.indirect.gather [hbm4b:s3+s7], $0x80, s25, s7, $0xb8;
	[tilespmem:$0x1E000] =	vst v63  }
0x612: {  	s26 =	simm.s32 $0xE00  }
0x613: {  	[spmem:s2] =	stream.indirect.scatter.add.f32 [tilespmem:s10], [sflag:$0x3], $0x80, s26, s7, $0xb8;
	[tilespmem:$0x1E000] =	vst v63  }
0x614: {  	_ =	swait.ge [sflag:s5], $0x4000  }
0x615: {  	[sflag:s5] =	ssyncset.done $0x0  }
0x616: {  	[sflag:s5] =	ssyncadd.s32 $0xFFFFC000  }
0x617: {  	_ =	swait.ge [sflag:s8], $0x4000  }
0x618: {  	[sflag:s8] =	ssyncset.done $0x0  }
0x619: {  	s28 =	simm.s32 $0x700;
	[sflag:s8] =	ssyncadd.s32 $0xFFFFC000  }
0x61a: {  	[tilespmem:s10], [sflag:$0x1] =	stream.indirect.gather [hbm4b:s3+s7], $0x80, s28, s7, $0xb8;
	[tilespmem:$0x1E000] =	vst v63  }
0x61b: {  	s1 =	simm.s32 $0xE80  }
0x61c: {  	[spmem:s2] =	stream.indirect.scatter.add.f32 [tilespmem:s9], [sflag:$0x3], $0x80, s1, s7, $0xb8;
	[tilespmem:$0x1E000] =	vst v63  }
0x61d: {  	_ =	swait.ge [sflag:s5], $0x4000  }
0x61e: {  	[sflag:s5] =	ssyncset.done $0x0  }
0x61f: {  	[sflag:s5] =	ssyncadd.s32 $0xFFFFC000  }
0x620: {  	_ =	swait.ge [sflag:s8], $0x4000  }
0x621: {  	[sflag:s8] =	ssyncset.done $0x0  }
0x622: {  	s25 =	simm.s32 $0x780;
	[sflag:s8] =	ssyncadd.s32 $0xFFFFC000  }
0x623: {  	[tilespmem:s9], [sflag:$0x1] =	stream.indirect.gather [hbm4b:s3+s7], $0x80, s25, s7, $0xb8;
	[tilespmem:$0x1E000] =	vst v63  }
0x624: {  	s26 =	simm.s32 $0xF00  }
0x625: {  	[spmem:s2] =	stream.indirect.scatter.add.f32 [tilespmem:s10], [sflag:$0x3], $0x80, s26, s7, $0xb8;
	[tilespmem:$0x1E000] =	vst v63  }
0x626: {  	_ =	swait.ge [sflag:s5], $0x4000  }
0x627: {  	[sflag:s5] =	ssyncset.done $0x0  }
0x628: {  	[sflag:s5] =	ssyncadd.s32 $0xFFFFC000  }
0x629: {  	_ =	swait.ge [sflag:s8], $0x4000  }
0x62a: {  	[sflag:s8] =	ssyncset.done $0x0  }
0x62b: {  	s28 =	simm.s32 $0xF80;
	[sflag:s8] =	ssyncadd.s32 $0xFFFFC000  }
0x62c: {  	[spmem:s2] =	stream.indirect.scatter.add.f32 [tilespmem:s9], [sflag:$0x3], $0x80, s28, s7, $0xb8;
	[tilespmem:$0x1E000] =	vst v63  }
0x62d: {  	_ =	swait.ge [sflag:s5], $0x4000  }
0x62e: {  	[sflag:s5] =	ssyncset.done $0x0  }
0x62f: {  	[sflag:s5] =	ssyncadd.s32 $0xFFFFC000  }
0x630: {  	[bflag:$0x0] =	sbarrier.arrive $0xFFFF  }
0x631: {  	p1 =	sne.s32 s24, $0x1;
	s1 =	rddreg [dreg:$0xe]  }
.Ltmp2:
0x632: {  	s26 =	rddreg [dreg:$0xf];
	(pc) =	sbr.rel @p1 .LBB2_3-.Ltmp2, $4  }
0x633: {  	s28 =	rddreg [dreg:$0x10]  }
0x634: {  	[hbm:s1], [sflag:s28] =	dma.local [spmem:s26], $0x2800  }
0x635: {  	_ =	swait.ge [sflag:s5], $0x2800  }
0x636: {  	s24 =	sadd.s32 $0xFFFFFFFF, s24;
	s25 =	rddreg [dreg:$0x4];
	[sflag:s5] =	ssyncset.done $0x0  }
0x637: {  	s28 =	stileid.u32;
	s0 =	simm.s32 $0x1500;
	s23 =	simm.s32 $0x1C80  }
0x638: {  	s1 =	simm.s32 $0x1400;
	s11 =	simm.s32 $0x1B80;
	s12 =	simm.s32 $0x1380  }
0x639: {  	s13 =	simm.s32 $0x1B00;
	s14 =	simm.s32 $0x1300;
	s15 =	simm.s32 $0x1A80  }
0x63a: {  	s16 =	simm.s32 $0x1280;
	s19 =	simm.s32 $0x1A00;
	s30 =	rddreg [dreg:$0x10]  }
0x63b: {  	s29 =	simm.s32 $0x1200;
	s4 =	simm.s32 $0x1980;
	s18 =	rddreg [dreg:$0xf]  }
0x63c: {  	s6 =	simm.s32 $0x1800;
	s20 =	simm.s32 $0x1000;
	s17 =	simm.s32 $0x800  }
.LBB2_5:
0x63d: {  	[sflag:s5] =	ssyncadd.s32 @p0 $0xFFFFD800;
	s24 =	rddreg [dreg:$0x5]  }
0x63e: {  	[tilespmem:s22], [sflag:$0x2] =	stream.linear.gather [hbm4b:s25+s22], $0x800, $0x38;
	[tilespmem:$0x1E000] =	vst v63  }
0x63f: {  	s31 =	rddreg [dreg:$0x3]  }
0x640: {  	[tilespmem:s17], [sflag:$0x2] =	stream.linear.gather [hbm4b:s24+s22], $0x800, $0x38;
	[tilespmem:$0x1E000] =	vst v63  }
0x641: {  	[spmem:s18], [sflag:s30] =	dma.local [hbm:s31], $0x2800  }
0x642: {  	_ =	swait.ge [sflag:s5], $0x2800  }
0x643: {  	[sflag:s5] =	ssyncset.done $0x0  }
0x644: {  	[sflag:s5] =	ssyncadd.s32 $0xFFFFD800  }
0x645: {  	[bflag:$0x0] =	sbarrier.arrive $0xFFFF  }
0x646: {  	_ =	swait.ge [sflag:s21], $0x800  }
0x647: {  	[sflag:s21] =	ssyncset.done $0x0  }
0x648: {  	[sflag:s21] =	ssyncadd.s32 $0xFFFFF800  }
0x649: {  	_ =	swait.ge [sflag:s21], $0x800  }
0x64a: {  	[sflag:s21] =	ssyncset.done $0x0  }
0x64b: {  	s25 =	rddreg [dreg:$0x6];
	[sflag:s21] =	ssyncadd.s32 $0xFFFFF800  }
0x64c: {  	[tilespmem:s20], [sflag:$0x2] =	stream.linear.gather [hbm4b:s25+s22], $0x800, $0x38;
	[tilespmem:$0x1E000] =	vst v63  }
0x64d: {  	s26 =	rddreg [dreg:$0x7]  }
0x64e: {  	[tilespmem:s6], [sflag:$0x2] =	stream.linear.gather [hbm4b:s26+s22], $0x800, $0x38;
	[tilespmem:$0x1E000] =	vst v63  }
0x64f: {  	_ = 	snop  }
0x650: {  	[tilespmem:s10], [sflag:$0x1] =	stream.indirect.gather [hbm4b:s3+s7], $0x80, s22, s7, $0xb8;
	[tilespmem:$0x1E000] =	vst v63  }
0x651: {  	_ =	swait.ge [sflag:s8], $0x4000  }
0x652: {  	[sflag:s8] =	ssyncset.done $0x0  }
0x653: {  	[sflag:s8] =	ssyncadd.s32 $0xFFFFC000  }
0x654: {  	[tilespmem:s9], [sflag:$0x1] =	stream.indirect.gather [hbm4b:s3+s7], $0x80, s7, s7, $0xb8;
	[tilespmem:$0x1E000] =	vst v63  }
0x655: {  	_ = 	snop  }
0x656: {  	[spmem:s2] =	stream.indirect.scatter.add.f32 [tilespmem:s10], [sflag:$0x3], $0x80, s17, s7, $0xb8;
	[tilespmem:$0x1E000] =	vst v63  }
0x657: {  	_ =	swait.ge [sflag:s5], $0x4000  }
0x658: {  	[sflag:s5] =	ssyncset.done $0x0  }
0x659: {  	[sflag:s5] =	ssyncadd.s32 $0xFFFFC000  }
0x65a: {  	_ =	swait.ge [sflag:s8], $0x4000  }
0x65b: {  	[sflag:s8] =	ssyncset.done $0x0  }
0x65c: {  	s30 =	simm.s32 $0x100;
	[sflag:s8] =	ssyncadd.s32 $0xFFFFC000  }
0x65d: {  	[tilespmem:s10], [sflag:$0x1] =	stream.indirect.gather [hbm4b:s3+s7], $0x80, s30, s7, $0xb8;
	[tilespmem:$0x1E000] =	vst v63  }
0x65e: {  	s31 =	simm.s32 $0x880  }
0x65f: {  	[spmem:s2] =	stream.indirect.scatter.add.f32 [tilespmem:s9], [sflag:$0x3], $0x80, s31, s7, $0xb8;
	[tilespmem:$0x1E000] =	vst v63  }
0x660: {  	_ =	swait.ge [sflag:s5], $0x4000  }
0x661: {  	[sflag:s5] =	ssyncset.done $0x0  }
0x662: {  	[sflag:s5] =	ssyncadd.s32 $0xFFFFC000  }
0x663: {  	_ =	swait.ge [sflag:s8], $0x4000  }
0x664: {  	[sflag:s8] =	ssyncset.done $0x0  }
0x665: {  	s18 =	simm.s32 $0x180;
	[sflag:s8] =	ssyncadd.s32 $0xFFFFC000  }
0x666: {  	[tilespmem:s9], [sflag:$0x1] =	stream.indirect.gather [hbm4b:s3+s7], $0x80, s18, s7, $0xb8;
	[tilespmem:$0x1E000] =	vst v63  }
0x667: {  	s25 =	simm.s32 $0x900  }
0x668: {  	[spmem:s2] =	stream.indirect.scatter.add.f32 [tilespmem:s10], [sflag:$0x3], $0x80, s25, s7, $0xb8;
	[tilespmem:$0x1E000] =	vst v63  }
0x669: {  	_ =	swait.ge [sflag:s5], $0x4000  }
0x66a: {  	[sflag:s5] =	ssyncset.done $0x0  }
0x66b: {  	[sflag:s5] =	ssyncadd.s32 $0xFFFFC000  }
0x66c: {  	_ =	swait.ge [sflag:s8], $0x4000  }
0x66d: {  	[sflag:s8] =	ssyncset.done $0x0  }
0x66e: {  	s26 =	simm.s32 $0x200;
	[sflag:s8] =	ssyncadd.s32 $0xFFFFC000  }
0x66f: {  	[tilespmem:s10], [sflag:$0x1] =	stream.indirect.gather [hbm4b:s3+s7], $0x80, s26, s7, $0xb8;
	[tilespmem:$0x1E000] =	vst v63  }
0x670: {  	s30 =	simm.s32 $0x980  }
0x671: {  	[spmem:s2] =	stream.indirect.scatter.add.f32 [tilespmem:s9], [sflag:$0x3], $0x80, s30, s7, $0xb8;
	[tilespmem:$0x1E000] =	vst v63  }
0x672: {  	_ =	swait.ge [sflag:s5], $0x4000  }
0x673: {  	[sflag:s5] =	ssyncset.done $0x0  }
0x674: {  	[sflag:s5] =	ssyncadd.s32 $0xFFFFC000  }
0x675: {  	_ =	swait.ge [sflag:s8], $0x4000  }
0x676: {  	[sflag:s8] =	ssyncset.done $0x0  }
0x677: {  	s31 =	simm.s32 $0x280;
	[sflag:s8] =	ssyncadd.s32 $0xFFFFC000  }
0x678: {  	[tilespmem:s9], [sflag:$0x1] =	stream.indirect.gather [hbm4b:s3+s7], $0x80, s31, s7, $0xb8;
	[tilespmem:$0x1E000] =	vst v63  }
0x679: {  	s18 =	simm.s32 $0xA00  }
0x67a: {  	[spmem:s2] =	stream.indirect.scatter.add.f32 [tilespmem:s10], [sflag:$0x3], $0x80, s18, s7, $0xb8;
	[tilespmem:$0x1E000] =	vst v63  }
0x67b: {  	_ =	swait.ge [sflag:s5], $0x4000  }
0x67c: {  	[sflag:s5] =	ssyncset.done $0x0  }
0x67d: {  	[sflag:s5] =	ssyncadd.s32 $0xFFFFC000  }
0x67e: {  	_ =	swait.ge [sflag:s8], $0x4000  }
0x67f: {  	[sflag:s8] =	ssyncset.done $0x0  }
0x680: {  	s25 =	simm.s32 $0x300;
	[sflag:s8] =	ssyncadd.s32 $0xFFFFC000  }
0x681: {  	[tilespmem:s10], [sflag:$0x1] =	stream.indirect.gather [hbm4b:s3+s7], $0x80, s25, s7, $0xb8;
	[tilespmem:$0x1E000] =	vst v63  }
0x682: {  	s26 =	simm.s32 $0xA80  }
0x683: {  	[spmem:s2] =	stream.indirect.scatter.add.f32 [tilespmem:s9], [sflag:$0x3], $0x80, s26, s7, $0xb8;
	[tilespmem:$0x1E000] =	vst v63  }
0x684: {  	_ =	swait.ge [sflag:s5], $0x4000  }
0x685: {  	[sflag:s5] =	ssyncset.done $0x0  }
0x686: {  	[sflag:s5] =	ssyncadd.s32 $0xFFFFC000  }
0x687: {  	_ =	swait.ge [sflag:s8], $0x4000  }
0x688: {  	[sflag:s8] =	ssyncset.done $0x0  }
0x689: {  	s30 =	simm.s32 $0x380;
	[sflag:s8] =	ssyncadd.s32 $0xFFFFC000  }
0x68a: {  	[tilespmem:s9], [sflag:$0x1] =	stream.indirect.gather [hbm4b:s3+s7], $0x80, s30, s7, $0xb8;
	[tilespmem:$0x1E000] =	vst v63  }
0x68b: {  	s31 =	simm.s32 $0xB00  }
0x68c: {  	[spmem:s2] =	stream.indirect.scatter.add.f32 [tilespmem:s10], [sflag:$0x3], $0x80, s31, s7, $0xb8;
	[tilespmem:$0x1E000] =	vst v63  }
0x68d: {  	_ =	swait.ge [sflag:s5], $0x4000  }
0x68e: {  	[sflag:s5] =	ssyncset.done $0x0  }
0x68f: {  	[sflag:s5] =	ssyncadd.s32 $0xFFFFC000  }
0x690: {  	_ =	swait.ge [sflag:s8], $0x4000  }
0x691: {  	[sflag:s8] =	ssyncset.done $0x0  }
0x692: {  	s18 =	simm.s32 $0x400;
	[sflag:s8] =	ssyncadd.s32 $0xFFFFC000  }
0x693: {  	[tilespmem:s10], [sflag:$0x1] =	stream.indirect.gather [hbm4b:s3+s7], $0x80, s18, s7, $0xb8;
	[tilespmem:$0x1E000] =	vst v63  }
0x694: {  	s25 =	simm.s32 $0xB80  }
0x695: {  	[spmem:s2] =	stream.indirect.scatter.add.f32 [tilespmem:s9], [sflag:$0x3], $0x80, s25, s7, $0xb8;
	[tilespmem:$0x1E000] =	vst v63  }
0x696: {  	_ =	swait.ge [sflag:s5], $0x4000  }
0x697: {  	[sflag:s5] =	ssyncset.done $0x0  }
0x698: {  	[sflag:s5] =	ssyncadd.s32 $0xFFFFC000  }
0x699: {  	_ =	swait.ge [sflag:s8], $0x4000  }
0x69a: {  	[sflag:s8] =	ssyncset.done $0x0  }
0x69b: {  	s26 =	simm.s32 $0x480;
	[sflag:s8] =	ssyncadd.s32 $0xFFFFC000  }
0x69c: {  	[tilespmem:s9], [sflag:$0x1] =	stream.indirect.gather [hbm4b:s3+s7], $0x80, s26, s7, $0xb8;
	[tilespmem:$0x1E000] =	vst v63  }
0x69d: {  	s30 =	simm.s32 $0xC00  }
0x69e: {  	[spmem:s2] =	stream.indirect.scatter.add.f32 [tilespmem:s10], [sflag:$0x3], $0x80, s30, s7, $0xb8;
	[tilespmem:$0x1E000] =	vst v63  }
0x69f: {  	_ =	swait.ge [sflag:s5], $0x4000  }
0x6a0: {  	[sflag:s5] =	ssyncset.done $0x0  }
0x6a1: {  	[sflag:s5] =	ssyncadd.s32 $0xFFFFC000  }
0x6a2: {  	_ =	swait.ge [sflag:s8], $0x4000  }
0x6a3: {  	[sflag:s8] =	ssyncset.done $0x0  }
0x6a4: {  	s31 =	simm.s32 $0x500;
	[sflag:s8] =	ssyncadd.s32 $0xFFFFC000  }
0x6a5: {  	[tilespmem:s10], [sflag:$0x1] =	stream.indirect.gather [hbm4b:s3+s7], $0x80, s31, s7, $0xb8;
	[tilespmem:$0x1E000] =	vst v63  }
0x6a6: {  	s18 =	simm.s32 $0xC80  }
0x6a7: {  	[spmem:s2] =	stream.indirect.scatter.add.f32 [tilespmem:s9], [sflag:$0x3], $0x80, s18, s7, $0xb8;
	[tilespmem:$0x1E000] =	vst v63  }
0x6a8: {  	_ =	swait.ge [sflag:s5], $0x4000  }
0x6a9: {  	[sflag:s5] =	ssyncset.done $0x0  }
0x6aa: {  	[sflag:s5] =	ssyncadd.s32 $0xFFFFC000  }
0x6ab: {  	_ =	swait.ge [sflag:s8], $0x4000  }
0x6ac: {  	[sflag:s8] =	ssyncset.done $0x0  }
0x6ad: {  	s25 =	simm.s32 $0x580;
	[sflag:s8] =	ssyncadd.s32 $0xFFFFC000  }
0x6ae: {  	[tilespmem:s9], [sflag:$0x1] =	stream.indirect.gather [hbm4b:s3+s7], $0x80, s25, s7, $0xb8;
	[tilespmem:$0x1E000] =	vst v63  }
0x6af: {  	s26 =	simm.s32 $0xD00  }
0x6b0: {  	[spmem:s2] =	stream.indirect.scatter.add.f32 [tilespmem:s10], [sflag:$0x3], $0x80, s26, s7, $0xb8;
	[tilespmem:$0x1E000] =	vst v63  }
0x6b1: {  	_ =	swait.ge [sflag:s5], $0x4000  }
0x6b2: {  	[sflag:s5] =	ssyncset.done $0x0  }
0x6b3: {  	[sflag:s5] =	ssyncadd.s32 $0xFFFFC000  }
0x6b4: {  	_ =	swait.ge [sflag:s8], $0x4000  }
0x6b5: {  	[sflag:s8] =	ssyncset.done $0x0  }
0x6b6: {  	s30 =	simm.s32 $0x600;
	[sflag:s8] =	ssyncadd.s32 $0xFFFFC000  }
0x6b7: {  	[tilespmem:s10], [sflag:$0x1] =	stream.indirect.gather [hbm4b:s3+s7], $0x80, s30, s7, $0xb8;
	[tilespmem:$0x1E000] =	vst v63  }
0x6b8: {  	s31 =	simm.s32 $0xD80  }
0x6b9: {  	[spmem:s2] =	stream.indirect.scatter.add.f32 [tilespmem:s9], [sflag:$0x3], $0x80, s31, s7, $0xb8;
	[tilespmem:$0x1E000] =	vst v63  }
0x6ba: {  	_ =	swait.ge [sflag:s5], $0x4000  }
0x6bb: {  	[sflag:s5] =	ssyncset.done $0x0  }
0x6bc: {  	[sflag:s5] =	ssyncadd.s32 $0xFFFFC000  }
0x6bd: {  	_ =	swait.ge [sflag:s8], $0x4000  }
0x6be: {  	[sflag:s8] =	ssyncset.done $0x0  }
0x6bf: {  	s18 =	simm.s32 $0x680;
	[sflag:s8] =	ssyncadd.s32 $0xFFFFC000  }
0x6c0: {  	[tilespmem:s9], [sflag:$0x1] =	stream.indirect.gather [hbm4b:s3+s7], $0x80, s18, s7, $0xb8;
	[tilespmem:$0x1E000] =	vst v63  }
0x6c1: {  	s25 =	simm.s32 $0xE00  }
0x6c2: {  	[spmem:s2] =	stream.indirect.scatter.add.f32 [tilespmem:s10], [sflag:$0x3], $0x80, s25, s7, $0xb8;
	[tilespmem:$0x1E000] =	vst v63  }
0x6c3: {  	_ =	swait.ge [sflag:s5], $0x4000  }
0x6c4: {  	[sflag:s5] =	ssyncset.done $0x0  }
0x6c5: {  	[sflag:s5] =	ssyncadd.s32 $0xFFFFC000  }
0x6c6: {  	_ =	swait.ge [sflag:s8], $0x4000  }
0x6c7: {  	[sflag:s8] =	ssyncset.done $0x0  }
0x6c8: {  	s26 =	simm.s32 $0x700;
	[sflag:s8] =	ssyncadd.s32 $0xFFFFC000  }
0x6c9: {  	[tilespmem:s10], [sflag:$0x1] =	stream.indirect.gather [hbm4b:s3+s7], $0x80, s26, s7, $0xb8;
	[tilespmem:$0x1E000] =	vst v63  }
0x6ca: {  	s30 =	simm.s32 $0xE80  }
0x6cb: {  	[spmem:s2] =	stream.indirect.scatter.add.f32 [tilespmem:s9], [sflag:$0x3], $0x80, s30, s7, $0xb8;
	[tilespmem:$0x1E000] =	vst v63  }
0x6cc: {  	_ =	swait.ge [sflag:s5], $0x4000  }
0x6cd: {  	[sflag:s5] =	ssyncset.done $0x0  }
0x6ce: {  	[sflag:s5] =	ssyncadd.s32 $0xFFFFC000  }
0x6cf: {  	_ =	swait.ge [sflag:s8], $0x4000  }
0x6d0: {  	[sflag:s8] =	ssyncset.done $0x0  }
0x6d1: {  	s31 =	simm.s32 $0x780;
	[sflag:s8] =	ssyncadd.s32 $0xFFFFC000  }
0x6d2: {  	[tilespmem:s9], [sflag:$0x1] =	stream.indirect.gather [hbm4b:s3+s7], $0x80, s31, s7, $0xb8;
	[tilespmem:$0x1E000] =	vst v63  }
0x6d3: {  	s18 =	simm.s32 $0xF00  }
0x6d4: {  	[spmem:s2] =	stream.indirect.scatter.add.f32 [tilespmem:s10], [sflag:$0x3], $0x80, s18, s7, $0xb8;
	[tilespmem:$0x1E000] =	vst v63  }
0x6d5: {  	_ =	swait.ge [sflag:s5], $0x4000  }
0x6d6: {  	[sflag:s5] =	ssyncset.done $0x0  }
0x6d7: {  	[sflag:s5] =	ssyncadd.s32 $0xFFFFC000  }
0x6d8: {  	_ =	swait.ge [sflag:s8], $0x4000  }
0x6d9: {  	[sflag:s8] =	ssyncset.done $0x0  }
0x6da: {  	s25 =	simm.s32 $0xF80;
	[sflag:s8] =	ssyncadd.s32 $0xFFFFC000  }
0x6db: {  	[spmem:s2] =	stream.indirect.scatter.add.f32 [tilespmem:s9], [sflag:$0x3], $0x80, s25, s7, $0xb8;
	[tilespmem:$0x1E000] =	vst v63  }
0x6dc: {  	_ =	swait.ge [sflag:s5], $0x4000  }
0x6dd: {  	[sflag:s5] =	ssyncset.done $0x0  }
0x6de: {  	[sflag:s5] =	ssyncadd.s32 $0xFFFFC000  }
0x6df: {  	_ =	swait.ge [sflag:s21], $0x800  }
0x6e0: {  	[sflag:s21] =	ssyncset.done $0x0  }
0x6e1: {  	[sflag:s21] =	ssyncadd.s32 $0xFFFFF800  }
0x6e2: {  	_ =	swait.ge [sflag:s21], $0x800  }
0x6e3: {  	[sflag:s21] =	ssyncset.done $0x0  }
0x6e4: {  	s26 =	rddreg [dreg:$0x8];
	[sflag:s21] =	ssyncadd.s32 $0xFFFFF800  }
0x6e5: {  	[tilespmem:s22], [sflag:$0x2] =	stream.linear.gather [hbm4b:s26+s22], $0x800, $0x38;
	[tilespmem:$0x1E000] =	vst v63  }
0x6e6: {  	s30 =	rddreg [dreg:$0x9]  }
0x6e7: {  	[tilespmem:s17], [sflag:$0x2] =	stream.linear.gather [hbm4b:s30+s22], $0x800, $0x38;
	[tilespmem:$0x1E000] =	vst v63  }
0x6e8: {  	_ = 	snop  }
0x6e9: {  	[tilespmem:s10], [sflag:$0x1] =	stream.indirect.gather [hbm4b:s3+s7], $0x80, s20, s7, $0xb8;
	[tilespmem:$0x1E000] =	vst v63  }
0x6ea: {  	_ =	swait.ge [sflag:s8], $0x4000  }
0x6eb: {  	[sflag:s8] =	ssyncset.done $0x0  }
0x6ec: {  	s31 =	simm.s32 $0x1080;
	[sflag:s8] =	ssyncadd.s32 $0xFFFFC000  }
0x6ed: {  	[tilespmem:s9], [sflag:$0x1] =	stream.indirect.gather [hbm4b:s3+s7], $0x80, s31, s7, $0xb8;
	[tilespmem:$0x1E000] =	vst v63  }
0x6ee: {  	_ = 	snop  }
0x6ef: {  	[spmem:s2] =	stream.indirect.scatter.add.f32 [tilespmem:s10], [sflag:$0x3], $0x80, s6, s7, $0xb8;
	[tilespmem:$0x1E000] =	vst v63  }
0x6f0: {  	_ =	swait.ge [sflag:s5], $0x4000  }
0x6f1: {  	[sflag:s5] =	ssyncset.done $0x0  }
0x6f2: {  	[sflag:s5] =	ssyncadd.s32 $0xFFFFC000  }
0x6f3: {  	_ =	swait.ge [sflag:s8], $0x4000  }
0x6f4: {  	[sflag:s8] =	ssyncset.done $0x0  }
0x6f5: {  	s22 =	simm.s32 $0x1100;
	[sflag:s8] =	ssyncadd.s32 $0xFFFFC000  }
0x6f6: {  	[tilespmem:s10], [sflag:$0x1] =	stream.indirect.gather [hbm4b:s3+s7], $0x80, s22, s7, $0xb8;
	[tilespmem:$0x1E000] =	vst v63  }
0x6f7: {  	s24 =	simm.s32 $0x1880  }
0x6f8: {  	[spmem:s2] =	stream.indirect.scatter.add.f32 [tilespmem:s9], [sflag:$0x3], $0x80, s24, s7, $0xb8;
	[tilespmem:$0x1E000] =	vst v63  }
0x6f9: {  	_ =	swait.ge [sflag:s5], $0x4000  }
0x6fa: {  	[sflag:s5] =	ssyncset.done $0x0  }
0x6fb: {  	[sflag:s5] =	ssyncadd.s32 $0xFFFFC000  }
0x6fc: {  	_ =	swait.ge [sflag:s8], $0x4000  }
0x6fd: {  	[sflag:s8] =	ssyncset.done $0x0  }
0x6fe: {  	s25 =	simm.s32 $0x1180;
	[sflag:s8] =	ssyncadd.s32 $0xFFFFC000  }
0x6ff: {  	[tilespmem:s9], [sflag:$0x1] =	stream.indirect.gather [hbm4b:s3+s7], $0x80, s25, s7, $0xb8;
	[tilespmem:$0x1E000] =	vst v63  }
0x700: {  	s26 =	simm.s32 $0x1900  }
0x701: {  	[spmem:s2] =	stream.indirect.scatter.add.f32 [tilespmem:s10], [sflag:$0x3], $0x80, s26, s7, $0xb8;
	[tilespmem:$0x1E000] =	vst v63  }
0x702: {  	_ =	swait.ge [sflag:s5], $0x4000  }
0x703: {  	[sflag:s5] =	ssyncset.done $0x0  }
0x704: {  	[sflag:s5] =	ssyncadd.s32 $0xFFFFC000  }
0x705: {  	_ =	swait.ge [sflag:s8], $0x4000  }
0x706: {  	[sflag:s8] =	ssyncset.done $0x0  }
0x707: {  	[sflag:s8] =	ssyncadd.s32 $0xFFFFC000  }
0x708: {  	[tilespmem:s10], [sflag:$0x1] =	stream.indirect.gather [hbm4b:s3+s7], $0x80, s29, s7, $0xb8;
	[tilespmem:$0x1E000] =	vst v63  }
0x709: {  	_ = 	snop  }
0x70a: {  	[spmem:s2] =	stream.indirect.scatter.add.f32 [tilespmem:s9], [sflag:$0x3], $0x80, s4, s7, $0xb8;
	[tilespmem:$0x1E000] =	vst v63  }
0x70b: {  	_ =	swait.ge [sflag:s5], $0x4000  }
0x70c: {  	[sflag:s5] =	ssyncset.done $0x0  }
0x70d: {  	[sflag:s5] =	ssyncadd.s32 $0xFFFFC000  }
0x70e: {  	_ =	swait.ge [sflag:s8], $0x4000  }
0x70f: {  	[sflag:s8] =	ssyncset.done $0x0  }
0x710: {  	[sflag:s8] =	ssyncadd.s32 $0xFFFFC000  }
0x711: {  	[tilespmem:s9], [sflag:$0x1] =	stream.indirect.gather [hbm4b:s3+s7], $0x80, s16, s7, $0xb8;
	[tilespmem:$0x1E000] =	vst v63  }
0x712: {  	_ = 	snop  }
0x713: {  	[spmem:s2] =	stream.indirect.scatter.add.f32 [tilespmem:s10], [sflag:$0x3], $0x80, s19, s7, $0xb8;
	[tilespmem:$0x1E000] =	vst v63  }
0x714: {  	_ =	swait.ge [sflag:s5], $0x4000  }
0x715: {  	[sflag:s5] =	ssyncset.done $0x0  }
0x716: {  	[sflag:s5] =	ssyncadd.s32 $0xFFFFC000  }
0x717: {  	_ =	swait.ge [sflag:s8], $0x4000  }
0x718: {  	[sflag:s8] =	ssyncset.done $0x0  }
0x719: {  	[sflag:s8] =	ssyncadd.s32 $0xFFFFC000  }
0x71a: {  	[tilespmem:s10], [sflag:$0x1] =	stream.indirect.gather [hbm4b:s3+s7], $0x80, s14, s7, $0xb8;
	[tilespmem:$0x1E000] =	vst v63  }
0x71b: {  	_ = 	snop  }
0x71c: {  	[spmem:s2] =	stream.indirect.scatter.add.f32 [tilespmem:s9], [sflag:$0x3], $0x80, s15, s7, $0xb8;
	[tilespmem:$0x1E000] =	vst v63  }
0x71d: {  	_ =	swait.ge [sflag:s5], $0x4000  }
0x71e: {  	[sflag:s5] =	ssyncset.done $0x0  }
0x71f: {  	[sflag:s5] =	ssyncadd.s32 $0xFFFFC000  }
0x720: {  	_ =	swait.ge [sflag:s8], $0x4000  }
0x721: {  	[sflag:s8] =	ssyncset.done $0x0  }
0x722: {  	[sflag:s8] =	ssyncadd.s32 $0xFFFFC000  }
0x723: {  	[tilespmem:s9], [sflag:$0x1] =	stream.indirect.gather [hbm4b:s3+s7], $0x80, s12, s7, $0xb8;
	[tilespmem:$0x1E000] =	vst v63  }
0x724: {  	_ = 	snop  }
0x725: {  	[spmem:s2] =	stream.indirect.scatter.add.f32 [tilespmem:s10], [sflag:$0x3], $0x80, s13, s7, $0xb8;
	[tilespmem:$0x1E000] =	vst v63  }
0x726: {  	_ =	swait.ge [sflag:s5], $0x4000  }
0x727: {  	[sflag:s5] =	ssyncset.done $0x0  }
0x728: {  	[sflag:s5] =	ssyncadd.s32 $0xFFFFC000  }
0x729: {  	_ =	swait.ge [sflag:s8], $0x4000  }
0x72a: {  	[sflag:s8] =	ssyncset.done $0x0  }
0x72b: {  	[sflag:s8] =	ssyncadd.s32 $0xFFFFC000  }
0x72c: {  	[tilespmem:s10], [sflag:$0x1] =	stream.indirect.gather [hbm4b:s3+s7], $0x80, s1, s7, $0xb8;
	[tilespmem:$0x1E000] =	vst v63  }
0x72d: {  	_ = 	snop  }
0x72e: {  	[spmem:s2] =	stream.indirect.scatter.add.f32 [tilespmem:s9], [sflag:$0x3], $0x80, s11, s7, $0xb8;
	[tilespmem:$0x1E000] =	vst v63  }
0x72f: {  	_ =	swait.ge [sflag:s5], $0x4000  }
0x730: {  	[sflag:s5] =	ssyncset.done $0x0  }
0x731: {  	[sflag:s5] =	ssyncadd.s32 $0xFFFFC000  }
0x732: {  	_ =	swait.ge [sflag:s8], $0x4000  }
0x733: {  	[sflag:s8] =	ssyncset.done $0x0  }
0x734: {  	s30 =	simm.s32 $0x1480;
	[sflag:s8] =	ssyncadd.s32 $0xFFFFC000  }
0x735: {  	[tilespmem:s9], [sflag:$0x1] =	stream.indirect.gather [hbm4b:s3+s7], $0x80, s30, s7, $0xb8;
	[tilespmem:$0x1E000] =	vst v63  }
0x736: {  	s29 =	simm.s32 $0x1C00  }
0x737: {  	[spmem:s2] =	stream.indirect.scatter.add.f32 [tilespmem:s10], [sflag:$0x3], $0x80, s29, s7, $0xb8;
	[tilespmem:$0x1E000] =	vst v63  }
0x738: {  	_ =	swait.ge [sflag:s5], $0x4000  }
0x739: {  	[sflag:s5] =	ssyncset.done $0x0  }
0x73a: {  	[sflag:s5] =	ssyncadd.s32 $0xFFFFC000  }
0x73b: {  	_ =	swait.ge [sflag:s8], $0x4000  }
0x73c: {  	[sflag:s8] =	ssyncset.done $0x0  }
0x73d: {  	[sflag:s8] =	ssyncadd.s32 $0xFFFFC000  }
0x73e: {  	[tilespmem:s10], [sflag:$0x1] =	stream.indirect.gather [hbm4b:s3+s7], $0x80, s0, s7, $0xb8;
	[tilespmem:$0x1E000] =	vst v63  }
0x73f: {  	_ = 	snop  }
0x740: {  	[spmem:s2] =	stream.indirect.scatter.add.f32 [tilespmem:s9], [sflag:$0x3], $0x80, s23, s7, $0xb8;
	[tilespmem:$0x1E000] =	vst v63  }
0x741: {  	_ =	swait.ge [sflag:s5], $0x4000  }
0x742: {  	[sflag:s5] =	ssyncset.done $0x0  }
0x743: {  	[sflag:s5] =	ssyncadd.s32 $0xFFFFC000  }
0x744: {  	_ =	swait.ge [sflag:s8], $0x4000  }
0x745: {  	[sflag:s8] =	ssyncset.done $0x0  }
0x746: {  	s19 =	simm.s32 $0x1580;
	[sflag:s8] =	ssyncadd.s32 $0xFFFFC000  }
0x747: {  	[tilespmem:s9], [sflag:$0x1] =	stream.indirect.gather [hbm4b:s3+s7], $0x80, s19, s7, $0xb8;
	[tilespmem:$0x1E000] =	vst v63  }
0x748: {  	s26 =	simm.s32 $0x1D00  }
0x749: {  	[spmem:s2] =	stream.indirect.scatter.add.f32 [tilespmem:s10], [sflag:$0x3], $0x80, s26, s7, $0xb8;
	[tilespmem:$0x1E000] =	vst v63  }
0x74a: {  	_ =	swait.ge [sflag:s5], $0x4000  }
0x74b: {  	[sflag:s5] =	ssyncset.done $0x0  }
0x74c: {  	[sflag:s5] =	ssyncadd.s32 $0xFFFFC000  }
0x74d: {  	_ =	swait.ge [sflag:s8], $0x4000  }
0x74e: {  	[sflag:s8] =	ssyncset.done $0x0  }
0x74f: {  	s16 =	simm.s32 $0x1600;
	[sflag:s8] =	ssyncadd.s32 $0xFFFFC000  }
0x750: {  	[tilespmem:s10], [sflag:$0x1] =	stream.indirect.gather [hbm4b:s3+s7], $0x80, s16, s7, $0xb8;
	[tilespmem:$0x1E000] =	vst v63  }
0x751: {  	s18 =	simm.s32 $0x1D80  }
0x752: {  	[spmem:s2] =	stream.indirect.scatter.add.f32 [tilespmem:s9], [sflag:$0x3], $0x80, s18, s7, $0xb8;
	[tilespmem:$0x1E000] =	vst v63  }
0x753: {  	_ =	swait.ge [sflag:s5], $0x4000  }
0x754: {  	[sflag:s5] =	ssyncset.done $0x0  }
0x755: {  	[sflag:s5] =	ssyncadd.s32 $0xFFFFC000  }
0x756: {  	_ =	swait.ge [sflag:s8], $0x4000  }
0x757: {  	[sflag:s8] =	ssyncset.done $0x0  }
0x758: {  	s14 =	simm.s32 $0x1680;
	[sflag:s8] =	ssyncadd.s32 $0xFFFFC000  }
0x759: {  	[tilespmem:s9], [sflag:$0x1] =	stream.indirect.gather [hbm4b:s3+s7], $0x80, s14, s7, $0xb8;
	[tilespmem:$0x1E000] =	vst v63  }
0x75a: {  	s15 =	simm.s32 $0x1E00  }
0x75b: {  	[spmem:s2] =	stream.indirect.scatter.add.f32 [tilespmem:s10], [sflag:$0x3], $0x80, s15, s7, $0xb8;
	[tilespmem:$0x1E000] =	vst v63  }
0x75c: {  	_ =	swait.ge [sflag:s5], $0x4000  }
0x75d: {  	[sflag:s5] =	ssyncset.done $0x0  }
0x75e: {  	[sflag:s5] =	ssyncadd.s32 $0xFFFFC000  }
0x75f: {  	_ =	swait.ge [sflag:s8], $0x4000  }
0x760: {  	[sflag:s8] =	ssyncset.done $0x0  }
0x761: {  	s12 =	simm.s32 $0x1700;
	[sflag:s8] =	ssyncadd.s32 $0xFFFFC000  }
0x762: {  	[tilespmem:s10], [sflag:$0x1] =	stream.indirect.gather [hbm4b:s3+s7], $0x80, s12, s7, $0xb8;
	[tilespmem:$0x1E000] =	vst v63  }
0x763: {  	s13 =	simm.s32 $0x1E80  }
0x764: {  	[spmem:s2] =	stream.indirect.scatter.add.f32 [tilespmem:s9], [sflag:$0x3], $0x80, s13, s7, $0xb8;
	[tilespmem:$0x1E000] =	vst v63  }
0x765: {  	_ =	swait.ge [sflag:s5], $0x4000  }
0x766: {  	[sflag:s5] =	ssyncset.done $0x0  }
0x767: {  	[sflag:s5] =	ssyncadd.s32 $0xFFFFC000  }
0x768: {  	_ =	swait.ge [sflag:s8], $0x4000  }
0x769: {  	[sflag:s8] =	ssyncset.done $0x0  }
0x76a: {  	s4 =	simm.s32 $0x1780;
	[sflag:s8] =	ssyncadd.s32 $0xFFFFC000  }
0x76b: {  	[tilespmem:s9], [sflag:$0x1] =	stream.indirect.gather [hbm4b:s3+s7], $0x80, s4, s7, $0xb8;
	[tilespmem:$0x1E000] =	vst v63  }
0x76c: {  	s11 =	simm.s32 $0x1F00  }
0x76d: {  	[spmem:s2] =	stream.indirect.scatter.add.f32 [tilespmem:s10], [sflag:$0x3], $0x80, s11, s7, $0xb8;
	[tilespmem:$0x1E000] =	vst v63  }
0x76e: {  	_ =	swait.ge [sflag:s5], $0x4000  }
0x76f: {  	[sflag:s5] =	ssyncset.done $0x0  }
0x770: {  	[sflag:s5] =	ssyncadd.s32 $0xFFFFC000  }
0x771: {  	_ =	swait.ge [sflag:s8], $0x4000  }
0x772: {  	[sflag:s8] =	ssyncset.done $0x0  }
0x773: {  	s30 =	simm.s32 $0x1F80;
	[sflag:s8] =	ssyncadd.s32 $0xFFFFC000  }
0x774: {  	[spmem:s2] =	stream.indirect.scatter.add.f32 [tilespmem:s9], [sflag:$0x3], $0x80, s30, s7, $0xb8;
	[tilespmem:$0x1E000] =	vst v63  }
0x775: {  	_ =	swait.ge [sflag:s5], $0x4000  }
0x776: {  	[sflag:s5] =	ssyncset.done $0x0  }
0x777: {  	[sflag:s5] =	ssyncadd.s32 $0xFFFFC000  }
0x778: {  	_ =	swait.ge [sflag:s21], $0x800  }
0x779: {  	[sflag:s21] =	ssyncset.done $0x0  }
0x77a: {  	[sflag:s21] =	ssyncadd.s32 $0xFFFFF800  }
0x77b: {  	_ =	swait.ge [sflag:s21], $0x800  }
0x77c: {  	[sflag:s21] =	ssyncset.done $0x0  }
0x77d: {  	s31 =	simm.s32 $0x0;
	s6 =	rddreg [dreg:$0xa];
	[sflag:s21] =	ssyncadd.s32 $0xFFFFF800  }
0x77e: {  	[tilespmem:s20], [sflag:$0x2] =	stream.linear.gather [hbm4b:s6+s31], $0x800, $0x38;
	[tilespmem:$0x1E000] =	vst v63  }
0x77f: {  	s22 =	simm.s32 $0x1800;
	s23 =	rddreg [dreg:$0xb]  }
0x780: {  	[tilespmem:s22], [sflag:$0x2] =	stream.linear.gather [hbm4b:s23+s31], $0x800, $0x38;
	[tilespmem:$0x1E000] =	vst v63  }
0x781: {  	_ = 	snop  }
0x782: {  	[tilespmem:s10], [sflag:$0x1] =	stream.indirect.gather [hbm4b:s3+s7], $0x80, s31, s7, $0xb8;
	[tilespmem:$0x1E000] =	vst v63  }
0x783: {  	_ =	swait.ge [sflag:s8], $0x4000  }
0x784: {  	[sflag:s8] =	ssyncset.done $0x0  }
0x785: {  	[sflag:s8] =	ssyncadd.s32 $0xFFFFC000  }
0x786: {  	[tilespmem:s9], [sflag:$0x1] =	stream.indirect.gather [hbm4b:s3+s7], $0x80, s7, s7, $0xb8;
	[tilespmem:$0x1E000] =	vst v63  }
0x787: {  	_ = 	snop  }
0x788: {  	[spmem:s2] =	stream.indirect.scatter.add.f32 [tilespmem:s10], [sflag:$0x3], $0x80, s17, s7, $0xb8;
	[tilespmem:$0x1E000] =	vst v63  }
0x789: {  	_ =	swait.ge [sflag:s5], $0x4000  }
0x78a: {  	[sflag:s5] =	ssyncset.done $0x0  }
0x78b: {  	[sflag:s5] =	ssyncadd.s32 $0xFFFFC000  }
0x78c: {  	_ =	swait.ge [sflag:s8], $0x4000  }
0x78d: {  	[sflag:s8] =	ssyncset.done $0x0  }
0x78e: {  	s25 =	simm.s32 $0x100;
	[sflag:s8] =	ssyncadd.s32 $0xFFFFC000  }
0x78f: {  	[tilespmem:s10], [sflag:$0x1] =	stream.indirect.gather [hbm4b:s3+s7], $0x80, s25, s7, $0xb8;
	[tilespmem:$0x1E000] =	vst v63  }
0x790: {  	s1 =	simm.s32 $0x880  }
0x791: {  	[spmem:s2] =	stream.indirect.scatter.add.f32 [tilespmem:s9], [sflag:$0x3], $0x80, s1, s7, $0xb8;
	[tilespmem:$0x1E000] =	vst v63  }
0x792: {  	_ =	swait.ge [sflag:s5], $0x4000  }
0x793: {  	[sflag:s5] =	ssyncset.done $0x0  }
0x794: {  	[sflag:s5] =	ssyncadd.s32 $0xFFFFC000  }
0x795: {  	_ =	swait.ge [sflag:s8], $0x4000  }
0x796: {  	[sflag:s8] =	ssyncset.done $0x0  }
0x797: {  	s4 =	simm.s32 $0x180;
	[sflag:s8] =	ssyncadd.s32 $0xFFFFC000  }
0x798: {  	[tilespmem:s9], [sflag:$0x1] =	stream.indirect.gather [hbm4b:s3+s7], $0x80, s4, s7, $0xb8;
	[tilespmem:$0x1E000] =	vst v63  }
0x799: {  	s6 =	simm.s32 $0x900  }
0x79a: {  	[spmem:s2] =	stream.indirect.scatter.add.f32 [tilespmem:s10], [sflag:$0x3], $0x80, s6, s7, $0xb8;
	[tilespmem:$0x1E000] =	vst v63  }
0x79b: {  	_ =	swait.ge [sflag:s5], $0x4000  }
0x79c: {  	[sflag:s5] =	ssyncset.done $0x0  }
0x79d: {  	[sflag:s5] =	ssyncadd.s32 $0xFFFFC000  }
0x79e: {  	_ =	swait.ge [sflag:s8], $0x4000  }
0x79f: {  	[sflag:s8] =	ssyncset.done $0x0  }
0x7a0: {  	s23 =	simm.s32 $0x200;
	[sflag:s8] =	ssyncadd.s32 $0xFFFFC000  }
0x7a1: {  	[tilespmem:s10], [sflag:$0x1] =	stream.indirect.gather [hbm4b:s3+s7], $0x80, s23, s7, $0xb8;
	[tilespmem:$0x1E000] =	vst v63  }
0x7a2: {  	s24 =	simm.s32 $0x980  }
0x7a3: {  	[spmem:s2] =	stream.indirect.scatter.add.f32 [tilespmem:s9], [sflag:$0x3], $0x80, s24, s7, $0xb8;
	[tilespmem:$0x1E000] =	vst v63  }
0x7a4: {  	_ =	swait.ge [sflag:s5], $0x4000  }
0x7a5: {  	[sflag:s5] =	ssyncset.done $0x0  }
0x7a6: {  	[sflag:s5] =	ssyncadd.s32 $0xFFFFC000  }
0x7a7: {  	_ =	swait.ge [sflag:s8], $0x4000  }
0x7a8: {  	[sflag:s8] =	ssyncset.done $0x0  }
0x7a9: {  	s25 =	simm.s32 $0x280;
	[sflag:s8] =	ssyncadd.s32 $0xFFFFC000  }
0x7aa: {  	[tilespmem:s9], [sflag:$0x1] =	stream.indirect.gather [hbm4b:s3+s7], $0x80, s25, s7, $0xb8;
	[tilespmem:$0x1E000] =	vst v63  }
0x7ab: {  	s1 =	simm.s32 $0xA00  }
0x7ac: {  	[spmem:s2] =	stream.indirect.scatter.add.f32 [tilespmem:s10], [sflag:$0x3], $0x80, s1, s7, $0xb8;
	[tilespmem:$0x1E000] =	vst v63  }
0x7ad: {  	_ =	swait.ge [sflag:s5], $0x4000  }
0x7ae: {  	[sflag:s5] =	ssyncset.done $0x0  }
0x7af: {  	[sflag:s5] =	ssyncadd.s32 $0xFFFFC000  }
0x7b0: {  	_ =	swait.ge [sflag:s8], $0x4000  }
0x7b1: {  	[sflag:s8] =	ssyncset.done $0x0  }
0x7b2: {  	s4 =	simm.s32 $0x300;
	[sflag:s8] =	ssyncadd.s32 $0xFFFFC000  }
0x7b3: {  	[tilespmem:s10], [sflag:$0x1] =	stream.indirect.gather [hbm4b:s3+s7], $0x80, s4, s7, $0xb8;
	[tilespmem:$0x1E000] =	vst v63  }
0x7b4: {  	s6 =	simm.s32 $0xA80  }
0x7b5: {  	[spmem:s2] =	stream.indirect.scatter.add.f32 [tilespmem:s9], [sflag:$0x3], $0x80, s6, s7, $0xb8;
	[tilespmem:$0x1E000] =	vst v63  }
0x7b6: {  	_ =	swait.ge [sflag:s5], $0x4000  }
0x7b7: {  	[sflag:s5] =	ssyncset.done $0x0  }
0x7b8: {  	[sflag:s5] =	ssyncadd.s32 $0xFFFFC000  }
0x7b9: {  	_ =	swait.ge [sflag:s8], $0x4000  }
0x7ba: {  	[sflag:s8] =	ssyncset.done $0x0  }
0x7bb: {  	s23 =	simm.s32 $0x380;
	[sflag:s8] =	ssyncadd.s32 $0xFFFFC000  }
0x7bc: {  	[tilespmem:s9], [sflag:$0x1] =	stream.indirect.gather [hbm4b:s3+s7], $0x80, s23, s7, $0xb8;
	[tilespmem:$0x1E000] =	vst v63  }
0x7bd: {  	s24 =	simm.s32 $0xB00  }
0x7be: {  	[spmem:s2] =	stream.indirect.scatter.add.f32 [tilespmem:s10], [sflag:$0x3], $0x80, s24, s7, $0xb8;
	[tilespmem:$0x1E000] =	vst v63  }
0x7bf: {  	_ =	swait.ge [sflag:s5], $0x4000  }
0x7c0: {  	[sflag:s5] =	ssyncset.done $0x0  }
0x7c1: {  	[sflag:s5] =	ssyncadd.s32 $0xFFFFC000  }
0x7c2: {  	_ =	swait.ge [sflag:s8], $0x4000  }
0x7c3: {  	[sflag:s8] =	ssyncset.done $0x0  }
0x7c4: {  	s25 =	simm.s32 $0x400;
	[sflag:s8] =	ssyncadd.s32 $0xFFFFC000  }
0x7c5: {  	[tilespmem:s10], [sflag:$0x1] =	stream.indirect.gather [hbm4b:s3+s7], $0x80, s25, s7, $0xb8;
	[tilespmem:$0x1E000] =	vst v63  }
0x7c6: {  	s1 =	simm.s32 $0xB80  }
0x7c7: {  	[spmem:s2] =	stream.indirect.scatter.add.f32 [tilespmem:s9], [sflag:$0x3], $0x80, s1, s7, $0xb8;
	[tilespmem:$0x1E000] =	vst v63  }
0x7c8: {  	_ =	swait.ge [sflag:s5], $0x4000  }
0x7c9: {  	[sflag:s5] =	ssyncset.done $0x0  }
0x7ca: {  	[sflag:s5] =	ssyncadd.s32 $0xFFFFC000  }
0x7cb: {  	_ =	swait.ge [sflag:s8], $0x4000  }
0x7cc: {  	[sflag:s8] =	ssyncset.done $0x0  }
0x7cd: {  	s4 =	simm.s32 $0x480;
	[sflag:s8] =	ssyncadd.s32 $0xFFFFC000  }
0x7ce: {  	[tilespmem:s9], [sflag:$0x1] =	stream.indirect.gather [hbm4b:s3+s7], $0x80, s4, s7, $0xb8;
	[tilespmem:$0x1E000] =	vst v63  }
0x7cf: {  	s6 =	simm.s32 $0xC00  }
0x7d0: {  	[spmem:s2] =	stream.indirect.scatter.add.f32 [tilespmem:s10], [sflag:$0x3], $0x80, s6, s7, $0xb8;
	[tilespmem:$0x1E000] =	vst v63  }
0x7d1: {  	_ =	swait.ge [sflag:s5], $0x4000  }
0x7d2: {  	[sflag:s5] =	ssyncset.done $0x0  }
0x7d3: {  	[sflag:s5] =	ssyncadd.s32 $0xFFFFC000  }
0x7d4: {  	_ =	swait.ge [sflag:s8], $0x4000  }
0x7d5: {  	[sflag:s8] =	ssyncset.done $0x0  }
0x7d6: {  	s23 =	simm.s32 $0x500;
	[sflag:s8] =	ssyncadd.s32 $0xFFFFC000  }
0x7d7: {  	[tilespmem:s10], [sflag:$0x1] =	stream.indirect.gather [hbm4b:s3+s7], $0x80, s23, s7, $0xb8;
	[tilespmem:$0x1E000] =	vst v63  }
0x7d8: {  	s24 =	simm.s32 $0xC80  }
0x7d9: {  	[spmem:s2] =	stream.indirect.scatter.add.f32 [tilespmem:s9], [sflag:$0x3], $0x80, s24, s7, $0xb8;
	[tilespmem:$0x1E000] =	vst v63  }
0x7da: {  	_ =	swait.ge [sflag:s5], $0x4000  }
0x7db: {  	[sflag:s5] =	ssyncset.done $0x0  }
0x7dc: {  	[sflag:s5] =	ssyncadd.s32 $0xFFFFC000  }
0x7dd: {  	_ =	swait.ge [sflag:s8], $0x4000  }
0x7de: {  	[sflag:s8] =	ssyncset.done $0x0  }
0x7df: {  	s6 =	simm.s32 $0x580;
	[sflag:s8] =	ssyncadd.s32 $0xFFFFC000  }
0x7e0: {  	[tilespmem:s9], [sflag:$0x1] =	stream.indirect.gather [hbm4b:s3+s7], $0x80, s6, s7, $0xb8;
	[tilespmem:$0x1E000] =	vst v63  }
0x7e1: {  	s25 =	simm.s32 $0xD00  }
0x7e2: {  	[spmem:s2] =	stream.indirect.scatter.add.f32 [tilespmem:s10], [sflag:$0x3], $0x80, s25, s7, $0xb8;
	[tilespmem:$0x1E000] =	vst v63  }
0x7e3: {  	_ =	swait.ge [sflag:s5], $0x4000  }
0x7e4: {  	[sflag:s5] =	ssyncset.done $0x0  }
0x7e5: {  	[sflag:s5] =	ssyncadd.s32 $0xFFFFC000  }
0x7e6: {  	_ =	swait.ge [sflag:s8], $0x4000  }
0x7e7: {  	[sflag:s8] =	ssyncset.done $0x0  }
0x7e8: {  	s4 =	simm.s32 $0x600;
	[sflag:s8] =	ssyncadd.s32 $0xFFFFC000  }
0x7e9: {  	[tilespmem:s10], [sflag:$0x1] =	stream.indirect.gather [hbm4b:s3+s7], $0x80, s4, s7, $0xb8;
	[tilespmem:$0x1E000] =	vst v63  }
0x7ea: {  	s1 =	simm.s32 $0xD80  }
0x7eb: {  	[spmem:s2] =	stream.indirect.scatter.add.f32 [tilespmem:s9], [sflag:$0x3], $0x80, s1, s7, $0xb8;
	[tilespmem:$0x1E000] =	vst v63  }
0x7ec: {  	_ =	swait.ge [sflag:s5], $0x4000  }
0x7ed: {  	[sflag:s5] =	ssyncset.done $0x0  }
0x7ee: {  	[sflag:s5] =	ssyncadd.s32 $0xFFFFC000  }
0x7ef: {  	_ =	swait.ge [sflag:s8], $0x4000  }
0x7f0: {  	[sflag:s8] =	ssyncset.done $0x0  }
0x7f1: {  	s1 =	simm.s32 $0x680;
	[sflag:s8] =	ssyncadd.s32 $0xFFFFC000  }
0x7f2: {  	[tilespmem:s9], [sflag:$0x1] =	stream.indirect.gather [hbm4b:s3+s7], $0x80, s1, s7, $0xb8;
	[tilespmem:$0x1E000] =	vst v63  }
0x7f3: {  	s23 =	simm.s32 $0xE00  }
0x7f4: {  	[spmem:s2] =	stream.indirect.scatter.add.f32 [tilespmem:s10], [sflag:$0x3], $0x80, s23, s7, $0xb8;
	[tilespmem:$0x1E000] =	vst v63  }
0x7f5: {  	_ =	swait.ge [sflag:s5], $0x4000  }
0x7f6: {  	[sflag:s5] =	ssyncset.done $0x0  }
0x7f7: {  	[sflag:s5] =	ssyncadd.s32 $0xFFFFC000  }
0x7f8: {  	_ =	swait.ge [sflag:s8], $0x4000  }
0x7f9: {  	[sflag:s8] =	ssyncset.done $0x0  }
0x7fa: {  	s0 =	simm.s32 $0x700;
	[sflag:s8] =	ssyncadd.s32 $0xFFFFC000  }
0x7fb: {  	[tilespmem:s10], [sflag:$0x1] =	stream.indirect.gather [hbm4b:s3+s7], $0x80, s0, s7, $0xb8;
	[tilespmem:$0x1E000] =	vst v63  }
0x7fc: {  	s24 =	simm.s32 $0xE80  }
0x7fd: {  	[spmem:s2] =	stream.indirect.scatter.add.f32 [tilespmem:s9], [sflag:$0x3], $0x80, s24, s7, $0xb8;
	[tilespmem:$0x1E000] =	vst v63  }
0x7fe: {  	_ =	swait.ge [sflag:s5], $0x4000  }
0x7ff: {  	[sflag:s5] =	ssyncset.done $0x0  }
0x800: {  	[sflag:s5] =	ssyncadd.s32 $0xFFFFC000  }
0x801: {  	_ =	swait.ge [sflag:s8], $0x4000  }
0x802: {  	[sflag:s8] =	ssyncset.done $0x0  }
0x803: {  	s23 =	simm.s32 $0x780;
	[sflag:s8] =	ssyncadd.s32 $0xFFFFC000  }
0x804: {  	[tilespmem:s9], [sflag:$0x1] =	stream.indirect.gather [hbm4b:s3+s7], $0x80, s23, s7, $0xb8;
	[tilespmem:$0x1E000] =	vst v63  }
0x805: {  	s25 =	simm.s32 $0xF00  }
0x806: {  	[spmem:s2] =	stream.indirect.scatter.add.f32 [tilespmem:s10], [sflag:$0x3], $0x80, s25, s7, $0xb8;
	[tilespmem:$0x1E000] =	vst v63  }
0x807: {  	_ =	swait.ge [sflag:s5], $0x4000  }
0x808: {  	[sflag:s5] =	ssyncset.done $0x0  }
0x809: {  	[sflag:s5] =	ssyncadd.s32 $0xFFFFC000  }
0x80a: {  	_ =	swait.ge [sflag:s8], $0x4000  }
0x80b: {  	[sflag:s8] =	ssyncset.done $0x0  }
0x80c: {  	s25 =	simm.s32 $0xF80;
	[sflag:s8] =	ssyncadd.s32 $0xFFFFC000  }
0x80d: {  	[spmem:s2] =	stream.indirect.scatter.add.f32 [tilespmem:s9], [sflag:$0x3], $0x80, s25, s7, $0xb8;
	[tilespmem:$0x1E000] =	vst v63  }
0x80e: {  	_ =	swait.ge [sflag:s5], $0x4000  }
0x80f: {  	[sflag:s5] =	ssyncset.done $0x0  }
0x810: {  	[sflag:s5] =	ssyncadd.s32 $0xFFFFC000  }
0x811: {  	_ =	swait.ge [sflag:s21], $0x800  }
0x812: {  	[sflag:s21] =	ssyncset.done $0x0  }
0x813: {  	[sflag:s21] =	ssyncadd.s32 $0xFFFFF800  }
0x814: {  	_ =	swait.ge [sflag:s21], $0x800  }
0x815: {  	[sflag:s21] =	ssyncset.done $0x0  }
0x816: {  	s24 =	rddreg [dreg:$0xc];
	[sflag:s21] =	ssyncadd.s32 $0xFFFFF800  }
0x817: {  	[tilespmem:s31], [sflag:$0x2] =	stream.linear.gather [hbm4b:s24+s31], $0x800, $0x38;
	[tilespmem:$0x1E000] =	vst v63  }
0x818: {  	s25 =	rddreg [dreg:$0xd]  }
0x819: {  	[tilespmem:s17], [sflag:$0x2] =	stream.linear.gather [hbm4b:s25+s31], $0x800, $0x38;
	[tilespmem:$0x1E000] =	vst v63  }
0x81a: {  	_ = 	snop  }
0x81b: {  	[tilespmem:s10], [sflag:$0x1] =	stream.indirect.gather [hbm4b:s3+s7], $0x80, s20, s7, $0xb8;
	[tilespmem:$0x1E000] =	vst v63  }
0x81c: {  	_ =	swait.ge [sflag:s8], $0x4000  }
0x81d: {  	[sflag:s8] =	ssyncset.done $0x0  }
0x81e: {  	s24 =	simm.s32 $0x1080;
	[sflag:s8] =	ssyncadd.s32 $0xFFFFC000  }
0x81f: {  	[tilespmem:s9], [sflag:$0x1] =	stream.indirect.gather [hbm4b:s3+s7], $0x80, s24, s7, $0xb8;
	[tilespmem:$0x1E000] =	vst v63  }
0x820: {  	_ = 	snop  }
0x821: {  	[spmem:s2] =	stream.indirect.scatter.add.f32 [tilespmem:s10], [sflag:$0x3], $0x80, s22, s7, $0xb8;
	[tilespmem:$0x1E000] =	vst v63  }
0x822: {  	_ =	swait.ge [sflag:s5], $0x4000  }
0x823: {  	[sflag:s5] =	ssyncset.done $0x0  }
0x824: {  	[sflag:s5] =	ssyncadd.s32 $0xFFFFC000  }
0x825: {  	_ =	swait.ge [sflag:s8], $0x4000  }
0x826: {  	[sflag:s8] =	ssyncset.done $0x0  }
0x827: {  	s25 =	simm.s32 $0x1100;
	[sflag:s8] =	ssyncadd.s32 $0xFFFFC000  }
0x828: {  	[tilespmem:s10], [sflag:$0x1] =	stream.indirect.gather [hbm4b:s3+s7], $0x80, s25, s7, $0xb8;
	[tilespmem:$0x1E000] =	vst v63  }
0x829: {  	s22 =	simm.s32 $0x1880  }
0x82a: {  	[spmem:s2] =	stream.indirect.scatter.add.f32 [tilespmem:s9], [sflag:$0x3], $0x80, s22, s7, $0xb8;
	[tilespmem:$0x1E000] =	vst v63  }
0x82b: {  	_ =	swait.ge [sflag:s5], $0x4000  }
0x82c: {  	[sflag:s5] =	ssyncset.done $0x0  }
0x82d: {  	[sflag:s5] =	ssyncadd.s32 $0xFFFFC000  }
0x82e: {  	_ =	swait.ge [sflag:s8], $0x4000  }
0x82f: {  	[sflag:s8] =	ssyncset.done $0x0  }
0x830: {  	s24 =	simm.s32 $0x1180;
	[sflag:s8] =	ssyncadd.s32 $0xFFFFC000  }
0x831: {  	[tilespmem:s9], [sflag:$0x1] =	stream.indirect.gather [hbm4b:s3+s7], $0x80, s24, s7, $0xb8;
	[tilespmem:$0x1E000] =	vst v63  }
0x832: {  	s25 =	simm.s32 $0x1900  }
0x833: {  	[spmem:s2] =	stream.indirect.scatter.add.f32 [tilespmem:s10], [sflag:$0x3], $0x80, s25, s7, $0xb8;
	[tilespmem:$0x1E000] =	vst v63  }
0x834: {  	_ =	swait.ge [sflag:s5], $0x4000  }
0x835: {  	[sflag:s5] =	ssyncset.done $0x0  }
0x836: {  	[sflag:s5] =	ssyncadd.s32 $0xFFFFC000  }
0x837: {  	_ =	swait.ge [sflag:s8], $0x4000  }
0x838: {  	[sflag:s8] =	ssyncset.done $0x0  }
0x839: {  	s22 =	simm.s32 $0x1200;
	[sflag:s8] =	ssyncadd.s32 $0xFFFFC000  }
0x83a: {  	[tilespmem:s10], [sflag:$0x1] =	stream.indirect.gather [hbm4b:s3+s7], $0x80, s22, s7, $0xb8;
	[tilespmem:$0x1E000] =	vst v63  }
0x83b: {  	s24 =	simm.s32 $0x1980  }
0x83c: {  	[spmem:s2] =	stream.indirect.scatter.add.f32 [tilespmem:s9], [sflag:$0x3], $0x80, s24, s7, $0xb8;
	[tilespmem:$0x1E000] =	vst v63  }
0x83d: {  	_ =	swait.ge [sflag:s5], $0x4000  }
0x83e: {  	[sflag:s5] =	ssyncset.done $0x0  }
0x83f: {  	[sflag:s5] =	ssyncadd.s32 $0xFFFFC000  }
0x840: {  	_ =	swait.ge [sflag:s8], $0x4000  }
0x841: {  	[sflag:s8] =	ssyncset.done $0x0  }
0x842: {  	s25 =	simm.s32 $0x1280;
	[sflag:s8] =	ssyncadd.s32 $0xFFFFC000  }
0x843: {  	[tilespmem:s9], [sflag:$0x1] =	stream.indirect.gather [hbm4b:s3+s7], $0x80, s25, s7, $0xb8;
	[tilespmem:$0x1E000] =	vst v63  }
0x844: {  	s22 =	simm.s32 $0x1A00  }
0x845: {  	[spmem:s2] =	stream.indirect.scatter.add.f32 [tilespmem:s10], [sflag:$0x3], $0x80, s22, s7, $0xb8;
	[tilespmem:$0x1E000] =	vst v63  }
0x846: {  	_ =	swait.ge [sflag:s5], $0x4000  }
0x847: {  	[sflag:s5] =	ssyncset.done $0x0  }
0x848: {  	[sflag:s5] =	ssyncadd.s32 $0xFFFFC000  }
0x849: {  	_ =	swait.ge [sflag:s8], $0x4000  }
0x84a: {  	[sflag:s8] =	ssyncset.done $0x0  }
0x84b: {  	s24 =	simm.s32 $0x1300;
	[sflag:s8] =	ssyncadd.s32 $0xFFFFC000  }
0x84c: {  	[tilespmem:s10], [sflag:$0x1] =	stream.indirect.gather [hbm4b:s3+s7], $0x80, s24, s7, $0xb8;
	[tilespmem:$0x1E000] =	vst v63  }
0x84d: {  	s25 =	simm.s32 $0x1A80  }
0x84e: {  	[spmem:s2] =	stream.indirect.scatter.add.f32 [tilespmem:s9], [sflag:$0x3], $0x80, s25, s7, $0xb8;
	[tilespmem:$0x1E000] =	vst v63  }
0x84f: {  	_ =	swait.ge [sflag:s5], $0x4000  }
0x850: {  	[sflag:s5] =	ssyncset.done $0x0  }
0x851: {  	[sflag:s5] =	ssyncadd.s32 $0xFFFFC000  }
0x852: {  	_ =	swait.ge [sflag:s8], $0x4000  }
0x853: {  	[sflag:s8] =	ssyncset.done $0x0  }
0x854: {  	s22 =	simm.s32 $0x1380;
	[sflag:s8] =	ssyncadd.s32 $0xFFFFC000  }
0x855: {  	[tilespmem:s9], [sflag:$0x1] =	stream.indirect.gather [hbm4b:s3+s7], $0x80, s22, s7, $0xb8;
	[tilespmem:$0x1E000] =	vst v63  }
0x856: {  	s24 =	simm.s32 $0x1B00  }
0x857: {  	[spmem:s2] =	stream.indirect.scatter.add.f32 [tilespmem:s10], [sflag:$0x3], $0x80, s24, s7, $0xb8;
	[tilespmem:$0x1E000] =	vst v63  }
0x858: {  	_ =	swait.ge [sflag:s5], $0x4000  }
0x859: {  	[sflag:s5] =	ssyncset.done $0x0  }
0x85a: {  	[sflag:s5] =	ssyncadd.s32 $0xFFFFC000  }
0x85b: {  	_ =	swait.ge [sflag:s8], $0x4000  }
0x85c: {  	[sflag:s8] =	ssyncset.done $0x0  }
0x85d: {  	s25 =	simm.s32 $0x1400;
	[sflag:s8] =	ssyncadd.s32 $0xFFFFC000  }
0x85e: {  	[tilespmem:s10], [sflag:$0x1] =	stream.indirect.gather [hbm4b:s3+s7], $0x80, s25, s7, $0xb8;
	[tilespmem:$0x1E000] =	vst v63  }
0x85f: {  	s22 =	simm.s32 $0x1B80  }
0x860: {  	[spmem:s2] =	stream.indirect.scatter.add.f32 [tilespmem:s9], [sflag:$0x3], $0x80, s22, s7, $0xb8;
	[tilespmem:$0x1E000] =	vst v63  }
0x861: {  	_ =	swait.ge [sflag:s5], $0x4000  }
0x862: {  	[sflag:s5] =	ssyncset.done $0x0  }
0x863: {  	[sflag:s5] =	ssyncadd.s32 $0xFFFFC000  }
0x864: {  	_ =	swait.ge [sflag:s8], $0x4000  }
0x865: {  	[sflag:s8] =	ssyncset.done $0x0  }
0x866: {  	s24 =	simm.s32 $0x1480;
	[sflag:s8] =	ssyncadd.s32 $0xFFFFC000  }
0x867: {  	[tilespmem:s9], [sflag:$0x1] =	stream.indirect.gather [hbm4b:s3+s7], $0x80, s24, s7, $0xb8;
	[tilespmem:$0x1E000] =	vst v63  }
0x868: {  	_ = 	snop  }
0x869: {  	[spmem:s2] =	stream.indirect.scatter.add.f32 [tilespmem:s10], [sflag:$0x3], $0x80, s29, s7, $0xb8;
	[tilespmem:$0x1E000] =	vst v63  }
0x86a: {  	_ =	swait.ge [sflag:s5], $0x4000  }
0x86b: {  	[sflag:s5] =	ssyncset.done $0x0  }
0x86c: {  	[sflag:s5] =	ssyncadd.s32 $0xFFFFC000  }
0x86d: {  	_ =	swait.ge [sflag:s8], $0x4000  }
0x86e: {  	[sflag:s8] =	ssyncset.done $0x0  }
0x86f: {  	s25 =	simm.s32 $0x1500;
	[sflag:s8] =	ssyncadd.s32 $0xFFFFC000  }
0x870: {  	[tilespmem:s10], [sflag:$0x1] =	stream.indirect.gather [hbm4b:s3+s7], $0x80, s25, s7, $0xb8;
	[tilespmem:$0x1E000] =	vst v63  }
0x871: {  	s29 =	simm.s32 $0x1C80  }
0x872: {  	[spmem:s2] =	stream.indirect.scatter.add.f32 [tilespmem:s9], [sflag:$0x3], $0x80, s29, s7, $0xb8;
	[tilespmem:$0x1E000] =	vst v63  }
0x873: {  	_ =	swait.ge [sflag:s5], $0x4000  }
0x874: {  	[sflag:s5] =	ssyncset.done $0x0  }
0x875: {  	[sflag:s5] =	ssyncadd.s32 $0xFFFFC000  }
0x876: {  	_ =	swait.ge [sflag:s8], $0x4000  }
0x877: {  	[sflag:s8] =	ssyncset.done $0x0  }
0x878: {  	[sflag:s8] =	ssyncadd.s32 $0xFFFFC000  }
0x879: {  	[tilespmem:s9], [sflag:$0x1] =	stream.indirect.gather [hbm4b:s3+s7], $0x80, s19, s7, $0xb8;
	[tilespmem:$0x1E000] =	vst v63  }
0x87a: {  	_ = 	snop  }
0x87b: {  	[spmem:s2] =	stream.indirect.scatter.add.f32 [tilespmem:s10], [sflag:$0x3], $0x80, s26, s7, $0xb8;
	[tilespmem:$0x1E000] =	vst v63  }
0x87c: {  	_ =	swait.ge [sflag:s5], $0x4000  }
0x87d: {  	[sflag:s5] =	ssyncset.done $0x0  }
0x87e: {  	[sflag:s5] =	ssyncadd.s32 $0xFFFFC000  }
0x87f: {  	_ =	swait.ge [sflag:s8], $0x4000  }
0x880: {  	[sflag:s8] =	ssyncset.done $0x0  }
0x881: {  	[sflag:s8] =	ssyncadd.s32 $0xFFFFC000  }
0x882: {  	[tilespmem:s10], [sflag:$0x1] =	stream.indirect.gather [hbm4b:s3+s7], $0x80, s16, s7, $0xb8;
	[tilespmem:$0x1E000] =	vst v63  }
0x883: {  	_ = 	snop  }
0x884: {  	[spmem:s2] =	stream.indirect.scatter.add.f32 [tilespmem:s9], [sflag:$0x3], $0x80, s18, s7, $0xb8;
	[tilespmem:$0x1E000] =	vst v63  }
0x885: {  	_ =	swait.ge [sflag:s5], $0x4000  }
0x886: {  	[sflag:s5] =	ssyncset.done $0x0  }
0x887: {  	[sflag:s5] =	ssyncadd.s32 $0xFFFFC000  }
0x888: {  	_ =	swait.ge [sflag:s8], $0x4000  }
0x889: {  	[sflag:s8] =	ssyncset.done $0x0  }
0x88a: {  	[sflag:s8] =	ssyncadd.s32 $0xFFFFC000  }
0x88b: {  	[tilespmem:s9], [sflag:$0x1] =	stream.indirect.gather [hbm4b:s3+s7], $0x80, s14, s7, $0xb8;
	[tilespmem:$0x1E000] =	vst v63  }
0x88c: {  	_ = 	snop  }
0x88d: {  	[spmem:s2] =	stream.indirect.scatter.add.f32 [tilespmem:s10], [sflag:$0x3], $0x80, s15, s7, $0xb8;
	[tilespmem:$0x1E000] =	vst v63  }
0x88e: {  	_ =	swait.ge [sflag:s5], $0x4000  }
0x88f: {  	[sflag:s5] =	ssyncset.done $0x0  }
0x890: {  	[sflag:s5] =	ssyncadd.s32 $0xFFFFC000  }
0x891: {  	_ =	swait.ge [sflag:s8], $0x4000  }
0x892: {  	[sflag:s8] =	ssyncset.done $0x0  }
0x893: {  	[sflag:s8] =	ssyncadd.s32 $0xFFFFC000  }
0x894: {  	[tilespmem:s10], [sflag:$0x1] =	stream.indirect.gather [hbm4b:s3+s7], $0x80, s12, s7, $0xb8;
	[tilespmem:$0x1E000] =	vst v63  }
0x895: {  	_ = 	snop  }
0x896: {  	[spmem:s2] =	stream.indirect.scatter.add.f32 [tilespmem:s9], [sflag:$0x3], $0x80, s13, s7, $0xb8;
	[tilespmem:$0x1E000] =	vst v63  }
0x897: {  	_ =	swait.ge [sflag:s5], $0x4000  }
0x898: {  	[sflag:s5] =	ssyncset.done $0x0  }
0x899: {  	[sflag:s5] =	ssyncadd.s32 $0xFFFFC000  }
0x89a: {  	_ =	swait.ge [sflag:s8], $0x4000  }
0x89b: {  	[sflag:s8] =	ssyncset.done $0x0  }
0x89c: {  	s18 =	simm.s32 $0x1780;
	[sflag:s8] =	ssyncadd.s32 $0xFFFFC000  }
0x89d: {  	[tilespmem:s9], [sflag:$0x1] =	stream.indirect.gather [hbm4b:s3+s7], $0x80, s18, s7, $0xb8;
	[tilespmem:$0x1E000] =	vst v63  }
0x89e: {  	_ = 	snop  }
0x89f: {  	[spmem:s2] =	stream.indirect.scatter.add.f32 [tilespmem:s10], [sflag:$0x3], $0x80, s11, s7, $0xb8;
	[tilespmem:$0x1E000] =	vst v63  }
0x8a0: {  	_ =	swait.ge [sflag:s5], $0x4000  }
0x8a1: {  	[sflag:s5] =	ssyncset.done $0x0  }
0x8a2: {  	[sflag:s5] =	ssyncadd.s32 $0xFFFFC000  }
0x8a3: {  	_ =	swait.ge [sflag:s8], $0x4000  }
0x8a4: {  	[sflag:s8] =	ssyncset.done $0x0  }
0x8a5: {  	[sflag:s8] =	ssyncadd.s32 $0xFFFFC000  }
0x8a6: {  	[spmem:s2] =	stream.indirect.scatter.add.f32 [tilespmem:s9], [sflag:$0x3], $0x80, s30, s7, $0xb8;
	[tilespmem:$0x1E000] =	vst v63  }
0x8a7: {  	_ =	swait.ge [sflag:s5], $0x4000  }
0x8a8: {  	[sflag:s5] =	ssyncset.done $0x0  }
0x8a9: {  	[sflag:s5] =	ssyncadd.s32 $0xFFFFC000  }
0x8aa: {  	_ =	swait.ge [sflag:s21], $0x800  }
0x8ab: {  	[sflag:s21] =	ssyncset.done $0x0  }
0x8ac: {  	[sflag:s21] =	ssyncadd.s32 $0xFFFFF800  }
0x8ad: {  	_ =	swait.ge [sflag:s21], $0x800  }
0x8ae: {  	[sflag:s21] =	ssyncset.done $0x0  }
0x8af: {  	[sflag:s21] =	ssyncadd.s32 $0xFFFFF800  }
0x8b0: {  	[tilespmem:s10], [sflag:$0x1] =	stream.indirect.gather [hbm4b:s3+s7], $0x80, s31, s7, $0xb8;
	[tilespmem:$0x1E000] =	vst v63  }
0x8b1: {  	_ =	swait.ge [sflag:s8], $0x4000  }
0x8b2: {  	[sflag:s8] =	ssyncset.done $0x0  }
0x8b3: {  	[sflag:s8] =	ssyncadd.s32 $0xFFFFC000  }
0x8b4: {  	[tilespmem:s9], [sflag:$0x1] =	stream.indirect.gather [hbm4b:s3+s7], $0x80, s7, s7, $0xb8;
	[tilespmem:$0x1E000] =	vst v63  }
0x8b5: {  	_ = 	snop  }
0x8b6: {  	[spmem:s2] =	stream.indirect.scatter.add.f32 [tilespmem:s10], [sflag:$0x3], $0x80, s17, s7, $0xb8;
	[tilespmem:$0x1E000] =	vst v63  }
0x8b7: {  	_ =	swait.ge [sflag:s5], $0x4000  }
0x8b8: {  	[sflag:s5] =	ssyncset.done $0x0  }
0x8b9: {  	[sflag:s5] =	ssyncadd.s32 $0xFFFFC000  }
0x8ba: {  	_ =	swait.ge [sflag:s8], $0x4000  }
0x8bb: {  	[sflag:s8] =	ssyncset.done $0x0  }
0x8bc: {  	s19 =	simm.s32 $0x100;
	[sflag:s8] =	ssyncadd.s32 $0xFFFFC000  }
0x8bd: {  	[tilespmem:s10], [sflag:$0x1] =	stream.indirect.gather [hbm4b:s3+s7], $0x80, s19, s7, $0xb8;
	[tilespmem:$0x1E000] =	vst v63  }
0x8be: {  	s20 =	simm.s32 $0x880  }
0x8bf: {  	[spmem:s2] =	stream.indirect.scatter.add.f32 [tilespmem:s9], [sflag:$0x3], $0x80, s20, s7, $0xb8;
	[tilespmem:$0x1E000] =	vst v63  }
0x8c0: {  	_ =	swait.ge [sflag:s5], $0x4000  }
0x8c1: {  	[sflag:s5] =	ssyncset.done $0x0  }
0x8c2: {  	[sflag:s5] =	ssyncadd.s32 $0xFFFFC000  }
0x8c3: {  	_ =	swait.ge [sflag:s8], $0x4000  }
0x8c4: {  	[sflag:s8] =	ssyncset.done $0x0  }
0x8c5: {  	s21 =	simm.s32 $0x180;
	[sflag:s8] =	ssyncadd.s32 $0xFFFFC000  }
0x8c6: {  	[tilespmem:s9], [sflag:$0x1] =	stream.indirect.gather [hbm4b:s3+s7], $0x80, s21, s7, $0xb8;
	[tilespmem:$0x1E000] =	vst v63  }
0x8c7: {  	s22 =	simm.s32 $0x900  }
0x8c8: {  	[spmem:s2] =	stream.indirect.scatter.add.f32 [tilespmem:s10], [sflag:$0x3], $0x80, s22, s7, $0xb8;
	[tilespmem:$0x1E000] =	vst v63  }
0x8c9: {  	_ =	swait.ge [sflag:s5], $0x4000  }
0x8ca: {  	[sflag:s5] =	ssyncset.done $0x0  }
0x8cb: {  	[sflag:s5] =	ssyncadd.s32 $0xFFFFC000  }
0x8cc: {  	_ =	swait.ge [sflag:s8], $0x4000  }
0x8cd: {  	[sflag:s8] =	ssyncset.done $0x0  }
0x8ce: {  	s24 =	simm.s32 $0x200;
	[sflag:s8] =	ssyncadd.s32 $0xFFFFC000  }
0x8cf: {  	[tilespmem:s10], [sflag:$0x1] =	stream.indirect.gather [hbm4b:s3+s7], $0x80, s24, s7, $0xb8;
	[tilespmem:$0x1E000] =	vst v63  }
0x8d0: {  	s25 =	simm.s32 $0x980  }
0x8d1: {  	[spmem:s2] =	stream.indirect.scatter.add.f32 [tilespmem:s9], [sflag:$0x3], $0x80, s25, s7, $0xb8;
	[tilespmem:$0x1E000] =	vst v63  }
0x8d2: {  	_ =	swait.ge [sflag:s5], $0x4000  }
0x8d3: {  	[sflag:s5] =	ssyncset.done $0x0  }
0x8d4: {  	[sflag:s5] =	ssyncadd.s32 $0xFFFFC000  }
0x8d5: {  	_ =	swait.ge [sflag:s8], $0x4000  }
0x8d6: {  	[sflag:s8] =	ssyncset.done $0x0  }
0x8d7: {  	s26 =	simm.s32 $0x280;
	[sflag:s8] =	ssyncadd.s32 $0xFFFFC000  }
0x8d8: {  	[tilespmem:s9], [sflag:$0x1] =	stream.indirect.gather [hbm4b:s3+s7], $0x80, s26, s7, $0xb8;
	[tilespmem:$0x1E000] =	vst v63  }
0x8d9: {  	s29 =	simm.s32 $0xA00  }
0x8da: {  	[spmem:s2] =	stream.indirect.scatter.add.f32 [tilespmem:s10], [sflag:$0x3], $0x80, s29, s7, $0xb8;
	[tilespmem:$0x1E000] =	vst v63  }
0x8db: {  	_ =	swait.ge [sflag:s5], $0x4000  }
0x8dc: {  	[sflag:s5] =	ssyncset.done $0x0  }
0x8dd: {  	[sflag:s5] =	ssyncadd.s32 $0xFFFFC000  }
0x8de: {  	_ =	swait.ge [sflag:s8], $0x4000  }
0x8df: {  	[sflag:s8] =	ssyncset.done $0x0  }
0x8e0: {  	s30 =	simm.s32 $0x300;
	[sflag:s8] =	ssyncadd.s32 $0xFFFFC000  }
0x8e1: {  	[tilespmem:s10], [sflag:$0x1] =	stream.indirect.gather [hbm4b:s3+s7], $0x80, s30, s7, $0xb8;
	[tilespmem:$0x1E000] =	vst v63  }
0x8e2: {  	s31 =	simm.s32 $0xA80  }
0x8e3: {  	[spmem:s2] =	stream.indirect.scatter.add.f32 [tilespmem:s9], [sflag:$0x3], $0x80, s31, s7, $0xb8;
	[tilespmem:$0x1E000] =	vst v63  }
0x8e4: {  	_ =	swait.ge [sflag:s5], $0x4000  }
0x8e5: {  	[sflag:s5] =	ssyncset.done $0x0  }
0x8e6: {  	[sflag:s5] =	ssyncadd.s32 $0xFFFFC000  }
0x8e7: {  	_ =	swait.ge [sflag:s8], $0x4000  }
0x8e8: {  	[sflag:s8] =	ssyncset.done $0x0  }
0x8e9: {  	s12 =	simm.s32 $0x380;
	[sflag:s8] =	ssyncadd.s32 $0xFFFFC000  }
0x8ea: {  	[tilespmem:s9], [sflag:$0x1] =	stream.indirect.gather [hbm4b:s3+s7], $0x80, s12, s7, $0xb8;
	[tilespmem:$0x1E000] =	vst v63  }
0x8eb: {  	s13 =	simm.s32 $0xB00  }
0x8ec: {  	[spmem:s2] =	stream.indirect.scatter.add.f32 [tilespmem:s10], [sflag:$0x3], $0x80, s13, s7, $0xb8;
	[tilespmem:$0x1E000] =	vst v63  }
0x8ed: {  	_ =	swait.ge [sflag:s5], $0x4000  }
0x8ee: {  	[sflag:s5] =	ssyncset.done $0x0  }
0x8ef: {  	[sflag:s5] =	ssyncadd.s32 $0xFFFFC000  }
0x8f0: {  	_ =	swait.ge [sflag:s8], $0x4000  }
0x8f1: {  	[sflag:s8] =	ssyncset.done $0x0  }
0x8f2: {  	s14 =	simm.s32 $0x400;
	[sflag:s8] =	ssyncadd.s32 $0xFFFFC000  }
0x8f3: {  	[tilespmem:s10], [sflag:$0x1] =	stream.indirect.gather [hbm4b:s3+s7], $0x80, s14, s7, $0xb8;
	[tilespmem:$0x1E000] =	vst v63  }
0x8f4: {  	s15 =	simm.s32 $0xB80  }
0x8f5: {  	[spmem:s2] =	stream.indirect.scatter.add.f32 [tilespmem:s9], [sflag:$0x3], $0x80, s15, s7, $0xb8;
	[tilespmem:$0x1E000] =	vst v63  }
0x8f6: {  	_ =	swait.ge [sflag:s5], $0x4000  }
0x8f7: {  	[sflag:s5] =	ssyncset.done $0x0  }
0x8f8: {  	[sflag:s5] =	ssyncadd.s32 $0xFFFFC000  }
0x8f9: {  	_ =	swait.ge [sflag:s8], $0x4000  }
0x8fa: {  	[sflag:s8] =	ssyncset.done $0x0  }
0x8fb: {  	s16 =	simm.s32 $0x480;
	[sflag:s8] =	ssyncadd.s32 $0xFFFFC000  }
0x8fc: {  	[tilespmem:s9], [sflag:$0x1] =	stream.indirect.gather [hbm4b:s3+s7], $0x80, s16, s7, $0xb8;
	[tilespmem:$0x1E000] =	vst v63  }
0x8fd: {  	s17 =	simm.s32 $0xC00  }
0x8fe: {  	[spmem:s2] =	stream.indirect.scatter.add.f32 [tilespmem:s10], [sflag:$0x3], $0x80, s17, s7, $0xb8;
	[tilespmem:$0x1E000] =	vst v63  }
0x8ff: {  	_ =	swait.ge [sflag:s5], $0x4000  }
0x900: {  	[sflag:s5] =	ssyncset.done $0x0  }
0x901: {  	[sflag:s5] =	ssyncadd.s32 $0xFFFFC000  }
0x902: {  	_ =	swait.ge [sflag:s8], $0x4000  }
0x903: {  	[sflag:s8] =	ssyncset.done $0x0  }
0x904: {  	s18 =	simm.s32 $0x500;
	[sflag:s8] =	ssyncadd.s32 $0xFFFFC000  }
0x905: {  	[tilespmem:s10], [sflag:$0x1] =	stream.indirect.gather [hbm4b:s3+s7], $0x80, s18, s7, $0xb8;
	[tilespmem:$0x1E000] =	vst v63  }
0x906: {  	s19 =	simm.s32 $0xC80  }
0x907: {  	[spmem:s2] =	stream.indirect.scatter.add.f32 [tilespmem:s9], [sflag:$0x3], $0x80, s19, s7, $0xb8;
	[tilespmem:$0x1E000] =	vst v63  }
0x908: {  	_ =	swait.ge [sflag:s5], $0x4000  }
0x909: {  	[sflag:s5] =	ssyncset.done $0x0  }
0x90a: {  	[sflag:s5] =	ssyncadd.s32 $0xFFFFC000  }
0x90b: {  	_ =	swait.ge [sflag:s8], $0x4000  }
0x90c: {  	[sflag:s8] =	ssyncset.done $0x0  }
0x90d: {  	[sflag:s8] =	ssyncadd.s32 $0xFFFFC000  }
0x90e: {  	[tilespmem:s9], [sflag:$0x1] =	stream.indirect.gather [hbm4b:s3+s7], $0x80, s6, s7, $0xb8;
	[tilespmem:$0x1E000] =	vst v63  }
0x90f: {  	s20 =	simm.s32 $0xD00  }
0x910: {  	[spmem:s2] =	stream.indirect.scatter.add.f32 [tilespmem:s10], [sflag:$0x3], $0x80, s20, s7, $0xb8;
	[tilespmem:$0x1E000] =	vst v63  }
0x911: {  	_ =	swait.ge [sflag:s5], $0x4000  }
0x912: {  	[sflag:s5] =	ssyncset.done $0x0  }
0x913: {  	[sflag:s5] =	ssyncadd.s32 $0xFFFFC000  }
0x914: {  	_ =	swait.ge [sflag:s8], $0x4000  }
0x915: {  	[sflag:s8] =	ssyncset.done $0x0  }
0x916: {  	[sflag:s8] =	ssyncadd.s32 $0xFFFFC000  }
0x917: {  	[tilespmem:s10], [sflag:$0x1] =	stream.indirect.gather [hbm4b:s3+s7], $0x80, s4, s7, $0xb8;
	[tilespmem:$0x1E000] =	vst v63  }
0x918: {  	s21 =	simm.s32 $0xD80  }
0x919: {  	[spmem:s2] =	stream.indirect.scatter.add.f32 [tilespmem:s9], [sflag:$0x3], $0x80, s21, s7, $0xb8;
	[tilespmem:$0x1E000] =	vst v63  }
0x91a: {  	_ =	swait.ge [sflag:s5], $0x4000  }
0x91b: {  	[sflag:s5] =	ssyncset.done $0x0  }
0x91c: {  	[sflag:s5] =	ssyncadd.s32 $0xFFFFC000  }
0x91d: {  	_ =	swait.ge [sflag:s8], $0x4000  }
0x91e: {  	[sflag:s8] =	ssyncset.done $0x0  }
0x91f: {  	[sflag:s8] =	ssyncadd.s32 $0xFFFFC000  }
0x920: {  	[tilespmem:s9], [sflag:$0x1] =	stream.indirect.gather [hbm4b:s3+s7], $0x80, s1, s7, $0xb8;
	[tilespmem:$0x1E000] =	vst v63  }
0x921: {  	s22 =	simm.s32 $0xE00  }
0x922: {  	[spmem:s2] =	stream.indirect.scatter.add.f32 [tilespmem:s10], [sflag:$0x3], $0x80, s22, s7, $0xb8;
	[tilespmem:$0x1E000] =	vst v63  }
0x923: {  	_ =	swait.ge [sflag:s5], $0x4000  }
0x924: {  	[sflag:s5] =	ssyncset.done $0x0  }
0x925: {  	[sflag:s5] =	ssyncadd.s32 $0xFFFFC000  }
0x926: {  	_ =	swait.ge [sflag:s8], $0x4000  }
0x927: {  	[sflag:s8] =	ssyncset.done $0x0  }
0x928: {  	[sflag:s8] =	ssyncadd.s32 $0xFFFFC000  }
0x929: {  	[tilespmem:s10], [sflag:$0x1] =	stream.indirect.gather [hbm4b:s3+s7], $0x80, s0, s7, $0xb8;
	[tilespmem:$0x1E000] =	vst v63  }
0x92a: {  	s24 =	simm.s32 $0xE80  }
0x92b: {  	[spmem:s2] =	stream.indirect.scatter.add.f32 [tilespmem:s9], [sflag:$0x3], $0x80, s24, s7, $0xb8;
	[tilespmem:$0x1E000] =	vst v63  }
0x92c: {  	_ =	swait.ge [sflag:s5], $0x4000  }
0x92d: {  	[sflag:s5] =	ssyncset.done $0x0  }
0x92e: {  	[sflag:s5] =	ssyncadd.s32 $0xFFFFC000  }
0x92f: {  	_ =	swait.ge [sflag:s8], $0x4000  }
0x930: {  	[sflag:s8] =	ssyncset.done $0x0  }
0x931: {  	[sflag:s8] =	ssyncadd.s32 $0xFFFFC000  }
0x932: {  	[tilespmem:s9], [sflag:$0x1] =	stream.indirect.gather [hbm4b:s3+s7], $0x80, s23, s7, $0xb8;
	[tilespmem:$0x1E000] =	vst v63  }
0x933: {  	s25 =	simm.s32 $0xF00  }
0x934: {  	[spmem:s2] =	stream.indirect.scatter.add.f32 [tilespmem:s10], [sflag:$0x3], $0x80, s25, s7, $0xb8;
	[tilespmem:$0x1E000] =	vst v63  }
0x935: {  	_ =	swait.ge [sflag:s5], $0x4000  }
0x936: {  	[sflag:s5] =	ssyncset.done $0x0  }
0x937: {  	[sflag:s5] =	ssyncadd.s32 $0xFFFFC000  }
0x938: {  	_ =	swait.ge [sflag:s8], $0x4000  }
0x939: {  	[sflag:s8] =	ssyncset.done $0x0  }
0x93a: {  	s26 =	simm.s32 $0xF80;
	[sflag:s8] =	ssyncadd.s32 $0xFFFFC000  }
0x93b: {  	[spmem:s2] =	stream.indirect.scatter.add.f32 [tilespmem:s9], [sflag:$0x3], $0x80, s26, s7, $0xb8;
	[tilespmem:$0x1E000] =	vst v63  }
0x93c: {  	_ =	swait.ge [sflag:s5], $0x4000  }
0x93d: {  	[sflag:s5] =	ssyncset.done $0x0  }
0x93e: {  	[sflag:s5] =	ssyncadd.s32 $0xFFFFC000  }
0x93f: {  	[bflag:$0x0] =	sbarrier.arrive $0xFFFF  }
0x940: {  	s29 =	rddreg [dreg:$0xe]  }
0x941: {  	s30 =	rddreg [dreg:$0xf]  }
0x942: {  	s31 =	rddreg [dreg:$0x10]  }
0x943: {  	[hbm:s29], [sflag:s31] =	dma.local [spmem:s30], $0x2800  }
0x944: {  	_ =	swait.ge [sflag:s5], $0x2800  }
0x945: {  	[sflag:s5] =	ssyncset.done $0x0  }
0x946: {  	[sflag:s5] =	ssyncadd.s32 $0xFFFFD800  }
0x947: {  	_ =	sfence.sel $0x180000  }
0x948: {  	[bflag:$0x0] =	sbarrier.arrive $0xFFFF  }
0x949: {  	_ =	strace $0x90000047  }
0x94a: {  	[bflag:$0x2] =	sbarrier.arrive $0xFFFF  }
0x94b: {  	p0 =	sne.s32 s28, $0x0;
	s0 =	rddreg [dreg:$0x2]  }
0x94c: {  	s0 =	sadd.s32 @!p0 $0x100000, s0  }
0x94d: {  	[sflag:s0] =	ssyncadd.tile.s32 @!p0 $0x1;
	_ =	shalt  }
.LBB2_6:
0x94e: {  	s28 =	stileid.u32  }
0x94f: {  	s0 =	simm.s32 $0x1500;
	s23 =	simm.s32 $0x1C80;
	s1 =	simm.s32 $0x1400  }
.Ltmp3:
0x950: {  	s11 =	simm.s32 $0x1B80;
	s12 =	simm.s32 $0x1380;
	(pc) =	sbr.rel .LBB2_5-.Ltmp3, $4  }
0x951: {  	s13 =	simm.s32 $0x1B00;
	s14 =	simm.s32 $0x1300;
	s15 =	simm.s32 $0x1A80  }
0x952: {  	s16 =	simm.s32 $0x1280;
	s19 =	simm.s32 $0x1A00;
	s30 =	rddreg [dreg:$0x10]  }
0x953: {  	s29 =	simm.s32 $0x1200;
	s4 =	simm.s32 $0x1980;
	s18 =	rddreg [dreg:$0xf]  }
0x954: {  	s6 =	simm.s32 $0x1800;
	s20 =	simm.s32 $0x1000;
	s17 =	simm.s32 $0x800  }
.Lfunc_end2:
_tile_overlayer_lowered:
.L_overlay_start_2:
0x955: {  	(tag) =	ssettag $0x2  }
0x956: {  	s0 =	rddreg [dreg:$0x0];
	s2 =	stileid.u32  }
0x957: {  	s1 =	rddreg [dreg:$0x1];
	p0 =	sne.s32 s2, $0x0  }
0x958: {  	s3 =	rddreg [dreg:$0x2];
	[bflag:$0x3] =	sbarrier.arrive $0xFFFF;
	s2 =	simm.s32 @!p0 $0x1C03  }
0x959: {  	[timem:s3], [sflag:s2] =	dma.local @!p0 [hbm:s0], s1  }
0x95a: {  	s0 =	simm.s32 @!p0 $0x3  }
0x95b: {  	_ =	swait.ge @!p0 [sflag:s0], s1  }
0x95c: {  	s1 =	ssub.s32 @!p0 $0x0, s1;
	[sflag:s0] =	ssyncset.done @!p0 $0x0  }
0x95d: {  	[sflag:s0] =	ssyncadd.s32 @!p0 s1  }
0x95e: {  	[bflag:$0x3] =	sbarrier.arrive $0xFFFF  }
0x95f: {  	_ =	shalt  }

</sc_bundles>
